<compile_context>
chip_gen: v7x
topology: tpu7x:2x2x1
jax: 0.10.2.dev20260603
libtpu: 0.0.44.dev20260713+nightly
codegen_flags: <defaults>
</compile_context>

<pallas_src>
import jax
import jax.numpy as jnp
from jax import lax
from jax.experimental import pallas as pl
from jax.experimental.pallas import tpu as pltpu
from jax.experimental.pallas import tpu_sc as plsc

_NC = 2
_NS = 16
_NW = _NC * _NS
_K = 80


def _npad(n):
    q = _NS * _K
    return ((n + q - 1) // q) * q


def _seg_kernel(n, d, e, with_gather, nchunk_pad=None):
    ew = e // _NW
    nchunk = ew // _K if nchunk_pad is None else nchunk_pad
    npad = _npad(n)
    rt = npad // _NS

    mesh = plsc.VectorSubcoreMesh(core_axis_name="c", subcore_axis_name="s",
                                  num_cores=_NC, num_subcores=_NS)

    def body(*refs):
        if with_gather:
            (h_hbm, src_hbm, dst_hbm, zeros_hbm, out_hbm,
             src_v0, src_v1, dst_v0, dst_v1,
             rows_v0, rows_v1, acc_sh, gsem, ssem) = refs
            rows_v = (rows_v0, rows_v1)
            src_v = (src_v0, src_v1)
        else:
            (ones_hbm, dst_hbm, zeros_hbm, out_hbm,
             dst_all, dst_v0, dst_v1, rows_v0, acc_sh, ssem) = refs
            rows_v = (rows_v0, rows_v0)
        dst_v = (dst_v0, dst_v1)
        c = lax.axis_index("c")
        s = lax.axis_index("s")
        wid = c * _NS + s
        r0 = s * rt

        @pl.loop(0, rt // _K)
        def _zero(k):
            rk = r0 + k * _K
            pltpu.sync_copy(zeros_hbm.at[pl.ds(rk, _K)], rows_v0)
            pltpu.sync_copy(rows_v0, acc_sh.at[pl.ds(rk, _K)])

        if not with_gather:
            pltpu.sync_copy(dst_hbm.at[wid], dst_all)
            pltpu.sync_copy(ones_hbm, rows_v0)
        plsc.subcore_barrier()

        base = wid * ew

        def load_idx(p, j):
            if with_gather:
                off = base + j * _K
                pltpu.sync_copy(src_hbm.at[pl.ds(off, _K)], src_v[p])
                pltpu.sync_copy(dst_hbm.at[pl.ds(off, _K)], dst_v[p])
            else:
                for i in range(_K // 16):
                    sl = pl.ds(i * 16, 16)
                    dst_v[p][sl] = dst_all[j, sl]

        def gather_start(p, j):
            if with_gather:
                pltpu.async_copy(h_hbm.at[src_v[p]], rows_v[p], gsem)

        def gather_wait(p, j):
            if with_gather:
                pltpu.make_async_copy(
                    h_hbm.at[src_v[p]], rows_v[p], gsem).wait()

        def scatter_start(p, j):
            pltpu.async_copy(rows_v[p], acc_sh.at[dst_v[p]], ssem,
                             add=True)

        def scatter_wait(p, j):
            pltpu.make_async_copy(
                rows_v[p], acc_sh.at[dst_v[p]], ssem).wait()

        if with_gather:
            def stage(j, p):
                scatter_wait(p, j)
                load_idx(p, j)
                gather_wait(1 - p, j)
                scatter_start(1 - p, j - 1)
                gather_start(p, j)

            load_idx(0, 0)
            gather_start(0, 0)
            load_idx(1, 1)
            gather_wait(0, 0)
            scatter_start(0, 0)
            gather_start(1, 1)

            start = 2
            if (nchunk - 2) % 2 == 1:
                stage(2, 0)
                start = 3
            sp = start & 1

            @pl.loop(0, (nchunk - start) // 2)
            def _steady(k):
                j = start + 2 * k
                stage(j, sp)
                stage(j + 1, 1 - sp)

            pe = (nchunk - 1) & 1
            scatter_wait(1 - pe, 0)
            gather_wait(pe, nchunk - 1)
            scatter_start(pe, nchunk - 1)
            scatter_wait(pe, 0)
        else:
            def cstage(j, p):
                scatter_wait(p, j)
                load_idx(p, j)
                scatter_start(p, j)

            load_idx(0, 0)
            scatter_start(0, 0)
            load_idx(1, 1)
            scatter_start(1, 1)

            cstart = 2
            if (nchunk - 2) % 2 == 1:
                cstage(2, 0)
                cstart = 3
            csp = cstart & 1

            @pl.loop(0, (nchunk - cstart) // 2)
            def _cnt(k):
                j = cstart + 2 * k
                cstage(j, csp)
                cstage(j + 1, 1 - csp)

            cpe = (nchunk - 1) & 1
            scatter_wait(1 - cpe, 0)
            scatter_wait(cpe, 0)

        plsc.subcore_barrier()

        @pl.loop(0, rt // _K)
        def _writeback(k):
            rk = r0 + k * _K
            pltpu.sync_copy(acc_sh.at[pl.ds(rk, _K)], rows_v0)
            pltpu.sync_copy(rows_v0, out_hbm.at[c, pl.ds(rk, _K)])

    if with_gather:
        scratch = [
            pltpu.VMEM((_K,), jnp.int32), pltpu.VMEM((_K,), jnp.int32),
            pltpu.VMEM((_K,), jnp.int32), pltpu.VMEM((_K,), jnp.int32),
            pltpu.VMEM((_K, d), jnp.float32), pltpu.VMEM((_K, d), jnp.float32),
            pltpu.VMEM_SHARED((npad, d), jnp.float32),
            pltpu.SemaphoreType.DMA, pltpu.SemaphoreType.DMA,
        ]
    else:
        scratch = [
            pltpu.VMEM((nchunk, _K), jnp.int32),
            pltpu.VMEM((_K,), jnp.int32), pltpu.VMEM((_K,), jnp.int32),
            pltpu.VMEM((_K, d), jnp.float32),
            pltpu.VMEM_SHARED((npad, d), jnp.float32),
            pltpu.SemaphoreType.DMA,
        ]
    return pl.kernel(
        body,
        out_type=[jax.ShapeDtypeStruct((_NC, npad, d), jnp.float32)],
        mesh=mesh, scratch_types=scratch)


def _tc_layer(n, d, mode):
    br = 400
    grid = (n // br,)

    def body(*refs):
        if mode == 1:
            p_ref, cnt_ref, hin_ref, wl_ref, b_ref, wr_ref, wsk_ref, a_ref, out_ref = refs
        else:
            p_ref, cnt_ref, hin_ref, wl_ref, b_ref, wr_ref, a_ref, out_ref = refs
        cnt = cnt_ref[0, :, 0:1] + cnt_ref[1, :, 0:1]
        inv = 1.0 / jnp.maximum(cnt, 1.0)
        agg = (p_ref[0] + p_ref[1]) * inv
        hin = hin_ref[...]
        dn = (((1,), (1,)), ((), ()))
        h = lax.dot_general(agg, wl_ref[...], dn,
                            precision=lax.Precision.HIGHEST,
                            preferred_element_type=jnp.float32)
        h = h + b_ref[...] + lax.dot_general(
            hin, wr_ref[...], dn, precision=lax.Precision.HIGHEST,
            preferred_element_type=jnp.float32)
        av = a_ref[0, 0]
        h = jnp.where(h >= 0, h, av * h)
        if mode == 1:
            h = h + lax.dot_general(hin, wsk_ref[...], dn,
                                    precision=lax.Precision.HIGHEST,
                                    preferred_element_type=jnp.float32)
        elif mode == 2:
            h = h + hin
        out_ref[...] = h

    in_specs = [
        pl.BlockSpec((_NC, br, d), lambda i: (0, i, 0)),
        pl.BlockSpec((_NC, br, d), lambda i: (0, i, 0)),
        pl.BlockSpec((br, d), lambda i: (i, 0)),
        pl.BlockSpec((d, d), lambda i: (0, 0)),
        pl.BlockSpec((1, d), lambda i: (0, 0)),
        pl.BlockSpec((d, d), lambda i: (0, 0)),
    ]
    if mode == 1:
        in_specs.append(pl.BlockSpec((d, d), lambda i: (0, 0)))
    in_specs.append(pl.BlockSpec(memory_space=pltpu.SMEM))

    return pl.pallas_call(
        body,
        grid=grid,
        in_specs=in_specs,
        out_specs=pl.BlockSpec((br, d), lambda i: (i, 0)),
        out_shape=jax.ShapeDtypeStruct((n, d), jnp.float32),
    )


def kernel(x, edge_index, W_skip, Wl1, b1, Wr1, Wl2, b2, Wr2, Wl3, b3, Wr3, a):
    n, d = x.shape
    e = edge_index.shape[1]
    nchunk = e // (_NW * _K)
    npadn = _npad(n)
    src = edge_index[0]
    dst = edge_index[1]
    nck = nchunk + (nchunk % 2)
    dst3 = dst.reshape(_NW, nchunk, _K)
    if nck != nchunk:
        dst3 = jnp.concatenate(
            [dst3, jnp.full((_NW, nck - nchunk, _K), npadn - 1, jnp.int32)],
            axis=1)
    zeros = jnp.zeros((npadn, d), jnp.float32)
    ones = jnp.ones((_K, d), jnp.float32)

    seg = _seg_kernel(n, d, e, with_gather=True)
    cntk = _seg_kernel(n, d, e, with_gather=False, nchunk_pad=nck)
    tc1 = _tc_layer(n, d, 1)
    tc2 = _tc_layer(n, d, 2)
    tc3 = _tc_layer(n, d, 3)

    a2 = a.reshape(1, 1)
    b1r = b1.reshape(1, d)
    b2r = b2.reshape(1, d)
    b3r = b3.reshape(1, d)

    cnt, = cntk(ones, dst3, zeros)
    p1, = seg(x, src, dst, zeros)
    z2 = tc1(p1, cnt, x, Wl1, b1r, Wr1, W_skip, a2)
    p2, = seg(z2, src, dst, zeros)
    z3 = tc2(p2, cnt, z2, Wl2, b2r, Wr2, a2)
    p3, = seg(z3, src, dst, zeros)
    h3 = tc3(p3, cnt, z3, Wl3, b3r, Wr3, a2)
    return h3

# --- scband reference (transcript-rebuilt; emitter-appended) ---
"""Pipeline reference for scband-graph-skip-48163763257697 (READ-ONLY COPY).

The authoritative reference and input builder live on the scoring server;
editing this copy changes nothing except your own understanding.
"""

import jax, jax.numpy as jnp
import numpy as np

N = 10000
E = 320000
D = 128


def setup_inputs(seed: int = 0) -> dict:
    key = jax.random.key(seed)
    ks = jax.random.split(key, 14)
    x = jax.random.normal(ks[0], (N, D), dtype=jnp.float32)
    edge_index = jax.random.randint(ks[1], (2, E), 0, N, dtype=jnp.int32)
    s = 0.05
    W_skip = jax.random.normal(ks[2], (D, D), dtype=jnp.float32) * s
    Wl1 = jax.random.normal(ks[3], (D, D), dtype=jnp.float32) * s
    b1 = jnp.zeros((D,), dtype=jnp.float32)
    Wr1 = jax.random.normal(ks[4], (D, D), dtype=jnp.float32) * s
    Wl2 = jax.random.normal(ks[5], (D, D), dtype=jnp.float32) * s
    b2 = jnp.zeros((D,), dtype=jnp.float32)
    Wr2 = jax.random.normal(ks[6], (D, D), dtype=jnp.float32) * s
    Wl3 = jax.random.normal(ks[7], (D, D), dtype=jnp.float32) * s
    b3 = jnp.zeros((D,), dtype=jnp.float32)
    Wr3 = jax.random.normal(ks[8], (D, D), dtype=jnp.float32) * s
    a = jnp.array(0.25, dtype=jnp.float32)
    return {"x": x, "edge_index": edge_index, "W_skip": W_skip,
            "Wl1": Wl1, "b1": b1, "Wr1": Wr1,
            "Wl2": Wl2, "b2": b2, "Wr2": Wr2,
            "Wl3": Wl3, "b3": b3, "Wr3": Wr3, "a": a}


def _sage(h, src, dst, Wl, b, Wr):
    # SAGEConv with mean aggregation: lin_l(mean_{j in N(i)} h_j) + lin_r(h_i)
    msgs = jnp.take(h, src, axis=0)
    agg = jax.ops.segment_sum(msgs, dst, num_segments=N)
    cnt = jax.ops.segment_sum(jnp.ones((src.shape[0], 1), dtype=jnp.float32), dst, num_segments=N)
    agg = agg / jnp.clip(cnt, 1.0)
    return agg @ Wl.T + b + h @ Wr.T


def _prelu(v, a):
    return jnp.where(v >= 0, v, a * v)


def reference(x, edge_index, W_skip, Wl1, b1, Wr1, Wl2, b2, Wr2, Wl3, b3, Wr3, a):
    src = edge_index[0]
    dst = edge_index[1]
    h1 = _prelu(_sage(x, src, dst, Wl1, b1, Wr1), a)
    skip = x @ W_skip.T
    h2 = _prelu(_sage(skip + h1, src, dst, Wl2, b2, Wr2), a)
    h3 = _prelu(_sage(skip + h1 + h2, src, dst, Wl3, b3, Wr3), a)
    return h3

if __name__ == "__main__":
    import jax
    _d = setup_inputs()
    print(jax.jit(kernel)(*tuple(_d.values())))

</pallas_src>

<mosaic_0001>
#map = affine_map<(d0, d1) -> (0, 0)>
#map1 = affine_map<(d0, d1) -> (0)>
#map2 = affine_map<(d0, d1) -> (0, 0, 0)>
module attributes {stable_mosaic.version = 14 : i64} {
  func.func @body(%arg0: i32, %arg1: i32, %arg2: memref<10000x128xf32, #tpu.memory_space<hbm>>, %arg3: memref<320000xi32, #tpu.memory_space<hbm>>, %arg4: memref<320000xi32, #tpu.memory_space<hbm>>, %arg5: memref<10240x128xf32, #tpu.memory_space<hbm>>, %arg6: memref<2x10240x128xf32, #tpu.memory_space<hbm>>, %arg7: memref<80xi32, #tpu.memory_space<vmem>>, %arg8: memref<80xi32, #tpu.memory_space<vmem>>, %arg9: memref<80xi32, #tpu.memory_space<vmem>>, %arg10: memref<80xi32, #tpu.memory_space<vmem>>, %arg11: memref<80x128xf32, #tpu.memory_space<vmem>>, %arg12: memref<80x128xf32, #tpu.memory_space<vmem>>, %arg13: memref<10240x128xf32, #tpu.memory_space<vmem_shared>>, %arg14: memref<!tpu.dma_semaphore, #tpu.memory_space<semaphore_mem>>, %arg15: memref<!tpu.dma_semaphore, #tpu.memory_space<semaphore_mem>>) attributes {dimension_semantics = [#tpu.dimension_semantics<core_parallel>, #tpu.dimension_semantics<subcore_parallel>], iteration_bounds = array<i64: 2, 16>, scalar_prefetch = 0 : i64, scratch_operands = 9 : i64, tpu.core_type = #tpu.core_type<sc_vector_subcore>, window_params = [{transform_indices = #map}, {transform_indices = #map1}, {transform_indices = #map1}, {transform_indices = #map}, {transform_indices = #map2}]} {
    %mul3A = arith.constant 16 : i32
    %mul3A_0 = arith.muli %arg0, %mul3A : i32
    %add3A = arith.addi %mul3A_0, %arg1 : i32
    %mul3A_1 = arith.constant 640 : i32
    %mul3A_2 = arith.muli %arg1, %mul3A_1 : i32
    %scan3A = arith.constant 0 : i32
    %scan3A_3 = arith.constant 8 : i32
    %scan3A_4 = arith.addi %scan3A, %scan3A_3 : i32
    %scan3A_5 = arith.constant 1 : i32
    scf.for %scan3A_60 = %scan3A to %scan3A_4 step %scan3A_5  : i32 {
      %mul3A_61 = arith.constant 1 : i32
      %mul3A_62 = arith.muli %scan3A_60, %mul3A_61 : i32
      %add3A_63 = arith.constant 0 : i32
      %add3A_64 = arith.addi %add3A_63, %mul3A_62 : i32
      %mul3A_65 = arith.constant 80 : i32
      %mul3A_66 = arith.muli %add3A_64, %mul3A_65 : i32
      %add3A_67 = arith.addi %mul3A_2, %mul3A_66 : i32
      "tpu.region"() ({
        %run_scoped3A = tpu.sem_alloc : memref<!tpu.dma_semaphore, #tpu.memory_space<semaphore_mem>>
        %dma_start3A_68 = arith.constant 0 : i32
        %dma_start3A_69 = tpu.memref_slice %arg5[%add3A_67, %dma_start3A_68] : memref<10240x128xf32, #tpu.memory_space<hbm>> -> memref<80x128xf32, #tpu.memory_space<hbm>>
        %dma_start3A_70 = arith.constant 0 : i32
        %dma_start3A_71 = tpu.memref_slice %arg5[%add3A_67, %dma_start3A_70] : memref<10240x128xf32, #tpu.memory_space<hbm>> -> memref<80x128xf32, #tpu.memory_space<hbm>>
        tpu.enqueue_dma source(%dma_start3A_71 : memref<80x128xf32, #tpu.memory_space<hbm>>) target(%arg11 : memref<80x128xf32, #tpu.memory_space<vmem>>) target_semaphore(%run_scoped3A : memref<!tpu.dma_semaphore, #tpu.memory_space<semaphore_mem>>)
        %dma_wait3A_72 = arith.constant 0 : i32
        %dma_wait3A_73 = tpu.memref_slice %arg5[%add3A_67, %dma_wait3A_72] : memref<10240x128xf32, #tpu.memory_space<hbm>> -> memref<80x128xf32, #tpu.memory_space<hbm>>
        %dma_wait3A_74 = arith.constant 0 : i32
        %dma_wait3A_75 = tpu.memref_slice %arg5[%add3A_67, %dma_wait3A_74] : memref<10240x128xf32, #tpu.memory_space<hbm>> -> memref<80x128xf32, #tpu.memory_space<hbm>>
        tpu.wait_dma2 semaphore(%run_scoped3A : memref<!tpu.dma_semaphore, #tpu.memory_space<semaphore_mem>>) src(%dma_wait3A_75 : memref<80x128xf32, #tpu.memory_space<hbm>>) dst(%arg11 : memref<80x128xf32, #tpu.memory_space<vmem>>)
        tpu.yield
      }) : () -> ()
      "tpu.region"() ({
        %run_scoped3A = tpu.sem_alloc : memref<!tpu.dma_semaphore, #tpu.memory_space<semaphore_mem>>
        %dma_start3A_68 = arith.constant 0 : i32
        %dma_start3A_69 = tpu.memref_slice %arg13[%add3A_67, %dma_start3A_68] : memref<10240x128xf32, #tpu.memory_space<vmem_shared>> -> memref<80x128xf32, #tpu.memory_space<vmem_shared>>
        %dma_start3A_70 = arith.constant 0 : i32
        %dma_start3A_71 = tpu.memref_slice %arg13[%add3A_67, %dma_start3A_70] : memref<10240x128xf32, #tpu.memory_space<vmem_shared>> -> memref<80x128xf32, #tpu.memory_space<vmem_shared>>
        tpu.enqueue_dma source(%arg11 : memref<80x128xf32, #tpu.memory_space<vmem>>) target(%dma_start3A_71 : memref<80x128xf32, #tpu.memory_space<vmem_shared>>) target_semaphore(%run_scoped3A : memref<!tpu.dma_semaphore, #tpu.memory_space<semaphore_mem>>)
        %dma_wait3A_72 = arith.constant 0 : i32
        %dma_wait3A_73 = tpu.memref_slice %arg13[%add3A_67, %dma_wait3A_72] : memref<10240x128xf32, #tpu.memory_space<vmem_shared>> -> memref<80x128xf32, #tpu.memory_space<vmem_shared>>
        %dma_wait3A_74 = arith.constant 0 : i32
        %dma_wait3A_75 = tpu.memref_slice %arg13[%add3A_67, %dma_wait3A_74] : memref<10240x128xf32, #tpu.memory_space<vmem_shared>> -> memref<80x128xf32, #tpu.memory_space<vmem_shared>>
        tpu.wait_dma2 semaphore(%run_scoped3A : memref<!tpu.dma_semaphore, #tpu.memory_space<semaphore_mem>>) src(%arg11 : memref<80x128xf32, #tpu.memory_space<vmem>>) dst(%dma_wait3A_75 : memref<80x128xf32, #tpu.memory_space<vmem_shared>>)
        tpu.yield
      }) : () -> ()
    }
    %scan3A_6 = arith.constant 8 : i32
    %barrier3A = arith.constant 0 : index
    tpu.barrier barrier_id(%barrier3A)
    %mul3A_7 = arith.constant 10000 : i32
    %mul3A_8 = arith.muli %add3A, %mul3A_7 : i32
    %add3A_9 = arith.constant 0 : i32
    %add3A_10 = arith.addi %mul3A_8, %add3A_9 : i32
    "tpu.region"() ({
      %run_scoped3A = tpu.sem_alloc : memref<!tpu.dma_semaphore, #tpu.memory_space<semaphore_mem>>
      %dma_start3A_60 = tpu.memref_slice %arg3[%add3A_10] : memref<320000xi32, #tpu.memory_space<hbm>> -> memref<80xi32, #tpu.memory_space<hbm>>
      %dma_start3A_61 = tpu.memref_slice %arg3[%add3A_10] : memref<320000xi32, #tpu.memory_space<hbm>> -> memref<80xi32, #tpu.memory_space<hbm>>
      tpu.enqueue_dma source(%dma_start3A_61 : memref<80xi32, #tpu.memory_space<hbm>>) target(%arg7 : memref<80xi32, #tpu.memory_space<vmem>>) target_semaphore(%run_scoped3A : memref<!tpu.dma_semaphore, #tpu.memory_space<semaphore_mem>>)
      %dma_wait3A_62 = tpu.memref_slice %arg3[%add3A_10] : memref<320000xi32, #tpu.memory_space<hbm>> -> memref<80xi32, #tpu.memory_space<hbm>>
      %dma_wait3A_63 = tpu.memref_slice %arg3[%add3A_10] : memref<320000xi32, #tpu.memory_space<hbm>> -> memref<80xi32, #tpu.memory_space<hbm>>
      tpu.wait_dma2 semaphore(%run_scoped3A : memref<!tpu.dma_semaphore, #tpu.memory_space<semaphore_mem>>) src(%dma_wait3A_63 : memref<80xi32, #tpu.memory_space<hbm>>) dst(%arg7 : memref<80xi32, #tpu.memory_space<vmem>>)
      tpu.yield
    }) : () -> ()
    "tpu.region"() ({
      %run_scoped3A = tpu.sem_alloc : memref<!tpu.dma_semaphore, #tpu.memory_space<semaphore_mem>>
      %dma_start3A_60 = tpu.memref_slice %arg4[%add3A_10] : memref<320000xi32, #tpu.memory_space<hbm>> -> memref<80xi32, #tpu.memory_space<hbm>>
      %dma_start3A_61 = tpu.memref_slice %arg4[%add3A_10] : memref<320000xi32, #tpu.memory_space<hbm>> -> memref<80xi32, #tpu.memory_space<hbm>>
      tpu.enqueue_dma source(%dma_start3A_61 : memref<80xi32, #tpu.memory_space<hbm>>) target(%arg9 : memref<80xi32, #tpu.memory_space<vmem>>) target_semaphore(%run_scoped3A : memref<!tpu.dma_semaphore, #tpu.memory_space<semaphore_mem>>)
      %dma_wait3A_62 = tpu.memref_slice %arg4[%add3A_10] : memref<320000xi32, #tpu.memory_space<hbm>> -> memref<80xi32, #tpu.memory_space<hbm>>
      %dma_wait3A_63 = tpu.memref_slice %arg4[%add3A_10] : memref<320000xi32, #tpu.memory_space<hbm>> -> memref<80xi32, #tpu.memory_space<hbm>>
      tpu.wait_dma2 semaphore(%run_scoped3A : memref<!tpu.dma_semaphore, #tpu.memory_space<semaphore_mem>>) src(%dma_wait3A_63 : memref<80xi32, #tpu.memory_space<hbm>>) dst(%arg9 : memref<80xi32, #tpu.memory_space<vmem>>)
      tpu.yield
    }) : () -> ()
    %dma_start3A = arith.constant 0 : i32
    %dma_start3A_11 = arith.constant 0 : i32
    %dma_start3A_12 = tpu.memref_slice %arg2[%dma_start3A, %dma_start3A_11] : memref<10000x128xf32, #tpu.memory_space<hbm>> -> memref<10000x128xf32, #tpu.memory_space<hbm>>
    tpu.enqueue_indirect_dma source(%dma_start3A_12 : memref<10000x128xf32, #tpu.memory_space<hbm>>) target(%arg11 : memref<80x128xf32, #tpu.memory_space<vmem>>) offsets(%arg7 : memref<80xi32, #tpu.memory_space<vmem>>) semaphore(%arg14 : memref<!tpu.dma_semaphore, #tpu.memory_space<semaphore_mem>>)
    %add3A_13 = arith.constant 80 : i32
    %add3A_14 = arith.addi %mul3A_8, %add3A_13 : i32
    "tpu.region"() ({
      %run_scoped3A = tpu.sem_alloc : memref<!tpu.dma_semaphore, #tpu.memory_space<semaphore_mem>>
      %dma_start3A_60 = tpu.memref_slice %arg3[%add3A_14] : memref<320000xi32, #tpu.memory_space<hbm>> -> memref<80xi32, #tpu.memory_space<hbm>>
      %dma_start3A_61 = tpu.memref_slice %arg3[%add3A_14] : memref<320000xi32, #tpu.memory_space<hbm>> -> memref<80xi32, #tpu.memory_space<hbm>>
      tpu.enqueue_dma source(%dma_start3A_61 : memref<80xi32, #tpu.memory_space<hbm>>) target(%arg8 : memref<80xi32, #tpu.memory_space<vmem>>) target_semaphore(%run_scoped3A : memref<!tpu.dma_semaphore, #tpu.memory_space<semaphore_mem>>)
      %dma_wait3A_62 = tpu.memref_slice %arg3[%add3A_14] : memref<320000xi32, #tpu.memory_space<hbm>> -> memref<80xi32, #tpu.memory_space<hbm>>
      %dma_wait3A_63 = tpu.memref_slice %arg3[%add3A_14] : memref<320000xi32, #tpu.memory_space<hbm>> -> memref<80xi32, #tpu.memory_space<hbm>>
      tpu.wait_dma2 semaphore(%run_scoped3A : memref<!tpu.dma_semaphore, #tpu.memory_space<semaphore_mem>>) src(%dma_wait3A_63 : memref<80xi32, #tpu.memory_space<hbm>>) dst(%arg8 : memref<80xi32, #tpu.memory_space<vmem>>)
      tpu.yield
    }) : () -> ()
    "tpu.region"() ({
      %run_scoped3A = tpu.sem_alloc : memref<!tpu.dma_semaphore, #tpu.memory_space<semaphore_mem>>
      %dma_start3A_60 = tpu.memref_slice %arg4[%add3A_14] : memref<320000xi32, #tpu.memory_space<hbm>> -> memref<80xi32, #tpu.memory_space<hbm>>
      %dma_start3A_61 = tpu.memref_slice %arg4[%add3A_14] : memref<320000xi32, #tpu.memory_space<hbm>> -> memref<80xi32, #tpu.memory_space<hbm>>
      tpu.enqueue_dma source(%dma_start3A_61 : memref<80xi32, #tpu.memory_space<hbm>>) target(%arg10 : memref<80xi32, #tpu.memory_space<vmem>>) target_semaphore(%run_scoped3A : memref<!tpu.dma_semaphore, #tpu.memory_space<semaphore_mem>>)
      %dma_wait3A_62 = tpu.memref_slice %arg4[%add3A_14] : memref<320000xi32, #tpu.memory_space<hbm>> -> memref<80xi32, #tpu.memory_space<hbm>>
      %dma_wait3A_63 = tpu.memref_slice %arg4[%add3A_14] : memref<320000xi32, #tpu.memory_space<hbm>> -> memref<80xi32, #tpu.memory_space<hbm>>
      tpu.wait_dma2 semaphore(%run_scoped3A : memref<!tpu.dma_semaphore, #tpu.memory_space<semaphore_mem>>) src(%dma_wait3A_63 : memref<80xi32, #tpu.memory_space<hbm>>) dst(%arg10 : memref<80xi32, #tpu.memory_space<vmem>>)
      tpu.yield
    }) : () -> ()
    %dma_wait3A = arith.constant 0 : i32
    %dma_wait3A_15 = arith.constant 0 : i32
    %dma_wait3A_16 = tpu.memref_slice %arg2[%dma_wait3A, %dma_wait3A_15] : memref<10000x128xf32, #tpu.memory_space<hbm>> -> memref<10000x128xf32, #tpu.memory_space<hbm>>
    tpu.wait_indirect_dma semaphore(%arg14 : memref<!tpu.dma_semaphore, #tpu.memory_space<semaphore_mem>>) src(%dma_wait3A_16 : memref<10000x128xf32, #tpu.memory_space<hbm>>) dst(%arg11 : memref<80x128xf32, #tpu.memory_space<vmem>>)
    %dma_start3A_17 = arith.constant 0 : i32
    %dma_start3A_18 = arith.constant 0 : i32
    %dma_start3A_19 = tpu.memref_slice %arg13[%dma_start3A_17, %dma_start3A_18] : memref<10240x128xf32, #tpu.memory_space<vmem_shared>> -> memref<10240x128xf32, #tpu.memory_space<vmem_shared>>
    tpu.enqueue_indirect_dma source(%arg11 : memref<80x128xf32, #tpu.memory_space<vmem>>) target(%dma_start3A_19 : memref<10240x128xf32, #tpu.memory_space<vmem_shared>>) offsets(%arg9 : memref<80xi32, #tpu.memory_space<vmem>>) semaphore(%arg15 : memref<!tpu.dma_semaphore, #tpu.memory_space<semaphore_mem>>) {add = true}
    %dma_start3A_20 = arith.constant 0 : i32
    %dma_start3A_21 = arith.constant 0 : i32
    %dma_start3A_22 = tpu.memref_slice %arg2[%dma_start3A_20, %dma_start3A_21] : memref<10000x128xf32, #tpu.memory_space<hbm>> -> memref<10000x128xf32, #tpu.memory_space<hbm>>
    tpu.enqueue_indirect_dma source(%dma_start3A_22 : memref<10000x128xf32, #tpu.memory_space<hbm>>) target(%arg12 : memref<80x128xf32, #tpu.memory_space<vmem>>) offsets(%arg8 : memref<80xi32, #tpu.memory_space<vmem>>) semaphore(%arg14 : memref<!tpu.dma_semaphore, #tpu.memory_space<semaphore_mem>>)
    %dma_wait3A_23 = arith.constant 0 : i32
    %dma_wait3A_24 = arith.constant 0 : i32
    %dma_wait3A_25 = tpu.memref_slice %arg13[%dma_wait3A_23, %dma_wait3A_24] : memref<10240x128xf32, #tpu.memory_space<vmem_shared>> -> memref<10240x128xf32, #tpu.memory_space<vmem_shared>>
    tpu.wait_indirect_dma semaphore(%arg15 : memref<!tpu.dma_semaphore, #tpu.memory_space<semaphore_mem>>) src(%arg11 : memref<80x128xf32, #tpu.memory_space<vmem>>) dst(%dma_wait3A_25 : memref<10240x128xf32, #tpu.memory_space<vmem_shared>>)
    %add3A_26 = arith.constant 160 : i32
    %add3A_27 = arith.addi %mul3A_8, %add3A_26 : i32
    "tpu.region"() ({
      %run_scoped3A = tpu.sem_alloc : memref<!tpu.dma_semaphore, #tpu.memory_space<semaphore_mem>>
      %dma_start3A_60 = tpu.memref_slice %arg3[%add3A_27] : memref<320000xi32, #tpu.memory_space<hbm>> -> memref<80xi32, #tpu.memory_space<hbm>>
      %dma_start3A_61 = tpu.memref_slice %arg3[%add3A_27] : memref<320000xi32, #tpu.memory_space<hbm>> -> memref<80xi32, #tpu.memory_space<hbm>>
      tpu.enqueue_dma source(%dma_start3A_61 : memref<80xi32, #tpu.memory_space<hbm>>) target(%arg7 : memref<80xi32, #tpu.memory_space<vmem>>) target_semaphore(%run_scoped3A : memref<!tpu.dma_semaphore, #tpu.memory_space<semaphore_mem>>)
      %dma_wait3A_62 = tpu.memref_slice %arg3[%add3A_27] : memref<320000xi32, #tpu.memory_space<hbm>> -> memref<80xi32, #tpu.memory_space<hbm>>
      %dma_wait3A_63 = tpu.memref_slice %arg3[%add3A_27] : memref<320000xi32, #tpu.memory_space<hbm>> -> memref<80xi32, #tpu.memory_space<hbm>>
      tpu.wait_dma2 semaphore(%run_scoped3A : memref<!tpu.dma_semaphore, #tpu.memory_space<semaphore_mem>>) src(%dma_wait3A_63 : memref<80xi32, #tpu.memory_space<hbm>>) dst(%arg7 : memref<80xi32, #tpu.memory_space<vmem>>)
      tpu.yield
    }) : () -> ()
    "tpu.region"() ({
      %run_scoped3A = tpu.sem_alloc : memref<!tpu.dma_semaphore, #tpu.memory_space<semaphore_mem>>
      %dma_start3A_60 = tpu.memref_slice %arg4[%add3A_27] : memref<320000xi32, #tpu.memory_space<hbm>> -> memref<80xi32, #tpu.memory_space<hbm>>
      %dma_start3A_61 = tpu.memref_slice %arg4[%add3A_27] : memref<320000xi32, #tpu.memory_space<hbm>> -> memref<80xi32, #tpu.memory_space<hbm>>
      tpu.enqueue_dma source(%dma_start3A_61 : memref<80xi32, #tpu.memory_space<hbm>>) target(%arg9 : memref<80xi32, #tpu.memory_space<vmem>>) target_semaphore(%run_scoped3A : memref<!tpu.dma_semaphore, #tpu.memory_space<semaphore_mem>>)
      %dma_wait3A_62 = tpu.memref_slice %arg4[%add3A_27] : memref<320000xi32, #tpu.memory_space<hbm>> -> memref<80xi32, #tpu.memory_space<hbm>>
      %dma_wait3A_63 = tpu.memref_slice %arg4[%add3A_27] : memref<320000xi32, #tpu.memory_space<hbm>> -> memref<80xi32, #tpu.memory_space<hbm>>
      tpu.wait_dma2 semaphore(%run_scoped3A : memref<!tpu.dma_semaphore, #tpu.memory_space<semaphore_mem>>) src(%dma_wait3A_63 : memref<80xi32, #tpu.memory_space<hbm>>) dst(%arg9 : memref<80xi32, #tpu.memory_space<vmem>>)
      tpu.yield
    }) : () -> ()
    %dma_wait3A_28 = arith.constant 0 : i32
    %dma_wait3A_29 = arith.constant 0 : i32
    %dma_wait3A_30 = tpu.memref_slice %arg2[%dma_wait3A_28, %dma_wait3A_29] : memref<10000x128xf32, #tpu.memory_space<hbm>> -> memref<10000x128xf32, #tpu.memory_space<hbm>>
    tpu.wait_indirect_dma semaphore(%arg14 : memref<!tpu.dma_semaphore, #tpu.memory_space<semaphore_mem>>) src(%dma_wait3A_30 : memref<10000x128xf32, #tpu.memory_space<hbm>>) dst(%arg12 : memref<80x128xf32, #tpu.memory_space<vmem>>)
    %dma_start3A_31 = arith.constant 0 : i32
    %dma_start3A_32 = arith.constant 0 : i32
    %dma_start3A_33 = tpu.memref_slice %arg13[%dma_start3A_31, %dma_start3A_32] : memref<10240x128xf32, #tpu.memory_space<vmem_shared>> -> memref<10240x128xf32, #tpu.memory_space<vmem_shared>>
    tpu.enqueue_indirect_dma source(%arg12 : memref<80x128xf32, #tpu.memory_space<vmem>>) target(%dma_start3A_33 : memref<10240x128xf32, #tpu.memory_space<vmem_shared>>) offsets(%arg10 : memref<80xi32, #tpu.memory_space<vmem>>) semaphore(%arg15 : memref<!tpu.dma_semaphore, #tpu.memory_space<semaphore_mem>>) {add = true}
    %dma_start3A_34 = arith.constant 0 : i32
    %dma_start3A_35 = arith.constant 0 : i32
    %dma_start3A_36 = tpu.memref_slice %arg2[%dma_start3A_34, %dma_start3A_35] : memref<10000x128xf32, #tpu.memory_space<hbm>> -> memref<10000x128xf32, #tpu.memory_space<hbm>>
    tpu.enqueue_indirect_dma source(%dma_start3A_36 : memref<10000x128xf32, #tpu.memory_space<hbm>>) target(%arg11 : memref<80x128xf32, #tpu.memory_space<vmem>>) offsets(%arg7 : memref<80xi32, #tpu.memory_space<vmem>>) semaphore(%arg14 : memref<!tpu.dma_semaphore, #tpu.memory_space<semaphore_mem>>)
    %scan3A_37 = arith.constant 0 : i32
    %scan3A_38 = arith.constant 61 : i32
    %scan3A_39 = arith.addi %scan3A_37, %scan3A_38 : i32
    %scan3A_40 = arith.constant 1 : i32
    scf.for %scan3A_60 = %scan3A_37 to %scan3A_39 step %scan3A_40  : i32 {
      %mul3A_61 = arith.constant 1 : i32
      %mul3A_62 = arith.muli %scan3A_60, %mul3A_61 : i32
      %add3A_63 = arith.constant 0 : i32
      %add3A_64 = arith.addi %add3A_63, %mul3A_62 : i32
      %mul3A_65 = arith.constant 2 : i32
      %mul3A_66 = arith.muli %mul3A_65, %add3A_64 : i32
      %add3A_67 = arith.constant 3 : i32
      %add3A_68 = arith.addi %add3A_67, %mul3A_66 : i32
      %dma_wait3A_69 = arith.constant 0 : i32
      %dma_wait3A_70 = arith.constant 0 : i32
      %dma_wait3A_71 = tpu.memref_slice %arg13[%dma_wait3A_69, %dma_wait3A_70] : memref<10240x128xf32, #tpu.memory_space<vmem_shared>> -> memref<10240x128xf32, #tpu.memory_space<vmem_shared>>
      tpu.wait_indirect_dma semaphore(%arg15 : memref<!tpu.dma_semaphore, #tpu.memory_space<semaphore_mem>>) src(%arg12 : memref<80x128xf32, #tpu.memory_space<vmem>>) dst(%dma_wait3A_71 : memref<10240x128xf32, #tpu.memory_space<vmem_shared>>)
      %mul3A_72 = arith.constant 80 : i32
      %mul3A_73 = arith.muli %add3A_68, %mul3A_72 : i32
      %add3A_74 = arith.addi %mul3A_8, %mul3A_73 : i32
      "tpu.region"() ({
        %run_scoped3A = tpu.sem_alloc : memref<!tpu.dma_semaphore, #tpu.memory_space<semaphore_mem>>
        %dma_start3A_104 = tpu.memref_slice %arg3[%add3A_74] : memref<320000xi32, #tpu.memory_space<hbm>> -> memref<80xi32, #tpu.memory_space<hbm>>
        %dma_start3A_105 = tpu.memref_slice %arg3[%add3A_74] : memref<320000xi32, #tpu.memory_space<hbm>> -> memref<80xi32, #tpu.memory_space<hbm>>
        tpu.enqueue_dma source(%dma_start3A_105 : memref<80xi32, #tpu.memory_space<hbm>>) target(%arg8 : memref<80xi32, #tpu.memory_space<vmem>>) target_semaphore(%run_scoped3A : memref<!tpu.dma_semaphore, #tpu.memory_space<semaphore_mem>>)
        %dma_wait3A_106 = tpu.memref_slice %arg3[%add3A_74] : memref<320000xi32, #tpu.memory_space<hbm>> -> memref<80xi32, #tpu.memory_space<hbm>>
        %dma_wait3A_107 = tpu.memref_slice %arg3[%add3A_74] : memref<320000xi32, #tpu.memory_space<hbm>> -> memref<80xi32, #tpu.memory_space<hbm>>
        tpu.wait_dma2 semaphore(%run_scoped3A : memref<!tpu.dma_semaphore, #tpu.memory_space<semaphore_mem>>) src(%dma_wait3A_107 : memref<80xi32, #tpu.memory_space<hbm>>) dst(%arg8 : memref<80xi32, #tpu.memory_space<vmem>>)
        tpu.yield
      }) : () -> ()
      "tpu.region"() ({
        %run_scoped3A = tpu.sem_alloc : memref<!tpu.dma_semaphore, #tpu.memory_space<semaphore_mem>>
        %dma_start3A_104 = tpu.memref_slice %arg4[%add3A_74] : memref<320000xi32, #tpu.memory_space<hbm>> -> memref<80xi32, #tpu.memory_space<hbm>>
        %dma_start3A_105 = tpu.memref_slice %arg4[%add3A_74] : memref<320000xi32, #tpu.memory_space<hbm>> -> memref<80xi32, #tpu.memory_space<hbm>>
        tpu.enqueue_dma source(%dma_start3A_105 : memref<80xi32, #tpu.memory_space<hbm>>) target(%arg10 : memref<80xi32, #tpu.memory_space<vmem>>) target_semaphore(%run_scoped3A : memref<!tpu.dma_semaphore, #tpu.memory_space<semaphore_mem>>)
        %dma_wait3A_106 = tpu.memref_slice %arg4[%add3A_74] : memref<320000xi32, #tpu.memory_space<hbm>> -> memref<80xi32, #tpu.memory_space<hbm>>
        %dma_wait3A_107 = tpu.memref_slice %arg4[%add3A_74] : memref<320000xi32, #tpu.memory_space<hbm>> -> memref<80xi32, #tpu.memory_space<hbm>>
        tpu.wait_dma2 semaphore(%run_scoped3A : memref<!tpu.dma_semaphore, #tpu.memory_space<semaphore_mem>>) src(%dma_wait3A_107 : memref<80xi32, #tpu.memory_space<hbm>>) dst(%arg10 : memref<80xi32, #tpu.memory_space<vmem>>)
        tpu.yield
      }) : () -> ()
      %dma_wait3A_75 = arith.constant 0 : i32
      %dma_wait3A_76 = arith.constant 0 : i32
      %dma_wait3A_77 = tpu.memref_slice %arg2[%dma_wait3A_75, %dma_wait3A_76] : memref<10000x128xf32, #tpu.memory_space<hbm>> -> memref<10000x128xf32, #tpu.memory_space<hbm>>
      tpu.wait_indirect_dma semaphore(%arg14 : memref<!tpu.dma_semaphore, #tpu.memory_space<semaphore_mem>>) src(%dma_wait3A_77 : memref<10000x128xf32, #tpu.memory_space<hbm>>) dst(%arg11 : memref<80x128xf32, #tpu.memory_space<vmem>>)
      %sub3A = arith.constant 1 : i32
      %sub3A_78 = arith.subi %add3A_68, %sub3A : i32
      %dma_start3A_79 = arith.constant 0 : i32
      %dma_start3A_80 = arith.constant 0 : i32
      %dma_start3A_81 = tpu.memref_slice %arg13[%dma_start3A_79, %dma_start3A_80] : memref<10240x128xf32, #tpu.memory_space<vmem_shared>> -> memref<10240x128xf32, #tpu.memory_space<vmem_shared>>
      tpu.enqueue_indirect_dma source(%arg11 : memref<80x128xf32, #tpu.memory_space<vmem>>) target(%dma_start3A_81 : memref<10240x128xf32, #tpu.memory_space<vmem_shared>>) offsets(%arg9 : memref<80xi32, #tpu.memory_space<vmem>>) semaphore(%arg15 : memref<!tpu.dma_semaphore, #tpu.memory_space<semaphore_mem>>) {add = true}
      %dma_start3A_82 = arith.constant 0 : i32
      %dma_start3A_83 = arith.constant 0 : i32
      %dma_start3A_84 = tpu.memref_slice %arg2[%dma_start3A_82, %dma_start3A_83] : memref<10000x128xf32, #tpu.memory_space<hbm>> -> memref<10000x128xf32, #tpu.memory_space<hbm>>
      tpu.enqueue_indirect_dma source(%dma_start3A_84 : memref<10000x128xf32, #tpu.memory_space<hbm>>) target(%arg12 : memref<80x128xf32, #tpu.memory_space<vmem>>) offsets(%arg8 : memref<80xi32, #tpu.memory_space<vmem>>) semaphore(%arg14 : memref<!tpu.dma_semaphore, #tpu.memory_space<semaphore_mem>>)
      %add3A_85 = arith.constant 1 : i32
      %add3A_86 = arith.addi %add3A_68, %add3A_85 : i32
      %dma_wait3A_87 = arith.constant 0 : i32
      %dma_wait3A_88 = arith.constant 0 : i32
      %dma_wait3A_89 = tpu.memref_slice %arg13[%dma_wait3A_87, %dma_wait3A_88] : memref<10240x128xf32, #tpu.memory_space<vmem_shared>> -> memref<10240x128xf32, #tpu.memory_space<vmem_shared>>
      tpu.wait_indirect_dma semaphore(%arg15 : memref<!tpu.dma_semaphore, #tpu.memory_space<semaphore_mem>>) src(%arg11 : memref<80x128xf32, #tpu.memory_space<vmem>>) dst(%dma_wait3A_89 : memref<10240x128xf32, #tpu.memory_space<vmem_shared>>)
      %mul3A_90 = arith.constant 80 : i32
      %mul3A_91 = arith.muli %add3A_86, %mul3A_90 : i32
      %add3A_92 = arith.addi %mul3A_8, %mul3A_91 : i32
      "tpu.region"() ({
        %run_scoped3A = tpu.sem_alloc : memref<!tpu.dma_semaphore, #tpu.memory_space<semaphore_mem>>
        %dma_start3A_104 = tpu.memref_slice %arg3[%add3A_92] : memref<320000xi32, #tpu.memory_space<hbm>> -> memref<80xi32, #tpu.memory_space<hbm>>
        %dma_start3A_105 = tpu.memref_slice %arg3[%add3A_92] : memref<320000xi32, #tpu.memory_space<hbm>> -> memref<80xi32, #tpu.memory_space<hbm>>
        tpu.enqueue_dma source(%dma_start3A_105 : memref<80xi32, #tpu.memory_space<hbm>>) target(%arg7 : memref<80xi32, #tpu.memory_space<vmem>>) target_semaphore(%run_scoped3A : memref<!tpu.dma_semaphore, #tpu.memory_space<semaphore_mem>>)
        %dma_wait3A_106 = tpu.memref_slice %arg3[%add3A_92] : memref<320000xi32, #tpu.memory_space<hbm>> -> memref<80xi32, #tpu.memory_space<hbm>>
        %dma_wait3A_107 = tpu.memref_slice %arg3[%add3A_92] : memref<320000xi32, #tpu.memory_space<hbm>> -> memref<80xi32, #tpu.memory_space<hbm>>
        tpu.wait_dma2 semaphore(%run_scoped3A : memref<!tpu.dma_semaphore, #tpu.memory_space<semaphore_mem>>) src(%dma_wait3A_107 : memref<80xi32, #tpu.memory_space<hbm>>) dst(%arg7 : memref<80xi32, #tpu.memory_space<vmem>>)
        tpu.yield
      }) : () -> ()
      "tpu.region"() ({
        %run_scoped3A = tpu.sem_alloc : memref<!tpu.dma_semaphore, #tpu.memory_space<semaphore_mem>>
        %dma_start3A_104 = tpu.memref_slice %arg4[%add3A_92] : memref<320000xi32, #tpu.memory_space<hbm>> -> memref<80xi32, #tpu.memory_space<hbm>>
        %dma_start3A_105 = tpu.memref_slice %arg4[%add3A_92] : memref<320000xi32, #tpu.memory_space<hbm>> -> memref<80xi32, #tpu.memory_space<hbm>>
        tpu.enqueue_dma source(%dma_start3A_105 : memref<80xi32, #tpu.memory_space<hbm>>) target(%arg9 : memref<80xi32, #tpu.memory_space<vmem>>) target_semaphore(%run_scoped3A : memref<!tpu.dma_semaphore, #tpu.memory_space<semaphore_mem>>)
        %dma_wait3A_106 = tpu.memref_slice %arg4[%add3A_92] : memref<320000xi32, #tpu.memory_space<hbm>> -> memref<80xi32, #tpu.memory_space<hbm>>
        %dma_wait3A_107 = tpu.memref_slice %arg4[%add3A_92] : memref<320000xi32, #tpu.memory_space<hbm>> -> memref<80xi32, #tpu.memory_space<hbm>>
        tpu.wait_dma2 semaphore(%run_scoped3A : memref<!tpu.dma_semaphore, #tpu.memory_space<semaphore_mem>>) src(%dma_wait3A_107 : memref<80xi32, #tpu.memory_space<hbm>>) dst(%arg9 : memref<80xi32, #tpu.memory_space<vmem>>)
        tpu.yield
      }) : () -> ()
      %dma_wait3A_93 = arith.constant 0 : i32
      %dma_wait3A_94 = arith.constant 0 : i32
      %dma_wait3A_95 = tpu.memref_slice %arg2[%dma_wait3A_93, %dma_wait3A_94] : memref<10000x128xf32, #tpu.memory_space<hbm>> -> memref<10000x128xf32, #tpu.memory_space<hbm>>
      tpu.wait_indirect_dma semaphore(%arg14 : memref<!tpu.dma_semaphore, #tpu.memory_space<semaphore_mem>>) src(%dma_wait3A_95 : memref<10000x128xf32, #tpu.memory_space<hbm>>) dst(%arg12 : memref<80x128xf32, #tpu.memory_space<vmem>>)
      %sub3A_96 = arith.constant 1 : i32
      %sub3A_97 = arith.subi %add3A_86, %sub3A_96 : i32
      %dma_start3A_98 = arith.constant 0 : i32
      %dma_start3A_99 = arith.constant 0 : i32
      %dma_start3A_100 = tpu.memref_slice %arg13[%dma_start3A_98, %dma_start3A_99] : memref<10240x128xf32, #tpu.memory_space<vmem_shared>> -> memref<10240x128xf32, #tpu.memory_space<vmem_shared>>
      tpu.enqueue_indirect_dma source(%arg12 : memref<80x128xf32, #tpu.memory_space<vmem>>) target(%dma_start3A_100 : memref<10240x128xf32, #tpu.memory_space<vmem_shared>>) offsets(%arg10 : memref<80xi32, #tpu.memory_space<vmem>>) semaphore(%arg15 : memref<!tpu.dma_semaphore, #tpu.memory_space<semaphore_mem>>) {add = true}
      %dma_start3A_101 = arith.constant 0 : i32
      %dma_start3A_102 = arith.constant 0 : i32
      %dma_start3A_103 = tpu.memref_slice %arg2[%dma_start3A_101, %dma_start3A_102] : memref<10000x128xf32, #tpu.memory_space<hbm>> -> memref<10000x128xf32, #tpu.memory_space<hbm>>
      tpu.enqueue_indirect_dma source(%dma_start3A_103 : memref<10000x128xf32, #tpu.memory_space<hbm>>) target(%arg11 : memref<80x128xf32, #tpu.memory_space<vmem>>) offsets(%arg7 : memref<80xi32, #tpu.memory_space<vmem>>) semaphore(%arg14 : memref<!tpu.dma_semaphore, #tpu.memory_space<semaphore_mem>>)
    }
    %scan3A_41 = arith.constant 61 : i32
    %dma_wait3A_42 = arith.constant 0 : i32
    %dma_wait3A_43 = arith.constant 0 : i32
    %dma_wait3A_44 = tpu.memref_slice %arg13[%dma_wait3A_42, %dma_wait3A_43] : memref<10240x128xf32, #tpu.memory_space<vmem_shared>> -> memref<10240x128xf32, #tpu.memory_space<vmem_shared>>
    tpu.wait_indirect_dma semaphore(%arg15 : memref<!tpu.dma_semaphore, #tpu.memory_space<semaphore_mem>>) src(%arg12 : memref<80x128xf32, #tpu.memory_space<vmem>>) dst(%dma_wait3A_44 : memref<10240x128xf32, #tpu.memory_space<vmem_shared>>)
    %dma_wait3A_45 = arith.constant 0 : i32
    %dma_wait3A_46 = arith.constant 0 : i32
    %dma_wait3A_47 = tpu.memref_slice %arg2[%dma_wait3A_45, %dma_wait3A_46] : memref<10000x128xf32, #tpu.memory_space<hbm>> -> memref<10000x128xf32, #tpu.memory_space<hbm>>
    tpu.wait_indirect_dma semaphore(%arg14 : memref<!tpu.dma_semaphore, #tpu.memory_space<semaphore_mem>>) src(%dma_wait3A_47 : memref<10000x128xf32, #tpu.memory_space<hbm>>) dst(%arg11 : memref<80x128xf32, #tpu.memory_space<vmem>>)
    %dma_start3A_48 = arith.constant 0 : i32
    %dma_start3A_49 = arith.constant 0 : i32
    %dma_start3A_50 = tpu.memref_slice %arg13[%dma_start3A_48, %dma_start3A_49] : memref<10240x128xf32, #tpu.memory_space<vmem_shared>> -> memref<10240x128xf32, #tpu.memory_space<vmem_shared>>
    tpu.enqueue_indirect_dma source(%arg11 : memref<80x128xf32, #tpu.memory_space<vmem>>) target(%dma_start3A_50 : memref<10240x128xf32, #tpu.memory_space<vmem_shared>>) offsets(%arg9 : memref<80xi32, #tpu.memory_space<vmem>>) semaphore(%arg15 : memref<!tpu.dma_semaphore, #tpu.memory_space<semaphore_mem>>) {add = true}
    %dma_wait3A_51 = arith.constant 0 : i32
    %dma_wait3A_52 = arith.constant 0 : i32
    %dma_wait3A_53 = tpu.memref_slice %arg13[%dma_wait3A_51, %dma_wait3A_52] : memref<10240x128xf32, #tpu.memory_space<vmem_shared>> -> memref<10240x128xf32, #tpu.memory_space<vmem_shared>>
    tpu.wait_indirect_dma semaphore(%arg15 : memref<!tpu.dma_semaphore, #tpu.memory_space<semaphore_mem>>) src(%arg11 : memref<80x128xf32, #tpu.memory_space<vmem>>) dst(%dma_wait3A_53 : memref<10240x128xf32, #tpu.memory_space<vmem_shared>>)
    %barrier3A_54 = arith.constant 0 : index
    tpu.barrier barrier_id(%barrier3A_54)
    %scan3A_55 = arith.constant 0 : i32
    %scan3A_56 = arith.constant 8 : i32
    %scan3A_57 = arith.addi %scan3A_55, %scan3A_56 : i32
    %scan3A_58 = arith.constant 1 : i32
    scf.for %scan3A_60 = %scan3A_55 to %scan3A_57 step %scan3A_58  : i32 {
      %mul3A_61 = arith.constant 1 : i32
      %mul3A_62 = arith.muli %scan3A_60, %mul3A_61 : i32
      %add3A_63 = arith.constant 0 : i32
      %add3A_64 = arith.addi %add3A_63, %mul3A_62 : i32
      %mul3A_65 = arith.constant 80 : i32
      %mul3A_66 = arith.muli %add3A_64, %mul3A_65 : i32
      %add3A_67 = arith.addi %mul3A_2, %mul3A_66 : i32
      "tpu.region"() ({
        %run_scoped3A = tpu.sem_alloc : memref<!tpu.dma_semaphore, #tpu.memory_space<semaphore_mem>>
        %dma_start3A_68 = arith.constant 0 : i32
        %dma_start3A_69 = tpu.memref_slice %arg13[%add3A_67, %dma_start3A_68] : memref<10240x128xf32, #tpu.memory_space<vmem_shared>> -> memref<80x128xf32, #tpu.memory_space<vmem_shared>>
        %dma_start3A_70 = arith.constant 0 : i32
        %dma_start3A_71 = tpu.memref_slice %arg13[%add3A_67, %dma_start3A_70] : memref<10240x128xf32, #tpu.memory_space<vmem_shared>> -> memref<80x128xf32, #tpu.memory_space<vmem_shared>>
        tpu.enqueue_dma source(%dma_start3A_71 : memref<80x128xf32, #tpu.memory_space<vmem_shared>>) target(%arg11 : memref<80x128xf32, #tpu.memory_space<vmem>>) target_semaphore(%run_scoped3A : memref<!tpu.dma_semaphore, #tpu.memory_space<semaphore_mem>>)
        %dma_wait3A_72 = arith.constant 0 : i32
        %dma_wait3A_73 = tpu.memref_slice %arg13[%add3A_67, %dma_wait3A_72] : memref<10240x128xf32, #tpu.memory_space<vmem_shared>> -> memref<80x128xf32, #tpu.memory_space<vmem_shared>>
        %dma_wait3A_74 = arith.constant 0 : i32
        %dma_wait3A_75 = tpu.memref_slice %arg13[%add3A_67, %dma_wait3A_74] : memref<10240x128xf32, #tpu.memory_space<vmem_shared>> -> memref<80x128xf32, #tpu.memory_space<vmem_shared>>
        tpu.wait_dma2 semaphore(%run_scoped3A : memref<!tpu.dma_semaphore, #tpu.memory_space<semaphore_mem>>) src(%dma_wait3A_75 : memref<80x128xf32, #tpu.memory_space<vmem_shared>>) dst(%arg11 : memref<80x128xf32, #tpu.memory_space<vmem>>)
        tpu.yield
      }) : () -> ()
      "tpu.region"() ({
        %run_scoped3A = tpu.sem_alloc : memref<!tpu.dma_semaphore, #tpu.memory_space<semaphore_mem>>
        %dma_start3A_68 = arith.constant 0 : i32
        %dma_start3A_69 = tpu.memref_slice %arg6[%arg0, %add3A_67, %dma_start3A_68] : memref<2x10240x128xf32, #tpu.memory_space<hbm>> -> memref<1x80x128xf32, #tpu.memory_space<hbm>>
        %dma_start3A_70 = tpu.memref_squeeze %dma_start3A_69 : memref<1x80x128xf32, #tpu.memory_space<hbm>> -> memref<80x128xf32, #tpu.memory_space<hbm>>
        %dma_start3A_71 = arith.constant 0 : i32
        %dma_start3A_72 = tpu.memref_slice %arg6[%arg0, %add3A_67, %dma_start3A_71] : memref<2x10240x128xf32, #tpu.memory_space<hbm>> -> memref<1x80x128xf32, #tpu.memory_space<hbm>>
        %dma_start3A_73 = tpu.memref_squeeze %dma_start3A_72 : memref<1x80x128xf32, #tpu.memory_space<hbm>> -> memref<80x128xf32, #tpu.memory_space<hbm>>
        tpu.enqueue_dma source(%arg11 : memref<80x128xf32, #tpu.memory_space<vmem>>) target(%dma_start3A_73 : memref<80x128xf32, #tpu.memory_space<hbm>>) target_semaphore(%run_scoped3A : memref<!tpu.dma_semaphore, #tpu.memory_space<semaphore_mem>>)
        %dma_wait3A_74 = arith.constant 0 : i32
        %dma_wait3A_75 = tpu.memref_slice %arg6[%arg0, %add3A_67, %dma_wait3A_74] : memref<2x10240x128xf32, #tpu.memory_space<hbm>> -> memref<1x80x128xf32, #tpu.memory_space<hbm>>
        %dma_wait3A_76 = tpu.memref_squeeze %dma_wait3A_75 : memref<1x80x128xf32, #tpu.memory_space<hbm>> -> memref<80x128xf32, #tpu.memory_space<hbm>>
        %dma_wait3A_77 = arith.constant 0 : i32
        %dma_wait3A_78 = tpu.memref_slice %arg6[%arg0, %add3A_67, %dma_wait3A_77] : memref<2x10240x128xf32, #tpu.memory_space<hbm>> -> memref<1x80x128xf32, #tpu.memory_space<hbm>>
        %dma_wait3A_79 = tpu.memref_squeeze %dma_wait3A_78 : memref<1x80x128xf32, #tpu.memory_space<hbm>> -> memref<80x128xf32, #tpu.memory_space<hbm>>
        tpu.wait_dma2 semaphore(%run_scoped3A : memref<!tpu.dma_semaphore, #tpu.memory_space<semaphore_mem>>) src(%arg11 : memref<80x128xf32, #tpu.memory_space<vmem>>) dst(%dma_wait3A_79 : memref<80x128xf32, #tpu.memory_space<hbm>>)
        tpu.yield
      }) : () -> ()
    }
    %scan3A_59 = arith.constant 8 : i32
    return
  }
}

#map = affine_map<(d0, d1) -> (0, 0)>
#map1 = affine_map<(d0, d1) -> (0, 0, 0)>
module attributes {stable_mosaic.version = 14 : i64} {
  func.func @body(%arg0: i32, %arg1: i32, %arg2: memref<80x128xf32, #tpu.memory_space<hbm>>, %arg3: memref<32x126x80xi32, #tpu.memory_space<hbm>>, %arg4: memref<10240x128xf32, #tpu.memory_space<hbm>>, %arg5: memref<2x10240x128xf32, #tpu.memory_space<hbm>>, %arg6: memref<126x80xi32, #tpu.memory_space<vmem>>, %arg7: memref<80xi32, #tpu.memory_space<vmem>>, %arg8: memref<80xi32, #tpu.memory_space<vmem>>, %arg9: memref<80x128xf32, #tpu.memory_space<vmem>>, %arg10: memref<10240x128xf32, #tpu.memory_space<vmem_shared>>, %arg11: memref<!tpu.dma_semaphore, #tpu.memory_space<semaphore_mem>>) attributes {dimension_semantics = [#tpu.dimension_semantics<core_parallel>, #tpu.dimension_semantics<subcore_parallel>], iteration_bounds = array<i64: 2, 16>, scalar_prefetch = 0 : i64, scratch_operands = 6 : i64, tpu.core_type = #tpu.core_type<sc_vector_subcore>, window_params = [{transform_indices = #map}, {transform_indices = #map1}, {transform_indices = #map}, {transform_indices = #map1}]} {
    %mul3A = arith.constant 16 : i32
    %mul3A_0 = arith.muli %arg0, %mul3A : i32
    %add3A = arith.addi %mul3A_0, %arg1 : i32
    %mul3A_1 = arith.constant 640 : i32
    %mul3A_2 = arith.muli %arg1, %mul3A_1 : i32
    %scan3A = arith.constant 0 : i32
    %scan3A_3 = arith.constant 8 : i32
    %scan3A_4 = arith.addi %scan3A, %scan3A_3 : i32
    %scan3A_5 = arith.constant 1 : i32
    scf.for %scan3A_118 = %scan3A to %scan3A_4 step %scan3A_5  : i32 {
      %mul3A_119 = arith.constant 1 : i32
      %mul3A_120 = arith.muli %scan3A_118, %mul3A_119 : i32
      %add3A_121 = arith.constant 0 : i32
      %add3A_122 = arith.addi %add3A_121, %mul3A_120 : i32
      %mul3A_123 = arith.constant 80 : i32
      %mul3A_124 = arith.muli %add3A_122, %mul3A_123 : i32
      %add3A_125 = arith.addi %mul3A_2, %mul3A_124 : i32
      "tpu.region"() ({
        %run_scoped3A = tpu.sem_alloc : memref<!tpu.dma_semaphore, #tpu.memory_space<semaphore_mem>>
        %dma_start3A_126 = arith.constant 0 : i32
        %dma_start3A_127 = tpu.memref_slice %arg4[%add3A_125, %dma_start3A_126] : memref<10240x128xf32, #tpu.memory_space<hbm>> -> memref<80x128xf32, #tpu.memory_space<hbm>>
        %dma_start3A_128 = arith.constant 0 : i32
        %dma_start3A_129 = tpu.memref_slice %arg4[%add3A_125, %dma_start3A_128] : memref<10240x128xf32, #tpu.memory_space<hbm>> -> memref<80x128xf32, #tpu.memory_space<hbm>>
        tpu.enqueue_dma source(%dma_start3A_129 : memref<80x128xf32, #tpu.memory_space<hbm>>) target(%arg9 : memref<80x128xf32, #tpu.memory_space<vmem>>) target_semaphore(%run_scoped3A : memref<!tpu.dma_semaphore, #tpu.memory_space<semaphore_mem>>)
        %dma_wait3A_130 = arith.constant 0 : i32
        %dma_wait3A_131 = tpu.memref_slice %arg4[%add3A_125, %dma_wait3A_130] : memref<10240x128xf32, #tpu.memory_space<hbm>> -> memref<80x128xf32, #tpu.memory_space<hbm>>
        %dma_wait3A_132 = arith.constant 0 : i32
        %dma_wait3A_133 = tpu.memref_slice %arg4[%add3A_125, %dma_wait3A_132] : memref<10240x128xf32, #tpu.memory_space<hbm>> -> memref<80x128xf32, #tpu.memory_space<hbm>>
        tpu.wait_dma2 semaphore(%run_scoped3A : memref<!tpu.dma_semaphore, #tpu.memory_space<semaphore_mem>>) src(%dma_wait3A_133 : memref<80x128xf32, #tpu.memory_space<hbm>>) dst(%arg9 : memref<80x128xf32, #tpu.memory_space<vmem>>)
        tpu.yield
      }) : () -> ()
      "tpu.region"() ({
        %run_scoped3A = tpu.sem_alloc : memref<!tpu.dma_semaphore, #tpu.memory_space<semaphore_mem>>
        %dma_start3A_126 = arith.constant 0 : i32
        %dma_start3A_127 = tpu.memref_slice %arg10[%add3A_125, %dma_start3A_126] : memref<10240x128xf32, #tpu.memory_space<vmem_shared>> -> memref<80x128xf32, #tpu.memory_space<vmem_shared>>
        %dma_start3A_128 = arith.constant 0 : i32
        %dma_start3A_129 = tpu.memref_slice %arg10[%add3A_125, %dma_start3A_128] : memref<10240x128xf32, #tpu.memory_space<vmem_shared>> -> memref<80x128xf32, #tpu.memory_space<vmem_shared>>
        tpu.enqueue_dma source(%arg9 : memref<80x128xf32, #tpu.memory_space<vmem>>) target(%dma_start3A_129 : memref<80x128xf32, #tpu.memory_space<vmem_shared>>) target_semaphore(%run_scoped3A : memref<!tpu.dma_semaphore, #tpu.memory_space<semaphore_mem>>)
        %dma_wait3A_130 = arith.constant 0 : i32
        %dma_wait3A_131 = tpu.memref_slice %arg10[%add3A_125, %dma_wait3A_130] : memref<10240x128xf32, #tpu.memory_space<vmem_shared>> -> memref<80x128xf32, #tpu.memory_space<vmem_shared>>
        %dma_wait3A_132 = arith.constant 0 : i32
        %dma_wait3A_133 = tpu.memref_slice %arg10[%add3A_125, %dma_wait3A_132] : memref<10240x128xf32, #tpu.memory_space<vmem_shared>> -> memref<80x128xf32, #tpu.memory_space<vmem_shared>>
        tpu.wait_dma2 semaphore(%run_scoped3A : memref<!tpu.dma_semaphore, #tpu.memory_space<semaphore_mem>>) src(%arg9 : memref<80x128xf32, #tpu.memory_space<vmem>>) dst(%dma_wait3A_133 : memref<80x128xf32, #tpu.memory_space<vmem_shared>>)
        tpu.yield
      }) : () -> ()
    }
    %scan3A_6 = arith.constant 8 : i32
    "tpu.region"() ({
      %run_scoped3A = tpu.sem_alloc : memref<!tpu.dma_semaphore, #tpu.memory_space<semaphore_mem>>
      %dma_start3A_118 = arith.constant 0 : i32
      %dma_start3A_119 = arith.constant 0 : i32
      %dma_start3A_120 = tpu.memref_slice %arg3[%add3A, %dma_start3A_118, %dma_start3A_119] : memref<32x126x80xi32, #tpu.memory_space<hbm>> -> memref<1x126x80xi32, #tpu.memory_space<hbm>>
      %dma_start3A_121 = tpu.memref_squeeze %dma_start3A_120 : memref<1x126x80xi32, #tpu.memory_space<hbm>> -> memref<126x80xi32, #tpu.memory_space<hbm>>
      %dma_start3A_122 = arith.constant 0 : i32
      %dma_start3A_123 = arith.constant 0 : i32
      %dma_start3A_124 = tpu.memref_slice %arg3[%add3A, %dma_start3A_122, %dma_start3A_123] : memref<32x126x80xi32, #tpu.memory_space<hbm>> -> memref<1x126x80xi32, #tpu.memory_space<hbm>>
      %dma_start3A_125 = tpu.memref_squeeze %dma_start3A_124 : memref<1x126x80xi32, #tpu.memory_space<hbm>> -> memref<126x80xi32, #tpu.memory_space<hbm>>
      tpu.enqueue_dma source(%dma_start3A_125 : memref<126x80xi32, #tpu.memory_space<hbm>>) target(%arg6 : memref<126x80xi32, #tpu.memory_space<vmem>>) target_semaphore(%run_scoped3A : memref<!tpu.dma_semaphore, #tpu.memory_space<semaphore_mem>>)
      %dma_wait3A_126 = arith.constant 0 : i32
      %dma_wait3A_127 = arith.constant 0 : i32
      %dma_wait3A_128 = tpu.memref_slice %arg3[%add3A, %dma_wait3A_126, %dma_wait3A_127] : memref<32x126x80xi32, #tpu.memory_space<hbm>> -> memref<1x126x80xi32, #tpu.memory_space<hbm>>
      %dma_wait3A_129 = tpu.memref_squeeze %dma_wait3A_128 : memref<1x126x80xi32, #tpu.memory_space<hbm>> -> memref<126x80xi32, #tpu.memory_space<hbm>>
      %dma_wait3A_130 = arith.constant 0 : i32
      %dma_wait3A_131 = arith.constant 0 : i32
      %dma_wait3A_132 = tpu.memref_slice %arg3[%add3A, %dma_wait3A_130, %dma_wait3A_131] : memref<32x126x80xi32, #tpu.memory_space<hbm>> -> memref<1x126x80xi32, #tpu.memory_space<hbm>>
      %dma_wait3A_133 = tpu.memref_squeeze %dma_wait3A_132 : memref<1x126x80xi32, #tpu.memory_space<hbm>> -> memref<126x80xi32, #tpu.memory_space<hbm>>
      tpu.wait_dma2 semaphore(%run_scoped3A : memref<!tpu.dma_semaphore, #tpu.memory_space<semaphore_mem>>) src(%dma_wait3A_133 : memref<126x80xi32, #tpu.memory_space<hbm>>) dst(%arg6 : memref<126x80xi32, #tpu.memory_space<vmem>>)
      tpu.yield
    }) : () -> ()
    "tpu.region"() ({
      %run_scoped3A = tpu.sem_alloc : memref<!tpu.dma_semaphore, #tpu.memory_space<semaphore_mem>>
      tpu.enqueue_dma source(%arg2 : memref<80x128xf32, #tpu.memory_space<hbm>>) target(%arg9 : memref<80x128xf32, #tpu.memory_space<vmem>>) target_semaphore(%run_scoped3A : memref<!tpu.dma_semaphore, #tpu.memory_space<semaphore_mem>>)
      tpu.wait_dma2 semaphore(%run_scoped3A : memref<!tpu.dma_semaphore, #tpu.memory_space<semaphore_mem>>) src(%arg2 : memref<80x128xf32, #tpu.memory_space<hbm>>) dst(%arg9 : memref<80x128xf32, #tpu.memory_space<vmem>>)
      tpu.yield
    }) : () -> ()
    %barrier3A = arith.constant 0 : index
    tpu.barrier barrier_id(%barrier3A)
    %mul3A_7 = arith.constant 10000 : i32
    %mul3A_8 = arith.muli %add3A, %mul3A_7 : i32
    %get3A = arith.constant 0 : i32
    %get3A_9 = arith.index_cast %get3A : i32 to index
    %get3A_10 = arith.constant 0 : index
    %get3A_11 = tpu.vector_load %arg6[%get3A_9, %get3A_10] {strides = array<i32>} : memref<126x80xi32, #tpu.memory_space<vmem>>, vector<1x16xi32>,
    %get3A_12 = vector.shape_cast %get3A_11 : vector<1x16xi32> to vector<16xi32>
    %swap3A = arith.constant 0 : index
    %swap3A_13 = tpu.vector_load %arg7[%swap3A] {strides = array<i32>} : memref<80xi32, #tpu.memory_space<vmem>>, vector<16xi32>,
    %swap3A_14 = vector.shape_cast %swap3A_13 : vector<16xi32> to vector<16xi32>
    %swap3A_15 = vector.shape_cast %get3A_12 : vector<16xi32> to vector<16xi32>
    tpu.vector_store %arg7[%swap3A], %swap3A_15 {strides = array<i32>} : memref<80xi32, #tpu.memory_space<vmem>>, vector<16xi32>,
    %get3A_16 = arith.constant 0 : i32
    %get3A_17 = arith.index_cast %get3A_16 : i32 to index
    %get3A_18 = arith.constant 16 : index
    %get3A_19 = tpu.vector_load %arg6[%get3A_17, %get3A_18] {strides = array<i32>} : memref<126x80xi32, #tpu.memory_space<vmem>>, vector<1x16xi32>,
    %get3A_20 = vector.shape_cast %get3A_19 : vector<1x16xi32> to vector<16xi32>
    %swap3A_21 = arith.constant 16 : index
    %swap3A_22 = tpu.vector_load %arg7[%swap3A_21] {strides = array<i32>} : memref<80xi32, #tpu.memory_space<vmem>>, vector<16xi32>,
    %swap3A_23 = vector.shape_cast %swap3A_22 : vector<16xi32> to vector<16xi32>
    %swap3A_24 = vector.shape_cast %get3A_20 : vector<16xi32> to vector<16xi32>
    tpu.vector_store %arg7[%swap3A_21], %swap3A_24 {strides = array<i32>} : memref<80xi32, #tpu.memory_space<vmem>>, vector<16xi32>,
    %get3A_25 = arith.constant 0 : i32
    %get3A_26 = arith.index_cast %get3A_25 : i32 to index
    %get3A_27 = arith.constant 32 : index
    %get3A_28 = tpu.vector_load %arg6[%get3A_26, %get3A_27] {strides = array<i32>} : memref<126x80xi32, #tpu.memory_space<vmem>>, vector<1x16xi32>,
    %get3A_29 = vector.shape_cast %get3A_28 : vector<1x16xi32> to vector<16xi32>
    %swap3A_30 = arith.constant 32 : index
    %swap3A_31 = tpu.vector_load %arg7[%swap3A_30] {strides = array<i32>} : memref<80xi32, #tpu.memory_space<vmem>>, vector<16xi32>,
    %swap3A_32 = vector.shape_cast %swap3A_31 : vector<16xi32> to vector<16xi32>
    %swap3A_33 = vector.shape_cast %get3A_29 : vector<16xi32> to vector<16xi32>
    tpu.vector_store %arg7[%swap3A_30], %swap3A_33 {strides = array<i32>} : memref<80xi32, #tpu.memory_space<vmem>>, vector<16xi32>,
    %get3A_34 = arith.constant 0 : i32
    %get3A_35 = arith.index_cast %get3A_34 : i32 to index
    %get3A_36 = arith.constant 48 : index
    %get3A_37 = tpu.vector_load %arg6[%get3A_35, %get3A_36] {strides = array<i32>} : memref<126x80xi32, #tpu.memory_space<vmem>>, vector<1x16xi32>,
    %get3A_38 = vector.shape_cast %get3A_37 : vector<1x16xi32> to vector<16xi32>
    %swap3A_39 = arith.constant 48 : index
    %swap3A_40 = tpu.vector_load %arg7[%swap3A_39] {strides = array<i32>} : memref<80xi32, #tpu.memory_space<vmem>>, vector<16xi32>,
    %swap3A_41 = vector.shape_cast %swap3A_40 : vector<16xi32> to vector<16xi32>
    %swap3A_42 = vector.shape_cast %get3A_38 : vector<16xi32> to vector<16xi32>
    tpu.vector_store %arg7[%swap3A_39], %swap3A_42 {strides = array<i32>} : memref<80xi32, #tpu.memory_space<vmem>>, vector<16xi32>,
    %get3A_43 = arith.constant 0 : i32
    %get3A_44 = arith.index_cast %get3A_43 : i32 to index
    %get3A_45 = arith.constant 64 : index
    %get3A_46 = tpu.vector_load %arg6[%get3A_44, %get3A_45] {strides = array<i32>} : memref<126x80xi32, #tpu.memory_space<vmem>>, vector<1x16xi32>,
    %get3A_47 = vector.shape_cast %get3A_46 : vector<1x16xi32> to vector<16xi32>
    %swap3A_48 = arith.constant 64 : index
    %swap3A_49 = tpu.vector_load %arg7[%swap3A_48] {strides = array<i32>} : memref<80xi32, #tpu.memory_space<vmem>>, vector<16xi32>,
    %swap3A_50 = vector.shape_cast %swap3A_49 : vector<16xi32> to vector<16xi32>
    %swap3A_51 = vector.shape_cast %get3A_47 : vector<16xi32> to vector<16xi32>
    tpu.vector_store %arg7[%swap3A_48], %swap3A_51 {strides = array<i32>} : memref<80xi32, #tpu.memory_space<vmem>>, vector<16xi32>,
    %dma_start3A = arith.constant 0 : i32
    %dma_start3A_52 = arith.constant 0 : i32
    %dma_start3A_53 = tpu.memref_slice %arg10[%dma_start3A, %dma_start3A_52] : memref<10240x128xf32, #tpu.memory_space<vmem_shared>> -> memref<10240x128xf32, #tpu.memory_space<vmem_shared>>
    tpu.enqueue_indirect_dma source(%arg9 : memref<80x128xf32, #tpu.memory_space<vmem>>) target(%dma_start3A_53 : memref<10240x128xf32, #tpu.memory_space<vmem_shared>>) offsets(%arg7 : memref<80xi32, #tpu.memory_space<vmem>>) semaphore(%arg11 : memref<!tpu.dma_semaphore, #tpu.memory_space<semaphore_mem>>) {add = true}
    %get3A_54 = arith.constant 1 : i32
    %get3A_55 = arith.index_cast %get3A_54 : i32 to index
    %get3A_56 = arith.constant 0 : index
    %get3A_57 = tpu.vector_load %arg6[%get3A_55, %get3A_56] {strides = array<i32>} : memref<126x80xi32, #tpu.memory_space<vmem>>, vector<1x16xi32>,
    %get3A_58 = vector.shape_cast %get3A_57 : vector<1x16xi32> to vector<16xi32>
    %swap3A_59 = arith.constant 0 : index
    %swap3A_60 = tpu.vector_load %arg8[%swap3A_59] {strides = array<i32>} : memref<80xi32, #tpu.memory_space<vmem>>, vector<16xi32>,
    %swap3A_61 = vector.shape_cast %swap3A_60 : vector<16xi32> to vector<16xi32>
    %swap3A_62 = vector.shape_cast %get3A_58 : vector<16xi32> to vector<16xi32>
    tpu.vector_store %arg8[%swap3A_59], %swap3A_62 {strides = array<i32>} : memref<80xi32, #tpu.memory_space<vmem>>, vector<16xi32>,
    %get3A_63 = arith.constant 1 : i32
    %get3A_64 = arith.index_cast %get3A_63 : i32 to index
    %get3A_65 = arith.constant 16 : index
    %get3A_66 = tpu.vector_load %arg6[%get3A_64, %get3A_65] {strides = array<i32>} : memref<126x80xi32, #tpu.memory_space<vmem>>, vector<1x16xi32>,
    %get3A_67 = vector.shape_cast %get3A_66 : vector<1x16xi32> to vector<16xi32>
    %swap3A_68 = arith.constant 16 : index
    %swap3A_69 = tpu.vector_load %arg8[%swap3A_68] {strides = array<i32>} : memref<80xi32, #tpu.memory_space<vmem>>, vector<16xi32>,
    %swap3A_70 = vector.shape_cast %swap3A_69 : vector<16xi32> to vector<16xi32>
    %swap3A_71 = vector.shape_cast %get3A_67 : vector<16xi32> to vector<16xi32>
    tpu.vector_store %arg8[%swap3A_68], %swap3A_71 {strides = array<i32>} : memref<80xi32, #tpu.memory_space<vmem>>, vector<16xi32>,
    %get3A_72 = arith.constant 1 : i32
    %get3A_73 = arith.index_cast %get3A_72 : i32 to index
    %get3A_74 = arith.constant 32 : index
    %get3A_75 = tpu.vector_load %arg6[%get3A_73, %get3A_74] {strides = array<i32>} : memref<126x80xi32, #tpu.memory_space<vmem>>, vector<1x16xi32>,
    %get3A_76 = vector.shape_cast %get3A_75 : vector<1x16xi32> to vector<16xi32>
    %swap3A_77 = arith.constant 32 : index
    %swap3A_78 = tpu.vector_load %arg8[%swap3A_77] {strides = array<i32>} : memref<80xi32, #tpu.memory_space<vmem>>, vector<16xi32>,
    %swap3A_79 = vector.shape_cast %swap3A_78 : vector<16xi32> to vector<16xi32>
    %swap3A_80 = vector.shape_cast %get3A_76 : vector<16xi32> to vector<16xi32>
    tpu.vector_store %arg8[%swap3A_77], %swap3A_80 {strides = array<i32>} : memref<80xi32, #tpu.memory_space<vmem>>, vector<16xi32>,
    %get3A_81 = arith.constant 1 : i32
    %get3A_82 = arith.index_cast %get3A_81 : i32 to index
    %get3A_83 = arith.constant 48 : index
    %get3A_84 = tpu.vector_load %arg6[%get3A_82, %get3A_83] {strides = array<i32>} : memref<126x80xi32, #tpu.memory_space<vmem>>, vector<1x16xi32>,
    %get3A_85 = vector.shape_cast %get3A_84 : vector<1x16xi32> to vector<16xi32>
    %swap3A_86 = arith.constant 48 : index
    %swap3A_87 = tpu.vector_load %arg8[%swap3A_86] {strides = array<i32>} : memref<80xi32, #tpu.memory_space<vmem>>, vector<16xi32>,
    %swap3A_88 = vector.shape_cast %swap3A_87 : vector<16xi32> to vector<16xi32>
    %swap3A_89 = vector.shape_cast %get3A_85 : vector<16xi32> to vector<16xi32>
    tpu.vector_store %arg8[%swap3A_86], %swap3A_89 {strides = array<i32>} : memref<80xi32, #tpu.memory_space<vmem>>, vector<16xi32>,
    %get3A_90 = arith.constant 1 : i32
    %get3A_91 = arith.index_cast %get3A_90 : i32 to index
    %get3A_92 = arith.constant 64 : index
    %get3A_93 = tpu.vector_load %arg6[%get3A_91, %get3A_92] {strides = array<i32>} : memref<126x80xi32, #tpu.memory_space<vmem>>, vector<1x16xi32>,
    %get3A_94 = vector.shape_cast %get3A_93 : vector<1x16xi32> to vector<16xi32>
    %swap3A_95 = arith.constant 64 : index
    %swap3A_96 = tpu.vector_load %arg8[%swap3A_95] {strides = array<i32>} : memref<80xi32, #tpu.memory_space<vmem>>, vector<16xi32>,
    %swap3A_97 = vector.shape_cast %swap3A_96 : vector<16xi32> to vector<16xi32>
    %swap3A_98 = vector.shape_cast %get3A_94 : vector<16xi32> to vector<16xi32>
    tpu.vector_store %arg8[%swap3A_95], %swap3A_98 {strides = array<i32>} : memref<80xi32, #tpu.memory_space<vmem>>, vector<16xi32>,
    %dma_start3A_99 = arith.constant 0 : i32
    %dma_start3A_100 = arith.constant 0 : i32
    %dma_start3A_101 = tpu.memref_slice %arg10[%dma_start3A_99, %dma_start3A_100] : memref<10240x128xf32, #tpu.memory_space<vmem_shared>> -> memref<10240x128xf32, #tpu.memory_space<vmem_shared>>
    tpu.enqueue_indirect_dma source(%arg9 : memref<80x128xf32, #tpu.memory_space<vmem>>) target(%dma_start3A_101 : memref<10240x128xf32, #tpu.memory_space<vmem_shared>>) offsets(%arg8 : memref<80xi32, #tpu.memory_space<vmem>>) semaphore(%arg11 : memref<!tpu.dma_semaphore, #tpu.memory_space<semaphore_mem>>) {add = true}
    %scan3A_102 = arith.constant 0 : i32
    %scan3A_103 = arith.constant 62 : i32
    %scan3A_104 = arith.addi %scan3A_102, %scan3A_103 : i32
    %scan3A_105 = arith.constant 1 : i32
    scf.for %scan3A_118 = %scan3A_102 to %scan3A_104 step %scan3A_105  : i32 {
      %mul3A_119 = arith.constant 1 : i32
      %mul3A_120 = arith.muli %scan3A_118, %mul3A_119 : i32
      %add3A_121 = arith.constant 0 : i32
      %add3A_122 = arith.addi %add3A_121, %mul3A_120 : i32
      %mul3A_123 = arith.constant 2 : i32
      %mul3A_124 = arith.muli %mul3A_123, %add3A_122 : i32
      %add3A_125 = arith.constant 2 : i32
      %add3A_126 = arith.addi %add3A_125, %mul3A_124 : i32
      %dma_wait3A_127 = arith.constant 0 : i32
      %dma_wait3A_128 = arith.constant 0 : i32
      %dma_wait3A_129 = tpu.memref_slice %arg10[%dma_wait3A_127, %dma_wait3A_128] : memref<10240x128xf32, #tpu.memory_space<vmem_shared>> -> memref<10240x128xf32, #tpu.memory_space<vmem_shared>>
      tpu.wait_indirect_dma semaphore(%arg11 : memref<!tpu.dma_semaphore, #tpu.memory_space<semaphore_mem>>) src(%arg9 : memref<80x128xf32, #tpu.memory_space<vmem>>) dst(%dma_wait3A_129 : memref<10240x128xf32, #tpu.memory_space<vmem_shared>>)
      %get3A_130 = arith.index_cast %add3A_126 : i32 to index
      %get3A_131 = arith.constant 0 : index
      %get3A_132 = tpu.vector_load %arg6[%get3A_130, %get3A_131] {strides = array<i32>} : memref<126x80xi32, #tpu.memory_space<vmem>>, vector<1x16xi32>,
      %get3A_133 = vector.shape_cast %get3A_132 : vector<1x16xi32> to vector<16xi32>
      %swap3A_134 = arith.constant 0 : index
      %swap3A_135 = tpu.vector_load %arg7[%swap3A_134] {strides = array<i32>} : memref<80xi32, #tpu.memory_space<vmem>>, vector<16xi32>,
      %swap3A_136 = vector.shape_cast %swap3A_135 : vector<16xi32> to vector<16xi32>
      %swap3A_137 = vector.shape_cast %get3A_133 : vector<16xi32> to vector<16xi32>
      tpu.vector_store %arg7[%swap3A_134], %swap3A_137 {strides = array<i32>} : memref<80xi32, #tpu.memory_space<vmem>>, vector<16xi32>,
      %get3A_138 = arith.index_cast %add3A_126 : i32 to index
      %get3A_139 = arith.constant 16 : index
      %get3A_140 = tpu.vector_load %arg6[%get3A_138, %get3A_139] {strides = array<i32>} : memref<126x80xi32, #tpu.memory_space<vmem>>, vector<1x16xi32>,
      %get3A_141 = vector.shape_cast %get3A_140 : vector<1x16xi32> to vector<16xi32>
      %swap3A_142 = arith.constant 16 : index
      %swap3A_143 = tpu.vector_load %arg7[%swap3A_142] {strides = array<i32>} : memref<80xi32, #tpu.memory_space<vmem>>, vector<16xi32>,
      %swap3A_144 = vector.shape_cast %swap3A_143 : vector<16xi32> to vector<16xi32>
      %swap3A_145 = vector.shape_cast %get3A_141 : vector<16xi32> to vector<16xi32>
      tpu.vector_store %arg7[%swap3A_142], %swap3A_145 {strides = array<i32>} : memref<80xi32, #tpu.memory_space<vmem>>, vector<16xi32>,
      %get3A_146 = arith.index_cast %add3A_126 : i32 to index
      %get3A_147 = arith.constant 32 : index
      %get3A_148 = tpu.vector_load %arg6[%get3A_146, %get3A_147] {strides = array<i32>} : memref<126x80xi32, #tpu.memory_space<vmem>>, vector<1x16xi32>,
      %get3A_149 = vector.shape_cast %get3A_148 : vector<1x16xi32> to vector<16xi32>
      %swap3A_150 = arith.constant 32 : index
      %swap3A_151 = tpu.vector_load %arg7[%swap3A_150] {strides = array<i32>} : memref<80xi32, #tpu.memory_space<vmem>>, vector<16xi32>,
      %swap3A_152 = vector.shape_cast %swap3A_151 : vector<16xi32> to vector<16xi32>
      %swap3A_153 = vector.shape_cast %get3A_149 : vector<16xi32> to vector<16xi32>
      tpu.vector_store %arg7[%swap3A_150], %swap3A_153 {strides = array<i32>} : memref<80xi32, #tpu.memory_space<vmem>>, vector<16xi32>,
      %get3A_154 = arith.index_cast %add3A_126 : i32 to index
      %get3A_155 = arith.constant 48 : index
      %get3A_156 = tpu.vector_load %arg6[%get3A_154, %get3A_155] {strides = array<i32>} : memref<126x80xi32, #tpu.memory_space<vmem>>, vector<1x16xi32>,
      %get3A_157 = vector.shape_cast %get3A_156 : vector<1x16xi32> to vector<16xi32>
      %swap3A_158 = arith.constant 48 : index
      %swap3A_159 = tpu.vector_load %arg7[%swap3A_158] {strides = array<i32>} : memref<80xi32, #tpu.memory_space<vmem>>, vector<16xi32>,
      %swap3A_160 = vector.shape_cast %swap3A_159 : vector<16xi32> to vector<16xi32>
      %swap3A_161 = vector.shape_cast %get3A_157 : vector<16xi32> to vector<16xi32>
      tpu.vector_store %arg7[%swap3A_158], %swap3A_161 {strides = array<i32>} : memref<80xi32, #tpu.memory_space<vmem>>, vector<16xi32>,
      %get3A_162 = arith.index_cast %add3A_126 : i32 to index
      %get3A_163 = arith.constant 64 : index
      %get3A_164 = tpu.vector_load %arg6[%get3A_162, %get3A_163] {strides = array<i32>} : memref<126x80xi32, #tpu.memory_space<vmem>>, vector<1x16xi32>,
      %get3A_165 = vector.shape_cast %get3A_164 : vector<1x16xi32> to vector<16xi32>
      %swap3A_166 = arith.constant 64 : index
      %swap3A_167 = tpu.vector_load %arg7[%swap3A_166] {strides = array<i32>} : memref<80xi32, #tpu.memory_space<vmem>>, vector<16xi32>,
      %swap3A_168 = vector.shape_cast %swap3A_167 : vector<16xi32> to vector<16xi32>
      %swap3A_169 = vector.shape_cast %get3A_165 : vector<16xi32> to vector<16xi32>
      tpu.vector_store %arg7[%swap3A_166], %swap3A_169 {strides = array<i32>} : memref<80xi32, #tpu.memory_space<vmem>>, vector<16xi32>,
      %dma_start3A_170 = arith.constant 0 : i32
      %dma_start3A_171 = arith.constant 0 : i32
      %dma_start3A_172 = tpu.memref_slice %arg10[%dma_start3A_170, %dma_start3A_171] : memref<10240x128xf32, #tpu.memory_space<vmem_shared>> -> memref<10240x128xf32, #tpu.memory_space<vmem_shared>>
      tpu.enqueue_indirect_dma source(%arg9 : memref<80x128xf32, #tpu.memory_space<vmem>>) target(%dma_start3A_172 : memref<10240x128xf32, #tpu.memory_space<vmem_shared>>) offsets(%arg7 : memref<80xi32, #tpu.memory_space<vmem>>) semaphore(%arg11 : memref<!tpu.dma_semaphore, #tpu.memory_space<semaphore_mem>>) {add = true}
      %add3A_173 = arith.constant 1 : i32
      %add3A_174 = arith.addi %add3A_126, %add3A_173 : i32
      %dma_wait3A_175 = arith.constant 0 : i32
      %dma_wait3A_176 = arith.constant 0 : i32
      %dma_wait3A_177 = tpu.memref_slice %arg10[%dma_wait3A_175, %dma_wait3A_176] : memref<10240x128xf32, #tpu.memory_space<vmem_shared>> -> memref<10240x128xf32, #tpu.memory_space<vmem_shared>>
      tpu.wait_indirect_dma semaphore(%arg11 : memref<!tpu.dma_semaphore, #tpu.memory_space<semaphore_mem>>) src(%arg9 : memref<80x128xf32, #tpu.memory_space<vmem>>) dst(%dma_wait3A_177 : memref<10240x128xf32, #tpu.memory_space<vmem_shared>>)
      %get3A_178 = arith.index_cast %add3A_174 : i32 to index
      %get3A_179 = arith.constant 0 : index
      %get3A_180 = tpu.vector_load %arg6[%get3A_178, %get3A_179] {strides = array<i32>} : memref<126x80xi32, #tpu.memory_space<vmem>>, vector<1x16xi32>,
      %get3A_181 = vector.shape_cast %get3A_180 : vector<1x16xi32> to vector<16xi32>
      %swap3A_182 = arith.constant 0 : index
      %swap3A_183 = tpu.vector_load %arg8[%swap3A_182] {strides = array<i32>} : memref<80xi32, #tpu.memory_space<vmem>>, vector<16xi32>,
      %swap3A_184 = vector.shape_cast %swap3A_183 : vector<16xi32> to vector<16xi32>
      %swap3A_185 = vector.shape_cast %get3A_181 : vector<16xi32> to vector<16xi32>
      tpu.vector_store %arg8[%swap3A_182], %swap3A_185 {strides = array<i32>} : memref<80xi32, #tpu.memory_space<vmem>>, vector<16xi32>,
      %get3A_186 = arith.index_cast %add3A_174 : i32 to index
      %get3A_187 = arith.constant 16 : index
      %get3A_188 = tpu.vector_load %arg6[%get3A_186, %get3A_187] {strides = array<i32>} : memref<126x80xi32, #tpu.memory_space<vmem>>, vector<1x16xi32>,
      %get3A_189 = vector.shape_cast %get3A_188 : vector<1x16xi32> to vector<16xi32>
      %swap3A_190 = arith.constant 16 : index
      %swap3A_191 = tpu.vector_load %arg8[%swap3A_190] {strides = array<i32>} : memref<80xi32, #tpu.memory_space<vmem>>, vector<16xi32>,
      %swap3A_192 = vector.shape_cast %swap3A_191 : vector<16xi32> to vector<16xi32>
      %swap3A_193 = vector.shape_cast %get3A_189 : vector<16xi32> to vector<16xi32>
      tpu.vector_store %arg8[%swap3A_190], %swap3A_193 {strides = array<i32>} : memref<80xi32, #tpu.memory_space<vmem>>, vector<16xi32>,
      %get3A_194 = arith.index_cast %add3A_174 : i32 to index
      %get3A_195 = arith.constant 32 : index
      %get3A_196 = tpu.vector_load %arg6[%get3A_194, %get3A_195] {strides = array<i32>} : memref<126x80xi32, #tpu.memory_space<vmem>>, vector<1x16xi32>,
      %get3A_197 = vector.shape_cast %get3A_196 : vector<1x16xi32> to vector<16xi32>
      %swap3A_198 = arith.constant 32 : index
      %swap3A_199 = tpu.vector_load %arg8[%swap3A_198] {strides = array<i32>} : memref<80xi32, #tpu.memory_space<vmem>>, vector<16xi32>,
      %swap3A_200 = vector.shape_cast %swap3A_199 : vector<16xi32> to vector<16xi32>
      %swap3A_201 = vector.shape_cast %get3A_197 : vector<16xi32> to vector<16xi32>
      tpu.vector_store %arg8[%swap3A_198], %swap3A_201 {strides = array<i32>} : memref<80xi32, #tpu.memory_space<vmem>>, vector<16xi32>,
      %get3A_202 = arith.index_cast %add3A_174 : i32 to index
      %get3A_203 = arith.constant 48 : index
      %get3A_204 = tpu.vector_load %arg6[%get3A_202, %get3A_203] {strides = array<i32>} : memref<126x80xi32, #tpu.memory_space<vmem>>, vector<1x16xi32>,
      %get3A_205 = vector.shape_cast %get3A_204 : vector<1x16xi32> to vector<16xi32>
      %swap3A_206 = arith.constant 48 : index
      %swap3A_207 = tpu.vector_load %arg8[%swap3A_206] {strides = array<i32>} : memref<80xi32, #tpu.memory_space<vmem>>, vector<16xi32>,
      %swap3A_208 = vector.shape_cast %swap3A_207 : vector<16xi32> to vector<16xi32>
      %swap3A_209 = vector.shape_cast %get3A_205 : vector<16xi32> to vector<16xi32>
      tpu.vector_store %arg8[%swap3A_206], %swap3A_209 {strides = array<i32>} : memref<80xi32, #tpu.memory_space<vmem>>, vector<16xi32>,
      %get3A_210 = arith.index_cast %add3A_174 : i32 to index
      %get3A_211 = arith.constant 64 : index
      %get3A_212 = tpu.vector_load %arg6[%get3A_210, %get3A_211] {strides = array<i32>} : memref<126x80xi32, #tpu.memory_space<vmem>>, vector<1x16xi32>,
      %get3A_213 = vector.shape_cast %get3A_212 : vector<1x16xi32> to vector<16xi32>
      %swap3A_214 = arith.constant 64 : index
      %swap3A_215 = tpu.vector_load %arg8[%swap3A_214] {strides = array<i32>} : memref<80xi32, #tpu.memory_space<vmem>>, vector<16xi32>,
      %swap3A_216 = vector.shape_cast %swap3A_215 : vector<16xi32> to vector<16xi32>
      %swap3A_217 = vector.shape_cast %get3A_213 : vector<16xi32> to vector<16xi32>
      tpu.vector_store %arg8[%swap3A_214], %swap3A_217 {strides = array<i32>} : memref<80xi32, #tpu.memory_space<vmem>>, vector<16xi32>,
      %dma_start3A_218 = arith.constant 0 : i32
      %dma_start3A_219 = arith.constant 0 : i32
      %dma_start3A_220 = tpu.memref_slice %arg10[%dma_start3A_218, %dma_start3A_219] : memref<10240x128xf32, #tpu.memory_space<vmem_shared>> -> memref<10240x128xf32, #tpu.memory_space<vmem_shared>>
      tpu.enqueue_indirect_dma source(%arg9 : memref<80x128xf32, #tpu.memory_space<vmem>>) target(%dma_start3A_220 : memref<10240x128xf32, #tpu.memory_space<vmem_shared>>) offsets(%arg8 : memref<80xi32, #tpu.memory_space<vmem>>) semaphore(%arg11 : memref<!tpu.dma_semaphore, #tpu.memory_space<semaphore_mem>>) {add = true}
    }
    %scan3A_106 = arith.constant 62 : i32
    %dma_wait3A = arith.constant 0 : i32
    %dma_wait3A_107 = arith.constant 0 : i32
    %dma_wait3A_108 = tpu.memref_slice %arg10[%dma_wait3A, %dma_wait3A_107] : memref<10240x128xf32, #tpu.memory_space<vmem_shared>> -> memref<10240x128xf32, #tpu.memory_space<vmem_shared>>
    tpu.wait_indirect_dma semaphore(%arg11 : memref<!tpu.dma_semaphore, #tpu.memory_space<semaphore_mem>>) src(%arg9 : memref<80x128xf32, #tpu.memory_space<vmem>>) dst(%dma_wait3A_108 : memref<10240x128xf32, #tpu.memory_space<vmem_shared>>)
    %dma_wait3A_109 = arith.constant 0 : i32
    %dma_wait3A_110 = arith.constant 0 : i32
    %dma_wait3A_111 = tpu.memref_slice %arg10[%dma_wait3A_109, %dma_wait3A_110] : memref<10240x128xf32, #tpu.memory_space<vmem_shared>> -> memref<10240x128xf32, #tpu.memory_space<vmem_shared>>
    tpu.wait_indirect_dma semaphore(%arg11 : memref<!tpu.dma_semaphore, #tpu.memory_space<semaphore_mem>>) src(%arg9 : memref<80x128xf32, #tpu.memory_space<vmem>>) dst(%dma_wait3A_111 : memref<10240x128xf32, #tpu.memory_space<vmem_shared>>)
    %barrier3A_112 = arith.constant 0 : index
    tpu.barrier barrier_id(%barrier3A_112)
    %scan3A_113 = arith.constant 0 : i32
    %scan3A_114 = arith.constant 8 : i32
    %scan3A_115 = arith.addi %scan3A_113, %scan3A_114 : i32
    %scan3A_116 = arith.constant 1 : i32
    scf.for %scan3A_118 = %scan3A_113 to %scan3A_115 step %scan3A_116  : i32 {
      %mul3A_119 = arith.constant 1 : i32
      %mul3A_120 = arith.muli %scan3A_118, %mul3A_119 : i32
      %add3A_121 = arith.constant 0 : i32
      %add3A_122 = arith.addi %add3A_121, %mul3A_120 : i32
      %mul3A_123 = arith.constant 80 : i32
      %mul3A_124 = arith.muli %add3A_122, %mul3A_123 : i32
      %add3A_125 = arith.addi %mul3A_2, %mul3A_124 : i32
      "tpu.region"() ({
        %run_scoped3A = tpu.sem_alloc : memref<!tpu.dma_semaphore, #tpu.memory_space<semaphore_mem>>
        %dma_start3A_126 = arith.constant 0 : i32
        %dma_start3A_127 = tpu.memref_slice %arg10[%add3A_125, %dma_start3A_126] : memref<10240x128xf32, #tpu.memory_space<vmem_shared>> -> memref<80x128xf32, #tpu.memory_space<vmem_shared>>
        %dma_start3A_128 = arith.constant 0 : i32
        %dma_start3A_129 = tpu.memref_slice %arg10[%add3A_125, %dma_start3A_128] : memref<10240x128xf32, #tpu.memory_space<vmem_shared>> -> memref<80x128xf32, #tpu.memory_space<vmem_shared>>
        tpu.enqueue_dma source(%dma_start3A_129 : memref<80x128xf32, #tpu.memory_space<vmem_shared>>) target(%arg9 : memref<80x128xf32, #tpu.memory_space<vmem>>) target_semaphore(%run_scoped3A : memref<!tpu.dma_semaphore, #tpu.memory_space<semaphore_mem>>)
        %dma_wait3A_130 = arith.constant 0 : i32
        %dma_wait3A_131 = tpu.memref_slice %arg10[%add3A_125, %dma_wait3A_130] : memref<10240x128xf32, #tpu.memory_space<vmem_shared>> -> memref<80x128xf32, #tpu.memory_space<vmem_shared>>
        %dma_wait3A_132 = arith.constant 0 : i32
        %dma_wait3A_133 = tpu.memref_slice %arg10[%add3A_125, %dma_wait3A_132] : memref<10240x128xf32, #tpu.memory_space<vmem_shared>> -> memref<80x128xf32, #tpu.memory_space<vmem_shared>>
        tpu.wait_dma2 semaphore(%run_scoped3A : memref<!tpu.dma_semaphore, #tpu.memory_space<semaphore_mem>>) src(%dma_wait3A_133 : memref<80x128xf32, #tpu.memory_space<vmem_shared>>) dst(%arg9 : memref<80x128xf32, #tpu.memory_space<vmem>>)
        tpu.yield
      }) : () -> ()
      "tpu.region"() ({
        %run_scoped3A = tpu.sem_alloc : memref<!tpu.dma_semaphore, #tpu.memory_space<semaphore_mem>>
        %dma_start3A_126 = arith.constant 0 : i32
        %dma_start3A_127 = tpu.memref_slice %arg5[%arg0, %add3A_125, %dma_start3A_126] : memref<2x10240x128xf32, #tpu.memory_space<hbm>> -> memref<1x80x128xf32, #tpu.memory_space<hbm>>
        %dma_start3A_128 = tpu.memref_squeeze %dma_start3A_127 : memref<1x80x128xf32, #tpu.memory_space<hbm>> -> memref<80x128xf32, #tpu.memory_space<hbm>>
        %dma_start3A_129 = arith.constant 0 : i32
        %dma_start3A_130 = tpu.memref_slice %arg5[%arg0, %add3A_125, %dma_start3A_129] : memref<2x10240x128xf32, #tpu.memory_space<hbm>> -> memref<1x80x128xf32, #tpu.memory_space<hbm>>
        %dma_start3A_131 = tpu.memref_squeeze %dma_start3A_130 : memref<1x80x128xf32, #tpu.memory_space<hbm>> -> memref<80x128xf32, #tpu.memory_space<hbm>>
        tpu.enqueue_dma source(%arg9 : memref<80x128xf32, #tpu.memory_space<vmem>>) target(%dma_start3A_131 : memref<80x128xf32, #tpu.memory_space<hbm>>) target_semaphore(%run_scoped3A : memref<!tpu.dma_semaphore, #tpu.memory_space<semaphore_mem>>)
        %dma_wait3A_132 = arith.constant 0 : i32
        %dma_wait3A_133 = tpu.memref_slice %arg5[%arg0, %add3A_125, %dma_wait3A_132] : memref<2x10240x128xf32, #tpu.memory_space<hbm>> -> memref<1x80x128xf32, #tpu.memory_space<hbm>>
        %dma_wait3A_134 = tpu.memref_squeeze %dma_wait3A_133 : memref<1x80x128xf32, #tpu.memory_space<hbm>> -> memref<80x128xf32, #tpu.memory_space<hbm>>
        %dma_wait3A_135 = arith.constant 0 : i32
        %dma_wait3A_136 = tpu.memref_slice %arg5[%arg0, %add3A_125, %dma_wait3A_135] : memref<2x10240x128xf32, #tpu.memory_space<hbm>> -> memref<1x80x128xf32, #tpu.memory_space<hbm>>
        %dma_wait3A_137 = tpu.memref_squeeze %dma_wait3A_136 : memref<1x80x128xf32, #tpu.memory_space<hbm>> -> memref<80x128xf32, #tpu.memory_space<hbm>>
        tpu.wait_dma2 semaphore(%run_scoped3A : memref<!tpu.dma_semaphore, #tpu.memory_space<semaphore_mem>>) src(%arg9 : memref<80x128xf32, #tpu.memory_space<vmem>>) dst(%dma_wait3A_137 : memref<80x128xf32, #tpu.memory_space<hbm>>)
        tpu.yield
      }) : () -> ()
    }
    %scan3A_117 = arith.constant 8 : i32
    return
  }
}

#map = affine_map<(d0, d1) -> (0, 0)>
#map1 = affine_map<(d0, d1) -> (0)>
#map2 = affine_map<(d0, d1) -> (0, 0, 0)>
module attributes {stable_mosaic.version = 14 : i64} {
  func.func @body(%arg0: i32, %arg1: i32, %arg2: memref<10000x128xf32, #tpu.memory_space<hbm>>, %arg3: memref<320000xi32, #tpu.memory_space<hbm>>, %arg4: memref<320000xi32, #tpu.memory_space<hbm>>, %arg5: memref<10240x128xf32, #tpu.memory_space<hbm>>, %arg6: memref<2x10240x128xf32, #tpu.memory_space<hbm>>, %arg7: memref<80xi32, #tpu.memory_space<vmem>>, %arg8: memref<80xi32, #tpu.memory_space<vmem>>, %arg9: memref<80xi32, #tpu.memory_space<vmem>>, %arg10: memref<80xi32, #tpu.memory_space<vmem>>, %arg11: memref<80x128xf32, #tpu.memory_space<vmem>>, %arg12: memref<80x128xf32, #tpu.memory_space<vmem>>, %arg13: memref<10240x128xf32, #tpu.memory_space<vmem_shared>>, %arg14: memref<!tpu.dma_semaphore, #tpu.memory_space<semaphore_mem>>, %arg15: memref<!tpu.dma_semaphore, #tpu.memory_space<semaphore_mem>>) attributes {dimension_semantics = [#tpu.dimension_semantics<core_parallel>, #tpu.dimension_semantics<subcore_parallel>], iteration_bounds = array<i64: 2, 16>, scalar_prefetch = 0 : i64, scratch_operands = 9 : i64, tpu.core_type = #tpu.core_type<sc_vector_subcore>, window_params = [{transform_indices = #map}, {transform_indices = #map1}, {transform_indices = #map1}, {transform_indices = #map}, {transform_indices = #map2}]} {
    %mul3A = arith.constant 16 : i32
    %mul3A_0 = arith.muli %arg0, %mul3A : i32
    %add3A = arith.addi %mul3A_0, %arg1 : i32
    %mul3A_1 = arith.constant 640 : i32
    %mul3A_2 = arith.muli %arg1, %mul3A_1 : i32
    %scan3A = arith.constant 0 : i32
    %scan3A_3 = arith.constant 8 : i32
    %scan3A_4 = arith.addi %scan3A, %scan3A_3 : i32
    %scan3A_5 = arith.constant 1 : i32
    scf.for %scan3A_60 = %scan3A to %scan3A_4 step %scan3A_5  : i32 {
      %mul3A_61 = arith.constant 1 : i32
      %mul3A_62 = arith.muli %scan3A_60, %mul3A_61 : i32
      %add3A_63 = arith.constant 0 : i32
      %add3A_64 = arith.addi %add3A_63, %mul3A_62 : i32
      %mul3A_65 = arith.constant 80 : i32
      %mul3A_66 = arith.muli %add3A_64, %mul3A_65 : i32
      %add3A_67 = arith.addi %mul3A_2, %mul3A_66 : i32
      "tpu.region"() ({
        %run_scoped3A = tpu.sem_alloc : memref<!tpu.dma_semaphore, #tpu.memory_space<semaphore_mem>>
        %dma_start3A_68 = arith.constant 0 : i32
        %dma_start3A_69 = tpu.memref_slice %arg5[%add3A_67, %dma_start3A_68] : memref<10240x128xf32, #tpu.memory_space<hbm>> -> memref<80x128xf32, #tpu.memory_space<hbm>>
        %dma_start3A_70 = arith.constant 0 : i32
        %dma_start3A_71 = tpu.memref_slice %arg5[%add3A_67, %dma_start3A_70] : memref<10240x128xf32, #tpu.memory_space<hbm>> -> memref<80x128xf32, #tpu.memory_space<hbm>>
        tpu.enqueue_dma source(%dma_start3A_71 : memref<80x128xf32, #tpu.memory_space<hbm>>) target(%arg11 : memref<80x128xf32, #tpu.memory_space<vmem>>) target_semaphore(%run_scoped3A : memref<!tpu.dma_semaphore, #tpu.memory_space<semaphore_mem>>)
        %dma_wait3A_72 = arith.constant 0 : i32
        %dma_wait3A_73 = tpu.memref_slice %arg5[%add3A_67, %dma_wait3A_72] : memref<10240x128xf32, #tpu.memory_space<hbm>> -> memref<80x128xf32, #tpu.memory_space<hbm>>
        %dma_wait3A_74 = arith.constant 0 : i32
        %dma_wait3A_75 = tpu.memref_slice %arg5[%add3A_67, %dma_wait3A_74] : memref<10240x128xf32, #tpu.memory_space<hbm>> -> memref<80x128xf32, #tpu.memory_space<hbm>>
        tpu.wait_dma2 semaphore(%run_scoped3A : memref<!tpu.dma_semaphore, #tpu.memory_space<semaphore_mem>>) src(%dma_wait3A_75 : memref<80x128xf32, #tpu.memory_space<hbm>>) dst(%arg11 : memref<80x128xf32, #tpu.memory_space<vmem>>)
        tpu.yield
      }) : () -> ()
      "tpu.region"() ({
        %run_scoped3A = tpu.sem_alloc : memref<!tpu.dma_semaphore, #tpu.memory_space<semaphore_mem>>
        %dma_start3A_68 = arith.constant 0 : i32
        %dma_start3A_69 = tpu.memref_slice %arg13[%add3A_67, %dma_start3A_68] : memref<10240x128xf32, #tpu.memory_space<vmem_shared>> -> memref<80x128xf32, #tpu.memory_space<vmem_shared>>
        %dma_start3A_70 = arith.constant 0 : i32
        %dma_start3A_71 = tpu.memref_slice %arg13[%add3A_67, %dma_start3A_70] : memref<10240x128xf32, #tpu.memory_space<vmem_shared>> -> memref<80x128xf32, #tpu.memory_space<vmem_shared>>
        tpu.enqueue_dma source(%arg11 : memref<80x128xf32, #tpu.memory_space<vmem>>) target(%dma_start3A_71 : memref<80x128xf32, #tpu.memory_space<vmem_shared>>) target_semaphore(%run_scoped3A : memref<!tpu.dma_semaphore, #tpu.memory_space<semaphore_mem>>)
        %dma_wait3A_72 = arith.constant 0 : i32
        %dma_wait3A_73 = tpu.memref_slice %arg13[%add3A_67, %dma_wait3A_72] : memref<10240x128xf32, #tpu.memory_space<vmem_shared>> -> memref<80x128xf32, #tpu.memory_space<vmem_shared>>
        %dma_wait3A_74 = arith.constant 0 : i32
        %dma_wait3A_75 = tpu.memref_slice %arg13[%add3A_67, %dma_wait3A_74] : memref<10240x128xf32, #tpu.memory_space<vmem_shared>> -> memref<80x128xf32, #tpu.memory_space<vmem_shared>>
        tpu.wait_dma2 semaphore(%run_scoped3A : memref<!tpu.dma_semaphore, #tpu.memory_space<semaphore_mem>>) src(%arg11 : memref<80x128xf32, #tpu.memory_space<vmem>>) dst(%dma_wait3A_75 : memref<80x128xf32, #tpu.memory_space<vmem_shared>>)
        tpu.yield
      }) : () -> ()
    }
    %scan3A_6 = arith.constant 8 : i32
    %barrier3A = arith.constant 0 : index
    tpu.barrier barrier_id(%barrier3A)
    %mul3A_7 = arith.constant 10000 : i32
    %mul3A_8 = arith.muli %add3A, %mul3A_7 : i32
    %add3A_9 = arith.constant 0 : i32
    %add3A_10 = arith.addi %mul3A_8, %add3A_9 : i32
    "tpu.region"() ({
      %run_scoped3A = tpu.sem_alloc : memref<!tpu.dma_semaphore, #tpu.memory_space<semaphore_mem>>
      %dma_start3A_60 = tpu.memref_slice %arg3[%add3A_10] : memref<320000xi32, #tpu.memory_space<hbm>> -> memref<80xi32, #tpu.memory_space<hbm>>
      %dma_start3A_61 = tpu.memref_slice %arg3[%add3A_10] : memref<320000xi32, #tpu.memory_space<hbm>> -> memref<80xi32, #tpu.memory_space<hbm>>
      tpu.enqueue_dma source(%dma_start3A_61 : memref<80xi32, #tpu.memory_space<hbm>>) target(%arg7 : memref<80xi32, #tpu.memory_space<vmem>>) target_semaphore(%run_scoped3A : memref<!tpu.dma_semaphore, #tpu.memory_space<semaphore_mem>>)
      %dma_wait3A_62 = tpu.memref_slice %arg3[%add3A_10] : memref<320000xi32, #tpu.memory_space<hbm>> -> memref<80xi32, #tpu.memory_space<hbm>>
      %dma_wait3A_63 = tpu.memref_slice %arg3[%add3A_10] : memref<320000xi32, #tpu.memory_space<hbm>> -> memref<80xi32, #tpu.memory_space<hbm>>
      tpu.wait_dma2 semaphore(%run_scoped3A : memref<!tpu.dma_semaphore, #tpu.memory_space<semaphore_mem>>) src(%dma_wait3A_63 : memref<80xi32, #tpu.memory_space<hbm>>) dst(%arg7 : memref<80xi32, #tpu.memory_space<vmem>>)
      tpu.yield
    }) : () -> ()
    "tpu.region"() ({
      %run_scoped3A = tpu.sem_alloc : memref<!tpu.dma_semaphore, #tpu.memory_space<semaphore_mem>>
      %dma_start3A_60 = tpu.memref_slice %arg4[%add3A_10] : memref<320000xi32, #tpu.memory_space<hbm>> -> memref<80xi32, #tpu.memory_space<hbm>>
      %dma_start3A_61 = tpu.memref_slice %arg4[%add3A_10] : memref<320000xi32, #tpu.memory_space<hbm>> -> memref<80xi32, #tpu.memory_space<hbm>>
      tpu.enqueue_dma source(%dma_start3A_61 : memref<80xi32, #tpu.memory_space<hbm>>) target(%arg9 : memref<80xi32, #tpu.memory_space<vmem>>) target_semaphore(%run_scoped3A : memref<!tpu.dma_semaphore, #tpu.memory_space<semaphore_mem>>)
      %dma_wait3A_62 = tpu.memref_slice %arg4[%add3A_10] : memref<320000xi32, #tpu.memory_space<hbm>> -> memref<80xi32, #tpu.memory_space<hbm>>
      %dma_wait3A_63 = tpu.memref_slice %arg4[%add3A_10] : memref<320000xi32, #tpu.memory_space<hbm>> -> memref<80xi32, #tpu.memory_space<hbm>>
      tpu.wait_dma2 semaphore(%run_scoped3A : memref<!tpu.dma_semaphore, #tpu.memory_space<semaphore_mem>>) src(%dma_wait3A_63 : memref<80xi32, #tpu.memory_space<hbm>>) dst(%arg9 : memref<80xi32, #tpu.memory_space<vmem>>)
      tpu.yield
    }) : () -> ()
    %dma_start3A = arith.constant 0 : i32
    %dma_start3A_11 = arith.constant 0 : i32
    %dma_start3A_12 = tpu.memref_slice %arg2[%dma_start3A, %dma_start3A_11] : memref<10000x128xf32, #tpu.memory_space<hbm>> -> memref<10000x128xf32, #tpu.memory_space<hbm>>
    tpu.enqueue_indirect_dma source(%dma_start3A_12 : memref<10000x128xf32, #tpu.memory_space<hbm>>) target(%arg11 : memref<80x128xf32, #tpu.memory_space<vmem>>) offsets(%arg7 : memref<80xi32, #tpu.memory_space<vmem>>) semaphore(%arg14 : memref<!tpu.dma_semaphore, #tpu.memory_space<semaphore_mem>>)
    %add3A_13 = arith.constant 80 : i32
    %add3A_14 = arith.addi %mul3A_8, %add3A_13 : i32
    "tpu.region"() ({
      %run_scoped3A = tpu.sem_alloc : memref<!tpu.dma_semaphore, #tpu.memory_space<semaphore_mem>>
      %dma_start3A_60 = tpu.memref_slice %arg3[%add3A_14] : memref<320000xi32, #tpu.memory_space<hbm>> -> memref<80xi32, #tpu.memory_space<hbm>>
      %dma_start3A_61 = tpu.memref_slice %arg3[%add3A_14] : memref<320000xi32, #tpu.memory_space<hbm>> -> memref<80xi32, #tpu.memory_space<hbm>>
      tpu.enqueue_dma source(%dma_start3A_61 : memref<80xi32, #tpu.memory_space<hbm>>) target(%arg8 : memref<80xi32, #tpu.memory_space<vmem>>) target_semaphore(%run_scoped3A : memref<!tpu.dma_semaphore, #tpu.memory_space<semaphore_mem>>)
      %dma_wait3A_62 = tpu.memref_slice %arg3[%add3A_14] : memref<320000xi32, #tpu.memory_space<hbm>> -> memref<80xi32, #tpu.memory_space<hbm>>
      %dma_wait3A_63 = tpu.memref_slice %arg3[%add3A_14] : memref<320000xi32, #tpu.memory_space<hbm>> -> memref<80xi32, #tpu.memory_space<hbm>>
      tpu.wait_dma2 semaphore(%run_scoped3A : memref<!tpu.dma_semaphore, #tpu.memory_space<semaphore_mem>>) src(%dma_wait3A_63 : memref<80xi32, #tpu.memory_space<hbm>>) dst(%arg8 : memref<80xi32, #tpu.memory_space<vmem>>)
      tpu.yield
    }) : () -> ()
    "tpu.region"() ({
      %run_scoped3A = tpu.sem_alloc : memref<!tpu.dma_semaphore, #tpu.memory_space<semaphore_mem>>
      %dma_start3A_60 = tpu.memref_slice %arg4[%add3A_14] : memref<320000xi32, #tpu.memory_space<hbm>> -> memref<80xi32, #tpu.memory_space<hbm>>
      %dma_start3A_61 = tpu.memref_slice %arg4[%add3A_14] : memref<320000xi32, #tpu.memory_space<hbm>> -> memref<80xi32, #tpu.memory_space<hbm>>
      tpu.enqueue_dma source(%dma_start3A_61 : memref<80xi32, #tpu.memory_space<hbm>>) target(%arg10 : memref<80xi32, #tpu.memory_space<vmem>>) target_semaphore(%run_scoped3A : memref<!tpu.dma_semaphore, #tpu.memory_space<semaphore_mem>>)
      %dma_wait3A_62 = tpu.memref_slice %arg4[%add3A_14] : memref<320000xi32, #tpu.memory_space<hbm>> -> memref<80xi32, #tpu.memory_space<hbm>>
      %dma_wait3A_63 = tpu.memref_slice %arg4[%add3A_14] : memref<320000xi32, #tpu.memory_space<hbm>> -> memref<80xi32, #tpu.memory_space<hbm>>
      tpu.wait_dma2 semaphore(%run_scoped3A : memref<!tpu.dma_semaphore, #tpu.memory_space<semaphore_mem>>) src(%dma_wait3A_63 : memref<80xi32, #tpu.memory_space<hbm>>) dst(%arg10 : memref<80xi32, #tpu.memory_space<vmem>>)
      tpu.yield
    }) : () -> ()
    %dma_wait3A = arith.constant 0 : i32
    %dma_wait3A_15 = arith.constant 0 : i32
    %dma_wait3A_16 = tpu.memref_slice %arg2[%dma_wait3A, %dma_wait3A_15] : memref<10000x128xf32, #tpu.memory_space<hbm>> -> memref<10000x128xf32, #tpu.memory_space<hbm>>
    tpu.wait_indirect_dma semaphore(%arg14 : memref<!tpu.dma_semaphore, #tpu.memory_space<semaphore_mem>>) src(%dma_wait3A_16 : memref<10000x128xf32, #tpu.memory_space<hbm>>) dst(%arg11 : memref<80x128xf32, #tpu.memory_space<vmem>>)
    %dma_start3A_17 = arith.constant 0 : i32
    %dma_start3A_18 = arith.constant 0 : i32
    %dma_start3A_19 = tpu.memref_slice %arg13[%dma_start3A_17, %dma_start3A_18] : memref<10240x128xf32, #tpu.memory_space<vmem_shared>> -> memref<10240x128xf32, #tpu.memory_space<vmem_shared>>
    tpu.enqueue_indirect_dma source(%arg11 : memref<80x128xf32, #tpu.memory_space<vmem>>) target(%dma_start3A_19 : memref<10240x128xf32, #tpu.memory_space<vmem_shared>>) offsets(%arg9 : memref<80xi32, #tpu.memory_space<vmem>>) semaphore(%arg15 : memref<!tpu.dma_semaphore, #tpu.memory_space<semaphore_mem>>) {add = true}
    %dma_start3A_20 = arith.constant 0 : i32
    %dma_start3A_21 = arith.constant 0 : i32
    %dma_start3A_22 = tpu.memref_slice %arg2[%dma_start3A_20, %dma_start3A_21] : memref<10000x128xf32, #tpu.memory_space<hbm>> -> memref<10000x128xf32, #tpu.memory_space<hbm>>
    tpu.enqueue_indirect_dma source(%dma_start3A_22 : memref<10000x128xf32, #tpu.memory_space<hbm>>) target(%arg12 : memref<80x128xf32, #tpu.memory_space<vmem>>) offsets(%arg8 : memref<80xi32, #tpu.memory_space<vmem>>) semaphore(%arg14 : memref<!tpu.dma_semaphore, #tpu.memory_space<semaphore_mem>>)
    %dma_wait3A_23 = arith.constant 0 : i32
    %dma_wait3A_24 = arith.constant 0 : i32
    %dma_wait3A_25 = tpu.memref_slice %arg13[%dma_wait3A_23, %dma_wait3A_24] : memref<10240x128xf32, #tpu.memory_space<vmem_shared>> -> memref<10240x128xf32, #tpu.memory_space<vmem_shared>>
    tpu.wait_indirect_dma semaphore(%arg15 : memref<!tpu.dma_semaphore, #tpu.memory_space<semaphore_mem>>) src(%arg11 : memref<80x128xf32, #tpu.memory_space<vmem>>) dst(%dma_wait3A_25 : memref<10240x128xf32, #tpu.memory_space<vmem_shared>>)
    %add3A_26 = arith.constant 160 : i32
    %add3A_27 = arith.addi %mul3A_8, %add3A_26 : i32
    "tpu.region"() ({
      %run_scoped3A = tpu.sem_alloc : memref<!tpu.dma_semaphore, #tpu.memory_space<semaphore_mem>>
      %dma_start3A_60 = tpu.memref_slice %arg3[%add3A_27] : memref<320000xi32, #tpu.memory_space<hbm>> -> memref<80xi32, #tpu.memory_space<hbm>>
      %dma_start3A_61 = tpu.memref_slice %arg3[%add3A_27] : memref<320000xi32, #tpu.memory_space<hbm>> -> memref<80xi32, #tpu.memory_space<hbm>>
      tpu.enqueue_dma source(%dma_start3A_61 : memref<80xi32, #tpu.memory_space<hbm>>) target(%arg7 : memref<80xi32, #tpu.memory_space<vmem>>) target_semaphore(%run_scoped3A : memref<!tpu.dma_semaphore, #tpu.memory_space<semaphore_mem>>)
      %dma_wait3A_62 = tpu.memref_slice %arg3[%add3A_27] : memref<320000xi32, #tpu.memory_space<hbm>> -> memref<80xi32, #tpu.memory_space<hbm>>
      %dma_wait3A_63 = tpu.memref_slice %arg3[%add3A_27] : memref<320000xi32, #tpu.memory_space<hbm>> -> memref<80xi32, #tpu.memory_space<hbm>>
      tpu.wait_dma2 semaphore(%run_scoped3A : memref<!tpu.dma_semaphore, #tpu.memory_space<semaphore_mem>>) src(%dma_wait3A_63 : memref<80xi32, #tpu.memory_space<hbm>>) dst(%arg7 : memref<80xi32, #tpu.memory_space<vmem>>)
      tpu.yield
    }) : () -> ()
    "tpu.region"() ({
      %run_scoped3A = tpu.sem_alloc : memref<!tpu.dma_semaphore, #tpu.memory_space<semaphore_mem>>
      %dma_start3A_60 = tpu.memref_slice %arg4[%add3A_27] : memref<320000xi32, #tpu.memory_space<hbm>> -> memref<80xi32, #tpu.memory_space<hbm>>
      %dma_start3A_61 = tpu.memref_slice %arg4[%add3A_27] : memref<320000xi32, #tpu.memory_space<hbm>> -> memref<80xi32, #tpu.memory_space<hbm>>
      tpu.enqueue_dma source(%dma_start3A_61 : memref<80xi32, #tpu.memory_space<hbm>>) target(%arg9 : memref<80xi32, #tpu.memory_space<vmem>>) target_semaphore(%run_scoped3A : memref<!tpu.dma_semaphore, #tpu.memory_space<semaphore_mem>>)
      %dma_wait3A_62 = tpu.memref_slice %arg4[%add3A_27] : memref<320000xi32, #tpu.memory_space<hbm>> -> memref<80xi32, #tpu.memory_space<hbm>>
      %dma_wait3A_63 = tpu.memref_slice %arg4[%add3A_27] : memref<320000xi32, #tpu.memory_space<hbm>> -> memref<80xi32, #tpu.memory_space<hbm>>
      tpu.wait_dma2 semaphore(%run_scoped3A : memref<!tpu.dma_semaphore, #tpu.memory_space<semaphore_mem>>) src(%dma_wait3A_63 : memref<80xi32, #tpu.memory_space<hbm>>) dst(%arg9 : memref<80xi32, #tpu.memory_space<vmem>>)
      tpu.yield
    }) : () -> ()
    %dma_wait3A_28 = arith.constant 0 : i32
    %dma_wait3A_29 = arith.constant 0 : i32
    %dma_wait3A_30 = tpu.memref_slice %arg2[%dma_wait3A_28, %dma_wait3A_29] : memref<10000x128xf32, #tpu.memory_space<hbm>> -> memref<10000x128xf32, #tpu.memory_space<hbm>>
    tpu.wait_indirect_dma semaphore(%arg14 : memref<!tpu.dma_semaphore, #tpu.memory_space<semaphore_mem>>) src(%dma_wait3A_30 : memref<10000x128xf32, #tpu.memory_space<hbm>>) dst(%arg12 : memref<80x128xf32, #tpu.memory_space<vmem>>)
    %dma_start3A_31 = arith.constant 0 : i32
    %dma_start3A_32 = arith.constant 0 : i32
    %dma_start3A_33 = tpu.memref_slice %arg13[%dma_start3A_31, %dma_start3A_32] : memref<10240x128xf32, #tpu.memory_space<vmem_shared>> -> memref<10240x128xf32, #tpu.memory_space<vmem_shared>>
    tpu.enqueue_indirect_dma source(%arg12 : memref<80x128xf32, #tpu.memory_space<vmem>>) target(%dma_start3A_33 : memref<10240x128xf32, #tpu.memory_space<vmem_shared>>) offsets(%arg10 : memref<80xi32, #tpu.memory_space<vmem>>) semaphore(%arg15 : memref<!tpu.dma_semaphore, #tpu.memory_space<semaphore_mem>>) {add = true}
    %dma_start3A_34 = arith.constant 0 : i32
    %dma_start3A_35 = arith.constant 0 : i32
    %dma_start3A_36 = tpu.memref_slice %arg2[%dma_start3A_34, %dma_start3A_35] : memref<10000x128xf32, #tpu.memory_space<hbm>> -> memref<10000x128xf32, #tpu.memory_space<hbm>>
    tpu.enqueue_indirect_dma source(%dma_start3A_36 : memref<10000x128xf32, #tpu.memory_space<hbm>>) target(%arg11 : memref<80x128xf32, #tpu.memory_space<vmem>>) offsets(%arg7 : memref<80xi32, #tpu.memory_space<vmem>>) semaphore(%arg14 : memref<!tpu.dma_semaphore, #tpu.memory_space<semaphore_mem>>)
    %scan3A_37 = arith.constant 0 : i32
    %scan3A_38 = arith.constant 61 : i32
    %scan3A_39 = arith.addi %scan3A_37, %scan3A_38 : i32
    %scan3A_40 = arith.constant 1 : i32
    scf.for %scan3A_60 = %scan3A_37 to %scan3A_39 step %scan3A_40  : i32 {
      %mul3A_61 = arith.constant 1 : i32
      %mul3A_62 = arith.muli %scan3A_60, %mul3A_61 : i32
      %add3A_63 = arith.constant 0 : i32
      %add3A_64 = arith.addi %add3A_63, %mul3A_62 : i32
      %mul3A_65 = arith.constant 2 : i32
      %mul3A_66 = arith.muli %mul3A_65, %add3A_64 : i32
      %add3A_67 = arith.constant 3 : i32
      %add3A_68 = arith.addi %add3A_67, %mul3A_66 : i32
      %dma_wait3A_69 = arith.constant 0 : i32
      %dma_wait3A_70 = arith.constant 0 : i32
      %dma_wait3A_71 = tpu.memref_slice %arg13[%dma_wait3A_69, %dma_wait3A_70] : memref<10240x128xf32, #tpu.memory_space<vmem_shared>> -> memref<10240x128xf32, #tpu.memory_space<vmem_shared>>
      tpu.wait_indirect_dma semaphore(%arg15 : memref<!tpu.dma_semaphore, #tpu.memory_space<semaphore_mem>>) src(%arg12 : memref<80x128xf32, #tpu.memory_space<vmem>>) dst(%dma_wait3A_71 : memref<10240x128xf32, #tpu.memory_space<vmem_shared>>)
      %mul3A_72 = arith.constant 80 : i32
      %mul3A_73 = arith.muli %add3A_68, %mul3A_72 : i32
      %add3A_74 = arith.addi %mul3A_8, %mul3A_73 : i32
      "tpu.region"() ({
        %run_scoped3A = tpu.sem_alloc : memref<!tpu.dma_semaphore, #tpu.memory_space<semaphore_mem>>
        %dma_start3A_104 = tpu.memref_slice %arg3[%add3A_74] : memref<320000xi32, #tpu.memory_space<hbm>> -> memref<80xi32, #tpu.memory_space<hbm>>
        %dma_start3A_105 = tpu.memref_slice %arg3[%add3A_74] : memref<320000xi32, #tpu.memory_space<hbm>> -> memref<80xi32, #tpu.memory_space<hbm>>
        tpu.enqueue_dma source(%dma_start3A_105 : memref<80xi32, #tpu.memory_space<hbm>>) target(%arg8 : memref<80xi32, #tpu.memory_space<vmem>>) target_semaphore(%run_scoped3A : memref<!tpu.dma_semaphore, #tpu.memory_space<semaphore_mem>>)
        %dma_wait3A_106 = tpu.memref_slice %arg3[%add3A_74] : memref<320000xi32, #tpu.memory_space<hbm>> -> memref<80xi32, #tpu.memory_space<hbm>>
        %dma_wait3A_107 = tpu.memref_slice %arg3[%add3A_74] : memref<320000xi32, #tpu.memory_space<hbm>> -> memref<80xi32, #tpu.memory_space<hbm>>
        tpu.wait_dma2 semaphore(%run_scoped3A : memref<!tpu.dma_semaphore, #tpu.memory_space<semaphore_mem>>) src(%dma_wait3A_107 : memref<80xi32, #tpu.memory_space<hbm>>) dst(%arg8 : memref<80xi32, #tpu.memory_space<vmem>>)
        tpu.yield
      }) : () -> ()
      "tpu.region"() ({
        %run_scoped3A = tpu.sem_alloc : memref<!tpu.dma_semaphore, #tpu.memory_space<semaphore_mem>>
        %dma_start3A_104 = tpu.memref_slice %arg4[%add3A_74] : memref<320000xi32, #tpu.memory_space<hbm>> -> memref<80xi32, #tpu.memory_space<hbm>>
        %dma_start3A_105 = tpu.memref_slice %arg4[%add3A_74] : memref<320000xi32, #tpu.memory_space<hbm>> -> memref<80xi32, #tpu.memory_space<hbm>>
        tpu.enqueue_dma source(%dma_start3A_105 : memref<80xi32, #tpu.memory_space<hbm>>) target(%arg10 : memref<80xi32, #tpu.memory_space<vmem>>) target_semaphore(%run_scoped3A : memref<!tpu.dma_semaphore, #tpu.memory_space<semaphore_mem>>)
        %dma_wait3A_106 = tpu.memref_slice %arg4[%add3A_74] : memref<320000xi32, #tpu.memory_space<hbm>> -> memref<80xi32, #tpu.memory_space<hbm>>
        %dma_wait3A_107 = tpu.memref_slice %arg4[%add3A_74] : memref<320000xi32, #tpu.memory_space<hbm>> -> memref<80xi32, #tpu.memory_space<hbm>>
        tpu.wait_dma2 semaphore(%run_scoped3A : memref<!tpu.dma_semaphore, #tpu.memory_space<semaphore_mem>>) src(%dma_wait3A_107 : memref<80xi32, #tpu.memory_space<hbm>>) dst(%arg10 : memref<80xi32, #tpu.memory_space<vmem>>)
        tpu.yield
      }) : () -> ()
      %dma_wait3A_75 = arith.constant 0 : i32
      %dma_wait3A_76 = arith.constant 0 : i32
      %dma_wait3A_77 = tpu.memref_slice %arg2[%dma_wait3A_75, %dma_wait3A_76] : memref<10000x128xf32, #tpu.memory_space<hbm>> -> memref<10000x128xf32, #tpu.memory_space<hbm>>
      tpu.wait_indirect_dma semaphore(%arg14 : memref<!tpu.dma_semaphore, #tpu.memory_space<semaphore_mem>>) src(%dma_wait3A_77 : memref<10000x128xf32, #tpu.memory_space<hbm>>) dst(%arg11 : memref<80x128xf32, #tpu.memory_space<vmem>>)
      %sub3A = arith.constant 1 : i32
      %sub3A_78 = arith.subi %add3A_68, %sub3A : i32
      %dma_start3A_79 = arith.constant 0 : i32
      %dma_start3A_80 = arith.constant 0 : i32
      %dma_start3A_81 = tpu.memref_slice %arg13[%dma_start3A_79, %dma_start3A_80] : memref<10240x128xf32, #tpu.memory_space<vmem_shared>> -> memref<10240x128xf32, #tpu.memory_space<vmem_shared>>
      tpu.enqueue_indirect_dma source(%arg11 : memref<80x128xf32, #tpu.memory_space<vmem>>) target(%dma_start3A_81 : memref<10240x128xf32, #tpu.memory_space<vmem_shared>>) offsets(%arg9 : memref<80xi32, #tpu.memory_space<vmem>>) semaphore(%arg15 : memref<!tpu.dma_semaphore, #tpu.memory_space<semaphore_mem>>) {add = true}
      %dma_start3A_82 = arith.constant 0 : i32
      %dma_start3A_83 = arith.constant 0 : i32
      %dma_start3A_84 = tpu.memref_slice %arg2[%dma_start3A_82, %dma_start3A_83] : memref<10000x128xf32, #tpu.memory_space<hbm>> -> memref<10000x128xf32, #tpu.memory_space<hbm>>
      tpu.enqueue_indirect_dma source(%dma_start3A_84 : memref<10000x128xf32, #tpu.memory_space<hbm>>) target(%arg12 : memref<80x128xf32, #tpu.memory_space<vmem>>) offsets(%arg8 : memref<80xi32, #tpu.memory_space<vmem>>) semaphore(%arg14 : memref<!tpu.dma_semaphore, #tpu.memory_space<semaphore_mem>>)
      %add3A_85 = arith.constant 1 : i32
      %add3A_86 = arith.addi %add3A_68, %add3A_85 : i32
      %dma_wait3A_87 = arith.constant 0 : i32
      %dma_wait3A_88 = arith.constant 0 : i32
      %dma_wait3A_89 = tpu.memref_slice %arg13[%dma_wait3A_87, %dma_wait3A_88] : memref<10240x128xf32, #tpu.memory_space<vmem_shared>> -> memref<10240x128xf32, #tpu.memory_space<vmem_shared>>
      tpu.wait_indirect_dma semaphore(%arg15 : memref<!tpu.dma_semaphore, #tpu.memory_space<semaphore_mem>>) src(%arg11 : memref<80x128xf32, #tpu.memory_space<vmem>>) dst(%dma_wait3A_89 : memref<10240x128xf32, #tpu.memory_space<vmem_shared>>)
      %mul3A_90 = arith.constant 80 : i32
      %mul3A_91 = arith.muli %add3A_86, %mul3A_90 : i32
      %add3A_92 = arith.addi %mul3A_8, %mul3A_91 : i32
      "tpu.region"() ({
        %run_scoped3A = tpu.sem_alloc : memref<!tpu.dma_semaphore, #tpu.memory_space<semaphore_mem>>
        %dma_start3A_104 = tpu.memref_slice %arg3[%add3A_92] : memref<320000xi32, #tpu.memory_space<hbm>> -> memref<80xi32, #tpu.memory_space<hbm>>
        %dma_start3A_105 = tpu.memref_slice %arg3[%add3A_92] : memref<320000xi32, #tpu.memory_space<hbm>> -> memref<80xi32, #tpu.memory_space<hbm>>
        tpu.enqueue_dma source(%dma_start3A_105 : memref<80xi32, #tpu.memory_space<hbm>>) target(%arg7 : memref<80xi32, #tpu.memory_space<vmem>>) target_semaphore(%run_scoped3A : memref<!tpu.dma_semaphore, #tpu.memory_space<semaphore_mem>>)
        %dma_wait3A_106 = tpu.memref_slice %arg3[%add3A_92] : memref<320000xi32, #tpu.memory_space<hbm>> -> memref<80xi32, #tpu.memory_space<hbm>>
        %dma_wait3A_107 = tpu.memref_slice %arg3[%add3A_92] : memref<320000xi32, #tpu.memory_space<hbm>> -> memref<80xi32, #tpu.memory_space<hbm>>
        tpu.wait_dma2 semaphore(%run_scoped3A : memref<!tpu.dma_semaphore, #tpu.memory_space<semaphore_mem>>) src(%dma_wait3A_107 : memref<80xi32, #tpu.memory_space<hbm>>) dst(%arg7 : memref<80xi32, #tpu.memory_space<vmem>>)
        tpu.yield
      }) : () -> ()
      "tpu.region"() ({
        %run_scoped3A = tpu.sem_alloc : memref<!tpu.dma_semaphore, #tpu.memory_space<semaphore_mem>>
        %dma_start3A_104 = tpu.memref_slice %arg4[%add3A_92] : memref<320000xi32, #tpu.memory_space<hbm>> -> memref<80xi32, #tpu.memory_space<hbm>>
        %dma_start3A_105 = tpu.memref_slice %arg4[%add3A_92] : memref<320000xi32, #tpu.memory_space<hbm>> -> memref<80xi32, #tpu.memory_space<hbm>>
        tpu.enqueue_dma source(%dma_start3A_105 : memref<80xi32, #tpu.memory_space<hbm>>) target(%arg9 : memref<80xi32, #tpu.memory_space<vmem>>) target_semaphore(%run_scoped3A : memref<!tpu.dma_semaphore, #tpu.memory_space<semaphore_mem>>)
        %dma_wait3A_106 = tpu.memref_slice %arg4[%add3A_92] : memref<320000xi32, #tpu.memory_space<hbm>> -> memref<80xi32, #tpu.memory_space<hbm>>
        %dma_wait3A_107 = tpu.memref_slice %arg4[%add3A_92] : memref<320000xi32, #tpu.memory_space<hbm>> -> memref<80xi32, #tpu.memory_space<hbm>>
        tpu.wait_dma2 semaphore(%run_scoped3A : memref<!tpu.dma_semaphore, #tpu.memory_space<semaphore_mem>>) src(%dma_wait3A_107 : memref<80xi32, #tpu.memory_space<hbm>>) dst(%arg9 : memref<80xi32, #tpu.memory_space<vmem>>)
        tpu.yield
      }) : () -> ()
      %dma_wait3A_93 = arith.constant 0 : i32
      %dma_wait3A_94 = arith.constant 0 : i32
      %dma_wait3A_95 = tpu.memref_slice %arg2[%dma_wait3A_93, %dma_wait3A_94] : memref<10000x128xf32, #tpu.memory_space<hbm>> -> memref<10000x128xf32, #tpu.memory_space<hbm>>
      tpu.wait_indirect_dma semaphore(%arg14 : memref<!tpu.dma_semaphore, #tpu.memory_space<semaphore_mem>>) src(%dma_wait3A_95 : memref<10000x128xf32, #tpu.memory_space<hbm>>) dst(%arg12 : memref<80x128xf32, #tpu.memory_space<vmem>>)
      %sub3A_96 = arith.constant 1 : i32
      %sub3A_97 = arith.subi %add3A_86, %sub3A_96 : i32
      %dma_start3A_98 = arith.constant 0 : i32
      %dma_start3A_99 = arith.constant 0 : i32
      %dma_start3A_100 = tpu.memref_slice %arg13[%dma_start3A_98, %dma_start3A_99] : memref<10240x128xf32, #tpu.memory_space<vmem_shared>> -> memref<10240x128xf32, #tpu.memory_space<vmem_shared>>
      tpu.enqueue_indirect_dma source(%arg12 : memref<80x128xf32, #tpu.memory_space<vmem>>) target(%dma_start3A_100 : memref<10240x128xf32, #tpu.memory_space<vmem_shared>>) offsets(%arg10 : memref<80xi32, #tpu.memory_space<vmem>>) semaphore(%arg15 : memref<!tpu.dma_semaphore, #tpu.memory_space<semaphore_mem>>) {add = true}
      %dma_start3A_101 = arith.constant 0 : i32
      %dma_start3A_102 = arith.constant 0 : i32
      %dma_start3A_103 = tpu.memref_slice %arg2[%dma_start3A_101, %dma_start3A_102] : memref<10000x128xf32, #tpu.memory_space<hbm>> -> memref<10000x128xf32, #tpu.memory_space<hbm>>
      tpu.enqueue_indirect_dma source(%dma_start3A_103 : memref<10000x128xf32, #tpu.memory_space<hbm>>) target(%arg11 : memref<80x128xf32, #tpu.memory_space<vmem>>) offsets(%arg7 : memref<80xi32, #tpu.memory_space<vmem>>) semaphore(%arg14 : memref<!tpu.dma_semaphore, #tpu.memory_space<semaphore_mem>>)
    }
    %scan3A_41 = arith.constant 61 : i32
    %dma_wait3A_42 = arith.constant 0 : i32
    %dma_wait3A_43 = arith.constant 0 : i32
    %dma_wait3A_44 = tpu.memref_slice %arg13[%dma_wait3A_42, %dma_wait3A_43] : memref<10240x128xf32, #tpu.memory_space<vmem_shared>> -> memref<10240x128xf32, #tpu.memory_space<vmem_shared>>
    tpu.wait_indirect_dma semaphore(%arg15 : memref<!tpu.dma_semaphore, #tpu.memory_space<semaphore_mem>>) src(%arg12 : memref<80x128xf32, #tpu.memory_space<vmem>>) dst(%dma_wait3A_44 : memref<10240x128xf32, #tpu.memory_space<vmem_shared>>)
    %dma_wait3A_45 = arith.constant 0 : i32
    %dma_wait3A_46 = arith.constant 0 : i32
    %dma_wait3A_47 = tpu.memref_slice %arg2[%dma_wait3A_45, %dma_wait3A_46] : memref<10000x128xf32, #tpu.memory_space<hbm>> -> memref<10000x128xf32, #tpu.memory_space<hbm>>
    tpu.wait_indirect_dma semaphore(%arg14 : memref<!tpu.dma_semaphore, #tpu.memory_space<semaphore_mem>>) src(%dma_wait3A_47 : memref<10000x128xf32, #tpu.memory_space<hbm>>) dst(%arg11 : memref<80x128xf32, #tpu.memory_space<vmem>>)
    %dma_start3A_48 = arith.constant 0 : i32
    %dma_start3A_49 = arith.constant 0 : i32
    %dma_start3A_50 = tpu.memref_slice %arg13[%dma_start3A_48, %dma_start3A_49] : memref<10240x128xf32, #tpu.memory_space<vmem_shared>> -> memref<10240x128xf32, #tpu.memory_space<vmem_shared>>
    tpu.enqueue_indirect_dma source(%arg11 : memref<80x128xf32, #tpu.memory_space<vmem>>) target(%dma_start3A_50 : memref<10240x128xf32, #tpu.memory_space<vmem_shared>>) offsets(%arg9 : memref<80xi32, #tpu.memory_space<vmem>>) semaphore(%arg15 : memref<!tpu.dma_semaphore, #tpu.memory_space<semaphore_mem>>) {add = true}
    %dma_wait3A_51 = arith.constant 0 : i32
    %dma_wait3A_52 = arith.constant 0 : i32
    %dma_wait3A_53 = tpu.memref_slice %arg13[%dma_wait3A_51, %dma_wait3A_52] : memref<10240x128xf32, #tpu.memory_space<vmem_shared>> -> memref<10240x128xf32, #tpu.memory_space<vmem_shared>>
    tpu.wait_indirect_dma semaphore(%arg15 : memref<!tpu.dma_semaphore, #tpu.memory_space<semaphore_mem>>) src(%arg11 : memref<80x128xf32, #tpu.memory_space<vmem>>) dst(%dma_wait3A_53 : memref<10240x128xf32, #tpu.memory_space<vmem_shared>>)
    %barrier3A_54 = arith.constant 0 : index
    tpu.barrier barrier_id(%barrier3A_54)
    %scan3A_55 = arith.constant 0 : i32
    %scan3A_56 = arith.constant 8 : i32
    %scan3A_57 = arith.addi %scan3A_55, %scan3A_56 : i32
    %scan3A_58 = arith.constant 1 : i32
    scf.for %scan3A_60 = %scan3A_55 to %scan3A_57 step %scan3A_58  : i32 {
      %mul3A_61 = arith.constant 1 : i32
      %mul3A_62 = arith.muli %scan3A_60, %mul3A_61 : i32
      %add3A_63 = arith.constant 0 : i32
      %add3A_64 = arith.addi %add3A_63, %mul3A_62 : i32
      %mul3A_65 = arith.constant 80 : i32
      %mul3A_66 = arith.muli %add3A_64, %mul3A_65 : i32
      %add3A_67 = arith.addi %mul3A_2, %mul3A_66 : i32
      "tpu.region"() ({
        %run_scoped3A = tpu.sem_alloc : memref<!tpu.dma_semaphore, #tpu.memory_space<semaphore_mem>>
        %dma_start3A_68 = arith.constant 0 : i32
        %dma_start3A_69 = tpu.memref_slice %arg13[%add3A_67, %dma_start3A_68] : memref<10240x128xf32, #tpu.memory_space<vmem_shared>> -> memref<80x128xf32, #tpu.memory_space<vmem_shared>>
        %dma_start3A_70 = arith.constant 0 : i32
        %dma_start3A_71 = tpu.memref_slice %arg13[%add3A_67, %dma_start3A_70] : memref<10240x128xf32, #tpu.memory_space<vmem_shared>> -> memref<80x128xf32, #tpu.memory_space<vmem_shared>>
        tpu.enqueue_dma source(%dma_start3A_71 : memref<80x128xf32, #tpu.memory_space<vmem_shared>>) target(%arg11 : memref<80x128xf32, #tpu.memory_space<vmem>>) target_semaphore(%run_scoped3A : memref<!tpu.dma_semaphore, #tpu.memory_space<semaphore_mem>>)
        %dma_wait3A_72 = arith.constant 0 : i32
        %dma_wait3A_73 = tpu.memref_slice %arg13[%add3A_67, %dma_wait3A_72] : memref<10240x128xf32, #tpu.memory_space<vmem_shared>> -> memref<80x128xf32, #tpu.memory_space<vmem_shared>>
        %dma_wait3A_74 = arith.constant 0 : i32
        %dma_wait3A_75 = tpu.memref_slice %arg13[%add3A_67, %dma_wait3A_74] : memref<10240x128xf32, #tpu.memory_space<vmem_shared>> -> memref<80x128xf32, #tpu.memory_space<vmem_shared>>
        tpu.wait_dma2 semaphore(%run_scoped3A : memref<!tpu.dma_semaphore, #tpu.memory_space<semaphore_mem>>) src(%dma_wait3A_75 : memref<80x128xf32, #tpu.memory_space<vmem_shared>>) dst(%arg11 : memref<80x128xf32, #tpu.memory_space<vmem>>)
        tpu.yield
      }) : () -> ()
      "tpu.region"() ({
        %run_scoped3A = tpu.sem_alloc : memref<!tpu.dma_semaphore, #tpu.memory_space<semaphore_mem>>
        %dma_start3A_68 = arith.constant 0 : i32
        %dma_start3A_69 = tpu.memref_slice %arg6[%arg0, %add3A_67, %dma_start3A_68] : memref<2x10240x128xf32, #tpu.memory_space<hbm>> -> memref<1x80x128xf32, #tpu.memory_space<hbm>>
        %dma_start3A_70 = tpu.memref_squeeze %dma_start3A_69 : memref<1x80x128xf32, #tpu.memory_space<hbm>> -> memref<80x128xf32, #tpu.memory_space<hbm>>
        %dma_start3A_71 = arith.constant 0 : i32
        %dma_start3A_72 = tpu.memref_slice %arg6[%arg0, %add3A_67, %dma_start3A_71] : memref<2x10240x128xf32, #tpu.memory_space<hbm>> -> memref<1x80x128xf32, #tpu.memory_space<hbm>>
        %dma_start3A_73 = tpu.memref_squeeze %dma_start3A_72 : memref<1x80x128xf32, #tpu.memory_space<hbm>> -> memref<80x128xf32, #tpu.memory_space<hbm>>
        tpu.enqueue_dma source(%arg11 : memref<80x128xf32, #tpu.memory_space<vmem>>) target(%dma_start3A_73 : memref<80x128xf32, #tpu.memory_space<hbm>>) target_semaphore(%run_scoped3A : memref<!tpu.dma_semaphore, #tpu.memory_space<semaphore_mem>>)
        %dma_wait3A_74 = arith.constant 0 : i32
        %dma_wait3A_75 = tpu.memref_slice %arg6[%arg0, %add3A_67, %dma_wait3A_74] : memref<2x10240x128xf32, #tpu.memory_space<hbm>> -> memref<1x80x128xf32, #tpu.memory_space<hbm>>
        %dma_wait3A_76 = tpu.memref_squeeze %dma_wait3A_75 : memref<1x80x128xf32, #tpu.memory_space<hbm>> -> memref<80x128xf32, #tpu.memory_space<hbm>>
        %dma_wait3A_77 = arith.constant 0 : i32
        %dma_wait3A_78 = tpu.memref_slice %arg6[%arg0, %add3A_67, %dma_wait3A_77] : memref<2x10240x128xf32, #tpu.memory_space<hbm>> -> memref<1x80x128xf32, #tpu.memory_space<hbm>>
        %dma_wait3A_79 = tpu.memref_squeeze %dma_wait3A_78 : memref<1x80x128xf32, #tpu.memory_space<hbm>> -> memref<80x128xf32, #tpu.memory_space<hbm>>
        tpu.wait_dma2 semaphore(%run_scoped3A : memref<!tpu.dma_semaphore, #tpu.memory_space<semaphore_mem>>) src(%arg11 : memref<80x128xf32, #tpu.memory_space<vmem>>) dst(%dma_wait3A_79 : memref<80x128xf32, #tpu.memory_space<hbm>>)
        tpu.yield
      }) : () -> ()
    }
    %scan3A_59 = arith.constant 8 : i32
    return
  }
}

#map = affine_map<(d0, d1) -> (0, 0)>
#map1 = affine_map<(d0, d1) -> (0)>
#map2 = affine_map<(d0, d1) -> (0, 0, 0)>
module attributes {stable_mosaic.version = 14 : i64} {
  func.func @body(%arg0: i32, %arg1: i32, %arg2: memref<10000x128xf32, #tpu.memory_space<hbm>>, %arg3: memref<320000xi32, #tpu.memory_space<hbm>>, %arg4: memref<320000xi32, #tpu.memory_space<hbm>>, %arg5: memref<10240x128xf32, #tpu.memory_space<hbm>>, %arg6: memref<2x10240x128xf32, #tpu.memory_space<hbm>>, %arg7: memref<80xi32, #tpu.memory_space<vmem>>, %arg8: memref<80xi32, #tpu.memory_space<vmem>>, %arg9: memref<80xi32, #tpu.memory_space<vmem>>, %arg10: memref<80xi32, #tpu.memory_space<vmem>>, %arg11: memref<80x128xf32, #tpu.memory_space<vmem>>, %arg12: memref<80x128xf32, #tpu.memory_space<vmem>>, %arg13: memref<10240x128xf32, #tpu.memory_space<vmem_shared>>, %arg14: memref<!tpu.dma_semaphore, #tpu.memory_space<semaphore_mem>>, %arg15: memref<!tpu.dma_semaphore, #tpu.memory_space<semaphore_mem>>) attributes {dimension_semantics = [#tpu.dimension_semantics<core_parallel>, #tpu.dimension_semantics<subcore_parallel>], iteration_bounds = array<i64: 2, 16>, scalar_prefetch = 0 : i64, scratch_operands = 9 : i64, tpu.core_type = #tpu.core_type<sc_vector_subcore>, window_params = [{transform_indices = #map}, {transform_indices = #map1}, {transform_indices = #map1}, {transform_indices = #map}, {transform_indices = #map2}]} {
    %mul3A = arith.constant 16 : i32
    %mul3A_0 = arith.muli %arg0, %mul3A : i32
    %add3A = arith.addi %mul3A_0, %arg1 : i32
    %mul3A_1 = arith.constant 640 : i32
    %mul3A_2 = arith.muli %arg1, %mul3A_1 : i32
    %scan3A = arith.constant 0 : i32
    %scan3A_3 = arith.constant 8 : i32
    %scan3A_4 = arith.addi %scan3A, %scan3A_3 : i32
    %scan3A_5 = arith.constant 1 : i32
    scf.for %scan3A_60 = %scan3A to %scan3A_4 step %scan3A_5  : i32 {
      %mul3A_61 = arith.constant 1 : i32
      %mul3A_62 = arith.muli %scan3A_60, %mul3A_61 : i32
      %add3A_63 = arith.constant 0 : i32
      %add3A_64 = arith.addi %add3A_63, %mul3A_62 : i32
      %mul3A_65 = arith.constant 80 : i32
      %mul3A_66 = arith.muli %add3A_64, %mul3A_65 : i32
      %add3A_67 = arith.addi %mul3A_2, %mul3A_66 : i32
      "tpu.region"() ({
        %run_scoped3A = tpu.sem_alloc : memref<!tpu.dma_semaphore, #tpu.memory_space<semaphore_mem>>
        %dma_start3A_68 = arith.constant 0 : i32
        %dma_start3A_69 = tpu.memref_slice %arg5[%add3A_67, %dma_start3A_68] : memref<10240x128xf32, #tpu.memory_space<hbm>> -> memref<80x128xf32, #tpu.memory_space<hbm>>
        %dma_start3A_70 = arith.constant 0 : i32
        %dma_start3A_71 = tpu.memref_slice %arg5[%add3A_67, %dma_start3A_70] : memref<10240x128xf32, #tpu.memory_space<hbm>> -> memref<80x128xf32, #tpu.memory_space<hbm>>
        tpu.enqueue_dma source(%dma_start3A_71 : memref<80x128xf32, #tpu.memory_space<hbm>>) target(%arg11 : memref<80x128xf32, #tpu.memory_space<vmem>>) target_semaphore(%run_scoped3A : memref<!tpu.dma_semaphore, #tpu.memory_space<semaphore_mem>>)
        %dma_wait3A_72 = arith.constant 0 : i32
        %dma_wait3A_73 = tpu.memref_slice %arg5[%add3A_67, %dma_wait3A_72] : memref<10240x128xf32, #tpu.memory_space<hbm>> -> memref<80x128xf32, #tpu.memory_space<hbm>>
        %dma_wait3A_74 = arith.constant 0 : i32
        %dma_wait3A_75 = tpu.memref_slice %arg5[%add3A_67, %dma_wait3A_74] : memref<10240x128xf32, #tpu.memory_space<hbm>> -> memref<80x128xf32, #tpu.memory_space<hbm>>
        tpu.wait_dma2 semaphore(%run_scoped3A : memref<!tpu.dma_semaphore, #tpu.memory_space<semaphore_mem>>) src(%dma_wait3A_75 : memref<80x128xf32, #tpu.memory_space<hbm>>) dst(%arg11 : memref<80x128xf32, #tpu.memory_space<vmem>>)
        tpu.yield
      }) : () -> ()
      "tpu.region"() ({
        %run_scoped3A = tpu.sem_alloc : memref<!tpu.dma_semaphore, #tpu.memory_space<semaphore_mem>>
        %dma_start3A_68 = arith.constant 0 : i32
        %dma_start3A_69 = tpu.memref_slice %arg13[%add3A_67, %dma_start3A_68] : memref<10240x128xf32, #tpu.memory_space<vmem_shared>> -> memref<80x128xf32, #tpu.memory_space<vmem_shared>>
        %dma_start3A_70 = arith.constant 0 : i32
        %dma_start3A_71 = tpu.memref_slice %arg13[%add3A_67, %dma_start3A_70] : memref<10240x128xf32, #tpu.memory_space<vmem_shared>> -> memref<80x128xf32, #tpu.memory_space<vmem_shared>>
        tpu.enqueue_dma source(%arg11 : memref<80x128xf32, #tpu.memory_space<vmem>>) target(%dma_start3A_71 : memref<80x128xf32, #tpu.memory_space<vmem_shared>>) target_semaphore(%run_scoped3A : memref<!tpu.dma_semaphore, #tpu.memory_space<semaphore_mem>>)
        %dma_wait3A_72 = arith.constant 0 : i32
        %dma_wait3A_73 = tpu.memref_slice %arg13[%add3A_67, %dma_wait3A_72] : memref<10240x128xf32, #tpu.memory_space<vmem_shared>> -> memref<80x128xf32, #tpu.memory_space<vmem_shared>>
        %dma_wait3A_74 = arith.constant 0 : i32
        %dma_wait3A_75 = tpu.memref_slice %arg13[%add3A_67, %dma_wait3A_74] : memref<10240x128xf32, #tpu.memory_space<vmem_shared>> -> memref<80x128xf32, #tpu.memory_space<vmem_shared>>
        tpu.wait_dma2 semaphore(%run_scoped3A : memref<!tpu.dma_semaphore, #tpu.memory_space<semaphore_mem>>) src(%arg11 : memref<80x128xf32, #tpu.memory_space<vmem>>) dst(%dma_wait3A_75 : memref<80x128xf32, #tpu.memory_space<vmem_shared>>)
        tpu.yield
      }) : () -> ()
    }
    %scan3A_6 = arith.constant 8 : i32
    %barrier3A = arith.constant 0 : index
    tpu.barrier barrier_id(%barrier3A)
    %mul3A_7 = arith.constant 10000 : i32
    %mul3A_8 = arith.muli %add3A, %mul3A_7 : i32
    %add3A_9 = arith.constant 0 : i32
    %add3A_10 = arith.addi %mul3A_8, %add3A_9 : i32
    "tpu.region"() ({
      %run_scoped3A = tpu.sem_alloc : memref<!tpu.dma_semaphore, #tpu.memory_space<semaphore_mem>>
      %dma_start3A_60 = tpu.memref_slice %arg3[%add3A_10] : memref<320000xi32, #tpu.memory_space<hbm>> -> memref<80xi32, #tpu.memory_space<hbm>>
      %dma_start3A_61 = tpu.memref_slice %arg3[%add3A_10] : memref<320000xi32, #tpu.memory_space<hbm>> -> memref<80xi32, #tpu.memory_space<hbm>>
      tpu.enqueue_dma source(%dma_start3A_61 : memref<80xi32, #tpu.memory_space<hbm>>) target(%arg7 : memref<80xi32, #tpu.memory_space<vmem>>) target_semaphore(%run_scoped3A : memref<!tpu.dma_semaphore, #tpu.memory_space<semaphore_mem>>)
      %dma_wait3A_62 = tpu.memref_slice %arg3[%add3A_10] : memref<320000xi32, #tpu.memory_space<hbm>> -> memref<80xi32, #tpu.memory_space<hbm>>
      %dma_wait3A_63 = tpu.memref_slice %arg3[%add3A_10] : memref<320000xi32, #tpu.memory_space<hbm>> -> memref<80xi32, #tpu.memory_space<hbm>>
      tpu.wait_dma2 semaphore(%run_scoped3A : memref<!tpu.dma_semaphore, #tpu.memory_space<semaphore_mem>>) src(%dma_wait3A_63 : memref<80xi32, #tpu.memory_space<hbm>>) dst(%arg7 : memref<80xi32, #tpu.memory_space<vmem>>)
      tpu.yield
    }) : () -> ()
    "tpu.region"() ({
      %run_scoped3A = tpu.sem_alloc : memref<!tpu.dma_semaphore, #tpu.memory_space<semaphore_mem>>
      %dma_start3A_60 = tpu.memref_slice %arg4[%add3A_10] : memref<320000xi32, #tpu.memory_space<hbm>> -> memref<80xi32, #tpu.memory_space<hbm>>
      %dma_start3A_61 = tpu.memref_slice %arg4[%add3A_10] : memref<320000xi32, #tpu.memory_space<hbm>> -> memref<80xi32, #tpu.memory_space<hbm>>
      tpu.enqueue_dma source(%dma_start3A_61 : memref<80xi32, #tpu.memory_space<hbm>>) target(%arg9 : memref<80xi32, #tpu.memory_space<vmem>>) target_semaphore(%run_scoped3A : memref<!tpu.dma_semaphore, #tpu.memory_space<semaphore_mem>>)
      %dma_wait3A_62 = tpu.memref_slice %arg4[%add3A_10] : memref<320000xi32, #tpu.memory_space<hbm>> -> memref<80xi32, #tpu.memory_space<hbm>>
      %dma_wait3A_63 = tpu.memref_slice %arg4[%add3A_10] : memref<320000xi32, #tpu.memory_space<hbm>> -> memref<80xi32, #tpu.memory_space<hbm>>
      tpu.wait_dma2 semaphore(%run_scoped3A : memref<!tpu.dma_semaphore, #tpu.memory_space<semaphore_mem>>) src(%dma_wait3A_63 : memref<80xi32, #tpu.memory_space<hbm>>) dst(%arg9 : memref<80xi32, #tpu.memory_space<vmem>>)
      tpu.yield
    }) : () -> ()
    %dma_start3A = arith.constant 0 : i32
    %dma_start3A_11 = arith.constant 0 : i32
    %dma_start3A_12 = tpu.memref_slice %arg2[%dma_start3A, %dma_start3A_11] : memref<10000x128xf32, #tpu.memory_space<hbm>> -> memref<10000x128xf32, #tpu.memory_space<hbm>>
    tpu.enqueue_indirect_dma source(%dma_start3A_12 : memref<10000x128xf32, #tpu.memory_space<hbm>>) target(%arg11 : memref<80x128xf32, #tpu.memory_space<vmem>>) offsets(%arg7 : memref<80xi32, #tpu.memory_space<vmem>>) semaphore(%arg14 : memref<!tpu.dma_semaphore, #tpu.memory_space<semaphore_mem>>)
    %add3A_13 = arith.constant 80 : i32
    %add3A_14 = arith.addi %mul3A_8, %add3A_13 : i32
    "tpu.region"() ({
      %run_scoped3A = tpu.sem_alloc : memref<!tpu.dma_semaphore, #tpu.memory_space<semaphore_mem>>
      %dma_start3A_60 = tpu.memref_slice %arg3[%add3A_14] : memref<320000xi32, #tpu.memory_space<hbm>> -> memref<80xi32, #tpu.memory_space<hbm>>
      %dma_start3A_61 = tpu.memref_slice %arg3[%add3A_14] : memref<320000xi32, #tpu.memory_space<hbm>> -> memref<80xi32, #tpu.memory_space<hbm>>
      tpu.enqueue_dma source(%dma_start3A_61 : memref<80xi32, #tpu.memory_space<hbm>>) target(%arg8 : memref<80xi32, #tpu.memory_space<vmem>>) target_semaphore(%run_scoped3A : memref<!tpu.dma_semaphore, #tpu.memory_space<semaphore_mem>>)
      %dma_wait3A_62 = tpu.memref_slice %arg3[%add3A_14] : memref<320000xi32, #tpu.memory_space<hbm>> -> memref<80xi32, #tpu.memory_space<hbm>>
      %dma_wait3A_63 = tpu.memref_slice %arg3[%add3A_14] : memref<320000xi32, #tpu.memory_space<hbm>> -> memref<80xi32, #tpu.memory_space<hbm>>
      tpu.wait_dma2 semaphore(%run_scoped3A : memref<!tpu.dma_semaphore, #tpu.memory_space<semaphore_mem>>) src(%dma_wait3A_63 : memref<80xi32, #tpu.memory_space<hbm>>) dst(%arg8 : memref<80xi32, #tpu.memory_space<vmem>>)
      tpu.yield
    }) : () -> ()
    "tpu.region"() ({
      %run_scoped3A = tpu.sem_alloc : memref<!tpu.dma_semaphore, #tpu.memory_space<semaphore_mem>>
      %dma_start3A_60 = tpu.memref_slice %arg4[%add3A_14] : memref<320000xi32, #tpu.memory_space<hbm>> -> memref<80xi32, #tpu.memory_space<hbm>>
      %dma_start3A_61 = tpu.memref_slice %arg4[%add3A_14] : memref<320000xi32, #tpu.memory_space<hbm>> -> memref<80xi32, #tpu.memory_space<hbm>>
      tpu.enqueue_dma source(%dma_start3A_61 : memref<80xi32, #tpu.memory_space<hbm>>) target(%arg10 : memref<80xi32, #tpu.memory_space<vmem>>) target_semaphore(%run_scoped3A : memref<!tpu.dma_semaphore, #tpu.memory_space<semaphore_mem>>)
      %dma_wait3A_62 = tpu.memref_slice %arg4[%add3A_14] : memref<320000xi32, #tpu.memory_space<hbm>> -> memref<80xi32, #tpu.memory_space<hbm>>
      %dma_wait3A_63 = tpu.memref_slice %arg4[%add3A_14] : memref<320000xi32, #tpu.memory_space<hbm>> -> memref<80xi32, #tpu.memory_space<hbm>>
      tpu.wait_dma2 semaphore(%run_scoped3A : memref<!tpu.dma_semaphore, #tpu.memory_space<semaphore_mem>>) src(%dma_wait3A_63 : memref<80xi32, #tpu.memory_space<hbm>>) dst(%arg10 : memref<80xi32, #tpu.memory_space<vmem>>)
      tpu.yield
    }) : () -> ()
    %dma_wait3A = arith.constant 0 : i32
    %dma_wait3A_15 = arith.constant 0 : i32
    %dma_wait3A_16 = tpu.memref_slice %arg2[%dma_wait3A, %dma_wait3A_15] : memref<10000x128xf32, #tpu.memory_space<hbm>> -> memref<10000x128xf32, #tpu.memory_space<hbm>>
    tpu.wait_indirect_dma semaphore(%arg14 : memref<!tpu.dma_semaphore, #tpu.memory_space<semaphore_mem>>) src(%dma_wait3A_16 : memref<10000x128xf32, #tpu.memory_space<hbm>>) dst(%arg11 : memref<80x128xf32, #tpu.memory_space<vmem>>)
    %dma_start3A_17 = arith.constant 0 : i32
    %dma_start3A_18 = arith.constant 0 : i32
    %dma_start3A_19 = tpu.memref_slice %arg13[%dma_start3A_17, %dma_start3A_18] : memref<10240x128xf32, #tpu.memory_space<vmem_shared>> -> memref<10240x128xf32, #tpu.memory_space<vmem_shared>>
    tpu.enqueue_indirect_dma source(%arg11 : memref<80x128xf32, #tpu.memory_space<vmem>>) target(%dma_start3A_19 : memref<10240x128xf32, #tpu.memory_space<vmem_shared>>) offsets(%arg9 : memref<80xi32, #tpu.memory_space<vmem>>) semaphore(%arg15 : memref<!tpu.dma_semaphore, #tpu.memory_space<semaphore_mem>>) {add = true}
    %dma_start3A_20 = arith.constant 0 : i32
    %dma_start3A_21 = arith.constant 0 : i32
    %dma_start3A_22 = tpu.memref_slice %arg2[%dma_start3A_20, %dma_start3A_21] : memref<10000x128xf32, #tpu.memory_space<hbm>> -> memref<10000x128xf32, #tpu.memory_space<hbm>>
    tpu.enqueue_indirect_dma source(%dma_start3A_22 : memref<10000x128xf32, #tpu.memory_space<hbm>>) target(%arg12 : memref<80x128xf32, #tpu.memory_space<vmem>>) offsets(%arg8 : memref<80xi32, #tpu.memory_space<vmem>>) semaphore(%arg14 : memref<!tpu.dma_semaphore, #tpu.memory_space<semaphore_mem>>)
    %dma_wait3A_23 = arith.constant 0 : i32
    %dma_wait3A_24 = arith.constant 0 : i32
    %dma_wait3A_25 = tpu.memref_slice %arg13[%dma_wait3A_23, %dma_wait3A_24] : memref<10240x128xf32, #tpu.memory_space<vmem_shared>> -> memref<10240x128xf32, #tpu.memory_space<vmem_shared>>
    tpu.wait_indirect_dma semaphore(%arg15 : memref<!tpu.dma_semaphore, #tpu.memory_space<semaphore_mem>>) src(%arg11 : memref<80x128xf32, #tpu.memory_space<vmem>>) dst(%dma_wait3A_25 : memref<10240x128xf32, #tpu.memory_space<vmem_shared>>)
    %add3A_26 = arith.constant 160 : i32
    %add3A_27 = arith.addi %mul3A_8, %add3A_26 : i32
    "tpu.region"() ({
      %run_scoped3A = tpu.sem_alloc : memref<!tpu.dma_semaphore, #tpu.memory_space<semaphore_mem>>
      %dma_start3A_60 = tpu.memref_slice %arg3[%add3A_27] : memref<320000xi32, #tpu.memory_space<hbm>> -> memref<80xi32, #tpu.memory_space<hbm>>
      %dma_start3A_61 = tpu.memref_slice %arg3[%add3A_27] : memref<320000xi32, #tpu.memory_space<hbm>> -> memref<80xi32, #tpu.memory_space<hbm>>
      tpu.enqueue_dma source(%dma_start3A_61 : memref<80xi32, #tpu.memory_space<hbm>>) target(%arg7 : memref<80xi32, #tpu.memory_space<vmem>>) target_semaphore(%run_scoped3A : memref<!tpu.dma_semaphore, #tpu.memory_space<semaphore_mem>>)
      %dma_wait3A_62 = tpu.memref_slice %arg3[%add3A_27] : memref<320000xi32, #tpu.memory_space<hbm>> -> memref<80xi32, #tpu.memory_space<hbm>>
      %dma_wait3A_63 = tpu.memref_slice %arg3[%add3A_27] : memref<320000xi32, #tpu.memory_space<hbm>> -> memref<80xi32, #tpu.memory_space<hbm>>
      tpu.wait_dma2 semaphore(%run_scoped3A : memref<!tpu.dma_semaphore, #tpu.memory_space<semaphore_mem>>) src(%dma_wait3A_63 : memref<80xi32, #tpu.memory_space<hbm>>) dst(%arg7 : memref<80xi32, #tpu.memory_space<vmem>>)
      tpu.yield
    }) : () -> ()
    "tpu.region"() ({
      %run_scoped3A = tpu.sem_alloc : memref<!tpu.dma_semaphore, #tpu.memory_space<semaphore_mem>>
      %dma_start3A_60 = tpu.memref_slice %arg4[%add3A_27] : memref<320000xi32, #tpu.memory_space<hbm>> -> memref<80xi32, #tpu.memory_space<hbm>>
      %dma_start3A_61 = tpu.memref_slice %arg4[%add3A_27] : memref<320000xi32, #tpu.memory_space<hbm>> -> memref<80xi32, #tpu.memory_space<hbm>>
      tpu.enqueue_dma source(%dma_start3A_61 : memref<80xi32, #tpu.memory_space<hbm>>) target(%arg9 : memref<80xi32, #tpu.memory_space<vmem>>) target_semaphore(%run_scoped3A : memref<!tpu.dma_semaphore, #tpu.memory_space<semaphore_mem>>)
      %dma_wait3A_62 = tpu.memref_slice %arg4[%add3A_27] : memref<320000xi32, #tpu.memory_space<hbm>> -> memref<80xi32, #tpu.memory_space<hbm>>
      %dma_wait3A_63 = tpu.memref_slice %arg4[%add3A_27] : memref<320000xi32, #tpu.memory_space<hbm>> -> memref<80xi32, #tpu.memory_space<hbm>>
      tpu.wait_dma2 semaphore(%run_scoped3A : memref<!tpu.dma_semaphore, #tpu.memory_space<semaphore_mem>>) src(%dma_wait3A_63 : memref<80xi32, #tpu.memory_space<hbm>>) dst(%arg9 : memref<80xi32, #tpu.memory_space<vmem>>)
      tpu.yield
    }) : () -> ()
    %dma_wait3A_28 = arith.constant 0 : i32
    %dma_wait3A_29 = arith.constant 0 : i32
    %dma_wait3A_30 = tpu.memref_slice %arg2[%dma_wait3A_28, %dma_wait3A_29] : memref<10000x128xf32, #tpu.memory_space<hbm>> -> memref<10000x128xf32, #tpu.memory_space<hbm>>
    tpu.wait_indirect_dma semaphore(%arg14 : memref<!tpu.dma_semaphore, #tpu.memory_space<semaphore_mem>>) src(%dma_wait3A_30 : memref<10000x128xf32, #tpu.memory_space<hbm>>) dst(%arg12 : memref<80x128xf32, #tpu.memory_space<vmem>>)
    %dma_start3A_31 = arith.constant 0 : i32
    %dma_start3A_32 = arith.constant 0 : i32
    %dma_start3A_33 = tpu.memref_slice %arg13[%dma_start3A_31, %dma_start3A_32] : memref<10240x128xf32, #tpu.memory_space<vmem_shared>> -> memref<10240x128xf32, #tpu.memory_space<vmem_shared>>
    tpu.enqueue_indirect_dma source(%arg12 : memref<80x128xf32, #tpu.memory_space<vmem>>) target(%dma_start3A_33 : memref<10240x128xf32, #tpu.memory_space<vmem_shared>>) offsets(%arg10 : memref<80xi32, #tpu.memory_space<vmem>>) semaphore(%arg15 : memref<!tpu.dma_semaphore, #tpu.memory_space<semaphore_mem>>) {add = true}
    %dma_start3A_34 = arith.constant 0 : i32
    %dma_start3A_35 = arith.constant 0 : i32
    %dma_start3A_36 = tpu.memref_slice %arg2[%dma_start3A_34, %dma_start3A_35] : memref<10000x128xf32, #tpu.memory_space<hbm>> -> memref<10000x128xf32, #tpu.memory_space<hbm>>
    tpu.enqueue_indirect_dma source(%dma_start3A_36 : memref<10000x128xf32, #tpu.memory_space<hbm>>) target(%arg11 : memref<80x128xf32, #tpu.memory_space<vmem>>) offsets(%arg7 : memref<80xi32, #tpu.memory_space<vmem>>) semaphore(%arg14 : memref<!tpu.dma_semaphore, #tpu.memory_space<semaphore_mem>>)
    %scan3A_37 = arith.constant 0 : i32
    %scan3A_38 = arith.constant 61 : i32
    %scan3A_39 = arith.addi %scan3A_37, %scan3A_38 : i32
    %scan3A_40 = arith.constant 1 : i32
    scf.for %scan3A_60 = %scan3A_37 to %scan3A_39 step %scan3A_40  : i32 {
      %mul3A_61 = arith.constant 1 : i32
      %mul3A_62 = arith.muli %scan3A_60, %mul3A_61 : i32
      %add3A_63 = arith.constant 0 : i32
      %add3A_64 = arith.addi %add3A_63, %mul3A_62 : i32
      %mul3A_65 = arith.constant 2 : i32
      %mul3A_66 = arith.muli %mul3A_65, %add3A_64 : i32
      %add3A_67 = arith.constant 3 : i32
      %add3A_68 = arith.addi %add3A_67, %mul3A_66 : i32
      %dma_wait3A_69 = arith.constant 0 : i32
      %dma_wait3A_70 = arith.constant 0 : i32
      %dma_wait3A_71 = tpu.memref_slice %arg13[%dma_wait3A_69, %dma_wait3A_70] : memref<10240x128xf32, #tpu.memory_space<vmem_shared>> -> memref<10240x128xf32, #tpu.memory_space<vmem_shared>>
      tpu.wait_indirect_dma semaphore(%arg15 : memref<!tpu.dma_semaphore, #tpu.memory_space<semaphore_mem>>) src(%arg12 : memref<80x128xf32, #tpu.memory_space<vmem>>) dst(%dma_wait3A_71 : memref<10240x128xf32, #tpu.memory_space<vmem_shared>>)
      %mul3A_72 = arith.constant 80 : i32
      %mul3A_73 = arith.muli %add3A_68, %mul3A_72 : i32
      %add3A_74 = arith.addi %mul3A_8, %mul3A_73 : i32
      "tpu.region"() ({
        %run_scoped3A = tpu.sem_alloc : memref<!tpu.dma_semaphore, #tpu.memory_space<semaphore_mem>>
        %dma_start3A_104 = tpu.memref_slice %arg3[%add3A_74] : memref<320000xi32, #tpu.memory_space<hbm>> -> memref<80xi32, #tpu.memory_space<hbm>>
        %dma_start3A_105 = tpu.memref_slice %arg3[%add3A_74] : memref<320000xi32, #tpu.memory_space<hbm>> -> memref<80xi32, #tpu.memory_space<hbm>>
        tpu.enqueue_dma source(%dma_start3A_105 : memref<80xi32, #tpu.memory_space<hbm>>) target(%arg8 : memref<80xi32, #tpu.memory_space<vmem>>) target_semaphore(%run_scoped3A : memref<!tpu.dma_semaphore, #tpu.memory_space<semaphore_mem>>)
        %dma_wait3A_106 = tpu.memref_slice %arg3[%add3A_74] : memref<320000xi32, #tpu.memory_space<hbm>> -> memref<80xi32, #tpu.memory_space<hbm>>
        %dma_wait3A_107 = tpu.memref_slice %arg3[%add3A_74] : memref<320000xi32, #tpu.memory_space<hbm>> -> memref<80xi32, #tpu.memory_space<hbm>>
        tpu.wait_dma2 semaphore(%run_scoped3A : memref<!tpu.dma_semaphore, #tpu.memory_space<semaphore_mem>>) src(%dma_wait3A_107 : memref<80xi32, #tpu.memory_space<hbm>>) dst(%arg8 : memref<80xi32, #tpu.memory_space<vmem>>)
        tpu.yield
      }) : () -> ()
      "tpu.region"() ({
        %run_scoped3A = tpu.sem_alloc : memref<!tpu.dma_semaphore, #tpu.memory_space<semaphore_mem>>
        %dma_start3A_104 = tpu.memref_slice %arg4[%add3A_74] : memref<320000xi32, #tpu.memory_space<hbm>> -> memref<80xi32, #tpu.memory_space<hbm>>
        %dma_start3A_105 = tpu.memref_slice %arg4[%add3A_74] : memref<320000xi32, #tpu.memory_space<hbm>> -> memref<80xi32, #tpu.memory_space<hbm>>
        tpu.enqueue_dma source(%dma_start3A_105 : memref<80xi32, #tpu.memory_space<hbm>>) target(%arg10 : memref<80xi32, #tpu.memory_space<vmem>>) target_semaphore(%run_scoped3A : memref<!tpu.dma_semaphore, #tpu.memory_space<semaphore_mem>>)
        %dma_wait3A_106 = tpu.memref_slice %arg4[%add3A_74] : memref<320000xi32, #tpu.memory_space<hbm>> -> memref<80xi32, #tpu.memory_space<hbm>>
        %dma_wait3A_107 = tpu.memref_slice %arg4[%add3A_74] : memref<320000xi32, #tpu.memory_space<hbm>> -> memref<80xi32, #tpu.memory_space<hbm>>
        tpu.wait_dma2 semaphore(%run_scoped3A : memref<!tpu.dma_semaphore, #tpu.memory_space<semaphore_mem>>) src(%dma_wait3A_107 : memref<80xi32, #tpu.memory_space<hbm>>) dst(%arg10 : memref<80xi32, #tpu.memory_space<vmem>>)
        tpu.yield
      }) : () -> ()
      %dma_wait3A_75 = arith.constant 0 : i32
      %dma_wait3A_76 = arith.constant 0 : i32
      %dma_wait3A_77 = tpu.memref_slice %arg2[%dma_wait3A_75, %dma_wait3A_76] : memref<10000x128xf32, #tpu.memory_space<hbm>> -> memref<10000x128xf32, #tpu.memory_space<hbm>>
      tpu.wait_indirect_dma semaphore(%arg14 : memref<!tpu.dma_semaphore, #tpu.memory_space<semaphore_mem>>) src(%dma_wait3A_77 : memref<10000x128xf32, #tpu.memory_space<hbm>>) dst(%arg11 : memref<80x128xf32, #tpu.memory_space<vmem>>)
      %sub3A = arith.constant 1 : i32
      %sub3A_78 = arith.subi %add3A_68, %sub3A : i32
      %dma_start3A_79 = arith.constant 0 : i32
      %dma_start3A_80 = arith.constant 0 : i32
      %dma_start3A_81 = tpu.memref_slice %arg13[%dma_start3A_79, %dma_start3A_80] : memref<10240x128xf32, #tpu.memory_space<vmem_shared>> -> memref<10240x128xf32, #tpu.memory_space<vmem_shared>>
      tpu.enqueue_indirect_dma source(%arg11 : memref<80x128xf32, #tpu.memory_space<vmem>>) target(%dma_start3A_81 : memref<10240x128xf32, #tpu.memory_space<vmem_shared>>) offsets(%arg9 : memref<80xi32, #tpu.memory_space<vmem>>) semaphore(%arg15 : memref<!tpu.dma_semaphore, #tpu.memory_space<semaphore_mem>>) {add = true}
      %dma_start3A_82 = arith.constant 0 : i32
      %dma_start3A_83 = arith.constant 0 : i32
      %dma_start3A_84 = tpu.memref_slice %arg2[%dma_start3A_82, %dma_start3A_83] : memref<10000x128xf32, #tpu.memory_space<hbm>> -> memref<10000x128xf32, #tpu.memory_space<hbm>>
      tpu.enqueue_indirect_dma source(%dma_start3A_84 : memref<10000x128xf32, #tpu.memory_space<hbm>>) target(%arg12 : memref<80x128xf32, #tpu.memory_space<vmem>>) offsets(%arg8 : memref<80xi32, #tpu.memory_space<vmem>>) semaphore(%arg14 : memref<!tpu.dma_semaphore, #tpu.memory_space<semaphore_mem>>)
      %add3A_85 = arith.constant 1 : i32
      %add3A_86 = arith.addi %add3A_68, %add3A_85 : i32
      %dma_wait3A_87 = arith.constant 0 : i32
      %dma_wait3A_88 = arith.constant 0 : i32
      %dma_wait3A_89 = tpu.memref_slice %arg13[%dma_wait3A_87, %dma_wait3A_88] : memref<10240x128xf32, #tpu.memory_space<vmem_shared>> -> memref<10240x128xf32, #tpu.memory_space<vmem_shared>>
      tpu.wait_indirect_dma semaphore(%arg15 : memref<!tpu.dma_semaphore, #tpu.memory_space<semaphore_mem>>) src(%arg11 : memref<80x128xf32, #tpu.memory_space<vmem>>) dst(%dma_wait3A_89 : memref<10240x128xf32, #tpu.memory_space<vmem_shared>>)
      %mul3A_90 = arith.constant 80 : i32
      %mul3A_91 = arith.muli %add3A_86, %mul3A_90 : i32
      %add3A_92 = arith.addi %mul3A_8, %mul3A_91 : i32
      "tpu.region"() ({
        %run_scoped3A = tpu.sem_alloc : memref<!tpu.dma_semaphore, #tpu.memory_space<semaphore_mem>>
        %dma_start3A_104 = tpu.memref_slice %arg3[%add3A_92] : memref<320000xi32, #tpu.memory_space<hbm>> -> memref<80xi32, #tpu.memory_space<hbm>>
        %dma_start3A_105 = tpu.memref_slice %arg3[%add3A_92] : memref<320000xi32, #tpu.memory_space<hbm>> -> memref<80xi32, #tpu.memory_space<hbm>>
        tpu.enqueue_dma source(%dma_start3A_105 : memref<80xi32, #tpu.memory_space<hbm>>) target(%arg7 : memref<80xi32, #tpu.memory_space<vmem>>) target_semaphore(%run_scoped3A : memref<!tpu.dma_semaphore, #tpu.memory_space<semaphore_mem>>)
        %dma_wait3A_106 = tpu.memref_slice %arg3[%add3A_92] : memref<320000xi32, #tpu.memory_space<hbm>> -> memref<80xi32, #tpu.memory_space<hbm>>
        %dma_wait3A_107 = tpu.memref_slice %arg3[%add3A_92] : memref<320000xi32, #tpu.memory_space<hbm>> -> memref<80xi32, #tpu.memory_space<hbm>>
        tpu.wait_dma2 semaphore(%run_scoped3A : memref<!tpu.dma_semaphore, #tpu.memory_space<semaphore_mem>>) src(%dma_wait3A_107 : memref<80xi32, #tpu.memory_space<hbm>>) dst(%arg7 : memref<80xi32, #tpu.memory_space<vmem>>)
        tpu.yield
      }) : () -> ()
      "tpu.region"() ({
        %run_scoped3A = tpu.sem_alloc : memref<!tpu.dma_semaphore, #tpu.memory_space<semaphore_mem>>
        %dma_start3A_104 = tpu.memref_slice %arg4[%add3A_92] : memref<320000xi32, #tpu.memory_space<hbm>> -> memref<80xi32, #tpu.memory_space<hbm>>
        %dma_start3A_105 = tpu.memref_slice %arg4[%add3A_92] : memref<320000xi32, #tpu.memory_space<hbm>> -> memref<80xi32, #tpu.memory_space<hbm>>
        tpu.enqueue_dma source(%dma_start3A_105 : memref<80xi32, #tpu.memory_space<hbm>>) target(%arg9 : memref<80xi32, #tpu.memory_space<vmem>>) target_semaphore(%run_scoped3A : memref<!tpu.dma_semaphore, #tpu.memory_space<semaphore_mem>>)
        %dma_wait3A_106 = tpu.memref_slice %arg4[%add3A_92] : memref<320000xi32, #tpu.memory_space<hbm>> -> memref<80xi32, #tpu.memory_space<hbm>>
        %dma_wait3A_107 = tpu.memref_slice %arg4[%add3A_92] : memref<320000xi32, #tpu.memory_space<hbm>> -> memref<80xi32, #tpu.memory_space<hbm>>
        tpu.wait_dma2 semaphore(%run_scoped3A : memref<!tpu.dma_semaphore, #tpu.memory_space<semaphore_mem>>) src(%dma_wait3A_107 : memref<80xi32, #tpu.memory_space<hbm>>) dst(%arg9 : memref<80xi32, #tpu.memory_space<vmem>>)
        tpu.yield
      }) : () -> ()
      %dma_wait3A_93 = arith.constant 0 : i32
      %dma_wait3A_94 = arith.constant 0 : i32
      %dma_wait3A_95 = tpu.memref_slice %arg2[%dma_wait3A_93, %dma_wait3A_94] : memref<10000x128xf32, #tpu.memory_space<hbm>> -> memref<10000x128xf32, #tpu.memory_space<hbm>>
      tpu.wait_indirect_dma semaphore(%arg14 : memref<!tpu.dma_semaphore, #tpu.memory_space<semaphore_mem>>) src(%dma_wait3A_95 : memref<10000x128xf32, #tpu.memory_space<hbm>>) dst(%arg12 : memref<80x128xf32, #tpu.memory_space<vmem>>)
      %sub3A_96 = arith.constant 1 : i32
      %sub3A_97 = arith.subi %add3A_86, %sub3A_96 : i32
      %dma_start3A_98 = arith.constant 0 : i32
      %dma_start3A_99 = arith.constant 0 : i32
      %dma_start3A_100 = tpu.memref_slice %arg13[%dma_start3A_98, %dma_start3A_99] : memref<10240x128xf32, #tpu.memory_space<vmem_shared>> -> memref<10240x128xf32, #tpu.memory_space<vmem_shared>>
      tpu.enqueue_indirect_dma source(%arg12 : memref<80x128xf32, #tpu.memory_space<vmem>>) target(%dma_start3A_100 : memref<10240x128xf32, #tpu.memory_space<vmem_shared>>) offsets(%arg10 : memref<80xi32, #tpu.memory_space<vmem>>) semaphore(%arg15 : memref<!tpu.dma_semaphore, #tpu.memory_space<semaphore_mem>>) {add = true}
      %dma_start3A_101 = arith.constant 0 : i32
      %dma_start3A_102 = arith.constant 0 : i32
      %dma_start3A_103 = tpu.memref_slice %arg2[%dma_start3A_101, %dma_start3A_102] : memref<10000x128xf32, #tpu.memory_space<hbm>> -> memref<10000x128xf32, #tpu.memory_space<hbm>>
      tpu.enqueue_indirect_dma source(%dma_start3A_103 : memref<10000x128xf32, #tpu.memory_space<hbm>>) target(%arg11 : memref<80x128xf32, #tpu.memory_space<vmem>>) offsets(%arg7 : memref<80xi32, #tpu.memory_space<vmem>>) semaphore(%arg14 : memref<!tpu.dma_semaphore, #tpu.memory_space<semaphore_mem>>)
    }
    %scan3A_41 = arith.constant 61 : i32
    %dma_wait3A_42 = arith.constant 0 : i32
    %dma_wait3A_43 = arith.constant 0 : i32
    %dma_wait3A_44 = tpu.memref_slice %arg13[%dma_wait3A_42, %dma_wait3A_43] : memref<10240x128xf32, #tpu.memory_space<vmem_shared>> -> memref<10240x128xf32, #tpu.memory_space<vmem_shared>>
    tpu.wait_indirect_dma semaphore(%arg15 : memref<!tpu.dma_semaphore, #tpu.memory_space<semaphore_mem>>) src(%arg12 : memref<80x128xf32, #tpu.memory_space<vmem>>) dst(%dma_wait3A_44 : memref<10240x128xf32, #tpu.memory_space<vmem_shared>>)
    %dma_wait3A_45 = arith.constant 0 : i32
    %dma_wait3A_46 = arith.constant 0 : i32
    %dma_wait3A_47 = tpu.memref_slice %arg2[%dma_wait3A_45, %dma_wait3A_46] : memref<10000x128xf32, #tpu.memory_space<hbm>> -> memref<10000x128xf32, #tpu.memory_space<hbm>>
    tpu.wait_indirect_dma semaphore(%arg14 : memref<!tpu.dma_semaphore, #tpu.memory_space<semaphore_mem>>) src(%dma_wait3A_47 : memref<10000x128xf32, #tpu.memory_space<hbm>>) dst(%arg11 : memref<80x128xf32, #tpu.memory_space<vmem>>)
    %dma_start3A_48 = arith.constant 0 : i32
    %dma_start3A_49 = arith.constant 0 : i32
    %dma_start3A_50 = tpu.memref_slice %arg13[%dma_start3A_48, %dma_start3A_49] : memref<10240x128xf32, #tpu.memory_space<vmem_shared>> -> memref<10240x128xf32, #tpu.memory_space<vmem_shared>>
    tpu.enqueue_indirect_dma source(%arg11 : memref<80x128xf32, #tpu.memory_space<vmem>>) target(%dma_start3A_50 : memref<10240x128xf32, #tpu.memory_space<vmem_shared>>) offsets(%arg9 : memref<80xi32, #tpu.memory_space<vmem>>) semaphore(%arg15 : memref<!tpu.dma_semaphore, #tpu.memory_space<semaphore_mem>>) {add = true}
    %dma_wait3A_51 = arith.constant 0 : i32
    %dma_wait3A_52 = arith.constant 0 : i32
    %dma_wait3A_53 = tpu.memref_slice %arg13[%dma_wait3A_51, %dma_wait3A_52] : memref<10240x128xf32, #tpu.memory_space<vmem_shared>> -> memref<10240x128xf32, #tpu.memory_space<vmem_shared>>
    tpu.wait_indirect_dma semaphore(%arg15 : memref<!tpu.dma_semaphore, #tpu.memory_space<semaphore_mem>>) src(%arg11 : memref<80x128xf32, #tpu.memory_space<vmem>>) dst(%dma_wait3A_53 : memref<10240x128xf32, #tpu.memory_space<vmem_shared>>)
    %barrier3A_54 = arith.constant 0 : index
    tpu.barrier barrier_id(%barrier3A_54)
    %scan3A_55 = arith.constant 0 : i32
    %scan3A_56 = arith.constant 8 : i32
    %scan3A_57 = arith.addi %scan3A_55, %scan3A_56 : i32
    %scan3A_58 = arith.constant 1 : i32
    scf.for %scan3A_60 = %scan3A_55 to %scan3A_57 step %scan3A_58  : i32 {
      %mul3A_61 = arith.constant 1 : i32
      %mul3A_62 = arith.muli %scan3A_60, %mul3A_61 : i32
      %add3A_63 = arith.constant 0 : i32
      %add3A_64 = arith.addi %add3A_63, %mul3A_62 : i32
      %mul3A_65 = arith.constant 80 : i32
      %mul3A_66 = arith.muli %add3A_64, %mul3A_65 : i32
      %add3A_67 = arith.addi %mul3A_2, %mul3A_66 : i32
      "tpu.region"() ({
        %run_scoped3A = tpu.sem_alloc : memref<!tpu.dma_semaphore, #tpu.memory_space<semaphore_mem>>
        %dma_start3A_68 = arith.constant 0 : i32
        %dma_start3A_69 = tpu.memref_slice %arg13[%add3A_67, %dma_start3A_68] : memref<10240x128xf32, #tpu.memory_space<vmem_shared>> -> memref<80x128xf32, #tpu.memory_space<vmem_shared>>
        %dma_start3A_70 = arith.constant 0 : i32
        %dma_start3A_71 = tpu.memref_slice %arg13[%add3A_67, %dma_start3A_70] : memref<10240x128xf32, #tpu.memory_space<vmem_shared>> -> memref<80x128xf32, #tpu.memory_space<vmem_shared>>
        tpu.enqueue_dma source(%dma_start3A_71 : memref<80x128xf32, #tpu.memory_space<vmem_shared>>) target(%arg11 : memref<80x128xf32, #tpu.memory_space<vmem>>) target_semaphore(%run_scoped3A : memref<!tpu.dma_semaphore, #tpu.memory_space<semaphore_mem>>)
        %dma_wait3A_72 = arith.constant 0 : i32
        %dma_wait3A_73 = tpu.memref_slice %arg13[%add3A_67, %dma_wait3A_72] : memref<10240x128xf32, #tpu.memory_space<vmem_shared>> -> memref<80x128xf32, #tpu.memory_space<vmem_shared>>
        %dma_wait3A_74 = arith.constant 0 : i32
        %dma_wait3A_75 = tpu.memref_slice %arg13[%add3A_67, %dma_wait3A_74] : memref<10240x128xf32, #tpu.memory_space<vmem_shared>> -> memref<80x128xf32, #tpu.memory_space<vmem_shared>>
        tpu.wait_dma2 semaphore(%run_scoped3A : memref<!tpu.dma_semaphore, #tpu.memory_space<semaphore_mem>>) src(%dma_wait3A_75 : memref<80x128xf32, #tpu.memory_space<vmem_shared>>) dst(%arg11 : memref<80x128xf32, #tpu.memory_space<vmem>>)
        tpu.yield
      }) : () -> ()
      "tpu.region"() ({
        %run_scoped3A = tpu.sem_alloc : memref<!tpu.dma_semaphore, #tpu.memory_space<semaphore_mem>>
        %dma_start3A_68 = arith.constant 0 : i32
        %dma_start3A_69 = tpu.memref_slice %arg6[%arg0, %add3A_67, %dma_start3A_68] : memref<2x10240x128xf32, #tpu.memory_space<hbm>> -> memref<1x80x128xf32, #tpu.memory_space<hbm>>
        %dma_start3A_70 = tpu.memref_squeeze %dma_start3A_69 : memref<1x80x128xf32, #tpu.memory_space<hbm>> -> memref<80x128xf32, #tpu.memory_space<hbm>>
        %dma_start3A_71 = arith.constant 0 : i32
        %dma_start3A_72 = tpu.memref_slice %arg6[%arg0, %add3A_67, %dma_start3A_71] : memref<2x10240x128xf32, #tpu.memory_space<hbm>> -> memref<1x80x128xf32, #tpu.memory_space<hbm>>
        %dma_start3A_73 = tpu.memref_squeeze %dma_start3A_72 : memref<1x80x128xf32, #tpu.memory_space<hbm>> -> memref<80x128xf32, #tpu.memory_space<hbm>>
        tpu.enqueue_dma source(%arg11 : memref<80x128xf32, #tpu.memory_space<vmem>>) target(%dma_start3A_73 : memref<80x128xf32, #tpu.memory_space<hbm>>) target_semaphore(%run_scoped3A : memref<!tpu.dma_semaphore, #tpu.memory_space<semaphore_mem>>)
        %dma_wait3A_74 = arith.constant 0 : i32
        %dma_wait3A_75 = tpu.memref_slice %arg6[%arg0, %add3A_67, %dma_wait3A_74] : memref<2x10240x128xf32, #tpu.memory_space<hbm>> -> memref<1x80x128xf32, #tpu.memory_space<hbm>>
        %dma_wait3A_76 = tpu.memref_squeeze %dma_wait3A_75 : memref<1x80x128xf32, #tpu.memory_space<hbm>> -> memref<80x128xf32, #tpu.memory_space<hbm>>
        %dma_wait3A_77 = arith.constant 0 : i32
        %dma_wait3A_78 = tpu.memref_slice %arg6[%arg0, %add3A_67, %dma_wait3A_77] : memref<2x10240x128xf32, #tpu.memory_space<hbm>> -> memref<1x80x128xf32, #tpu.memory_space<hbm>>
        %dma_wait3A_79 = tpu.memref_squeeze %dma_wait3A_78 : memref<1x80x128xf32, #tpu.memory_space<hbm>> -> memref<80x128xf32, #tpu.memory_space<hbm>>
        tpu.wait_dma2 semaphore(%run_scoped3A : memref<!tpu.dma_semaphore, #tpu.memory_space<semaphore_mem>>) src(%arg11 : memref<80x128xf32, #tpu.memory_space<vmem>>) dst(%dma_wait3A_79 : memref<80x128xf32, #tpu.memory_space<hbm>>)
        tpu.yield
      }) : () -> ()
    }
    %scan3A_59 = arith.constant 8 : i32
    return
  }
}

module attributes {stable_mosaic.version = 14 : i64} {
  func.func @body(%arg0: i32, %arg1: memref<2x400x128xf32, #tpu.memory_space<vmem>>, %arg2: memref<2x400x128xf32, #tpu.memory_space<vmem>>, %arg3: memref<400x128xf32, #tpu.memory_space<vmem>>, %arg4: memref<128x128xf32, #tpu.memory_space<vmem>>, %arg5: memref<1x128xf32, #tpu.memory_space<vmem>>, %arg6: memref<128x128xf32, #tpu.memory_space<vmem>>, %arg7: memref<128x128xf32, #tpu.memory_space<vmem>>, %arg8: memref<1x1xf32, #tpu.memory_space<smem>>, %arg9: memref<400x128xf32, #tpu.memory_space<vmem>>) attributes {dimension_semantics = [#tpu.dimension_semantics<arbitrary>], iteration_bounds = array<i64: 25>, scalar_prefetch = 0 : i64, scratch_operands = 0 : i64, tpu.core_type = #tpu.core_type<tc>, window_params = [{transform_indices = @transform_0, window_bounds = array<i64: 2, 400, 128>}, {transform_indices = @transform_1, window_bounds = array<i64: 2, 400, 128>}, {transform_indices = @transform_2, window_bounds = array<i64: 400, 128>}, {pipeline_mode = #tpu.pipeline_mode<synchronous>, transform_indices = @transform_3, window_bounds = array<i64: 128, 128>}, {pipeline_mode = #tpu.pipeline_mode<synchronous>, transform_indices = @transform_4, window_bounds = array<i64: 1, 128>}, {pipeline_mode = #tpu.pipeline_mode<synchronous>, transform_indices = @transform_5, window_bounds = array<i64: 128, 128>}, {pipeline_mode = #tpu.pipeline_mode<synchronous>, transform_indices = @transform_6, window_bounds = array<i64: 128, 128>}, {transform_indices = @transform_7, window_bounds = array<i64: 1, 1>}, {transform_indices = @transform_8, window_bounds = array<i64: 400, 128>}]} {
    %get3A = arith.constant 0 : index
    %get3A_0 = arith.constant 0 : index
    %get3A_1 = arith.constant 0 : index
    %get3A_2 = vector.load %arg2[%get3A, %get3A_0, %get3A_1] : memref<2x400x128xf32, #tpu.memory_space<vmem>>, vector<1x400x1xf32>
    %get3A_3 = vector.shape_cast %get3A_2 : vector<1x400x1xf32> to vector<400x1xf32>
    %get3A_4 = arith.constant 1 : index
    %get3A_5 = arith.constant 0 : index
    %get3A_6 = arith.constant 0 : index
    %get3A_7 = vector.load %arg2[%get3A_4, %get3A_5, %get3A_6] : memref<2x400x128xf32, #tpu.memory_space<vmem>>, vector<1x400x1xf32>
    %get3A_8 = vector.shape_cast %get3A_7 : vector<1x400x1xf32> to vector<400x1xf32>
    %add3A = arith.addf %get3A_3, %get3A_8 : vector<400x1xf32>
    %max3A = arith.constant 1.000000e+00 : f32
    %max3A_9 = vector.broadcast %max3A : f32 to vector<400x1xf32>
    %max3A_10 = arith.maximumf %add3A, %max3A_9 : vector<400x1xf32>
    %div3A = arith.constant 1.000000e+00 : f32
    %div3A_11 = vector.broadcast %div3A : f32 to vector<400x1xf32>
    %div3A_12 = arith.divf %div3A_11, %max3A_10 : vector<400x1xf32>
    %get3A_13 = arith.constant 0 : index
    %get3A_14 = arith.constant 0 : index
    %get3A_15 = arith.constant 0 : index
    %get3A_16 = vector.load %arg1[%get3A_13, %get3A_14, %get3A_15] : memref<2x400x128xf32, #tpu.memory_space<vmem>>, vector<1x400x128xf32>
    %get3A_17 = vector.shape_cast %get3A_16 : vector<1x400x128xf32> to vector<400x128xf32>
    %get3A_18 = arith.constant 1 : index
    %get3A_19 = arith.constant 0 : index
    %get3A_20 = arith.constant 0 : index
    %get3A_21 = vector.load %arg1[%get3A_18, %get3A_19, %get3A_20] : memref<2x400x128xf32, #tpu.memory_space<vmem>>, vector<1x400x128xf32>
    %get3A_22 = vector.shape_cast %get3A_21 : vector<1x400x128xf32> to vector<400x128xf32>
    %add3A_23 = arith.addf %get3A_17, %get3A_22 : vector<400x128xf32>
    %mul3A = vector.broadcast %div3A_12 : vector<400x1xf32> to vector<400x128xf32>
    %mul3A_24 = arith.mulf %add3A_23, %mul3A : vector<400x128xf32>
    %get3A_25 = arith.constant 0 : index
    %get3A_26 = arith.constant 0 : index
    %get3A_27 = vector.load %arg3[%get3A_25, %get3A_26] : memref<400x128xf32, #tpu.memory_space<vmem>>, vector<400x128xf32>
    %get3A_28 = arith.constant 0 : index
    %get3A_29 = arith.constant 0 : index
    %get3A_30 = vector.load %arg4[%get3A_28, %get3A_29] : memref<128x128xf32, #tpu.memory_space<vmem>>, vector<128x128xf32>
    %dot_general3A = arith.constant dense<0.000000e+00> : vector<400x128xf32>
    %dot_general3A_31 = tpu.matmul %mul3A_24, %get3A_30, %dot_general3A {dimension_numbers = #tpu.dot_dimension_numbers<[1], [1], [0], [0], [0, 0, 1, 0], [], []>, precision = #tpu.contract_precision<fp32>, transpose_lhs_hint = false} : vector<400x128xf32>, vector<128x128xf32>, vector<400x128xf32> -> vector<400x128xf32>
    %get3A_32 = arith.constant 0 : index
    %get3A_33 = arith.constant 0 : index
    %get3A_34 = vector.load %arg5[%get3A_32, %get3A_33] : memref<1x128xf32, #tpu.memory_space<vmem>>, vector<1x128xf32>
    %add3A_35 = vector.broadcast %get3A_34 : vector<1x128xf32> to vector<400x128xf32>
    %add3A_36 = arith.addf %dot_general3A_31, %add3A_35 : vector<400x128xf32>
    %get3A_37 = arith.constant 0 : index
    %get3A_38 = arith.constant 0 : index
    %get3A_39 = vector.load %arg6[%get3A_37, %get3A_38] : memref<128x128xf32, #tpu.memory_space<vmem>>, vector<128x128xf32>
    %dot_general3A_40 = arith.constant dense<0.000000e+00> : vector<400x128xf32>
    %dot_general3A_41 = tpu.matmul %get3A_27, %get3A_39, %dot_general3A_40 {dimension_numbers = #tpu.dot_dimension_numbers<[1], [1], [0], [0], [0, 0, 1, 0], [], []>, precision = #tpu.contract_precision<fp32>, transpose_lhs_hint = false} : vector<400x128xf32>, vector<128x128xf32>, vector<400x128xf32> -> vector<400x128xf32>
    %add3A_42 = arith.addf %add3A_36, %dot_general3A_41 : vector<400x128xf32>
    %get3A_43 = arith.constant 0 : index
    %get3A_44 = arith.constant 0 : index
    %get3A_45 = memref.load %arg8[%get3A_43, %get3A_44] : memref<1x1xf32, #tpu.memory_space<smem>>
    %ge3A = arith.constant 0.000000e+00 : f32
    %ge3A_46 = vector.broadcast %ge3A : f32 to vector<400x128xf32>
    %ge3A_47 = arith.cmpf oge, %add3A_42, %ge3A_46 : vector<400x128xf32>
    %mul3A_48 = vector.broadcast %get3A_45 : f32 to vector<400x128xf32>
    %mul3A_49 = arith.mulf %mul3A_48, %add3A_42 : vector<400x128xf32>
    %select_n3A = arith.select %ge3A_47, %add3A_42, %mul3A_49 : vector<400x128xi1>, vector<400x128xf32>
    %get3A_50 = arith.constant 0 : index
    %get3A_51 = arith.constant 0 : index
    %get3A_52 = vector.load %arg7[%get3A_50, %get3A_51] : memref<128x128xf32, #tpu.memory_space<vmem>>, vector<128x128xf32>
    %dot_general3A_53 = arith.constant dense<0.000000e+00> : vector<400x128xf32>
    %dot_general3A_54 = tpu.matmul %get3A_27, %get3A_52, %dot_general3A_53 {dimension_numbers = #tpu.dot_dimension_numbers<[1], [1], [0], [0], [0, 0, 1, 0], [], []>, precision = #tpu.contract_precision<fp32>, transpose_lhs_hint = false} : vector<400x128xf32>, vector<128x128xf32>, vector<400x128xf32> -> vector<400x128xf32>
    %add3A_55 = arith.addf %select_n3A, %dot_general3A_54 : vector<400x128xf32>
    %swap3A = arith.constant 0 : index
    %swap3A_56 = arith.constant 0 : index
    %swap3A_57 = vector.load %arg9[%swap3A, %swap3A_56] : memref<400x128xf32, #tpu.memory_space<vmem>>, vector<400x128xf32>
    tpu.vector_store %arg9[%swap3A, %swap3A_56], %add3A_55 {strides = array<i32>} : memref<400x128xf32, #tpu.memory_space<vmem>>, vector<400x128xf32>,
    return
  }
  func.func @transform_0(%arg0: i32) -> (i32, i32, i32) {
    %c0_i32 = arith.constant 0 : i32
    %c0_i32_0 = arith.constant 0 : i32
    %c0_i32_1 = arith.constant 0 : i32
    return %c0_i32, %arg0, %c0_i32_0 : i32, i32, i32
  }
  func.func @transform_1(%arg0: i32) -> (i32, i32, i32) {
    %c0_i32 = arith.constant 0 : i32
    %c0_i32_0 = arith.constant 0 : i32
    %c0_i32_1 = arith.constant 0 : i32
    return %c0_i32, %arg0, %c0_i32_0 : i32, i32, i32
  }
  func.func @transform_2(%arg0: i32) -> (i32, i32) {
    %c0_i32 = arith.constant 0 : i32
    %c0_i32_0 = arith.constant 0 : i32
    return %arg0, %c0_i32 : i32, i32
  }
  func.func @transform_3(%arg0: i32) -> (i32, i32) {
    %c0_i32 = arith.constant 0 : i32
    %c0_i32_0 = arith.constant 0 : i32
    %c0_i32_1 = arith.constant 0 : i32
    return %c0_i32, %c0_i32_0 : i32, i32
  }
  func.func @transform_4(%arg0: i32) -> (i32, i32) {
    %c0_i32 = arith.constant 0 : i32
    %c0_i32_0 = arith.constant 0 : i32
    %c0_i32_1 = arith.constant 0 : i32
    return %c0_i32, %c0_i32_0 : i32, i32
  }
  func.func @transform_5(%arg0: i32) -> (i32, i32) {
    %c0_i32 = arith.constant 0 : i32
    %c0_i32_0 = arith.constant 0 : i32
    %c0_i32_1 = arith.constant 0 : i32
    return %c0_i32, %c0_i32_0 : i32, i32
  }
  func.func @transform_6(%arg0: i32) -> (i32, i32) {
    %c0_i32 = arith.constant 0 : i32
    %c0_i32_0 = arith.constant 0 : i32
    %c0_i32_1 = arith.constant 0 : i32
    return %c0_i32, %c0_i32_0 : i32, i32
  }
  func.func @transform_7(%arg0: i32) -> (i32, i32) {
    %c0_i32 = arith.constant 0 : i32
    %c0_i32_0 = arith.constant 0 : i32
    %c0_i32_1 = arith.constant 0 : i32
    return %c0_i32, %c0_i32_0 : i32, i32
  }
  func.func @transform_8(%arg0: i32) -> (i32, i32) {
    %c0_i32 = arith.constant 0 : i32
    %c0_i32_0 = arith.constant 0 : i32
    return %arg0, %c0_i32 : i32, i32
  }
}

module attributes {stable_mosaic.version = 14 : i64} {
  func.func @body(%arg0: i32, %arg1: memref<2x400x128xf32, #tpu.memory_space<vmem>>, %arg2: memref<2x400x128xf32, #tpu.memory_space<vmem>>, %arg3: memref<400x128xf32, #tpu.memory_space<vmem>>, %arg4: memref<128x128xf32, #tpu.memory_space<vmem>>, %arg5: memref<1x128xf32, #tpu.memory_space<vmem>>, %arg6: memref<128x128xf32, #tpu.memory_space<vmem>>, %arg7: memref<1x1xf32, #tpu.memory_space<smem>>, %arg8: memref<400x128xf32, #tpu.memory_space<vmem>>) attributes {dimension_semantics = [#tpu.dimension_semantics<arbitrary>], iteration_bounds = array<i64: 25>, scalar_prefetch = 0 : i64, scratch_operands = 0 : i64, tpu.core_type = #tpu.core_type<tc>, window_params = [{transform_indices = @transform_0, window_bounds = array<i64: 2, 400, 128>}, {transform_indices = @transform_1, window_bounds = array<i64: 2, 400, 128>}, {transform_indices = @transform_2, window_bounds = array<i64: 400, 128>}, {pipeline_mode = #tpu.pipeline_mode<synchronous>, transform_indices = @transform_3, window_bounds = array<i64: 128, 128>}, {pipeline_mode = #tpu.pipeline_mode<synchronous>, transform_indices = @transform_4, window_bounds = array<i64: 1, 128>}, {pipeline_mode = #tpu.pipeline_mode<synchronous>, transform_indices = @transform_5, window_bounds = array<i64: 128, 128>}, {transform_indices = @transform_6, window_bounds = array<i64: 1, 1>}, {transform_indices = @transform_7, window_bounds = array<i64: 400, 128>}]} {
    %get3A = arith.constant 0 : index
    %get3A_0 = arith.constant 0 : index
    %get3A_1 = arith.constant 0 : index
    %get3A_2 = vector.load %arg2[%get3A, %get3A_0, %get3A_1] : memref<2x400x128xf32, #tpu.memory_space<vmem>>, vector<1x400x1xf32>
    %get3A_3 = vector.shape_cast %get3A_2 : vector<1x400x1xf32> to vector<400x1xf32>
    %get3A_4 = arith.constant 1 : index
    %get3A_5 = arith.constant 0 : index
    %get3A_6 = arith.constant 0 : index
    %get3A_7 = vector.load %arg2[%get3A_4, %get3A_5, %get3A_6] : memref<2x400x128xf32, #tpu.memory_space<vmem>>, vector<1x400x1xf32>
    %get3A_8 = vector.shape_cast %get3A_7 : vector<1x400x1xf32> to vector<400x1xf32>
    %add3A = arith.addf %get3A_3, %get3A_8 : vector<400x1xf32>
    %max3A = arith.constant 1.000000e+00 : f32
    %max3A_9 = vector.broadcast %max3A : f32 to vector<400x1xf32>
    %max3A_10 = arith.maximumf %add3A, %max3A_9 : vector<400x1xf32>
    %div3A = arith.constant 1.000000e+00 : f32
    %div3A_11 = vector.broadcast %div3A : f32 to vector<400x1xf32>
    %div3A_12 = arith.divf %div3A_11, %max3A_10 : vector<400x1xf32>
    %get3A_13 = arith.constant 0 : index
    %get3A_14 = arith.constant 0 : index
    %get3A_15 = arith.constant 0 : index
    %get3A_16 = vector.load %arg1[%get3A_13, %get3A_14, %get3A_15] : memref<2x400x128xf32, #tpu.memory_space<vmem>>, vector<1x400x128xf32>
    %get3A_17 = vector.shape_cast %get3A_16 : vector<1x400x128xf32> to vector<400x128xf32>
    %get3A_18 = arith.constant 1 : index
    %get3A_19 = arith.constant 0 : index
    %get3A_20 = arith.constant 0 : index
    %get3A_21 = vector.load %arg1[%get3A_18, %get3A_19, %get3A_20] : memref<2x400x128xf32, #tpu.memory_space<vmem>>, vector<1x400x128xf32>
    %get3A_22 = vector.shape_cast %get3A_21 : vector<1x400x128xf32> to vector<400x128xf32>
    %add3A_23 = arith.addf %get3A_17, %get3A_22 : vector<400x128xf32>
    %mul3A = vector.broadcast %div3A_12 : vector<400x1xf32> to vector<400x128xf32>
    %mul3A_24 = arith.mulf %add3A_23, %mul3A : vector<400x128xf32>
    %get3A_25 = arith.constant 0 : index
    %get3A_26 = arith.constant 0 : index
    %get3A_27 = vector.load %arg3[%get3A_25, %get3A_26] : memref<400x128xf32, #tpu.memory_space<vmem>>, vector<400x128xf32>
    %get3A_28 = arith.constant 0 : index
    %get3A_29 = arith.constant 0 : index
    %get3A_30 = vector.load %arg4[%get3A_28, %get3A_29] : memref<128x128xf32, #tpu.memory_space<vmem>>, vector<128x128xf32>
    %dot_general3A = arith.constant dense<0.000000e+00> : vector<400x128xf32>
    %dot_general3A_31 = tpu.matmul %mul3A_24, %get3A_30, %dot_general3A {dimension_numbers = #tpu.dot_dimension_numbers<[1], [1], [0], [0], [0, 0, 1, 0], [], []>, precision = #tpu.contract_precision<fp32>, transpose_lhs_hint = false} : vector<400x128xf32>, vector<128x128xf32>, vector<400x128xf32> -> vector<400x128xf32>
    %get3A_32 = arith.constant 0 : index
    %get3A_33 = arith.constant 0 : index
    %get3A_34 = vector.load %arg5[%get3A_32, %get3A_33] : memref<1x128xf32, #tpu.memory_space<vmem>>, vector<1x128xf32>
    %add3A_35 = vector.broadcast %get3A_34 : vector<1x128xf32> to vector<400x128xf32>
    %add3A_36 = arith.addf %dot_general3A_31, %add3A_35 : vector<400x128xf32>
    %get3A_37 = arith.constant 0 : index
    %get3A_38 = arith.constant 0 : index
    %get3A_39 = vector.load %arg6[%get3A_37, %get3A_38] : memref<128x128xf32, #tpu.memory_space<vmem>>, vector<128x128xf32>
    %dot_general3A_40 = arith.constant dense<0.000000e+00> : vector<400x128xf32>
    %dot_general3A_41 = tpu.matmul %get3A_27, %get3A_39, %dot_general3A_40 {dimension_numbers = #tpu.dot_dimension_numbers<[1], [1], [0], [0], [0, 0, 1, 0], [], []>, precision = #tpu.contract_precision<fp32>, transpose_lhs_hint = false} : vector<400x128xf32>, vector<128x128xf32>, vector<400x128xf32> -> vector<400x128xf32>
    %add3A_42 = arith.addf %add3A_36, %dot_general3A_41 : vector<400x128xf32>
    %get3A_43 = arith.constant 0 : index
    %get3A_44 = arith.constant 0 : index
    %get3A_45 = memref.load %arg7[%get3A_43, %get3A_44] : memref<1x1xf32, #tpu.memory_space<smem>>
    %ge3A = arith.constant 0.000000e+00 : f32
    %ge3A_46 = vector.broadcast %ge3A : f32 to vector<400x128xf32>
    %ge3A_47 = arith.cmpf oge, %add3A_42, %ge3A_46 : vector<400x128xf32>
    %mul3A_48 = vector.broadcast %get3A_45 : f32 to vector<400x128xf32>
    %mul3A_49 = arith.mulf %mul3A_48, %add3A_42 : vector<400x128xf32>
    %select_n3A = arith.select %ge3A_47, %add3A_42, %mul3A_49 : vector<400x128xi1>, vector<400x128xf32>
    %add3A_50 = arith.addf %select_n3A, %get3A_27 : vector<400x128xf32>
    %swap3A = arith.constant 0 : index
    %swap3A_51 = arith.constant 0 : index
    %swap3A_52 = vector.load %arg8[%swap3A, %swap3A_51] : memref<400x128xf32, #tpu.memory_space<vmem>>, vector<400x128xf32>
    tpu.vector_store %arg8[%swap3A, %swap3A_51], %add3A_50 {strides = array<i32>} : memref<400x128xf32, #tpu.memory_space<vmem>>, vector<400x128xf32>,
    return
  }
  func.func @transform_0(%arg0: i32) -> (i32, i32, i32) {
    %c0_i32 = arith.constant 0 : i32
    %c0_i32_0 = arith.constant 0 : i32
    %c0_i32_1 = arith.constant 0 : i32
    return %c0_i32, %arg0, %c0_i32_0 : i32, i32, i32
  }
  func.func @transform_1(%arg0: i32) -> (i32, i32, i32) {
    %c0_i32 = arith.constant 0 : i32
    %c0_i32_0 = arith.constant 0 : i32
    %c0_i32_1 = arith.constant 0 : i32
    return %c0_i32, %arg0, %c0_i32_0 : i32, i32, i32
  }
  func.func @transform_2(%arg0: i32) -> (i32, i32) {
    %c0_i32 = arith.constant 0 : i32
    %c0_i32_0 = arith.constant 0 : i32
    return %arg0, %c0_i32 : i32, i32
  }
  func.func @transform_3(%arg0: i32) -> (i32, i32) {
    %c0_i32 = arith.constant 0 : i32
    %c0_i32_0 = arith.constant 0 : i32
    %c0_i32_1 = arith.constant 0 : i32
    return %c0_i32, %c0_i32_0 : i32, i32
  }
  func.func @transform_4(%arg0: i32) -> (i32, i32) {
    %c0_i32 = arith.constant 0 : i32
    %c0_i32_0 = arith.constant 0 : i32
    %c0_i32_1 = arith.constant 0 : i32
    return %c0_i32, %c0_i32_0 : i32, i32
  }
  func.func @transform_5(%arg0: i32) -> (i32, i32) {
    %c0_i32 = arith.constant 0 : i32
    %c0_i32_0 = arith.constant 0 : i32
    %c0_i32_1 = arith.constant 0 : i32
    return %c0_i32, %c0_i32_0 : i32, i32
  }
  func.func @transform_6(%arg0: i32) -> (i32, i32) {
    %c0_i32 = arith.constant 0 : i32
    %c0_i32_0 = arith.constant 0 : i32
    %c0_i32_1 = arith.constant 0 : i32
    return %c0_i32, %c0_i32_0 : i32, i32
  }
  func.func @transform_7(%arg0: i32) -> (i32, i32) {
    %c0_i32 = arith.constant 0 : i32
    %c0_i32_0 = arith.constant 0 : i32
    return %arg0, %c0_i32 : i32, i32
  }
}

module attributes {stable_mosaic.version = 14 : i64} {
  func.func @body(%arg0: i32, %arg1: memref<2x400x128xf32, #tpu.memory_space<vmem>>, %arg2: memref<2x400x128xf32, #tpu.memory_space<vmem>>, %arg3: memref<400x128xf32, #tpu.memory_space<vmem>>, %arg4: memref<128x128xf32, #tpu.memory_space<vmem>>, %arg5: memref<1x128xf32, #tpu.memory_space<vmem>>, %arg6: memref<128x128xf32, #tpu.memory_space<vmem>>, %arg7: memref<1x1xf32, #tpu.memory_space<smem>>, %arg8: memref<400x128xf32, #tpu.memory_space<vmem>>) attributes {dimension_semantics = [#tpu.dimension_semantics<arbitrary>], iteration_bounds = array<i64: 25>, scalar_prefetch = 0 : i64, scratch_operands = 0 : i64, tpu.core_type = #tpu.core_type<tc>, window_params = [{transform_indices = @transform_0, window_bounds = array<i64: 2, 400, 128>}, {transform_indices = @transform_1, window_bounds = array<i64: 2, 400, 128>}, {transform_indices = @transform_2, window_bounds = array<i64: 400, 128>}, {pipeline_mode = #tpu.pipeline_mode<synchronous>, transform_indices = @transform_3, window_bounds = array<i64: 128, 128>}, {pipeline_mode = #tpu.pipeline_mode<synchronous>, transform_indices = @transform_4, window_bounds = array<i64: 1, 128>}, {pipeline_mode = #tpu.pipeline_mode<synchronous>, transform_indices = @transform_5, window_bounds = array<i64: 128, 128>}, {transform_indices = @transform_6, window_bounds = array<i64: 1, 1>}, {transform_indices = @transform_7, window_bounds = array<i64: 400, 128>}]} {
    %get3A = arith.constant 0 : index
    %get3A_0 = arith.constant 0 : index
    %get3A_1 = arith.constant 0 : index
    %get3A_2 = vector.load %arg2[%get3A, %get3A_0, %get3A_1] : memref<2x400x128xf32, #tpu.memory_space<vmem>>, vector<1x400x1xf32>
    %get3A_3 = vector.shape_cast %get3A_2 : vector<1x400x1xf32> to vector<400x1xf32>
    %get3A_4 = arith.constant 1 : index
    %get3A_5 = arith.constant 0 : index
    %get3A_6 = arith.constant 0 : index
    %get3A_7 = vector.load %arg2[%get3A_4, %get3A_5, %get3A_6] : memref<2x400x128xf32, #tpu.memory_space<vmem>>, vector<1x400x1xf32>
    %get3A_8 = vector.shape_cast %get3A_7 : vector<1x400x1xf32> to vector<400x1xf32>
    %add3A = arith.addf %get3A_3, %get3A_8 : vector<400x1xf32>
    %max3A = arith.constant 1.000000e+00 : f32
    %max3A_9 = vector.broadcast %max3A : f32 to vector<400x1xf32>
    %max3A_10 = arith.maximumf %add3A, %max3A_9 : vector<400x1xf32>
    %div3A = arith.constant 1.000000e+00 : f32
    %div3A_11 = vector.broadcast %div3A : f32 to vector<400x1xf32>
    %div3A_12 = arith.divf %div3A_11, %max3A_10 : vector<400x1xf32>
    %get3A_13 = arith.constant 0 : index
    %get3A_14 = arith.constant 0 : index
    %get3A_15 = arith.constant 0 : index
    %get3A_16 = vector.load %arg1[%get3A_13, %get3A_14, %get3A_15] : memref<2x400x128xf32, #tpu.memory_space<vmem>>, vector<1x400x128xf32>
    %get3A_17 = vector.shape_cast %get3A_16 : vector<1x400x128xf32> to vector<400x128xf32>
    %get3A_18 = arith.constant 1 : index
    %get3A_19 = arith.constant 0 : index
    %get3A_20 = arith.constant 0 : index
    %get3A_21 = vector.load %arg1[%get3A_18, %get3A_19, %get3A_20] : memref<2x400x128xf32, #tpu.memory_space<vmem>>, vector<1x400x128xf32>
    %get3A_22 = vector.shape_cast %get3A_21 : vector<1x400x128xf32> to vector<400x128xf32>
    %add3A_23 = arith.addf %get3A_17, %get3A_22 : vector<400x128xf32>
    %mul3A = vector.broadcast %div3A_12 : vector<400x1xf32> to vector<400x128xf32>
    %mul3A_24 = arith.mulf %add3A_23, %mul3A : vector<400x128xf32>
    %get3A_25 = arith.constant 0 : index
    %get3A_26 = arith.constant 0 : index
    %get3A_27 = vector.load %arg3[%get3A_25, %get3A_26] : memref<400x128xf32, #tpu.memory_space<vmem>>, vector<400x128xf32>
    %get3A_28 = arith.constant 0 : index
    %get3A_29 = arith.constant 0 : index
    %get3A_30 = vector.load %arg4[%get3A_28, %get3A_29] : memref<128x128xf32, #tpu.memory_space<vmem>>, vector<128x128xf32>
    %dot_general3A = arith.constant dense<0.000000e+00> : vector<400x128xf32>
    %dot_general3A_31 = tpu.matmul %mul3A_24, %get3A_30, %dot_general3A {dimension_numbers = #tpu.dot_dimension_numbers<[1], [1], [0], [0], [0, 0, 1, 0], [], []>, precision = #tpu.contract_precision<fp32>, transpose_lhs_hint = false} : vector<400x128xf32>, vector<128x128xf32>, vector<400x128xf32> -> vector<400x128xf32>
    %get3A_32 = arith.constant 0 : index
    %get3A_33 = arith.constant 0 : index
    %get3A_34 = vector.load %arg5[%get3A_32, %get3A_33] : memref<1x128xf32, #tpu.memory_space<vmem>>, vector<1x128xf32>
    %add3A_35 = vector.broadcast %get3A_34 : vector<1x128xf32> to vector<400x128xf32>
    %add3A_36 = arith.addf %dot_general3A_31, %add3A_35 : vector<400x128xf32>
    %get3A_37 = arith.constant 0 : index
    %get3A_38 = arith.constant 0 : index
    %get3A_39 = vector.load %arg6[%get3A_37, %get3A_38] : memref<128x128xf32, #tpu.memory_space<vmem>>, vector<128x128xf32>
    %dot_general3A_40 = arith.constant dense<0.000000e+00> : vector<400x128xf32>
    %dot_general3A_41 = tpu.matmul %get3A_27, %get3A_39, %dot_general3A_40 {dimension_numbers = #tpu.dot_dimension_numbers<[1], [1], [0], [0], [0, 0, 1, 0], [], []>, precision = #tpu.contract_precision<fp32>, transpose_lhs_hint = false} : vector<400x128xf32>, vector<128x128xf32>, vector<400x128xf32> -> vector<400x128xf32>
    %add3A_42 = arith.addf %add3A_36, %dot_general3A_41 : vector<400x128xf32>
    %get3A_43 = arith.constant 0 : index
    %get3A_44 = arith.constant 0 : index
    %get3A_45 = memref.load %arg7[%get3A_43, %get3A_44] : memref<1x1xf32, #tpu.memory_space<smem>>
    %ge3A = arith.constant 0.000000e+00 : f32
    %ge3A_46 = vector.broadcast %ge3A : f32 to vector<400x128xf32>
    %ge3A_47 = arith.cmpf oge, %add3A_42, %ge3A_46 : vector<400x128xf32>
    %mul3A_48 = vector.broadcast %get3A_45 : f32 to vector<400x128xf32>
    %mul3A_49 = arith.mulf %mul3A_48, %add3A_42 : vector<400x128xf32>
    %select_n3A = arith.select %ge3A_47, %add3A_42, %mul3A_49 : vector<400x128xi1>, vector<400x128xf32>
    %swap3A = arith.constant 0 : index
    %swap3A_50 = arith.constant 0 : index
    %swap3A_51 = vector.load %arg8[%swap3A, %swap3A_50] : memref<400x128xf32, #tpu.memory_space<vmem>>, vector<400x128xf32>
    tpu.vector_store %arg8[%swap3A, %swap3A_50], %select_n3A {strides = array<i32>} : memref<400x128xf32, #tpu.memory_space<vmem>>, vector<400x128xf32>,
    return
  }
  func.func @transform_0(%arg0: i32) -> (i32, i32, i32) {
    %c0_i32 = arith.constant 0 : i32
    %c0_i32_0 = arith.constant 0 : i32
    %c0_i32_1 = arith.constant 0 : i32
    return %c0_i32, %arg0, %c0_i32_0 : i32, i32, i32
  }
  func.func @transform_1(%arg0: i32) -> (i32, i32, i32) {
    %c0_i32 = arith.constant 0 : i32
    %c0_i32_0 = arith.constant 0 : i32
    %c0_i32_1 = arith.constant 0 : i32
    return %c0_i32, %arg0, %c0_i32_0 : i32, i32, i32
  }
  func.func @transform_2(%arg0: i32) -> (i32, i32) {
    %c0_i32 = arith.constant 0 : i32
    %c0_i32_0 = arith.constant 0 : i32
    return %arg0, %c0_i32 : i32, i32
  }
  func.func @transform_3(%arg0: i32) -> (i32, i32) {
    %c0_i32 = arith.constant 0 : i32
    %c0_i32_0 = arith.constant 0 : i32
    %c0_i32_1 = arith.constant 0 : i32
    return %c0_i32, %c0_i32_0 : i32, i32
  }
  func.func @transform_4(%arg0: i32) -> (i32, i32) {
    %c0_i32 = arith.constant 0 : i32
    %c0_i32_0 = arith.constant 0 : i32
    %c0_i32_1 = arith.constant 0 : i32
    return %c0_i32, %c0_i32_0 : i32, i32
  }
  func.func @transform_5(%arg0: i32) -> (i32, i32) {
    %c0_i32 = arith.constant 0 : i32
    %c0_i32_0 = arith.constant 0 : i32
    %c0_i32_1 = arith.constant 0 : i32
    return %c0_i32, %c0_i32_0 : i32, i32
  }
  func.func @transform_6(%arg0: i32) -> (i32, i32) {
    %c0_i32 = arith.constant 0 : i32
    %c0_i32_0 = arith.constant 0 : i32
    %c0_i32_1 = arith.constant 0 : i32
    return %c0_i32, %c0_i32_0 : i32, i32
  }
  func.func @transform_7(%arg0: i32) -> (i32, i32) {
    %c0_i32 = arith.constant 0 : i32
    %c0_i32_0 = arith.constant 0 : i32
    return %arg0, %c0_i32 : i32, i32
  }
}

</mosaic_0001>

<sc_bundles>
// kernel: kernel.12.cloned.1.call-start
scs
__scs_entry_jumppad:
0x0: {  	(pc) =	sbr.rel $0x88, $3  }
0x1: {  	(tag) =	ssettag $0x0;
	lr =	simm.s32 $0x1  }
0x2: {  	[smem:$0x3F94] =	sst lr;
	_ =	strace $0xD0000000  }
0x3: {  	_ = 	snop  }
0x4: {  	_ = 	snop  }
0x5: {  	_ = 	snop  }
0x6: {  	_ = 	snop  }
0x7: {  	_ = 	snop  }
__scs_overlays_trampoline_lowered:
0x8: {  	[smem:$0x3FA3] =	sst s0  }
0x9: {  	[smem:$0x3FA4] =	sst s1  }
0xa: {  	[smem:$0x3FA5] =	sst s2  }
0xb: {  	[smem:$0x3FA6] =	sst s3  }
0xc: {  	[smem:$0x3FA7] =	sst s4  }
0xd: {  	[smem:$0x3FA8] =	sst s5  }
0xe: {  	[smem:$0x3FA9] =	sst s6  }
0xf: {  	[smem:$0x3FAA] =	sst s7  }
0x10: {  	[smem:$0x3FAB] =	sst s8  }
0x11: {  	[smem:$0x3FAC] =	sst s9;
	s0 =	simm.s32 @!p0 $0x0  }
0x12: {  	s1 =	sld [smem:$0x3F92];
	s0 =	simm.s32 @p0 $0x1  }
0x13: {  	[smem:$0x3FAD] =	sst s0;
	s0 =	simm.s32 @!p1 $0x0  }
0x14: {  	s2 =	sld [smem:$0x3F91];
	s0 =	simm.s32 @p1 $0x1  }
0x15: {  	[smem:$0x3FAE] =	sst s0;
	s0 =	simm.s32 @!p2 $0x0  }
0x16: {  	s3 =	sld [smem:$0x3FDB];
	s0 =	simm.s32 @p2 $0x1  }
0x17: {  	s4 =	simm.s32 $0x1BF5;
	[smem:$0x3FB0] =	sst s0  }
0x18: {  	s0 =	sld [smem:$0x3F93];
	_ =	swait.ge [sflag:s4], $0x0  }
0x19: {  	s7 =	sld [smem:$0x3F94]  }
0x1a: {  	s8 =	sadd.s32 $0xFFFFE003, lr  }
0x1b: {  	s9 =	sadd.s32 $0xFFFFFEF7, lr;
	s5 =	simm.s32 $0xFFFFFFFF;
	p2 =	slt.u32 s8, $0xFFFFF086  }
0x1c: {  	p1 =	slt.u32 s9, $0xF7A;
	s5 =	simm.s32 @!p2 $0x0  }
0x1d: {  	s5 =	simm.s32 @p1 $0x1;
	p0 =	seq.s32 s7, s2  }
0x1e: {  	s7 =	smul.u32 @!p0 $0xF7A, s2;
	p2 =	seq.s32 @!p0 s5, $0x0  }
0x1f: {  	s9 =	smul.u32 $0xF7A, s1;
	s8 =	simm.s32 @!p0 $0x1BF5;
	p2 =	por !p2, p0  }
0x20: {  	[sflag:s8] =	ssyncset.s32 @!p0 $0xFFFFF086;
	s6 =	sadd.s32 @!p0 s3, s7;
	s7 =	simm.s32 @!p0 $0x108  }
0x21: {  	s3 =	sadd.s32 s3, s9;
	s6 =	sadd.s32 @!p0 $0x88, s6;
	s7 =	simm.s32 @p2 $0x1082  }
0x22: {  	[simem:s7], [sflag:s8] =	dma.local @!p0 [hbm:s6], $0xF7A  }
0x23: {  	s9 =	sor.u32 $0xD0000000, s2;
	s6 =	simm.s32 $0x108;
	_ =	swait.ge @!p0 [sflag:s8], $0x0  }
0x24: {  	s3 =	sadd.s32 $0x88, s3;
	s6 =	simm.s32 @!p1 $0x1082;
	[sflag:s4] =	ssyncset.s32 $0xFFFFF086  }
0x25: {  	[simem:s6], [sflag:s4] =	dma.local [hbm:s3], $0xF7A  }
0x26: {  	[smem:$0x3F94] =	sst s1;
	(tag) =	ssettag s2;
	_ =	strace s9  }
0x27: {  	s1 =	sld [smem:$0x3FA4]  }
0x28: {  	s2 =	sld [smem:$0x3FA5]  }
0x29: {  	s4 =	sld [smem:$0x3FA7]  }
0x2a: {  	p0 =	seq.s32 s5, $0x0;
	s5 =	sld [smem:$0x3FA8]  }
0x2b: {  	s6 =	sld [smem:$0x3FA9]  }
0x2c: {  	s7 =	sld [smem:$0x3FAA]  }
0x2d: {  	s3 =	simm.s32 $0x108;
	s8 =	sld [smem:$0x3FAB]  }
0x2e: {  	s3 =	simm.s32 @!p0 $0x1082;
	s9 =	sld [smem:$0x3FAC]  }
0x2f: {  	lr =	sadd.s32 s0, s3;
	s0 =	sld [smem:$0x3FA3]  }
0x30: {  	s3 =	sld [smem:$0x3FA6]  }
0x31: {  	[smem:$0x3FAF] =	sst s10  }
0x32: {  	s10 =	sld [smem:$0x3FAD];
	_ =	sdelay $0x3  }
0x33: {  	p0 =	seq.s32 s10, $0x1;
	s10 =	sld [smem:$0x3FAF];
	_ =	sdelay $0x3  }
0x34: {  	[smem:$0x3FAF] =	sst s10  }
0x35: {  	s10 =	sld [smem:$0x3FAE];
	_ =	sdelay $0x3  }
0x36: {  	p1 =	seq.s32 s10, $0x1;
	s10 =	sld [smem:$0x3FAF];
	_ =	sdelay $0x3  }
0x37: {  	[smem:$0x3FAF] =	sst s10  }
0x38: {  	s10 =	sld [smem:$0x3FB0]  }
0x39: {  	_ = 	snop;
	(pc) =	sbr.ind lr, $3  }
0x3a: {  	_ = 	snop  }
0x3b: {  	_ = 	snop  }
0x3c: {  	p2 =	seq.s32 s10, $0x1;
	s10 =	sld [smem:$0x3FAF]  }
0x3d: {  	_ =	shalt  }
0x3e: {  	_ =	shalt  }
0x3f: {  	_ =	shalt  }
0x40: {  	_ =	shalt  }
0x41: {  	_ =	shalt  }
0x42: {  	_ =	shalt  }
0x43: {  	_ =	shalt  }
0x44: {  	_ =	shalt  }
0x45: {  	_ =	shalt  }
0x46: {  	_ =	shalt  }
0x47: {  	_ =	shalt  }
0x48: {  	_ =	shalt  }
0x49: {  	_ =	shalt  }
0x4a: {  	_ =	shalt  }
0x4b: {  	_ =	shalt  }
0x4c: {  	_ =	shalt  }
0x4d: {  	_ =	shalt  }
0x4e: {  	_ =	shalt  }
0x4f: {  	_ =	shalt  }
0x50: {  	_ =	shalt  }
0x51: {  	_ =	shalt  }
0x52: {  	_ =	shalt  }
0x53: {  	_ =	shalt  }
0x54: {  	_ =	shalt  }
0x55: {  	_ =	shalt  }
0x56: {  	_ =	shalt  }
0x57: {  	_ =	shalt  }
0x58: {  	_ =	shalt  }
0x59: {  	_ =	shalt  }
0x5a: {  	_ =	shalt  }
0x5b: {  	_ =	shalt  }
0x5c: {  	_ =	shalt  }
0x5d: {  	_ =	shalt  }
0x5e: {  	_ =	shalt  }
0x5f: {  	_ =	shalt  }
0x60: {  	_ =	shalt  }
0x61: {  	_ =	shalt  }
0x62: {  	_ =	shalt  }
0x63: {  	_ =	shalt  }
0x64: {  	_ =	shalt  }
0x65: {  	_ =	shalt  }
0x66: {  	_ =	shalt  }
0x67: {  	_ =	shalt  }
0x68: {  	_ =	shalt  }
0x69: {  	_ =	shalt  }
0x6a: {  	_ =	shalt  }
0x6b: {  	_ =	shalt  }
0x6c: {  	_ =	shalt  }
0x6d: {  	_ =	shalt  }
0x6e: {  	_ =	shalt  }
0x6f: {  	_ =	shalt  }
0x70: {  	_ =	shalt  }
0x71: {  	_ =	shalt  }
0x72: {  	_ =	shalt  }
0x73: {  	_ =	shalt  }
0x74: {  	_ =	shalt  }
0x75: {  	_ =	shalt  }
0x76: {  	_ =	shalt  }
0x77: {  	_ =	shalt  }
0x78: {  	_ =	shalt  }
0x79: {  	_ =	shalt  }
0x7a: {  	_ =	shalt  }
0x7b: {  	_ =	shalt  }
0x7c: {  	_ =	shalt  }
0x7d: {  	_ =	shalt  }
0x7e: {  	_ =	shalt  }
0x7f: {  	_ =	shalt  }
0x80: {  	_ =	shalt  }
0x81: {  	_ =	shalt  }
0x82: {  	_ =	shalt  }
0x83: {  	_ =	shalt  }
0x84: {  	_ =	shalt  }
0x85: {  	_ =	shalt  }
0x86: {  	_ =	shalt  }
0x87: {  	_ =	shalt  }
.Lfunc_end0:
.L_simem_size_0:
called_computation.1_lowered:
.L_overlay_start_0:
0x88: {  	s2 =	sld [smem:$0x3FD9]  }
0x89: {  	s3 =	sld [smem:$0x3FFE];
	_ =	sdelay $0x1  }
0x8a: {  	s1 =	srdreg.scid  }
0x8b: {  	s0 =	sand.u32 $0x1, s1  }
0x8c: {  	s17 =	sshll.u32 s0, $0xA;
	s2 =	sadd.s32 s3, s2  }
0x8d: {  	s2 =	sadd.s32 s2, s17  }
0x8e: {  	[smem:$0x3FBB] =	sst s2  }
0x8f: {  	_ = 	snop  }
0x90: {  	s18 =	sld [smem:$0x3FC9];
	(tm) =	ssettm $0x1  }
0x91: {  	s19 =	sld [smem:$0x3FFB];
	_ =	sdelay $0x3  }
0x92: {  	_ =	strace s19  }
0x93: {  	s2 =	sld [smem:$0x3FFC];
	_ =	sdelay $0x3  }
0x94: {  	_ =	strace s2  }
0x95: {  	s2 =	sld [smem:$0x3FFD];
	_ =	sdelay $0x3  }
0x96: {  	_ =	strace s2  }
0x97: {  	_ =	strace $0x8FFFFFFF  }
0x98: {  	s20 =	sld [smem:$0x3FDB];
	_ =	sdelay $0x1  }
0x99: {  	s4 =	simm.s32 $_scs_section_size  }
0x9a: {  	s5 =	simm.s32 $_size__tile_overlayer_lowered;
	s6 =	simm.s32 $_tile_overlayer_lowered  }
0x9b: {  	s7 =	simm.s32 $0x1BFF;
	s21 =	sshll.u32 s6, $0x1;
	s4 =	sadd.s32 s4, s20  }
0x9c: {  	s22 =	simm.s32 $0x0;
	s5 =	sshll.u32 s5, $0x1;
	s6 =	sadd.s32 s21, s4  }
0x9d: {  	[timem:s22], [sflag:s7] =	dma.local [hbm:s6], s5  }
0x9e: {  	_ =	swait.ge [sflag:s7], s5  }
0x9f: {  	s5 =	ssub.s32 $0x0, s5;
	[sflag:s7] =	ssyncset.done $0x0  }
0xa0: {  	[sflag:s7] =	ssyncadd.s32 s5;
	_ =	sdelay $0x1  }
0xa1: {  	s23 =	simm.s32 $0x1B8B  }
0xa2: {  	_ =	swait.ge [sflag:s23], $0x1  }
0xa3: {  	[sflag:s23] =	ssyncset.done $0x0  }
0xa4: {  	[sflag:s23] =	ssyncadd.s32 $0xFFFFFFFF  }
0xa5: {  	s5 =	sld [smem:$0x0]  }
0xa6: {  	s6 =	sand.u32 $0xFFFFFFFE, s1  }
0xa7: {  	p0 =	sne.s32 s1, s6  }
0xa8: {  	s6 =	sshll.u32 @p0 s6, $0xE  }
0xa9: {  	s6 =	sadd.s32 @p0 $0x11B8D, s6;
	s7 =	sshll.u32 @p0 s5, $0x11  }
0xaa: {  	s6 =	sor.u32 @p0 s7, s6  }
0xab: {  	[sflag:s6] =	ssyncadd.remote.s32 @p0 $0x1;
	_ =	sdelay $0x1  }
0xac: {  	s6 =	simm.s32 @p0 $0x1B8D  }
0xad: {  	_ =	swait.eq @p0 [sflag:s6], $0x1  }
0xae: {  	[sflag:s6] =	ssyncadd.s32 @p0 $0xFFFFFFFF  }
0xaf: {  	s7 =	sshll.u32 @!p0 s1, $0xE  }
0xb0: {  	s7 =	sor.u32 @!p0 $0x4000, s7;
	s6 =	simm.s32 @!p0 $0x1B8D  }
0xb1: {  	s5 =	sshll.u32 @!p0 s5, $0x11;
	s7 =	sadd.s32 @!p0 $0x11B8D, s7;
	_ =	swait.eq @!p0 [sflag:s6], $0x1  }
0xb2: {  	s5 =	sor.u32 @!p0 s5, s7;
	[sflag:s6] =	ssyncadd.s32 @!p0 $0xFFFFFFFF  }
0xb3: {  	s25 =	simm.s32 $0x1B8E;
	s24 =	sld [smem:$0x3FFE];
	[sflag:s5] =	ssyncadd.remote.s32 @!p0 $0x1  }
0xb4: {  	s26 =	simm.s32 $execute0_lowered;
	[smem:$0x3FD2] =	sst s25  }
0xb5: {  	s6 =	sshll.u32 s26, $0x1;
	_ =	strace $0x80000049;
	[dreg:$0x1] =	wrdreg $0xFFFFFFFF  }
0xb6: {  	s28 =	simm.s32 $_size_execute0_lowered;
	s4 =	sadd.s32 s4, s6;
	[dreg:$0x0] =	wrdreg $0x0  }
0xb7: {  	s6 =	sshll.u32 s28, $0x1;
	[dreg:$0x2] =	wrdreg s4  }
0xb8: {  	[dreg:$0x3] =	wrdreg s6  }
0xb9: {  	[dreg:$0x4] =	wrdreg $0xC0  }
0xba: {  	_ =	task [dreg:s22], $0x5FFFF  }
0xbb: {  	[dreg:$0x1] =	wrdreg $0xFFFFFFFF  }
0xbc: {  	[dreg:$0x0] =	wrdreg $0x60  }
0xbd: {  	[dreg:$0x2] =	wrdreg s18  }
0xbe: {  	[dreg:$0x3] =	wrdreg s24  }
0xbf: {  	[dreg:$0x4] =	wrdreg $0x52000  }
0xc0: {  	[dreg:$0x5] =	wrdreg $0xA  }
0xc1: {  	_ =	task.clear_ibuf [dreg:s22], $0x6FFFF;
	_ =	strace $0x90000049  }
0xc2: {  	s29 =	simm.s32 $0xA;
	_ =	strace $0x8000004B  }
0xc3: {  	_ =	swait.ge [sflag:s29], $0x1  }
0xc4: {  	[sflag:s29] =	ssyncadd.s32 $0xFFFFFFFF  }
0xc5: {  	_ =	strace $0x9000004B  }
0xc6: {  	_ =	sfence  }
0xc7: {  	s30 =	sld [smem:$0x0];
	_ =	sdelay $0x2  }
0xc8: {  	s31 =	sshll.u32 s1, $0xD;
	s1 =	sshrl.u32 s1, $0x2  }
0xc9: {  	s4 =	sand.u32 $0x4000, s31;
	s1 =	sadd.s32 s1, s30  }
0xca: {  	s0 =	sor.u32 s4, s0;
	s1 =	sshll.u32 s1, $0x11  }
0xcb: {  	s0 =	sor.u32 s1, s0  }
0xcc: {  	s0 =	sadd.s32 $0x8F2B, s0  }
0xcd: {  	[sflag:s0] =	ssyncadd.remote.s32 $0x1  }
0xce: {  	_ =	sfence.sel $0xFFFF  }
0xcf: {  	[dreg:$0x0] =	wrdreg $0xFFFFFFFF;
	(pc) =	sbr.abs _section_cstart, $3  }
0xd0: {  	[dreg:$0x1] =	wrdreg $0xFFFFFFFF  }
0xd1: {  	_ =	task.clear_ibuf [dreg:s22], $0x2FFFF;
	_ =	strace $0x9FFFFFFF  }
0xd2: {  	(tm) =	ssettm $0x7FFFFFFF  }
0xd3: {  	_ =	shalt  }
tec
execute0_lowered:
.L_overlay_start_1:
0x0: {  	(tag) =	ssettag $0x1  }
0x1: {  	s0 =	srdreg.scid;
	s18 =	stileid.u32  }
0x2: {  	s6 =	rddreg [dreg:$0x1];
	s9 =	sand.u32 $0x1, s0;
	s8 =	smul.u32 $0x280, s18  }
0x3: {  	s10 =	sadd.s32 $0x17600, s6;
	s11 =	sadd.s32 $0x8F600, s6;
	s2 =	smul.u32 $0x2800, s18  }
0x4: {  	s0 =	sshll.u32 s9, $0x4;
	s1 =	ssub.s32 $0x2, s9;
	s12 =	smul.u32 $0x140000, s9  }
0x5: {  	s9 =	smul.u32 $0x27100, s9;
	s0 =	sor.u32 s18, s0;
	s13 =	sshrl.u32 s1, $0x1  }
0x6: {  	s14 =	sor.u32 $0x50, s8;
	s2 =	sadd.s32 s10, s2;
	s3 =	sadd.s32 $0xA0, s8  }
0x7: {  	s4 =	sadd.s32 $0xF0, s8;
	s19 =	sadd.s32 $0x140, s8;
	s22 =	sadd.s32 $0x1E0, s8  }
0x8: {  	s7 =	smul.u32 $0x2710, s0;
	s0 =	ssub.s32 s1, s13;
	[dreg:$0x4] =	wrdreg s2  }
0x9: {  	s15 =	sshll.u32 s14, $0x4;
	s16 =	sshll.u32 s3, $0x4;
	s1 =	sshll.u32 s14, $0x7  }
0xa: {  	s5 =	sshll.u32 s4, $0x4;
	s20 =	sshll.u32 s19, $0x4;
	s13 =	sadd.s32 $0x190, s8  }
0xb: {  	s14 =	sshll.u32 s22, $0x4;
	s2 =	sadd.s32 s10, s15;
	s17 =	sadd.s32 s10, s5  }
0xc: {  	s21 =	sshll.u32 s13, $0x4;
	s15 =	sadd.s32 $0x230, s8;
	s23 =	sadd.s32 s10, s14  }
0xd: {  	s8 =	sshll.u32 s22, $0x7;
	s26 =	sadd.s32 s12, s1;
	[dreg:$0x5] =	wrdreg s2  }
0xe: {  	s0 =	smax.u32 s0, $0x1;
	s2 =	sadd.s32 s10, s16;
	[dreg:$0x7] =	wrdreg s17  }
0xf: {  	s5 =	sadd.s32 s10, s21;
	s16 =	smul.u32 $0x14000, s18;
	[dreg:$0xa] =	wrdreg s23  }
0x10: {  	s24 =	sshll.u32 s15, $0x4;
	s14 =	sshll.u32 s15, $0x7;
	s7 =	sshrl.u32 s7, $0x3  }
0x11: {  	[dreg:$0x6] =	wrdreg s2;
	s2 =	sshll.u32 s3, $0x7;
	s3 =	sshll.u32 s4, $0x7  }
0x12: {  	s4 =	sadd.s32 s10, s20;
	[dreg:$0x9] =	wrdreg s5;
	s5 =	sshll.u32 s13, $0x7  }
0x13: {  	s10 =	sadd.s32 s10, s24;
	s13 =	sshrl.u32 s26, $0x3;
	[dreg:$0x8] =	wrdreg s4  }
0x14: {  	s24 =	sadd.s32 s12, s8;
	s4 =	sshll.u32 s19, $0x7;
	[dreg:$0xb] =	wrdreg s10  }
0x15: {  	s25 =	sadd.s32 s12, s16;
	s15 =	sadd.s32 s11, s13;
	s16 =	sadd.s32 s12, s2  }
0x16: {  	s17 =	sadd.s32 s12, s3;
	s23 =	sadd.s32 s12, s5;
	s13 =	sshrl.u32 s24, $0x3  }
0x17: {  	s10 =	sshrl.u32 s25, $0x3;
	[dreg:$0xd] =	wrdreg s15;
	s19 =	sadd.s32 s12, s4  }
0x18: {  	s20 =	sshrl.u32 s17, $0x3;
	s12 =	sadd.s32 s12, s14;
	s25 =	smul.u32 $0x2710, s18  }
0x19: {  	s26 =	sadd.s32 s11, s13;
	s15 =	sadd.s32 $0x3400, s6;
	s6 =	sadd.s32 $0xD200, s6  }
0x1a: {  	s17 =	simm.s32 $0x0;
	s10 =	sadd.s32 s11, s10;
	[dreg:$0x12] =	wrdreg s26  }
0x1b: {  	s21 =	sshrl.u32 s19, $0x3;
	s13 =	sshrl.u32 s12, $0x3;
	[smem:$0x7FF] =	sst s17  }
0x1c: {  	s19 =	sadd.s32 s6, s7;
	s12 =	simm.s32 $0x80;
	[dreg:$0xc] =	wrdreg s10  }
0x1d: {  	s10 =	sshrl.u32 s16, $0x3;
	s22 =	sadd.s32 s11, s21;
	[dreg:$0x15] =	wrdreg s19  }
0x1e: {  	s9 =	sadd.s32 s25, s9;
	s16 =	sadd.s32 s15, s7;
	s25 =	rddreg [dreg:$0x0]  }
0x1f: {  	s21 =	smul.u32 $0x50000, s18;
	s18 =	simm.s32 $0x0;
	[dreg:$0x10] =	wrdreg s22  }
0x20: {  	s10 =	sadd.s32 s11, s10;
	[dreg:$0x14] =	wrdreg s16;
	s26 =	sadd.s32 $0x140, s9  }
0x21: {  	s9 =	sadd.s32 $0xF0, s9;
	s16 =	simm.s32 $0x2;
	[dreg:$0xe] =	wrdreg s10  }
0x22: {  	s10 =	sadd.s32 s11, s20;
	s20 =	sadd.s32 $0xA, s7;
	s7 =	sadd.s32 $0x14, s7  }
0x23: {  	s24 =	sshrl.u32 s21, $0x2;
	s9 =	sshrl.u32 s9, $0x3;
	[dreg:$0xf] =	wrdreg s10  }
0x24: {  	s10 =	sshrl.u32 s23, $0x3;
	s23 =	sadd.s32 s15, s20;
	s22 =	sadd.s32 s15, s7  }
0x25: {  	s30 =	sadd.s32 s9, s6;
	s10 =	sadd.s32 s11, s10;
	[dreg:$0x16] =	wrdreg s23  }
0x26: {  	s31 =	sadd.s32 s9, s15;
	[dreg:$0x11] =	wrdreg s10;
	s10 =	sadd.s32 s11, s13  }
0x27: {  	s9 =	simm.s32 $0x3;
	s11 =	sadd.s32 s6, s20;
	[dreg:$0x13] =	wrdreg s10  }
0x28: {  	s23 =	sadd.s32 s6, s7;
	s13 =	simm.s32 $0x180;
	[dreg:$0x17] =	wrdreg s11  }
0x29: {  	s11 =	sshrl.u32 s26, $0x3;
	s26 =	rddreg [dreg:$0x2];
	s10 =	simm.s32 $0x100  }
0x2a: {  	s28 =	sadd.s32 s11, s6;
	s29 =	sadd.s32 s11, s15;
	_ =	strace $0x8000004A  }
0x2b: {  	s24 =	sadd.s32 s24, s26;
	s1 =	sadd.s32 s1, s26;
	s2 =	sadd.s32 s2, s26  }
0x2c: {  	s3 =	sadd.s32 s3, s26;
	s4 =	sadd.s32 s4, s26;
	s5 =	sadd.s32 s5, s26  }
0x2d: {  	s6 =	sadd.s32 s8, s26;
	s7 =	sadd.s32 s14, s26;
	s8 =	simm.s32 $0x200  }
0x2e: {  	s11 =	simm.s32 $0x50;
	s14 =	simm.s32 $0x1;
	s15 =	simm.s32 $0x2A00  }
.LBB2_1:
0x2f: {  	s19 =	rddreg [dreg:$0x4]  }
0x30: {  	[tilespmem:s8], [sflag:$0x3] =	stream.linear.gather [hbm4b:s19+s17], $0x2800, $0x38;
	[tilespmem:$0x19200] =	vst v63  }
0x31: {  	_ =	swait.ge [sflag:s9], $0x2800  }
0x32: {  	[sflag:s9] =	ssyncset.done $0x0  }
0x33: {  	[sflag:s9] =	ssyncadd.s32 $0xFFFFD800  }
0x34: {  	[spmem:s24] =	stream.linear.scatter [tilespmem:s8], [sflag:$0x3], $0x2800, $0x38;
	[tilespmem:$0x19200] =	vst v63  }
0x35: {  	_ =	swait.ge [sflag:s9], $0x2800  }
0x36: {  	[sflag:s9] =	ssyncset.done $0x0  }
0x37: {  	s21 =	rddreg [dreg:$0x5];
	[sflag:s9] =	ssyncadd.s32 $0xFFFFD800  }
0x38: {  	[tilespmem:s8], [sflag:$0x3] =	stream.linear.gather [hbm4b:s21+s17], $0x2800, $0x38;
	[tilespmem:$0x19200] =	vst v63  }
0x39: {  	_ =	swait.ge [sflag:s9], $0x2800  }
0x3a: {  	[sflag:s9] =	ssyncset.done $0x0  }
0x3b: {  	[sflag:s9] =	ssyncadd.s32 $0xFFFFD800  }
0x3c: {  	[spmem:s1] =	stream.linear.scatter [tilespmem:s8], [sflag:$0x3], $0x2800, $0x38;
	[tilespmem:$0x19200] =	vst v63  }
0x3d: {  	_ =	swait.ge [sflag:s9], $0x2800  }
0x3e: {  	[sflag:s9] =	ssyncset.done $0x0  }
0x3f: {  	s20 =	rddreg [dreg:$0x6];
	[sflag:s9] =	ssyncadd.s32 $0xFFFFD800  }
0x40: {  	[tilespmem:s8], [sflag:$0x3] =	stream.linear.gather [hbm4b:s20+s17], $0x2800, $0x38;
	[tilespmem:$0x19200] =	vst v63  }
0x41: {  	_ =	swait.ge [sflag:s9], $0x2800  }
0x42: {  	[sflag:s9] =	ssyncset.done $0x0  }
0x43: {  	[sflag:s9] =	ssyncadd.s32 $0xFFFFD800  }
0x44: {  	[spmem:s2] =	stream.linear.scatter [tilespmem:s8], [sflag:$0x3], $0x2800, $0x38;
	[tilespmem:$0x19200] =	vst v63  }
0x45: {  	_ =	swait.ge [sflag:s9], $0x2800  }
0x46: {  	[sflag:s9] =	ssyncset.done $0x0  }
0x47: {  	s21 =	rddreg [dreg:$0x7];
	[sflag:s9] =	ssyncadd.s32 $0xFFFFD800  }
0x48: {  	[tilespmem:s8], [sflag:$0x3] =	stream.linear.gather [hbm4b:s21+s17], $0x2800, $0x38;
	[tilespmem:$0x19200] =	vst v63  }
0x49: {  	_ =	swait.ge [sflag:s9], $0x2800  }
0x4a: {  	[sflag:s9] =	ssyncset.done $0x0  }
0x4b: {  	[sflag:s9] =	ssyncadd.s32 $0xFFFFD800  }
0x4c: {  	[spmem:s3] =	stream.linear.scatter [tilespmem:s8], [sflag:$0x3], $0x2800, $0x38;
	[tilespmem:$0x19200] =	vst v63  }
0x4d: {  	_ =	swait.ge [sflag:s9], $0x2800  }
0x4e: {  	[sflag:s9] =	ssyncset.done $0x0  }
0x4f: {  	s20 =	rddreg [dreg:$0x8];
	[sflag:s9] =	ssyncadd.s32 $0xFFFFD800  }
0x50: {  	[tilespmem:s8], [sflag:$0x3] =	stream.linear.gather [hbm4b:s20+s17], $0x2800, $0x38;
	[tilespmem:$0x19200] =	vst v63  }
0x51: {  	_ =	swait.ge [sflag:s9], $0x2800  }
0x52: {  	[sflag:s9] =	ssyncset.done $0x0  }
0x53: {  	[sflag:s9] =	ssyncadd.s32 $0xFFFFD800  }
0x54: {  	[spmem:s4] =	stream.linear.scatter [tilespmem:s8], [sflag:$0x3], $0x2800, $0x38;
	[tilespmem:$0x19200] =	vst v63  }
0x55: {  	_ =	swait.ge [sflag:s9], $0x2800  }
0x56: {  	[sflag:s9] =	ssyncset.done $0x0  }
0x57: {  	s21 =	rddreg [dreg:$0x9];
	[sflag:s9] =	ssyncadd.s32 $0xFFFFD800  }
0x58: {  	[tilespmem:s8], [sflag:$0x3] =	stream.linear.gather [hbm4b:s21+s17], $0x2800, $0x38;
	[tilespmem:$0x19200] =	vst v63  }
0x59: {  	_ =	swait.ge [sflag:s9], $0x2800  }
0x5a: {  	[sflag:s9] =	ssyncset.done $0x0  }
0x5b: {  	[sflag:s9] =	ssyncadd.s32 $0xFFFFD800  }
0x5c: {  	[spmem:s5] =	stream.linear.scatter [tilespmem:s8], [sflag:$0x3], $0x2800, $0x38;
	[tilespmem:$0x19200] =	vst v63  }
0x5d: {  	_ =	swait.ge [sflag:s9], $0x2800  }
0x5e: {  	[sflag:s9] =	ssyncset.done $0x0  }
0x5f: {  	s20 =	rddreg [dreg:$0xa];
	[sflag:s9] =	ssyncadd.s32 $0xFFFFD800  }
0x60: {  	[tilespmem:s8], [sflag:$0x3] =	stream.linear.gather [hbm4b:s20+s17], $0x2800, $0x38;
	[tilespmem:$0x19200] =	vst v63  }
0x61: {  	_ =	swait.ge [sflag:s9], $0x2800  }
0x62: {  	[sflag:s9] =	ssyncset.done $0x0  }
0x63: {  	[sflag:s9] =	ssyncadd.s32 $0xFFFFD800  }
0x64: {  	[spmem:s6] =	stream.linear.scatter [tilespmem:s8], [sflag:$0x3], $0x2800, $0x38;
	[tilespmem:$0x19200] =	vst v63  }
0x65: {  	_ =	swait.ge [sflag:s9], $0x2800  }
0x66: {  	[sflag:s9] =	ssyncset.done $0x0  }
0x67: {  	s21 =	rddreg [dreg:$0xb];
	[sflag:s9] =	ssyncadd.s32 $0xFFFFD800  }
0x68: {  	[tilespmem:s8], [sflag:$0x3] =	stream.linear.gather [hbm4b:s21+s17], $0x2800, $0x38;
	[tilespmem:$0x19200] =	vst v63  }
0x69: {  	_ =	swait.ge [sflag:s9], $0x2800  }
0x6a: {  	[sflag:s9] =	ssyncset.done $0x0  }
0x6b: {  	[sflag:s9] =	ssyncadd.s32 $0xFFFFD800  }
0x6c: {  	[spmem:s7] =	stream.linear.scatter [tilespmem:s8], [sflag:$0x3], $0x2800, $0x38;
	[tilespmem:$0x19200] =	vst v63  }
0x6d: {  	_ =	swait.ge [sflag:s9], $0x2800  }
0x6e: {  	[sflag:s9] =	ssyncset.done $0x0  }
0x6f: {  	[sflag:s9] =	ssyncadd.s32 $0xFFFFD800  }
0x70: {  	[bflag:$0x0] =	sbarrier.arrive $0xFFFF  }
0x71: {  	s20 =	rddreg [dreg:$0x14]  }
0x72: {  	[tilespmem:s17], [sflag:$0x3] =	stream.linear.gather [hbm4b:s20+s17], $0x50, $0x38;
	[tilespmem:$0x19200] =	vst v63  }
0x73: {  	_ =	swait.ge [sflag:s9], $0x50  }
0x74: {  	[sflag:s9] =	ssyncset.done $0x0  }
0x75: {  	s21 =	rddreg [dreg:$0x15];
	[sflag:s9] =	ssyncadd.s32 $0xFFFFFFB0  }
0x76: {  	[tilespmem:s10], [sflag:$0x3] =	stream.linear.gather [hbm4b:s21+s17], $0x50, $0x38;
	[tilespmem:$0x19200] =	vst v63  }
0x77: {  	_ =	swait.ge [sflag:s9], $0x50  }
0x78: {  	[sflag:s9] =	ssyncset.done $0x0  }
0x79: {  	[sflag:s9] =	ssyncadd.s32 $0xFFFFFFB0  }
0x7a: {  	[tilespmem:s8], [sflag:$0x1] =	stream.indirect.gather [hbm4b:s25+s11], $0x80, s17, s11, $0xb8;
	[tilespmem:$0x19200] =	vst v63  }
0x7b: {  	s20 =	rddreg [dreg:$0x16]  }
0x7c: {  	[tilespmem:s12], [sflag:$0x3] =	stream.linear.gather [hbm4b:s20+s17], $0x50, $0x38;
	[tilespmem:$0x19200] =	vst v63  }
0x7d: {  	_ =	swait.ge [sflag:s9], $0x50  }
0x7e: {  	[sflag:s9] =	ssyncset.done $0x0  }
0x7f: {  	s21 =	rddreg [dreg:$0x17];
	[sflag:s9] =	ssyncadd.s32 $0xFFFFFFB0  }
0x80: {  	[tilespmem:s13], [sflag:$0x3] =	stream.linear.gather [hbm4b:s21+s17], $0x50, $0x38;
	[tilespmem:$0x19200] =	vst v63  }
0x81: {  	_ =	swait.ge [sflag:s9], $0x50  }
0x82: {  	[sflag:s9] =	ssyncset.done $0x0  }
0x83: {  	[sflag:s9] =	ssyncadd.s32 $0xFFFFFFB0  }
0x84: {  	_ =	swait.ge [sflag:s14], $0x2800  }
0x85: {  	[sflag:s14] =	ssyncset.done $0x0  }
0x86: {  	[sflag:s14] =	ssyncadd.s32 $0xFFFFD800  }
0x87: {  	[spmem:s26] =	stream.indirect.scatter.add.f32 [tilespmem:s8], [sflag:$0x2], $0x80, s10, s11, $0xb8;
	[tilespmem:$0x19200] =	vst v63  }
0x88: {  	_ = 	snop  }
0x89: {  	[tilespmem:s15], [sflag:$0x1] =	stream.indirect.gather [hbm4b:s25+s11], $0x80, s12, s11, $0xb8;
	[tilespmem:$0x19200] =	vst v63  }
0x8a: {  	_ =	swait.ge [sflag:s16], $0x2800  }
0x8b: {  	[sflag:s16] =	ssyncset.done $0x0  }
0x8c: {  	[sflag:s16] =	ssyncadd.s32 $0xFFFFD800  }
0x8d: {  	[tilespmem:s17], [sflag:$0x3] =	stream.linear.gather [hbm4b:s22+s17], $0x50, $0x38;
	[tilespmem:$0x19200] =	vst v63  }
0x8e: {  	_ =	swait.ge [sflag:s9], $0x50  }
0x8f: {  	[sflag:s9] =	ssyncset.done $0x0  }
0x90: {  	[sflag:s9] =	ssyncadd.s32 $0xFFFFFFB0  }
0x91: {  	[tilespmem:s10], [sflag:$0x3] =	stream.linear.gather [hbm4b:s23+s17], $0x50, $0x38;
	[tilespmem:$0x19200] =	vst v63  }
0x92: {  	_ =	swait.ge [sflag:s9], $0x50  }
0x93: {  	[sflag:s9] =	ssyncset.done $0x0  }
0x94: {  	[sflag:s9] =	ssyncadd.s32 $0xFFFFFFB0  }
0x95: {  	_ =	swait.ge [sflag:s14], $0x2800  }
0x96: {  	[sflag:s14] =	ssyncset.done $0x0  }
0x97: {  	[sflag:s14] =	ssyncadd.s32 $0xFFFFD800  }
0x98: {  	[spmem:s26] =	stream.indirect.scatter.add.f32 [tilespmem:s15], [sflag:$0x2], $0x80, s13, s11, $0xb8;
	[tilespmem:$0x19200] =	vst v63  }
0x99: {  	_ = 	snop  }
0x9a: {  	[tilespmem:s8], [sflag:$0x1] =	stream.indirect.gather [hbm4b:s25+s11], $0x80, s17, s11, $0xb8;
	[tilespmem:$0x19200] =	vst v63  }
0x9b: {  	_ =	swait.ge [sflag:s16], $0x2800  }
0x9c: {  	[sflag:s16] =	ssyncset.done $0x0  }
0x9d: {  	s20 =	sadd.s32 $0x0, s31;
	[sflag:s16] =	ssyncadd.s32 $0xFFFFD800  }
0x9e: {  	[tilespmem:s12], [sflag:$0x3] =	stream.linear.gather [hbm4b:s20+s17], $0x50, $0x38;
	[tilespmem:$0x19200] =	vst v63  }
0x9f: {  	_ =	swait.ge [sflag:s9], $0x50  }
0xa0: {  	[sflag:s9] =	ssyncset.done $0x0  }
0xa1: {  	s21 =	sadd.s32 $0x0, s30;
	[sflag:s9] =	ssyncadd.s32 $0xFFFFFFB0  }
0xa2: {  	[tilespmem:s13], [sflag:$0x3] =	stream.linear.gather [hbm4b:s21+s17], $0x50, $0x38;
	[tilespmem:$0x19200] =	vst v63  }
0xa3: {  	_ =	swait.ge [sflag:s9], $0x50  }
0xa4: {  	[sflag:s9] =	ssyncset.done $0x0  }
0xa5: {  	[sflag:s9] =	ssyncadd.s32 $0xFFFFFFB0  }
0xa6: {  	_ =	swait.ge [sflag:s14], $0x2800  }
0xa7: {  	[sflag:s14] =	ssyncset.done $0x0  }
0xa8: {  	[sflag:s14] =	ssyncadd.s32 $0xFFFFD800  }
0xa9: {  	[spmem:s26] =	stream.indirect.scatter.add.f32 [tilespmem:s8], [sflag:$0x2], $0x80, s10, s11, $0xb8;
	[tilespmem:$0x19200] =	vst v63  }
0xaa: {  	_ = 	snop  }
0xab: {  	[tilespmem:s15], [sflag:$0x1] =	stream.indirect.gather [hbm4b:s25+s11], $0x80, s12, s11, $0xb8;
	[tilespmem:$0x19200] =	vst v63  }
0xac: {  	_ =	swait.ge [sflag:s16], $0x2800  }
0xad: {  	[sflag:s16] =	ssyncset.done $0x0  }
0xae: {  	s20 =	sadd.s32 $0x0, s29;
	[sflag:s16] =	ssyncadd.s32 $0xFFFFD800  }
0xaf: {  	[tilespmem:s17], [sflag:$0x3] =	stream.linear.gather [hbm4b:s20+s17], $0x50, $0x38;
	[tilespmem:$0x19200] =	vst v63  }
0xb0: {  	_ =	swait.ge [sflag:s9], $0x50  }
0xb1: {  	[sflag:s9] =	ssyncset.done $0x0  }
0xb2: {  	s21 =	sadd.s32 $0x0, s28;
	[sflag:s9] =	ssyncadd.s32 $0xFFFFFFB0  }
0xb3: {  	[tilespmem:s10], [sflag:$0x3] =	stream.linear.gather [hbm4b:s21+s17], $0x50, $0x38;
	[tilespmem:$0x19200] =	vst v63  }
0xb4: {  	_ =	swait.ge [sflag:s9], $0x50  }
0xb5: {  	[sflag:s9] =	ssyncset.done $0x0  }
0xb6: {  	[sflag:s9] =	ssyncadd.s32 $0xFFFFFFB0  }
0xb7: {  	_ =	swait.ge [sflag:s14], $0x2800  }
0xb8: {  	[sflag:s14] =	ssyncset.done $0x0  }
0xb9: {  	s19 =	simm.s32 $0x14;
	[sflag:s14] =	ssyncadd.s32 $0xFFFFD800  }
0xba: {  	[spmem:s26] =	stream.indirect.scatter.add.f32 [tilespmem:s15], [sflag:$0x2], $0x80, s13, s11, $0xb8;
	[tilespmem:$0x19200] =	vst v63  }
.LBB2_2:
0xbb: {  	[tilespmem:s8], [sflag:$0x1] =	stream.indirect.gather [hbm4b:s25+s11], $0x80, s17, s11, $0xb8;
	[tilespmem:$0x19200] =	vst v63  }
0xbc: {  	s20 =	smov.u32 s19  }
0xbd: {  	p0 =	sne.s32 s19, $0x4B0;
	s19 =	sadd.s32 $0x14, s19;
	_ =	swait.ge [sflag:s16], $0x2800  }
0xbe: {  	[sflag:s16] =	ssyncset.done $0x0  }
0xbf: {  	s21 =	sadd.s32 s20, s31;
	[sflag:s16] =	ssyncadd.s32 $0xFFFFD800  }
0xc0: {  	[tilespmem:s12], [sflag:$0x3] =	stream.linear.gather [hbm4b:s21+s17], $0x50, $0x38;
	[tilespmem:$0x19200] =	vst v63  }
0xc1: {  	_ =	swait.ge [sflag:s9], $0x50  }
0xc2: {  	[sflag:s9] =	ssyncset.done $0x0  }
0xc3: {  	s21 =	sadd.s32 s20, s30;
	[sflag:s9] =	ssyncadd.s32 $0xFFFFFFB0  }
0xc4: {  	[tilespmem:s13], [sflag:$0x3] =	stream.linear.gather [hbm4b:s21+s17], $0x50, $0x38;
	[tilespmem:$0x19200] =	vst v63  }
0xc5: {  	_ =	swait.ge [sflag:s9], $0x50  }
0xc6: {  	[sflag:s9] =	ssyncset.done $0x0  }
0xc7: {  	[sflag:s9] =	ssyncadd.s32 $0xFFFFFFB0  }
0xc8: {  	_ =	swait.ge [sflag:s14], $0x2800  }
0xc9: {  	[sflag:s14] =	ssyncset.done $0x0  }
0xca: {  	[sflag:s14] =	ssyncadd.s32 $0xFFFFD800  }
0xcb: {  	[spmem:s26] =	stream.indirect.scatter.add.f32 [tilespmem:s8], [sflag:$0x2], $0x80, s10, s11, $0xb8;
	[tilespmem:$0x19200] =	vst v63  }
0xcc: {  	_ = 	snop  }
0xcd: {  	[tilespmem:s15], [sflag:$0x1] =	stream.indirect.gather [hbm4b:s25+s11], $0x80, s12, s11, $0xb8;
	[tilespmem:$0x19200] =	vst v63  }
0xce: {  	_ =	swait.ge [sflag:s16], $0x2800  }
0xcf: {  	[sflag:s16] =	ssyncset.done $0x0  }
0xd0: {  	s21 =	sadd.s32 s20, s29;
	[sflag:s16] =	ssyncadd.s32 $0xFFFFD800  }
0xd1: {  	[tilespmem:s17], [sflag:$0x3] =	stream.linear.gather [hbm4b:s21+s17], $0x50, $0x38;
	[tilespmem:$0x19200] =	vst v63  }
0xd2: {  	_ =	swait.ge [sflag:s9], $0x50  }
0xd3: {  	[sflag:s9] =	ssyncset.done $0x0  }
0xd4: {  	s20 =	sadd.s32 s20, s28;
	[sflag:s9] =	ssyncadd.s32 $0xFFFFFFB0  }
0xd5: {  	[tilespmem:s10], [sflag:$0x3] =	stream.linear.gather [hbm4b:s20+s17], $0x50, $0x38;
	[tilespmem:$0x19200] =	vst v63  }
0xd6: {  	_ =	swait.ge [sflag:s9], $0x50  }
0xd7: {  	[sflag:s9] =	ssyncset.done $0x0  }
.Ltmp0:
0xd8: {  	[sflag:s9] =	ssyncadd.s32 $0xFFFFFFB0;
	(pc) =	sbr.rel @p0 .LBB2_2-.Ltmp0, $4  }
0xd9: {  	_ =	swait.ge [sflag:s14], $0x2800  }
0xda: {  	[sflag:s14] =	ssyncset.done $0x0  }
0xdb: {  	[sflag:s14] =	ssyncadd.s32 $0xFFFFD800  }
0xdc: {  	[spmem:s26] =	stream.indirect.scatter.add.f32 [tilespmem:s15], [sflag:$0x2], $0x80, s13, s11, $0xb8;
	[tilespmem:$0x19200] =	vst v63  }
0xdd: {  	[tilespmem:s8], [sflag:$0x1] =	stream.indirect.gather [hbm4b:s25+s11], $0x80, s17, s11, $0xb8;
	[tilespmem:$0x19200] =	vst v63  }
0xde: {  	_ =	swait.ge [sflag:s16], $0x2800  }
0xdf: {  	[sflag:s16] =	ssyncset.done $0x0  }
0xe0: {  	[sflag:s16] =	ssyncadd.s32 $0xFFFFD800  }
0xe1: {  	_ =	swait.ge [sflag:s14], $0x2800  }
0xe2: {  	[sflag:s14] =	ssyncset.done $0x0  }
0xe3: {  	[sflag:s14] =	ssyncadd.s32 $0xFFFFD800  }
0xe4: {  	[spmem:s26] =	stream.indirect.scatter.add.f32 [tilespmem:s8], [sflag:$0x2], $0x80, s10, s11, $0xb8;
	[tilespmem:$0x19200] =	vst v63  }
0xe5: {  	_ =	swait.ge [sflag:s16], $0x2800  }
0xe6: {  	[sflag:s16] =	ssyncset.done $0x0  }
0xe7: {  	[sflag:s16] =	ssyncadd.s32 $0xFFFFD800  }
0xe8: {  	[bflag:$0x0] =	sbarrier.arrive $0xFFFF  }
0xe9: {  	[tilespmem:s8], [sflag:$0x3] =	stream.linear.gather [spmem:s24], $0x2800, $0x38;
	[tilespmem:$0x19200] =	vst v63  }
0xea: {  	_ =	swait.ge [sflag:s9], $0x2800  }
0xeb: {  	[sflag:s9] =	ssyncset.done $0x0  }
0xec: {  	s19 =	rddreg [dreg:$0xc];
	[sflag:s9] =	ssyncadd.s32 $0xFFFFD800  }
0xed: {  	[hbm4b:s19+s17] =	stream.linear.scatter [tilespmem:s8], [sflag:$0x3], $0x2800, $0x38;
	[tilespmem:$0x19200] =	vst v63  }
0xee: {  	_ =	swait.ge [sflag:s9], $0x2800  }
0xef: {  	[sflag:s9] =	ssyncset.done $0x0  }
0xf0: {  	[sflag:s9] =	ssyncadd.s32 $0xFFFFD800  }
0xf1: {  	[tilespmem:s8], [sflag:$0x3] =	stream.linear.gather [spmem:s1], $0x2800, $0x38;
	[tilespmem:$0x19200] =	vst v63  }
0xf2: {  	_ =	swait.ge [sflag:s9], $0x2800  }
0xf3: {  	[sflag:s9] =	ssyncset.done $0x0  }
0xf4: {  	s21 =	rddreg [dreg:$0xd];
	[sflag:s9] =	ssyncadd.s32 $0xFFFFD800  }
0xf5: {  	[hbm4b:s21+s17] =	stream.linear.scatter [tilespmem:s8], [sflag:$0x3], $0x2800, $0x38;
	[tilespmem:$0x19200] =	vst v63  }
0xf6: {  	_ =	swait.ge [sflag:s9], $0x2800  }
0xf7: {  	[sflag:s9] =	ssyncset.done $0x0  }
0xf8: {  	[sflag:s9] =	ssyncadd.s32 $0xFFFFD800  }
0xf9: {  	[tilespmem:s8], [sflag:$0x3] =	stream.linear.gather [spmem:s2], $0x2800, $0x38;
	[tilespmem:$0x19200] =	vst v63  }
0xfa: {  	_ =	swait.ge [sflag:s9], $0x2800  }
0xfb: {  	[sflag:s9] =	ssyncset.done $0x0  }
0xfc: {  	s20 =	rddreg [dreg:$0xe];
	[sflag:s9] =	ssyncadd.s32 $0xFFFFD800  }
0xfd: {  	[hbm4b:s20+s17] =	stream.linear.scatter [tilespmem:s8], [sflag:$0x3], $0x2800, $0x38;
	[tilespmem:$0x19200] =	vst v63  }
0xfe: {  	_ =	swait.ge [sflag:s9], $0x2800  }
0xff: {  	[sflag:s9] =	ssyncset.done $0x0  }
0x100: {  	[sflag:s9] =	ssyncadd.s32 $0xFFFFD800  }
0x101: {  	[tilespmem:s8], [sflag:$0x3] =	stream.linear.gather [spmem:s3], $0x2800, $0x38;
	[tilespmem:$0x19200] =	vst v63  }
0x102: {  	_ =	swait.ge [sflag:s9], $0x2800  }
0x103: {  	[sflag:s9] =	ssyncset.done $0x0  }
0x104: {  	s21 =	rddreg [dreg:$0xf];
	[sflag:s9] =	ssyncadd.s32 $0xFFFFD800  }
0x105: {  	[hbm4b:s21+s17] =	stream.linear.scatter [tilespmem:s8], [sflag:$0x3], $0x2800, $0x38;
	[tilespmem:$0x19200] =	vst v63  }
0x106: {  	_ =	swait.ge [sflag:s9], $0x2800  }
0x107: {  	[sflag:s9] =	ssyncset.done $0x0  }
0x108: {  	[sflag:s9] =	ssyncadd.s32 $0xFFFFD800  }
0x109: {  	[tilespmem:s8], [sflag:$0x3] =	stream.linear.gather [spmem:s4], $0x2800, $0x38;
	[tilespmem:$0x19200] =	vst v63  }
0x10a: {  	_ =	swait.ge [sflag:s9], $0x2800  }
0x10b: {  	[sflag:s9] =	ssyncset.done $0x0  }
0x10c: {  	s20 =	rddreg [dreg:$0x10];
	[sflag:s9] =	ssyncadd.s32 $0xFFFFD800  }
0x10d: {  	[hbm4b:s20+s17] =	stream.linear.scatter [tilespmem:s8], [sflag:$0x3], $0x2800, $0x38;
	[tilespmem:$0x19200] =	vst v63  }
0x10e: {  	_ =	swait.ge [sflag:s9], $0x2800  }
0x10f: {  	[sflag:s9] =	ssyncset.done $0x0  }
0x110: {  	[sflag:s9] =	ssyncadd.s32 $0xFFFFD800  }
0x111: {  	[tilespmem:s8], [sflag:$0x3] =	stream.linear.gather [spmem:s5], $0x2800, $0x38;
	[tilespmem:$0x19200] =	vst v63  }
0x112: {  	_ =	swait.ge [sflag:s9], $0x2800  }
0x113: {  	[sflag:s9] =	ssyncset.done $0x0  }
0x114: {  	s21 =	rddreg [dreg:$0x11];
	[sflag:s9] =	ssyncadd.s32 $0xFFFFD800  }
0x115: {  	[hbm4b:s21+s17] =	stream.linear.scatter [tilespmem:s8], [sflag:$0x3], $0x2800, $0x38;
	[tilespmem:$0x19200] =	vst v63  }
0x116: {  	_ =	swait.ge [sflag:s9], $0x2800  }
0x117: {  	[sflag:s9] =	ssyncset.done $0x0  }
0x118: {  	[sflag:s9] =	ssyncadd.s32 $0xFFFFD800  }
0x119: {  	[tilespmem:s8], [sflag:$0x3] =	stream.linear.gather [spmem:s6], $0x2800, $0x38;
	[tilespmem:$0x19200] =	vst v63  }
0x11a: {  	_ =	swait.ge [sflag:s9], $0x2800  }
0x11b: {  	[sflag:s9] =	ssyncset.done $0x0  }
0x11c: {  	s20 =	rddreg [dreg:$0x12];
	[sflag:s9] =	ssyncadd.s32 $0xFFFFD800  }
0x11d: {  	[hbm4b:s20+s17] =	stream.linear.scatter [tilespmem:s8], [sflag:$0x3], $0x2800, $0x38;
	[tilespmem:$0x19200] =	vst v63  }
0x11e: {  	_ =	swait.ge [sflag:s9], $0x2800  }
0x11f: {  	[sflag:s9] =	ssyncset.done $0x0  }
0x120: {  	[sflag:s9] =	ssyncadd.s32 $0xFFFFD800  }
0x121: {  	[tilespmem:s8], [sflag:$0x3] =	stream.linear.gather [spmem:s7], $0x2800, $0x38;
	[tilespmem:$0x19200] =	vst v63  }
0x122: {  	s18 =	sadd.s32 $0x1, s18;
	_ =	swait.ge [sflag:s9], $0x2800  }
0x123: {  	p0 =	sne.s32 s18, s0;
	[sflag:s9] =	ssyncset.done $0x0  }
.Ltmp1:
0x124: {  	s21 =	rddreg [dreg:$0x13];
	[sflag:s9] =	ssyncadd.s32 $0xFFFFD800;
	(pc) =	sbr.rel @p0 .LBB2_1-.Ltmp1, $4  }
0x125: {  	[hbm4b:s21+s17] =	stream.linear.scatter [tilespmem:s8], [sflag:$0x3], $0x2800, $0x38;
	[tilespmem:$0x19200] =	vst v63  }
0x126: {  	_ =	swait.ge [sflag:s9], $0x2800  }
0x127: {  	[sflag:s9] =	ssyncset.done $0x0  }
0x128: {  	[sflag:s9] =	ssyncadd.s32 $0xFFFFD800  }
0x129: {  	_ =	sfence.sel $0x180000  }
0x12a: {  	[bflag:$0x0] =	sbarrier.arrive $0xFFFF  }
0x12b: {  	_ =	strace $0x9000004A  }
0x12c: {  	s0 =	stileid.u32;
	[bflag:$0x2] =	sbarrier.arrive $0xFFFF  }
0x12d: {  	p0 =	sne.s32 s0, $0x0;
	s0 =	rddreg [dreg:$0x3]  }
0x12e: {  	s0 =	sadd.s32 @!p0 $0x100000, s0  }
0x12f: {  	[sflag:s0] =	ssyncadd.tile.s32 @!p0 $0x1;
	_ =	shalt  }
.Lfunc_end2:
_tile_overlayer_lowered:
.L_overlay_start_2:
0x130: {  	(tag) =	ssettag $0x2  }
0x131: {  	s0 =	rddreg [dreg:$0x0];
	s2 =	stileid.u32  }
0x132: {  	s1 =	rddreg [dreg:$0x1];
	p0 =	sne.s32 s2, $0x0  }
0x133: {  	s3 =	rddreg [dreg:$0x2];
	[bflag:$0x3] =	sbarrier.arrive $0xFFFF;
	s2 =	simm.s32 @!p0 $0x1C03  }
0x134: {  	[timem:s3], [sflag:s2] =	dma.local @!p0 [hbm:s0], s1  }
0x135: {  	s0 =	simm.s32 @!p0 $0x3  }
0x136: {  	_ =	swait.ge @!p0 [sflag:s0], s1  }
0x137: {  	s1 =	ssub.s32 @!p0 $0x0, s1;
	[sflag:s0] =	ssyncset.done @!p0 $0x0  }
0x138: {  	[sflag:s0] =	ssyncadd.s32 @!p0 s1  }
0x139: {  	[bflag:$0x3] =	sbarrier.arrive $0xFFFF  }
0x13a: {  	_ =	shalt  }

// kernel: kernel.15.cloned.1.call-start
scs
__scs_entry_jumppad:
0x0: {  	(pc) =	sbr.rel $0x88, $3  }
0x1: {  	(tag) =	ssettag $0x0;
	lr =	simm.s32 $0x1  }
0x2: {  	[smem:$0x3F94] =	sst lr;
	_ =	strace $0xD0000000  }
0x3: {  	_ = 	snop  }
0x4: {  	_ = 	snop  }
0x5: {  	_ = 	snop  }
0x6: {  	_ = 	snop  }
0x7: {  	_ = 	snop  }
__scs_overlays_trampoline_lowered:
0x8: {  	[smem:$0x3FA3] =	sst s0  }
0x9: {  	[smem:$0x3FA4] =	sst s1  }
0xa: {  	[smem:$0x3FA5] =	sst s2  }
0xb: {  	[smem:$0x3FA6] =	sst s3  }
0xc: {  	[smem:$0x3FA7] =	sst s4  }
0xd: {  	[smem:$0x3FA8] =	sst s5  }
0xe: {  	[smem:$0x3FA9] =	sst s6  }
0xf: {  	[smem:$0x3FAA] =	sst s7  }
0x10: {  	[smem:$0x3FAB] =	sst s8  }
0x11: {  	[smem:$0x3FAC] =	sst s9;
	s0 =	simm.s32 @!p0 $0x0  }
0x12: {  	s1 =	sld [smem:$0x3F92];
	s0 =	simm.s32 @p0 $0x1  }
0x13: {  	[smem:$0x3FAD] =	sst s0;
	s0 =	simm.s32 @!p1 $0x0  }
0x14: {  	s2 =	sld [smem:$0x3F91];
	s0 =	simm.s32 @p1 $0x1  }
0x15: {  	[smem:$0x3FAE] =	sst s0;
	s0 =	simm.s32 @!p2 $0x0  }
0x16: {  	s3 =	sld [smem:$0x3FDB];
	s0 =	simm.s32 @p2 $0x1  }
0x17: {  	s4 =	simm.s32 $0x1BF5;
	[smem:$0x3FB0] =	sst s0  }
0x18: {  	s0 =	sld [smem:$0x3F93];
	_ =	swait.ge [sflag:s4], $0x0  }
0x19: {  	s7 =	sld [smem:$0x3F94]  }
0x1a: {  	s8 =	sadd.s32 $0xFFFFE003, lr  }
0x1b: {  	s9 =	sadd.s32 $0xFFFFFEF7, lr;
	s5 =	simm.s32 $0xFFFFFFFF;
	p2 =	slt.u32 s8, $0xFFFFF086  }
0x1c: {  	p1 =	slt.u32 s9, $0xF7A;
	s5 =	simm.s32 @!p2 $0x0  }
0x1d: {  	s5 =	simm.s32 @p1 $0x1;
	p0 =	seq.s32 s7, s2  }
0x1e: {  	s7 =	smul.u32 @!p0 $0xF7A, s2;
	p2 =	seq.s32 @!p0 s5, $0x0  }
0x1f: {  	s9 =	smul.u32 $0xF7A, s1;
	s8 =	simm.s32 @!p0 $0x1BF5;
	p2 =	por !p2, p0  }
0x20: {  	[sflag:s8] =	ssyncset.s32 @!p0 $0xFFFFF086;
	s6 =	sadd.s32 @!p0 s3, s7;
	s7 =	simm.s32 @!p0 $0x108  }
0x21: {  	s3 =	sadd.s32 s3, s9;
	s6 =	sadd.s32 @!p0 $0x88, s6;
	s7 =	simm.s32 @p2 $0x1082  }
0x22: {  	[simem:s7], [sflag:s8] =	dma.local @!p0 [hbm:s6], $0xF7A  }
0x23: {  	s9 =	sor.u32 $0xD0000000, s2;
	s6 =	simm.s32 $0x108;
	_ =	swait.ge @!p0 [sflag:s8], $0x0  }
0x24: {  	s3 =	sadd.s32 $0x88, s3;
	s6 =	simm.s32 @!p1 $0x1082;
	[sflag:s4] =	ssyncset.s32 $0xFFFFF086  }
0x25: {  	[simem:s6], [sflag:s4] =	dma.local [hbm:s3], $0xF7A  }
0x26: {  	[smem:$0x3F94] =	sst s1;
	(tag) =	ssettag s2;
	_ =	strace s9  }
0x27: {  	s1 =	sld [smem:$0x3FA4]  }
0x28: {  	s2 =	sld [smem:$0x3FA5]  }
0x29: {  	s4 =	sld [smem:$0x3FA7]  }
0x2a: {  	p0 =	seq.s32 s5, $0x0;
	s5 =	sld [smem:$0x3FA8]  }
0x2b: {  	s6 =	sld [smem:$0x3FA9]  }
0x2c: {  	s7 =	sld [smem:$0x3FAA]  }
0x2d: {  	s3 =	simm.s32 $0x108;
	s8 =	sld [smem:$0x3FAB]  }
0x2e: {  	s3 =	simm.s32 @!p0 $0x1082;
	s9 =	sld [smem:$0x3FAC]  }
0x2f: {  	lr =	sadd.s32 s0, s3;
	s0 =	sld [smem:$0x3FA3]  }
0x30: {  	s3 =	sld [smem:$0x3FA6]  }
0x31: {  	[smem:$0x3FAF] =	sst s10  }
0x32: {  	s10 =	sld [smem:$0x3FAD];
	_ =	sdelay $0x3  }
0x33: {  	p0 =	seq.s32 s10, $0x1;
	s10 =	sld [smem:$0x3FAF];
	_ =	sdelay $0x3  }
0x34: {  	[smem:$0x3FAF] =	sst s10  }
0x35: {  	s10 =	sld [smem:$0x3FAE];
	_ =	sdelay $0x3  }
0x36: {  	p1 =	seq.s32 s10, $0x1;
	s10 =	sld [smem:$0x3FAF];
	_ =	sdelay $0x3  }
0x37: {  	[smem:$0x3FAF] =	sst s10  }
0x38: {  	s10 =	sld [smem:$0x3FB0]  }
0x39: {  	_ = 	snop;
	(pc) =	sbr.ind lr, $3  }
0x3a: {  	_ = 	snop  }
0x3b: {  	_ = 	snop  }
0x3c: {  	p2 =	seq.s32 s10, $0x1;
	s10 =	sld [smem:$0x3FAF]  }
0x3d: {  	_ =	shalt  }
0x3e: {  	_ =	shalt  }
0x3f: {  	_ =	shalt  }
0x40: {  	_ =	shalt  }
0x41: {  	_ =	shalt  }
0x42: {  	_ =	shalt  }
0x43: {  	_ =	shalt  }
0x44: {  	_ =	shalt  }
0x45: {  	_ =	shalt  }
0x46: {  	_ =	shalt  }
0x47: {  	_ =	shalt  }
0x48: {  	_ =	shalt  }
0x49: {  	_ =	shalt  }
0x4a: {  	_ =	shalt  }
0x4b: {  	_ =	shalt  }
0x4c: {  	_ =	shalt  }
0x4d: {  	_ =	shalt  }
0x4e: {  	_ =	shalt  }
0x4f: {  	_ =	shalt  }
0x50: {  	_ =	shalt  }
0x51: {  	_ =	shalt  }
0x52: {  	_ =	shalt  }
0x53: {  	_ =	shalt  }
0x54: {  	_ =	shalt  }
0x55: {  	_ =	shalt  }
0x56: {  	_ =	shalt  }
0x57: {  	_ =	shalt  }
0x58: {  	_ =	shalt  }
0x59: {  	_ =	shalt  }
0x5a: {  	_ =	shalt  }
0x5b: {  	_ =	shalt  }
0x5c: {  	_ =	shalt  }
0x5d: {  	_ =	shalt  }
0x5e: {  	_ =	shalt  }
0x5f: {  	_ =	shalt  }
0x60: {  	_ =	shalt  }
0x61: {  	_ =	shalt  }
0x62: {  	_ =	shalt  }
0x63: {  	_ =	shalt  }
0x64: {  	_ =	shalt  }
0x65: {  	_ =	shalt  }
0x66: {  	_ =	shalt  }
0x67: {  	_ =	shalt  }
0x68: {  	_ =	shalt  }
0x69: {  	_ =	shalt  }
0x6a: {  	_ =	shalt  }
0x6b: {  	_ =	shalt  }
0x6c: {  	_ =	shalt  }
0x6d: {  	_ =	shalt  }
0x6e: {  	_ =	shalt  }
0x6f: {  	_ =	shalt  }
0x70: {  	_ =	shalt  }
0x71: {  	_ =	shalt  }
0x72: {  	_ =	shalt  }
0x73: {  	_ =	shalt  }
0x74: {  	_ =	shalt  }
0x75: {  	_ =	shalt  }
0x76: {  	_ =	shalt  }
0x77: {  	_ =	shalt  }
0x78: {  	_ =	shalt  }
0x79: {  	_ =	shalt  }
0x7a: {  	_ =	shalt  }
0x7b: {  	_ =	shalt  }
0x7c: {  	_ =	shalt  }
0x7d: {  	_ =	shalt  }
0x7e: {  	_ =	shalt  }
0x7f: {  	_ =	shalt  }
0x80: {  	_ =	shalt  }
0x81: {  	_ =	shalt  }
0x82: {  	_ =	shalt  }
0x83: {  	_ =	shalt  }
0x84: {  	_ =	shalt  }
0x85: {  	_ =	shalt  }
0x86: {  	_ =	shalt  }
0x87: {  	_ =	shalt  }
.Lfunc_end0:
.L_simem_size_0:
called_computation.2_lowered:
.L_overlay_start_0:
0x88: {  	s2 =	sld [smem:$0x3FD9]  }
0x89: {  	s3 =	sld [smem:$0x3FFE];
	_ =	sdelay $0x1  }
0x8a: {  	s1 =	srdreg.scid  }
0x8b: {  	s0 =	sand.u32 $0x1, s1  }
0x8c: {  	s17 =	sshll.u32 s0, $0xA;
	s2 =	sadd.s32 s3, s2  }
0x8d: {  	s2 =	sadd.s32 s2, s17  }
0x8e: {  	[smem:$0x3FBB] =	sst s2  }
0x8f: {  	_ = 	snop  }
0x90: {  	s2 =	sld [smem:$0x3FD0];
	(tm) =	ssettm $0x1  }
0x91: {  	s18 =	sld [smem:$0x3FFB];
	_ =	sdelay $0x3  }
0x92: {  	_ =	strace s18  }
0x93: {  	s3 =	sld [smem:$0x3FFC];
	_ =	sdelay $0x3  }
0x94: {  	_ =	strace s3  }
0x95: {  	s3 =	sld [smem:$0x3FFD];
	_ =	sdelay $0x3  }
0x96: {  	_ =	strace s3  }
0x97: {  	_ =	strace $0x8FFFFFFF  }
0x98: {  	s19 =	sld [smem:$0x3FDB];
	_ =	sdelay $0x1  }
0x99: {  	s4 =	simm.s32 $_scs_section_size  }
0x9a: {  	s5 =	simm.s32 $_size__tile_overlayer_lowered;
	s6 =	simm.s32 $_tile_overlayer_lowered  }
0x9b: {  	s22 =	simm.s32 $0x1BFF;
	s21 =	sshll.u32 s6, $0x1;
	s3 =	sadd.s32 s4, s19  }
0x9c: {  	s7 =	simm.s32 $0x0;
	s20 =	sshll.u32 s5, $0x1;
	s5 =	sadd.s32 s21, s3  }
0x9d: {  	[timem:s7], [sflag:s22] =	dma.local [hbm:s5], s20  }
0x9e: {  	_ =	swait.ge [sflag:s22], s20  }
0x9f: {  	s4 =	ssub.s32 $0x0, s20;
	[sflag:s22] =	ssyncset.done $0x0  }
0xa0: {  	[sflag:s22] =	ssyncadd.s32 s4;
	_ =	sdelay $0x1  }
0xa1: {  	s23 =	simm.s32 $0x1B8B  }
0xa2: {  	_ =	swait.ge [sflag:s23], $0x1  }
0xa3: {  	[sflag:s23] =	ssyncset.done $0x0  }
0xa4: {  	s25 =	simm.s32 $0x1B8E;
	s24 =	sld [smem:$0x3FFE];
	[sflag:s23] =	ssyncadd.s32 $0xFFFFFFFF  }
0xa5: {  	s26 =	simm.s32 $execute0_lowered;
	[smem:$0x3FD2] =	sst s25  }
0xa6: {  	s5 =	sshll.u32 s26, $0x1;
	_ =	strace $0x8000004C;
	[dreg:$0x1] =	wrdreg $0xFFFFFFFF  }
0xa7: {  	s28 =	simm.s32 $_size_execute0_lowered;
	s3 =	sadd.s32 s3, s5;
	[dreg:$0x0] =	wrdreg $0x0  }
0xa8: {  	s5 =	sshll.u32 s28, $0x1;
	[dreg:$0x2] =	wrdreg s3  }
0xa9: {  	[dreg:$0x3] =	wrdreg s5  }
0xaa: {  	[dreg:$0x4] =	wrdreg $0xC0  }
0xab: {  	_ =	task [dreg:s7], $0x5FFFF  }
0xac: {  	[dreg:$0x1] =	wrdreg $0xFFFFFFFF  }
0xad: {  	[dreg:$0x0] =	wrdreg $0x60  }
0xae: {  	[dreg:$0x2] =	wrdreg s2  }
0xaf: {  	[dreg:$0x3] =	wrdreg s24  }
0xb0: {  	[dreg:$0x4] =	wrdreg $0x52000  }
0xb1: {  	[dreg:$0x5] =	wrdreg $0x9  }
0xb2: {  	_ =	task.clear_ibuf [dreg:s7], $0x6FFFF;
	_ =	strace $0x9000004C  }
0xb3: {  	s29 =	simm.s32 $0x9;
	_ =	strace $0x8000004E  }
0xb4: {  	_ =	swait.ge [sflag:s29], $0x1  }
0xb5: {  	[sflag:s29] =	ssyncadd.s32 $0xFFFFFFFF  }
0xb6: {  	_ =	strace $0x9000004E  }
0xb7: {  	_ =	sfence  }
0xb8: {  	s30 =	sld [smem:$0x0];
	_ =	sdelay $0x2  }
0xb9: {  	s31 =	sshll.u32 s1, $0xD;
	s1 =	sshrl.u32 s1, $0x2  }
0xba: {  	s3 =	sand.u32 $0x4000, s31;
	s1 =	sadd.s32 s1, s30  }
0xbb: {  	s0 =	sor.u32 s3, s0;
	s1 =	sshll.u32 s1, $0x11  }
0xbc: {  	s0 =	sor.u32 s1, s0  }
0xbd: {  	s0 =	sadd.s32 $0x8F2B, s0  }
0xbe: {  	[sflag:s0] =	ssyncadd.remote.s32 $0x1  }
0xbf: {  	_ =	sfence.sel $0xFFFF  }
0xc0: {  	[dreg:$0x0] =	wrdreg $0xFFFFFFFF;
	(pc) =	sbr.abs _section_cstart, $3  }
0xc1: {  	[dreg:$0x1] =	wrdreg $0xFFFFFFFF  }
0xc2: {  	_ =	task.clear_ibuf [dreg:s7], $0x2FFFF;
	_ =	strace $0x9FFFFFFF  }
0xc3: {  	(tm) =	ssettm $0x7FFFFFFF  }
tec
execute0_lowered:
.L_overlay_start_1:
0x0: {  	(tag) =	ssettag $0x1  }
0x1: {  	s0 =	srdreg.scid;
	s18 =	stileid.u32  }
0x2: {  	s6 =	rddreg [dreg:$0x1];
	s9 =	sand.u32 $0x1, s0;
	s8 =	smul.u32 $0x280, s18  }
0x3: {  	s10 =	sadd.s32 $0x17600, s6;
	s11 =	sadd.s32 $0x8F600, s6;
	s2 =	smul.u32 $0x2800, s18  }
0x4: {  	s0 =	sshll.u32 s9, $0x4;
	s1 =	ssub.s32 $0x2, s9;
	s12 =	smul.u32 $0x140000, s9  }
0x5: {  	s9 =	smul.u32 $0x27100, s9;
	s0 =	sor.u32 s18, s0;
	s13 =	sshrl.u32 s1, $0x1  }
0x6: {  	s14 =	sor.u32 $0x50, s8;
	s2 =	sadd.s32 s10, s2;
	s3 =	sadd.s32 $0xA0, s8  }
0x7: {  	s4 =	sadd.s32 $0xF0, s8;
	s19 =	sadd.s32 $0x140, s8;
	s22 =	sadd.s32 $0x1E0, s8  }
0x8: {  	s7 =	smul.u32 $0x2710, s0;
	s0 =	ssub.s32 s1, s13;
	[dreg:$0x4] =	wrdreg s2  }
0x9: {  	s15 =	sshll.u32 s14, $0x4;
	s16 =	sshll.u32 s3, $0x4;
	s1 =	sshll.u32 s14, $0x7  }
0xa: {  	s5 =	sshll.u32 s4, $0x4;
	s20 =	sshll.u32 s19, $0x4;
	s13 =	sadd.s32 $0x190, s8  }
0xb: {  	s14 =	sshll.u32 s22, $0x4;
	s2 =	sadd.s32 s10, s15;
	s17 =	sadd.s32 s10, s5  }
0xc: {  	s21 =	sshll.u32 s13, $0x4;
	s15 =	sadd.s32 $0x230, s8;
	s23 =	sadd.s32 s10, s14  }
0xd: {  	s8 =	sshll.u32 s22, $0x7;
	s26 =	sadd.s32 s12, s1;
	[dreg:$0x5] =	wrdreg s2  }
0xe: {  	s0 =	smax.u32 s0, $0x1;
	s2 =	sadd.s32 s10, s16;
	[dreg:$0x7] =	wrdreg s17  }
0xf: {  	s5 =	sadd.s32 s10, s21;
	s16 =	smul.u32 $0x14000, s18;
	[dreg:$0xa] =	wrdreg s23  }
0x10: {  	s24 =	sshll.u32 s15, $0x4;
	s14 =	sshll.u32 s15, $0x7;
	s7 =	sshrl.u32 s7, $0x3  }
0x11: {  	[dreg:$0x6] =	wrdreg s2;
	s2 =	sshll.u32 s3, $0x7;
	s3 =	sshll.u32 s4, $0x7  }
0x12: {  	s4 =	sadd.s32 s10, s20;
	[dreg:$0x9] =	wrdreg s5;
	s5 =	sshll.u32 s13, $0x7  }
0x13: {  	s10 =	sadd.s32 s10, s24;
	s13 =	sshrl.u32 s26, $0x3;
	[dreg:$0x8] =	wrdreg s4  }
0x14: {  	s24 =	sadd.s32 s12, s8;
	s4 =	sshll.u32 s19, $0x7;
	[dreg:$0xb] =	wrdreg s10  }
0x15: {  	s25 =	sadd.s32 s12, s16;
	s15 =	sadd.s32 s11, s13;
	s16 =	sadd.s32 s12, s2  }
0x16: {  	s17 =	sadd.s32 s12, s3;
	s23 =	sadd.s32 s12, s5;
	s13 =	sshrl.u32 s24, $0x3  }
0x17: {  	s10 =	sshrl.u32 s25, $0x3;
	[dreg:$0xd] =	wrdreg s15;
	s19 =	sadd.s32 s12, s4  }
0x18: {  	s20 =	sshrl.u32 s17, $0x3;
	s12 =	sadd.s32 s12, s14;
	s25 =	smul.u32 $0x2710, s18  }
0x19: {  	s26 =	sadd.s32 s11, s13;
	s15 =	sadd.s32 $0x3400, s6;
	s6 =	sadd.s32 $0xD200, s6  }
0x1a: {  	s17 =	simm.s32 $0x0;
	s10 =	sadd.s32 s11, s10;
	[dreg:$0x12] =	wrdreg s26  }
0x1b: {  	s21 =	sshrl.u32 s19, $0x3;
	s13 =	sshrl.u32 s12, $0x3;
	[smem:$0x7FF] =	sst s17  }
0x1c: {  	s19 =	sadd.s32 s6, s7;
	s12 =	simm.s32 $0x80;
	[dreg:$0xc] =	wrdreg s10  }
0x1d: {  	s10 =	sshrl.u32 s16, $0x3;
	s22 =	sadd.s32 s11, s21;
	[dreg:$0x15] =	wrdreg s19  }
0x1e: {  	s9 =	sadd.s32 s25, s9;
	s16 =	sadd.s32 s15, s7;
	s25 =	rddreg [dreg:$0x0]  }
0x1f: {  	s21 =	smul.u32 $0x50000, s18;
	s18 =	simm.s32 $0x0;
	[dreg:$0x10] =	wrdreg s22  }
0x20: {  	s10 =	sadd.s32 s11, s10;
	[dreg:$0x14] =	wrdreg s16;
	s26 =	sadd.s32 $0x140, s9  }
0x21: {  	s9 =	sadd.s32 $0xF0, s9;
	s16 =	simm.s32 $0x2;
	[dreg:$0xe] =	wrdreg s10  }
0x22: {  	s10 =	sadd.s32 s11, s20;
	s20 =	sadd.s32 $0xA, s7;
	s7 =	sadd.s32 $0x14, s7  }
0x23: {  	s24 =	sshrl.u32 s21, $0x2;
	s9 =	sshrl.u32 s9, $0x3;
	[dreg:$0xf] =	wrdreg s10  }
0x24: {  	s10 =	sshrl.u32 s23, $0x3;
	s23 =	sadd.s32 s15, s20;
	s22 =	sadd.s32 s15, s7  }
0x25: {  	s30 =	sadd.s32 s9, s6;
	s10 =	sadd.s32 s11, s10;
	[dreg:$0x16] =	wrdreg s23  }
0x26: {  	s31 =	sadd.s32 s9, s15;
	[dreg:$0x11] =	wrdreg s10;
	s10 =	sadd.s32 s11, s13  }
0x27: {  	s9 =	simm.s32 $0x3;
	s11 =	sadd.s32 s6, s20;
	[dreg:$0x13] =	wrdreg s10  }
0x28: {  	s23 =	sadd.s32 s6, s7;
	s13 =	simm.s32 $0x180;
	[dreg:$0x17] =	wrdreg s11  }
0x29: {  	s11 =	sshrl.u32 s26, $0x3;
	s26 =	rddreg [dreg:$0x2];
	s10 =	simm.s32 $0x100  }
0x2a: {  	s28 =	sadd.s32 s11, s6;
	s29 =	sadd.s32 s11, s15;
	_ =	strace $0x8000004D  }
0x2b: {  	s24 =	sadd.s32 s24, s26;
	s1 =	sadd.s32 s1, s26;
	s2 =	sadd.s32 s2, s26  }
0x2c: {  	s3 =	sadd.s32 s3, s26;
	s4 =	sadd.s32 s4, s26;
	s5 =	sadd.s32 s5, s26  }
0x2d: {  	s6 =	sadd.s32 s8, s26;
	s7 =	sadd.s32 s14, s26;
	s8 =	simm.s32 $0x200  }
0x2e: {  	s11 =	simm.s32 $0x50;
	s14 =	simm.s32 $0x1;
	s15 =	simm.s32 $0x2A00  }
.LBB2_1:
0x2f: {  	s19 =	rddreg [dreg:$0x4]  }
0x30: {  	[tilespmem:s8], [sflag:$0x3] =	stream.linear.gather [hbm4b:s19+s17], $0x2800, $0x38;
	[tilespmem:$0x19200] =	vst v63  }
0x31: {  	_ =	swait.ge [sflag:s9], $0x2800  }
0x32: {  	[sflag:s9] =	ssyncset.done $0x0  }
0x33: {  	[sflag:s9] =	ssyncadd.s32 $0xFFFFD800  }
0x34: {  	[spmem:s24] =	stream.linear.scatter [tilespmem:s8], [sflag:$0x3], $0x2800, $0x38;
	[tilespmem:$0x19200] =	vst v63  }
0x35: {  	_ =	swait.ge [sflag:s9], $0x2800  }
0x36: {  	[sflag:s9] =	ssyncset.done $0x0  }
0x37: {  	s21 =	rddreg [dreg:$0x5];
	[sflag:s9] =	ssyncadd.s32 $0xFFFFD800  }
0x38: {  	[tilespmem:s8], [sflag:$0x3] =	stream.linear.gather [hbm4b:s21+s17], $0x2800, $0x38;
	[tilespmem:$0x19200] =	vst v63  }
0x39: {  	_ =	swait.ge [sflag:s9], $0x2800  }
0x3a: {  	[sflag:s9] =	ssyncset.done $0x0  }
0x3b: {  	[sflag:s9] =	ssyncadd.s32 $0xFFFFD800  }
0x3c: {  	[spmem:s1] =	stream.linear.scatter [tilespmem:s8], [sflag:$0x3], $0x2800, $0x38;
	[tilespmem:$0x19200] =	vst v63  }
0x3d: {  	_ =	swait.ge [sflag:s9], $0x2800  }
0x3e: {  	[sflag:s9] =	ssyncset.done $0x0  }
0x3f: {  	s20 =	rddreg [dreg:$0x6];
	[sflag:s9] =	ssyncadd.s32 $0xFFFFD800  }
0x40: {  	[tilespmem:s8], [sflag:$0x3] =	stream.linear.gather [hbm4b:s20+s17], $0x2800, $0x38;
	[tilespmem:$0x19200] =	vst v63  }
0x41: {  	_ =	swait.ge [sflag:s9], $0x2800  }
0x42: {  	[sflag:s9] =	ssyncset.done $0x0  }
0x43: {  	[sflag:s9] =	ssyncadd.s32 $0xFFFFD800  }
0x44: {  	[spmem:s2] =	stream.linear.scatter [tilespmem:s8], [sflag:$0x3], $0x2800, $0x38;
	[tilespmem:$0x19200] =	vst v63  }
0x45: {  	_ =	swait.ge [sflag:s9], $0x2800  }
0x46: {  	[sflag:s9] =	ssyncset.done $0x0  }
0x47: {  	s21 =	rddreg [dreg:$0x7];
	[sflag:s9] =	ssyncadd.s32 $0xFFFFD800  }
0x48: {  	[tilespmem:s8], [sflag:$0x3] =	stream.linear.gather [hbm4b:s21+s17], $0x2800, $0x38;
	[tilespmem:$0x19200] =	vst v63  }
0x49: {  	_ =	swait.ge [sflag:s9], $0x2800  }
0x4a: {  	[sflag:s9] =	ssyncset.done $0x0  }
0x4b: {  	[sflag:s9] =	ssyncadd.s32 $0xFFFFD800  }
0x4c: {  	[spmem:s3] =	stream.linear.scatter [tilespmem:s8], [sflag:$0x3], $0x2800, $0x38;
	[tilespmem:$0x19200] =	vst v63  }
0x4d: {  	_ =	swait.ge [sflag:s9], $0x2800  }
0x4e: {  	[sflag:s9] =	ssyncset.done $0x0  }
0x4f: {  	s20 =	rddreg [dreg:$0x8];
	[sflag:s9] =	ssyncadd.s32 $0xFFFFD800  }
0x50: {  	[tilespmem:s8], [sflag:$0x3] =	stream.linear.gather [hbm4b:s20+s17], $0x2800, $0x38;
	[tilespmem:$0x19200] =	vst v63  }
0x51: {  	_ =	swait.ge [sflag:s9], $0x2800  }
0x52: {  	[sflag:s9] =	ssyncset.done $0x0  }
0x53: {  	[sflag:s9] =	ssyncadd.s32 $0xFFFFD800  }
0x54: {  	[spmem:s4] =	stream.linear.scatter [tilespmem:s8], [sflag:$0x3], $0x2800, $0x38;
	[tilespmem:$0x19200] =	vst v63  }
0x55: {  	_ =	swait.ge [sflag:s9], $0x2800  }
0x56: {  	[sflag:s9] =	ssyncset.done $0x0  }
0x57: {  	s21 =	rddreg [dreg:$0x9];
	[sflag:s9] =	ssyncadd.s32 $0xFFFFD800  }
0x58: {  	[tilespmem:s8], [sflag:$0x3] =	stream.linear.gather [hbm4b:s21+s17], $0x2800, $0x38;
	[tilespmem:$0x19200] =	vst v63  }
0x59: {  	_ =	swait.ge [sflag:s9], $0x2800  }
0x5a: {  	[sflag:s9] =	ssyncset.done $0x0  }
0x5b: {  	[sflag:s9] =	ssyncadd.s32 $0xFFFFD800  }
0x5c: {  	[spmem:s5] =	stream.linear.scatter [tilespmem:s8], [sflag:$0x3], $0x2800, $0x38;
	[tilespmem:$0x19200] =	vst v63  }
0x5d: {  	_ =	swait.ge [sflag:s9], $0x2800  }
0x5e: {  	[sflag:s9] =	ssyncset.done $0x0  }
0x5f: {  	s20 =	rddreg [dreg:$0xa];
	[sflag:s9] =	ssyncadd.s32 $0xFFFFD800  }
0x60: {  	[tilespmem:s8], [sflag:$0x3] =	stream.linear.gather [hbm4b:s20+s17], $0x2800, $0x38;
	[tilespmem:$0x19200] =	vst v63  }
0x61: {  	_ =	swait.ge [sflag:s9], $0x2800  }
0x62: {  	[sflag:s9] =	ssyncset.done $0x0  }
0x63: {  	[sflag:s9] =	ssyncadd.s32 $0xFFFFD800  }
0x64: {  	[spmem:s6] =	stream.linear.scatter [tilespmem:s8], [sflag:$0x3], $0x2800, $0x38;
	[tilespmem:$0x19200] =	vst v63  }
0x65: {  	_ =	swait.ge [sflag:s9], $0x2800  }
0x66: {  	[sflag:s9] =	ssyncset.done $0x0  }
0x67: {  	s21 =	rddreg [dreg:$0xb];
	[sflag:s9] =	ssyncadd.s32 $0xFFFFD800  }
0x68: {  	[tilespmem:s8], [sflag:$0x3] =	stream.linear.gather [hbm4b:s21+s17], $0x2800, $0x38;
	[tilespmem:$0x19200] =	vst v63  }
0x69: {  	_ =	swait.ge [sflag:s9], $0x2800  }
0x6a: {  	[sflag:s9] =	ssyncset.done $0x0  }
0x6b: {  	[sflag:s9] =	ssyncadd.s32 $0xFFFFD800  }
0x6c: {  	[spmem:s7] =	stream.linear.scatter [tilespmem:s8], [sflag:$0x3], $0x2800, $0x38;
	[tilespmem:$0x19200] =	vst v63  }
0x6d: {  	_ =	swait.ge [sflag:s9], $0x2800  }
0x6e: {  	[sflag:s9] =	ssyncset.done $0x0  }
0x6f: {  	[sflag:s9] =	ssyncadd.s32 $0xFFFFD800  }
0x70: {  	[bflag:$0x0] =	sbarrier.arrive $0xFFFF  }
0x71: {  	s20 =	rddreg [dreg:$0x14]  }
0x72: {  	[tilespmem:s17], [sflag:$0x3] =	stream.linear.gather [hbm4b:s20+s17], $0x50, $0x38;
	[tilespmem:$0x19200] =	vst v63  }
0x73: {  	_ =	swait.ge [sflag:s9], $0x50  }
0x74: {  	[sflag:s9] =	ssyncset.done $0x0  }
0x75: {  	s21 =	rddreg [dreg:$0x15];
	[sflag:s9] =	ssyncadd.s32 $0xFFFFFFB0  }
0x76: {  	[tilespmem:s10], [sflag:$0x3] =	stream.linear.gather [hbm4b:s21+s17], $0x50, $0x38;
	[tilespmem:$0x19200] =	vst v63  }
0x77: {  	_ =	swait.ge [sflag:s9], $0x50  }
0x78: {  	[sflag:s9] =	ssyncset.done $0x0  }
0x79: {  	[sflag:s9] =	ssyncadd.s32 $0xFFFFFFB0  }
0x7a: {  	[tilespmem:s8], [sflag:$0x1] =	stream.indirect.gather [hbm4b:s25+s11], $0x80, s17, s11, $0xb8;
	[tilespmem:$0x19200] =	vst v63  }
0x7b: {  	s20 =	rddreg [dreg:$0x16]  }
0x7c: {  	[tilespmem:s12], [sflag:$0x3] =	stream.linear.gather [hbm4b:s20+s17], $0x50, $0x38;
	[tilespmem:$0x19200] =	vst v63  }
0x7d: {  	_ =	swait.ge [sflag:s9], $0x50  }
0x7e: {  	[sflag:s9] =	ssyncset.done $0x0  }
0x7f: {  	s21 =	rddreg [dreg:$0x17];
	[sflag:s9] =	ssyncadd.s32 $0xFFFFFFB0  }
0x80: {  	[tilespmem:s13], [sflag:$0x3] =	stream.linear.gather [hbm4b:s21+s17], $0x50, $0x38;
	[tilespmem:$0x19200] =	vst v63  }
0x81: {  	_ =	swait.ge [sflag:s9], $0x50  }
0x82: {  	[sflag:s9] =	ssyncset.done $0x0  }
0x83: {  	[sflag:s9] =	ssyncadd.s32 $0xFFFFFFB0  }
0x84: {  	_ =	swait.ge [sflag:s14], $0x2800  }
0x85: {  	[sflag:s14] =	ssyncset.done $0x0  }
0x86: {  	[sflag:s14] =	ssyncadd.s32 $0xFFFFD800  }
0x87: {  	[spmem:s26] =	stream.indirect.scatter.add.f32 [tilespmem:s8], [sflag:$0x2], $0x80, s10, s11, $0xb8;
	[tilespmem:$0x19200] =	vst v63  }
0x88: {  	_ = 	snop  }
0x89: {  	[tilespmem:s15], [sflag:$0x1] =	stream.indirect.gather [hbm4b:s25+s11], $0x80, s12, s11, $0xb8;
	[tilespmem:$0x19200] =	vst v63  }
0x8a: {  	_ =	swait.ge [sflag:s16], $0x2800  }
0x8b: {  	[sflag:s16] =	ssyncset.done $0x0  }
0x8c: {  	[sflag:s16] =	ssyncadd.s32 $0xFFFFD800  }
0x8d: {  	[tilespmem:s17], [sflag:$0x3] =	stream.linear.gather [hbm4b:s22+s17], $0x50, $0x38;
	[tilespmem:$0x19200] =	vst v63  }
0x8e: {  	_ =	swait.ge [sflag:s9], $0x50  }
0x8f: {  	[sflag:s9] =	ssyncset.done $0x0  }
0x90: {  	[sflag:s9] =	ssyncadd.s32 $0xFFFFFFB0  }
0x91: {  	[tilespmem:s10], [sflag:$0x3] =	stream.linear.gather [hbm4b:s23+s17], $0x50, $0x38;
	[tilespmem:$0x19200] =	vst v63  }
0x92: {  	_ =	swait.ge [sflag:s9], $0x50  }
0x93: {  	[sflag:s9] =	ssyncset.done $0x0  }
0x94: {  	[sflag:s9] =	ssyncadd.s32 $0xFFFFFFB0  }
0x95: {  	_ =	swait.ge [sflag:s14], $0x2800  }
0x96: {  	[sflag:s14] =	ssyncset.done $0x0  }
0x97: {  	[sflag:s14] =	ssyncadd.s32 $0xFFFFD800  }
0x98: {  	[spmem:s26] =	stream.indirect.scatter.add.f32 [tilespmem:s15], [sflag:$0x2], $0x80, s13, s11, $0xb8;
	[tilespmem:$0x19200] =	vst v63  }
0x99: {  	_ = 	snop  }
0x9a: {  	[tilespmem:s8], [sflag:$0x1] =	stream.indirect.gather [hbm4b:s25+s11], $0x80, s17, s11, $0xb8;
	[tilespmem:$0x19200] =	vst v63  }
0x9b: {  	_ =	swait.ge [sflag:s16], $0x2800  }
0x9c: {  	[sflag:s16] =	ssyncset.done $0x0  }
0x9d: {  	s20 =	sadd.s32 $0x0, s31;
	[sflag:s16] =	ssyncadd.s32 $0xFFFFD800  }
0x9e: {  	[tilespmem:s12], [sflag:$0x3] =	stream.linear.gather [hbm4b:s20+s17], $0x50, $0x38;
	[tilespmem:$0x19200] =	vst v63  }
0x9f: {  	_ =	swait.ge [sflag:s9], $0x50  }
0xa0: {  	[sflag:s9] =	ssyncset.done $0x0  }
0xa1: {  	s21 =	sadd.s32 $0x0, s30;
	[sflag:s9] =	ssyncadd.s32 $0xFFFFFFB0  }
0xa2: {  	[tilespmem:s13], [sflag:$0x3] =	stream.linear.gather [hbm4b:s21+s17], $0x50, $0x38;
	[tilespmem:$0x19200] =	vst v63  }
0xa3: {  	_ =	swait.ge [sflag:s9], $0x50  }
0xa4: {  	[sflag:s9] =	ssyncset.done $0x0  }
0xa5: {  	[sflag:s9] =	ssyncadd.s32 $0xFFFFFFB0  }
0xa6: {  	_ =	swait.ge [sflag:s14], $0x2800  }
0xa7: {  	[sflag:s14] =	ssyncset.done $0x0  }
0xa8: {  	[sflag:s14] =	ssyncadd.s32 $0xFFFFD800  }
0xa9: {  	[spmem:s26] =	stream.indirect.scatter.add.f32 [tilespmem:s8], [sflag:$0x2], $0x80, s10, s11, $0xb8;
	[tilespmem:$0x19200] =	vst v63  }
0xaa: {  	_ = 	snop  }
0xab: {  	[tilespmem:s15], [sflag:$0x1] =	stream.indirect.gather [hbm4b:s25+s11], $0x80, s12, s11, $0xb8;
	[tilespmem:$0x19200] =	vst v63  }
0xac: {  	_ =	swait.ge [sflag:s16], $0x2800  }
0xad: {  	[sflag:s16] =	ssyncset.done $0x0  }
0xae: {  	s20 =	sadd.s32 $0x0, s29;
	[sflag:s16] =	ssyncadd.s32 $0xFFFFD800  }
0xaf: {  	[tilespmem:s17], [sflag:$0x3] =	stream.linear.gather [hbm4b:s20+s17], $0x50, $0x38;
	[tilespmem:$0x19200] =	vst v63  }
0xb0: {  	_ =	swait.ge [sflag:s9], $0x50  }
0xb1: {  	[sflag:s9] =	ssyncset.done $0x0  }
0xb2: {  	s21 =	sadd.s32 $0x0, s28;
	[sflag:s9] =	ssyncadd.s32 $0xFFFFFFB0  }
0xb3: {  	[tilespmem:s10], [sflag:$0x3] =	stream.linear.gather [hbm4b:s21+s17], $0x50, $0x38;
	[tilespmem:$0x19200] =	vst v63  }
0xb4: {  	_ =	swait.ge [sflag:s9], $0x50  }
0xb5: {  	[sflag:s9] =	ssyncset.done $0x0  }
0xb6: {  	[sflag:s9] =	ssyncadd.s32 $0xFFFFFFB0  }
0xb7: {  	_ =	swait.ge [sflag:s14], $0x2800  }
0xb8: {  	[sflag:s14] =	ssyncset.done $0x0  }
0xb9: {  	s19 =	simm.s32 $0x14;
	[sflag:s14] =	ssyncadd.s32 $0xFFFFD800  }
0xba: {  	[spmem:s26] =	stream.indirect.scatter.add.f32 [tilespmem:s15], [sflag:$0x2], $0x80, s13, s11, $0xb8;
	[tilespmem:$0x19200] =	vst v63  }
.LBB2_2:
0xbb: {  	[tilespmem:s8], [sflag:$0x1] =	stream.indirect.gather [hbm4b:s25+s11], $0x80, s17, s11, $0xb8;
	[tilespmem:$0x19200] =	vst v63  }
0xbc: {  	s20 =	smov.u32 s19  }
0xbd: {  	p0 =	sne.s32 s19, $0x4B0;
	s19 =	sadd.s32 $0x14, s19;
	_ =	swait.ge [sflag:s16], $0x2800  }
0xbe: {  	[sflag:s16] =	ssyncset.done $0x0  }
0xbf: {  	s21 =	sadd.s32 s20, s31;
	[sflag:s16] =	ssyncadd.s32 $0xFFFFD800  }
0xc0: {  	[tilespmem:s12], [sflag:$0x3] =	stream.linear.gather [hbm4b:s21+s17], $0x50, $0x38;
	[tilespmem:$0x19200] =	vst v63  }
0xc1: {  	_ =	swait.ge [sflag:s9], $0x50  }
0xc2: {  	[sflag:s9] =	ssyncset.done $0x0  }
0xc3: {  	s21 =	sadd.s32 s20, s30;
	[sflag:s9] =	ssyncadd.s32 $0xFFFFFFB0  }
0xc4: {  	[tilespmem:s13], [sflag:$0x3] =	stream.linear.gather [hbm4b:s21+s17], $0x50, $0x38;
	[tilespmem:$0x19200] =	vst v63  }
0xc5: {  	_ =	swait.ge [sflag:s9], $0x50  }
0xc6: {  	[sflag:s9] =	ssyncset.done $0x0  }
0xc7: {  	[sflag:s9] =	ssyncadd.s32 $0xFFFFFFB0  }
0xc8: {  	_ =	swait.ge [sflag:s14], $0x2800  }
0xc9: {  	[sflag:s14] =	ssyncset.done $0x0  }
0xca: {  	[sflag:s14] =	ssyncadd.s32 $0xFFFFD800  }
0xcb: {  	[spmem:s26] =	stream.indirect.scatter.add.f32 [tilespmem:s8], [sflag:$0x2], $0x80, s10, s11, $0xb8;
	[tilespmem:$0x19200] =	vst v63  }
0xcc: {  	_ = 	snop  }
0xcd: {  	[tilespmem:s15], [sflag:$0x1] =	stream.indirect.gather [hbm4b:s25+s11], $0x80, s12, s11, $0xb8;
	[tilespmem:$0x19200] =	vst v63  }
0xce: {  	_ =	swait.ge [sflag:s16], $0x2800  }
0xcf: {  	[sflag:s16] =	ssyncset.done $0x0  }
0xd0: {  	s21 =	sadd.s32 s20, s29;
	[sflag:s16] =	ssyncadd.s32 $0xFFFFD800  }
0xd1: {  	[tilespmem:s17], [sflag:$0x3] =	stream.linear.gather [hbm4b:s21+s17], $0x50, $0x38;
	[tilespmem:$0x19200] =	vst v63  }
0xd2: {  	_ =	swait.ge [sflag:s9], $0x50  }
0xd3: {  	[sflag:s9] =	ssyncset.done $0x0  }
0xd4: {  	s20 =	sadd.s32 s20, s28;
	[sflag:s9] =	ssyncadd.s32 $0xFFFFFFB0  }
0xd5: {  	[tilespmem:s10], [sflag:$0x3] =	stream.linear.gather [hbm4b:s20+s17], $0x50, $0x38;
	[tilespmem:$0x19200] =	vst v63  }
0xd6: {  	_ =	swait.ge [sflag:s9], $0x50  }
0xd7: {  	[sflag:s9] =	ssyncset.done $0x0  }
.Ltmp0:
0xd8: {  	[sflag:s9] =	ssyncadd.s32 $0xFFFFFFB0;
	(pc) =	sbr.rel @p0 .LBB2_2-.Ltmp0, $4  }
0xd9: {  	_ =	swait.ge [sflag:s14], $0x2800  }
0xda: {  	[sflag:s14] =	ssyncset.done $0x0  }
0xdb: {  	[sflag:s14] =	ssyncadd.s32 $0xFFFFD800  }
0xdc: {  	[spmem:s26] =	stream.indirect.scatter.add.f32 [tilespmem:s15], [sflag:$0x2], $0x80, s13, s11, $0xb8;
	[tilespmem:$0x19200] =	vst v63  }
0xdd: {  	[tilespmem:s8], [sflag:$0x1] =	stream.indirect.gather [hbm4b:s25+s11], $0x80, s17, s11, $0xb8;
	[tilespmem:$0x19200] =	vst v63  }
0xde: {  	_ =	swait.ge [sflag:s16], $0x2800  }
0xdf: {  	[sflag:s16] =	ssyncset.done $0x0  }
0xe0: {  	[sflag:s16] =	ssyncadd.s32 $0xFFFFD800  }
0xe1: {  	_ =	swait.ge [sflag:s14], $0x2800  }
0xe2: {  	[sflag:s14] =	ssyncset.done $0x0  }
0xe3: {  	[sflag:s14] =	ssyncadd.s32 $0xFFFFD800  }
0xe4: {  	[spmem:s26] =	stream.indirect.scatter.add.f32 [tilespmem:s8], [sflag:$0x2], $0x80, s10, s11, $0xb8;
	[tilespmem:$0x19200] =	vst v63  }
0xe5: {  	_ =	swait.ge [sflag:s16], $0x2800  }
0xe6: {  	[sflag:s16] =	ssyncset.done $0x0  }
0xe7: {  	[sflag:s16] =	ssyncadd.s32 $0xFFFFD800  }
0xe8: {  	[bflag:$0x0] =	sbarrier.arrive $0xFFFF  }
0xe9: {  	[tilespmem:s8], [sflag:$0x3] =	stream.linear.gather [spmem:s24], $0x2800, $0x38;
	[tilespmem:$0x19200] =	vst v63  }
0xea: {  	_ =	swait.ge [sflag:s9], $0x2800  }
0xeb: {  	[sflag:s9] =	ssyncset.done $0x0  }
0xec: {  	s19 =	rddreg [dreg:$0xc];
	[sflag:s9] =	ssyncadd.s32 $0xFFFFD800  }
0xed: {  	[hbm4b:s19+s17] =	stream.linear.scatter [tilespmem:s8], [sflag:$0x3], $0x2800, $0x38;
	[tilespmem:$0x19200] =	vst v63  }
0xee: {  	_ =	swait.ge [sflag:s9], $0x2800  }
0xef: {  	[sflag:s9] =	ssyncset.done $0x0  }
0xf0: {  	[sflag:s9] =	ssyncadd.s32 $0xFFFFD800  }
0xf1: {  	[tilespmem:s8], [sflag:$0x3] =	stream.linear.gather [spmem:s1], $0x2800, $0x38;
	[tilespmem:$0x19200] =	vst v63  }
0xf2: {  	_ =	swait.ge [sflag:s9], $0x2800  }
0xf3: {  	[sflag:s9] =	ssyncset.done $0x0  }
0xf4: {  	s21 =	rddreg [dreg:$0xd];
	[sflag:s9] =	ssyncadd.s32 $0xFFFFD800  }
0xf5: {  	[hbm4b:s21+s17] =	stream.linear.scatter [tilespmem:s8], [sflag:$0x3], $0x2800, $0x38;
	[tilespmem:$0x19200] =	vst v63  }
0xf6: {  	_ =	swait.ge [sflag:s9], $0x2800  }
0xf7: {  	[sflag:s9] =	ssyncset.done $0x0  }
0xf8: {  	[sflag:s9] =	ssyncadd.s32 $0xFFFFD800  }
0xf9: {  	[tilespmem:s8], [sflag:$0x3] =	stream.linear.gather [spmem:s2], $0x2800, $0x38;
	[tilespmem:$0x19200] =	vst v63  }
0xfa: {  	_ =	swait.ge [sflag:s9], $0x2800  }
0xfb: {  	[sflag:s9] =	ssyncset.done $0x0  }
0xfc: {  	s20 =	rddreg [dreg:$0xe];
	[sflag:s9] =	ssyncadd.s32 $0xFFFFD800  }
0xfd: {  	[hbm4b:s20+s17] =	stream.linear.scatter [tilespmem:s8], [sflag:$0x3], $0x2800, $0x38;
	[tilespmem:$0x19200] =	vst v63  }
0xfe: {  	_ =	swait.ge [sflag:s9], $0x2800  }
0xff: {  	[sflag:s9] =	ssyncset.done $0x0  }
0x100: {  	[sflag:s9] =	ssyncadd.s32 $0xFFFFD800  }
0x101: {  	[tilespmem:s8], [sflag:$0x3] =	stream.linear.gather [spmem:s3], $0x2800, $0x38;
	[tilespmem:$0x19200] =	vst v63  }
0x102: {  	_ =	swait.ge [sflag:s9], $0x2800  }
0x103: {  	[sflag:s9] =	ssyncset.done $0x0  }
0x104: {  	s21 =	rddreg [dreg:$0xf];
	[sflag:s9] =	ssyncadd.s32 $0xFFFFD800  }
0x105: {  	[hbm4b:s21+s17] =	stream.linear.scatter [tilespmem:s8], [sflag:$0x3], $0x2800, $0x38;
	[tilespmem:$0x19200] =	vst v63  }
0x106: {  	_ =	swait.ge [sflag:s9], $0x2800  }
0x107: {  	[sflag:s9] =	ssyncset.done $0x0  }
0x108: {  	[sflag:s9] =	ssyncadd.s32 $0xFFFFD800  }
0x109: {  	[tilespmem:s8], [sflag:$0x3] =	stream.linear.gather [spmem:s4], $0x2800, $0x38;
	[tilespmem:$0x19200] =	vst v63  }
0x10a: {  	_ =	swait.ge [sflag:s9], $0x2800  }
0x10b: {  	[sflag:s9] =	ssyncset.done $0x0  }
0x10c: {  	s20 =	rddreg [dreg:$0x10];
	[sflag:s9] =	ssyncadd.s32 $0xFFFFD800  }
0x10d: {  	[hbm4b:s20+s17] =	stream.linear.scatter [tilespmem:s8], [sflag:$0x3], $0x2800, $0x38;
	[tilespmem:$0x19200] =	vst v63  }
0x10e: {  	_ =	swait.ge [sflag:s9], $0x2800  }
0x10f: {  	[sflag:s9] =	ssyncset.done $0x0  }
0x110: {  	[sflag:s9] =	ssyncadd.s32 $0xFFFFD800  }
0x111: {  	[tilespmem:s8], [sflag:$0x3] =	stream.linear.gather [spmem:s5], $0x2800, $0x38;
	[tilespmem:$0x19200] =	vst v63  }
0x112: {  	_ =	swait.ge [sflag:s9], $0x2800  }
0x113: {  	[sflag:s9] =	ssyncset.done $0x0  }
0x114: {  	s21 =	rddreg [dreg:$0x11];
	[sflag:s9] =	ssyncadd.s32 $0xFFFFD800  }
0x115: {  	[hbm4b:s21+s17] =	stream.linear.scatter [tilespmem:s8], [sflag:$0x3], $0x2800, $0x38;
	[tilespmem:$0x19200] =	vst v63  }
0x116: {  	_ =	swait.ge [sflag:s9], $0x2800  }
0x117: {  	[sflag:s9] =	ssyncset.done $0x0  }
0x118: {  	[sflag:s9] =	ssyncadd.s32 $0xFFFFD800  }
0x119: {  	[tilespmem:s8], [sflag:$0x3] =	stream.linear.gather [spmem:s6], $0x2800, $0x38;
	[tilespmem:$0x19200] =	vst v63  }
0x11a: {  	_ =	swait.ge [sflag:s9], $0x2800  }
0x11b: {  	[sflag:s9] =	ssyncset.done $0x0  }
0x11c: {  	s20 =	rddreg [dreg:$0x12];
	[sflag:s9] =	ssyncadd.s32 $0xFFFFD800  }
0x11d: {  	[hbm4b:s20+s17] =	stream.linear.scatter [tilespmem:s8], [sflag:$0x3], $0x2800, $0x38;
	[tilespmem:$0x19200] =	vst v63  }
0x11e: {  	_ =	swait.ge [sflag:s9], $0x2800  }
0x11f: {  	[sflag:s9] =	ssyncset.done $0x0  }
0x120: {  	[sflag:s9] =	ssyncadd.s32 $0xFFFFD800  }
0x121: {  	[tilespmem:s8], [sflag:$0x3] =	stream.linear.gather [spmem:s7], $0x2800, $0x38;
	[tilespmem:$0x19200] =	vst v63  }
0x122: {  	s18 =	sadd.s32 $0x1, s18;
	_ =	swait.ge [sflag:s9], $0x2800  }
0x123: {  	p0 =	sne.s32 s18, s0;
	[sflag:s9] =	ssyncset.done $0x0  }
.Ltmp1:
0x124: {  	s21 =	rddreg [dreg:$0x13];
	[sflag:s9] =	ssyncadd.s32 $0xFFFFD800;
	(pc) =	sbr.rel @p0 .LBB2_1-.Ltmp1, $4  }
0x125: {  	[hbm4b:s21+s17] =	stream.linear.scatter [tilespmem:s8], [sflag:$0x3], $0x2800, $0x38;
	[tilespmem:$0x19200] =	vst v63  }
0x126: {  	_ =	swait.ge [sflag:s9], $0x2800  }
0x127: {  	[sflag:s9] =	ssyncset.done $0x0  }
0x128: {  	[sflag:s9] =	ssyncadd.s32 $0xFFFFD800  }
0x129: {  	_ =	sfence.sel $0x180000  }
0x12a: {  	[bflag:$0x0] =	sbarrier.arrive $0xFFFF  }
0x12b: {  	_ =	strace $0x9000004D  }
0x12c: {  	s0 =	stileid.u32;
	[bflag:$0x2] =	sbarrier.arrive $0xFFFF  }
0x12d: {  	p0 =	sne.s32 s0, $0x0;
	s0 =	rddreg [dreg:$0x3]  }
0x12e: {  	s0 =	sadd.s32 @!p0 $0x100000, s0  }
0x12f: {  	[sflag:s0] =	ssyncadd.tile.s32 @!p0 $0x1;
	_ =	shalt  }
.Lfunc_end2:
_tile_overlayer_lowered:
.L_overlay_start_2:
0x130: {  	(tag) =	ssettag $0x2  }
0x131: {  	s0 =	rddreg [dreg:$0x0];
	s2 =	stileid.u32  }
0x132: {  	s1 =	rddreg [dreg:$0x1];
	p0 =	sne.s32 s2, $0x0  }
0x133: {  	s3 =	rddreg [dreg:$0x2];
	[bflag:$0x3] =	sbarrier.arrive $0xFFFF;
	s2 =	simm.s32 @!p0 $0x1C03  }
0x134: {  	[timem:s3], [sflag:s2] =	dma.local @!p0 [hbm:s0], s1  }
0x135: {  	s0 =	simm.s32 @!p0 $0x3  }
0x136: {  	_ =	swait.ge @!p0 [sflag:s0], s1  }
0x137: {  	s1 =	ssub.s32 @!p0 $0x0, s1;
	[sflag:s0] =	ssyncset.done @!p0 $0x0  }
0x138: {  	[sflag:s0] =	ssyncadd.s32 @!p0 s1  }
0x139: {  	[bflag:$0x3] =	sbarrier.arrive $0xFFFF  }
0x13a: {  	_ =	shalt  }

// kernel: kernel.18.cloned.1.call-start
scs
__scs_entry_jumppad:
0x0: {  	(pc) =	sbr.rel $0x88, $3  }
0x1: {  	(tag) =	ssettag $0x0;
	lr =	simm.s32 $0x1  }
0x2: {  	[smem:$0x3F94] =	sst lr;
	_ =	strace $0xD0000000  }
0x3: {  	_ = 	snop  }
0x4: {  	_ = 	snop  }
0x5: {  	_ = 	snop  }
0x6: {  	_ = 	snop  }
0x7: {  	_ = 	snop  }
__scs_overlays_trampoline_lowered:
0x8: {  	[smem:$0x3FA3] =	sst s0  }
0x9: {  	[smem:$0x3FA4] =	sst s1  }
0xa: {  	[smem:$0x3FA5] =	sst s2  }
0xb: {  	[smem:$0x3FA6] =	sst s3  }
0xc: {  	[smem:$0x3FA7] =	sst s4  }
0xd: {  	[smem:$0x3FA8] =	sst s5  }
0xe: {  	[smem:$0x3FA9] =	sst s6  }
0xf: {  	[smem:$0x3FAA] =	sst s7  }
0x10: {  	[smem:$0x3FAB] =	sst s8  }
0x11: {  	[smem:$0x3FAC] =	sst s9;
	s0 =	simm.s32 @!p0 $0x0  }
0x12: {  	s1 =	sld [smem:$0x3F92];
	s0 =	simm.s32 @p0 $0x1  }
0x13: {  	[smem:$0x3FAD] =	sst s0;
	s0 =	simm.s32 @!p1 $0x0  }
0x14: {  	s2 =	sld [smem:$0x3F91];
	s0 =	simm.s32 @p1 $0x1  }
0x15: {  	[smem:$0x3FAE] =	sst s0;
	s0 =	simm.s32 @!p2 $0x0  }
0x16: {  	s3 =	sld [smem:$0x3FDB];
	s0 =	simm.s32 @p2 $0x1  }
0x17: {  	s4 =	simm.s32 $0x1BF5;
	[smem:$0x3FB0] =	sst s0  }
0x18: {  	s0 =	sld [smem:$0x3F93];
	_ =	swait.ge [sflag:s4], $0x0  }
0x19: {  	s7 =	sld [smem:$0x3F94]  }
0x1a: {  	s8 =	sadd.s32 $0xFFFFE003, lr  }
0x1b: {  	s9 =	sadd.s32 $0xFFFFFEF7, lr;
	s5 =	simm.s32 $0xFFFFFFFF;
	p2 =	slt.u32 s8, $0xFFFFF086  }
0x1c: {  	p1 =	slt.u32 s9, $0xF7A;
	s5 =	simm.s32 @!p2 $0x0  }
0x1d: {  	s5 =	simm.s32 @p1 $0x1;
	p0 =	seq.s32 s7, s2  }
0x1e: {  	s7 =	smul.u32 @!p0 $0xF7A, s2;
	p2 =	seq.s32 @!p0 s5, $0x0  }
0x1f: {  	s9 =	smul.u32 $0xF7A, s1;
	s8 =	simm.s32 @!p0 $0x1BF5;
	p2 =	por !p2, p0  }
0x20: {  	[sflag:s8] =	ssyncset.s32 @!p0 $0xFFFFF086;
	s6 =	sadd.s32 @!p0 s3, s7;
	s7 =	simm.s32 @!p0 $0x108  }
0x21: {  	s3 =	sadd.s32 s3, s9;
	s6 =	sadd.s32 @!p0 $0x88, s6;
	s7 =	simm.s32 @p2 $0x1082  }
0x22: {  	[simem:s7], [sflag:s8] =	dma.local @!p0 [hbm:s6], $0xF7A  }
0x23: {  	s9 =	sor.u32 $0xD0000000, s2;
	s6 =	simm.s32 $0x108;
	_ =	swait.ge @!p0 [sflag:s8], $0x0  }
0x24: {  	s3 =	sadd.s32 $0x88, s3;
	s6 =	simm.s32 @!p1 $0x1082;
	[sflag:s4] =	ssyncset.s32 $0xFFFFF086  }
0x25: {  	[simem:s6], [sflag:s4] =	dma.local [hbm:s3], $0xF7A  }
0x26: {  	[smem:$0x3F94] =	sst s1;
	(tag) =	ssettag s2;
	_ =	strace s9  }
0x27: {  	s1 =	sld [smem:$0x3FA4]  }
0x28: {  	s2 =	sld [smem:$0x3FA5]  }
0x29: {  	s4 =	sld [smem:$0x3FA7]  }
0x2a: {  	p0 =	seq.s32 s5, $0x0;
	s5 =	sld [smem:$0x3FA8]  }
0x2b: {  	s6 =	sld [smem:$0x3FA9]  }
0x2c: {  	s7 =	sld [smem:$0x3FAA]  }
0x2d: {  	s3 =	simm.s32 $0x108;
	s8 =	sld [smem:$0x3FAB]  }
0x2e: {  	s3 =	simm.s32 @!p0 $0x1082;
	s9 =	sld [smem:$0x3FAC]  }
0x2f: {  	lr =	sadd.s32 s0, s3;
	s0 =	sld [smem:$0x3FA3]  }
0x30: {  	s3 =	sld [smem:$0x3FA6]  }
0x31: {  	[smem:$0x3FAF] =	sst s10  }
0x32: {  	s10 =	sld [smem:$0x3FAD];
	_ =	sdelay $0x3  }
0x33: {  	p0 =	seq.s32 s10, $0x1;
	s10 =	sld [smem:$0x3FAF];
	_ =	sdelay $0x3  }
0x34: {  	[smem:$0x3FAF] =	sst s10  }
0x35: {  	s10 =	sld [smem:$0x3FAE];
	_ =	sdelay $0x3  }
0x36: {  	p1 =	seq.s32 s10, $0x1;
	s10 =	sld [smem:$0x3FAF];
	_ =	sdelay $0x3  }
0x37: {  	[smem:$0x3FAF] =	sst s10  }
0x38: {  	s10 =	sld [smem:$0x3FB0]  }
0x39: {  	_ = 	snop;
	(pc) =	sbr.ind lr, $3  }
0x3a: {  	_ = 	snop  }
0x3b: {  	_ = 	snop  }
0x3c: {  	p2 =	seq.s32 s10, $0x1;
	s10 =	sld [smem:$0x3FAF]  }
0x3d: {  	_ =	shalt  }
0x3e: {  	_ =	shalt  }
0x3f: {  	_ =	shalt  }
0x40: {  	_ =	shalt  }
0x41: {  	_ =	shalt  }
0x42: {  	_ =	shalt  }
0x43: {  	_ =	shalt  }
0x44: {  	_ =	shalt  }
0x45: {  	_ =	shalt  }
0x46: {  	_ =	shalt  }
0x47: {  	_ =	shalt  }
0x48: {  	_ =	shalt  }
0x49: {  	_ =	shalt  }
0x4a: {  	_ =	shalt  }
0x4b: {  	_ =	shalt  }
0x4c: {  	_ =	shalt  }
0x4d: {  	_ =	shalt  }
0x4e: {  	_ =	shalt  }
0x4f: {  	_ =	shalt  }
0x50: {  	_ =	shalt  }
0x51: {  	_ =	shalt  }
0x52: {  	_ =	shalt  }
0x53: {  	_ =	shalt  }
0x54: {  	_ =	shalt  }
0x55: {  	_ =	shalt  }
0x56: {  	_ =	shalt  }
0x57: {  	_ =	shalt  }
0x58: {  	_ =	shalt  }
0x59: {  	_ =	shalt  }
0x5a: {  	_ =	shalt  }
0x5b: {  	_ =	shalt  }
0x5c: {  	_ =	shalt  }
0x5d: {  	_ =	shalt  }
0x5e: {  	_ =	shalt  }
0x5f: {  	_ =	shalt  }
0x60: {  	_ =	shalt  }
0x61: {  	_ =	shalt  }
0x62: {  	_ =	shalt  }
0x63: {  	_ =	shalt  }
0x64: {  	_ =	shalt  }
0x65: {  	_ =	shalt  }
0x66: {  	_ =	shalt  }
0x67: {  	_ =	shalt  }
0x68: {  	_ =	shalt  }
0x69: {  	_ =	shalt  }
0x6a: {  	_ =	shalt  }
0x6b: {  	_ =	shalt  }
0x6c: {  	_ =	shalt  }
0x6d: {  	_ =	shalt  }
0x6e: {  	_ =	shalt  }
0x6f: {  	_ =	shalt  }
0x70: {  	_ =	shalt  }
0x71: {  	_ =	shalt  }
0x72: {  	_ =	shalt  }
0x73: {  	_ =	shalt  }
0x74: {  	_ =	shalt  }
0x75: {  	_ =	shalt  }
0x76: {  	_ =	shalt  }
0x77: {  	_ =	shalt  }
0x78: {  	_ =	shalt  }
0x79: {  	_ =	shalt  }
0x7a: {  	_ =	shalt  }
0x7b: {  	_ =	shalt  }
0x7c: {  	_ =	shalt  }
0x7d: {  	_ =	shalt  }
0x7e: {  	_ =	shalt  }
0x7f: {  	_ =	shalt  }
0x80: {  	_ =	shalt  }
0x81: {  	_ =	shalt  }
0x82: {  	_ =	shalt  }
0x83: {  	_ =	shalt  }
0x84: {  	_ =	shalt  }
0x85: {  	_ =	shalt  }
0x86: {  	_ =	shalt  }
0x87: {  	_ =	shalt  }
.Lfunc_end0:
.L_simem_size_0:
called_computation.3_lowered:
.L_overlay_start_0:
0x88: {  	s2 =	sld [smem:$0x3FD9]  }
0x89: {  	s3 =	sld [smem:$0x3FFE];
	_ =	sdelay $0x1  }
0x8a: {  	s1 =	srdreg.scid  }
0x8b: {  	s0 =	sand.u32 $0x1, s1  }
0x8c: {  	s17 =	sshll.u32 s0, $0xA;
	s2 =	sadd.s32 s3, s2  }
0x8d: {  	s2 =	sadd.s32 s2, s17  }
0x8e: {  	[smem:$0x3FBB] =	sst s2  }
0x8f: {  	_ = 	snop  }
0x90: {  	s2 =	sld [smem:$0x3FD0];
	(tm) =	ssettm $0x1  }
0x91: {  	s18 =	sld [smem:$0x3FFB];
	_ =	sdelay $0x3  }
0x92: {  	_ =	strace s18  }
0x93: {  	s3 =	sld [smem:$0x3FFC];
	_ =	sdelay $0x3  }
0x94: {  	_ =	strace s3  }
0x95: {  	s3 =	sld [smem:$0x3FFD];
	_ =	sdelay $0x3  }
0x96: {  	_ =	strace s3  }
0x97: {  	_ =	strace $0x8FFFFFFF  }
0x98: {  	s19 =	sld [smem:$0x3FDB];
	_ =	sdelay $0x1  }
0x99: {  	s4 =	simm.s32 $_scs_section_size  }
0x9a: {  	s5 =	simm.s32 $_size__tile_overlayer_lowered;
	s6 =	simm.s32 $_tile_overlayer_lowered  }
0x9b: {  	s22 =	simm.s32 $0x1BFF;
	s21 =	sshll.u32 s6, $0x1;
	s3 =	sadd.s32 s4, s19  }
0x9c: {  	s7 =	simm.s32 $0x0;
	s20 =	sshll.u32 s5, $0x1;
	s5 =	sadd.s32 s21, s3  }
0x9d: {  	[timem:s7], [sflag:s22] =	dma.local [hbm:s5], s20  }
0x9e: {  	_ =	swait.ge [sflag:s22], s20  }
0x9f: {  	s4 =	ssub.s32 $0x0, s20;
	[sflag:s22] =	ssyncset.done $0x0  }
0xa0: {  	[sflag:s22] =	ssyncadd.s32 s4;
	_ =	sdelay $0x1  }
0xa1: {  	s23 =	simm.s32 $0x1B8B  }
0xa2: {  	_ =	swait.ge [sflag:s23], $0x1  }
0xa3: {  	[sflag:s23] =	ssyncset.done $0x0  }
0xa4: {  	s25 =	simm.s32 $0x1B8E;
	s24 =	sld [smem:$0x3FFE];
	[sflag:s23] =	ssyncadd.s32 $0xFFFFFFFF  }
0xa5: {  	s26 =	simm.s32 $execute0_lowered;
	[smem:$0x3FD2] =	sst s25  }
0xa6: {  	s5 =	sshll.u32 s26, $0x1;
	_ =	strace $0x8000004F;
	[dreg:$0x1] =	wrdreg $0xFFFFFFFF  }
0xa7: {  	s28 =	simm.s32 $_size_execute0_lowered;
	s3 =	sadd.s32 s3, s5;
	[dreg:$0x0] =	wrdreg $0x0  }
0xa8: {  	s5 =	sshll.u32 s28, $0x1;
	[dreg:$0x2] =	wrdreg s3  }
0xa9: {  	[dreg:$0x3] =	wrdreg s5  }
0xaa: {  	[dreg:$0x4] =	wrdreg $0xC0  }
0xab: {  	_ =	task [dreg:s7], $0x5FFFF  }
0xac: {  	[dreg:$0x1] =	wrdreg $0xFFFFFFFF  }
0xad: {  	[dreg:$0x0] =	wrdreg $0x60  }
0xae: {  	[dreg:$0x2] =	wrdreg s2  }
0xaf: {  	[dreg:$0x3] =	wrdreg s24  }
0xb0: {  	[dreg:$0x4] =	wrdreg $0x52000  }
0xb1: {  	[dreg:$0x5] =	wrdreg $0x9  }
0xb2: {  	_ =	task.clear_ibuf [dreg:s7], $0x6FFFF;
	_ =	strace $0x9000004F  }
0xb3: {  	s29 =	simm.s32 $0x9;
	_ =	strace $0x80000051  }
0xb4: {  	_ =	swait.ge [sflag:s29], $0x1  }
0xb5: {  	[sflag:s29] =	ssyncadd.s32 $0xFFFFFFFF  }
0xb6: {  	_ =	strace $0x90000051  }
0xb7: {  	_ =	sfence  }
0xb8: {  	s30 =	sld [smem:$0x0];
	_ =	sdelay $0x2  }
0xb9: {  	s31 =	sshll.u32 s1, $0xD;
	s1 =	sshrl.u32 s1, $0x2  }
0xba: {  	s3 =	sand.u32 $0x4000, s31;
	s1 =	sadd.s32 s1, s30  }
0xbb: {  	s0 =	sor.u32 s3, s0;
	s1 =	sshll.u32 s1, $0x11  }
0xbc: {  	s0 =	sor.u32 s1, s0  }
0xbd: {  	s0 =	sadd.s32 $0x8F2B, s0  }
0xbe: {  	[sflag:s0] =	ssyncadd.remote.s32 $0x1  }
0xbf: {  	_ =	sfence.sel $0xFFFF  }
0xc0: {  	[dreg:$0x0] =	wrdreg $0xFFFFFFFF;
	(pc) =	sbr.abs _section_cstart, $3  }
0xc1: {  	[dreg:$0x1] =	wrdreg $0xFFFFFFFF  }
0xc2: {  	_ =	task.clear_ibuf [dreg:s7], $0x2FFFF;
	_ =	strace $0x9FFFFFFF  }
0xc3: {  	(tm) =	ssettm $0x7FFFFFFF  }
tec
execute0_lowered:
.L_overlay_start_1:
0x0: {  	(tag) =	ssettag $0x1  }
0x1: {  	s0 =	srdreg.scid;
	s18 =	stileid.u32  }
0x2: {  	s6 =	rddreg [dreg:$0x1];
	s9 =	sand.u32 $0x1, s0;
	s8 =	smul.u32 $0x280, s18  }
0x3: {  	s10 =	sadd.s32 $0x17600, s6;
	s11 =	sadd.s32 $0x8F600, s6;
	s2 =	smul.u32 $0x2800, s18  }
0x4: {  	s0 =	sshll.u32 s9, $0x4;
	s1 =	ssub.s32 $0x2, s9;
	s12 =	smul.u32 $0x140000, s9  }
0x5: {  	s9 =	smul.u32 $0x27100, s9;
	s0 =	sor.u32 s18, s0;
	s13 =	sshrl.u32 s1, $0x1  }
0x6: {  	s14 =	sor.u32 $0x50, s8;
	s2 =	sadd.s32 s10, s2;
	s3 =	sadd.s32 $0xA0, s8  }
0x7: {  	s4 =	sadd.s32 $0xF0, s8;
	s19 =	sadd.s32 $0x140, s8;
	s22 =	sadd.s32 $0x1E0, s8  }
0x8: {  	s7 =	smul.u32 $0x2710, s0;
	s0 =	ssub.s32 s1, s13;
	[dreg:$0x4] =	wrdreg s2  }
0x9: {  	s15 =	sshll.u32 s14, $0x4;
	s16 =	sshll.u32 s3, $0x4;
	s1 =	sshll.u32 s14, $0x7  }
0xa: {  	s5 =	sshll.u32 s4, $0x4;
	s20 =	sshll.u32 s19, $0x4;
	s13 =	sadd.s32 $0x190, s8  }
0xb: {  	s14 =	sshll.u32 s22, $0x4;
	s2 =	sadd.s32 s10, s15;
	s17 =	sadd.s32 s10, s5  }
0xc: {  	s21 =	sshll.u32 s13, $0x4;
	s15 =	sadd.s32 $0x230, s8;
	s23 =	sadd.s32 s10, s14  }
0xd: {  	s8 =	sshll.u32 s22, $0x7;
	s26 =	sadd.s32 s12, s1;
	[dreg:$0x5] =	wrdreg s2  }
0xe: {  	s0 =	smax.u32 s0, $0x1;
	s2 =	sadd.s32 s10, s16;
	[dreg:$0x7] =	wrdreg s17  }
0xf: {  	s5 =	sadd.s32 s10, s21;
	s16 =	smul.u32 $0x14000, s18;
	[dreg:$0xa] =	wrdreg s23  }
0x10: {  	s24 =	sshll.u32 s15, $0x4;
	s14 =	sshll.u32 s15, $0x7;
	s7 =	sshrl.u32 s7, $0x3  }
0x11: {  	[dreg:$0x6] =	wrdreg s2;
	s2 =	sshll.u32 s3, $0x7;
	s3 =	sshll.u32 s4, $0x7  }
0x12: {  	s4 =	sadd.s32 s10, s20;
	[dreg:$0x9] =	wrdreg s5;
	s5 =	sshll.u32 s13, $0x7  }
0x13: {  	s10 =	sadd.s32 s10, s24;
	s13 =	sshrl.u32 s26, $0x3;
	[dreg:$0x8] =	wrdreg s4  }
0x14: {  	s24 =	sadd.s32 s12, s8;
	s4 =	sshll.u32 s19, $0x7;
	[dreg:$0xb] =	wrdreg s10  }
0x15: {  	s25 =	sadd.s32 s12, s16;
	s15 =	sadd.s32 s11, s13;
	s16 =	sadd.s32 s12, s2  }
0x16: {  	s17 =	sadd.s32 s12, s3;
	s23 =	sadd.s32 s12, s5;
	s13 =	sshrl.u32 s24, $0x3  }
0x17: {  	s10 =	sshrl.u32 s25, $0x3;
	[dreg:$0xd] =	wrdreg s15;
	s19 =	sadd.s32 s12, s4  }
0x18: {  	s20 =	sshrl.u32 s17, $0x3;
	s12 =	sadd.s32 s12, s14;
	s25 =	smul.u32 $0x2710, s18  }
0x19: {  	s26 =	sadd.s32 s11, s13;
	s15 =	sadd.s32 $0x3400, s6;
	s6 =	sadd.s32 $0xD200, s6  }
0x1a: {  	s17 =	simm.s32 $0x0;
	s10 =	sadd.s32 s11, s10;
	[dreg:$0x12] =	wrdreg s26  }
0x1b: {  	s21 =	sshrl.u32 s19, $0x3;
	s13 =	sshrl.u32 s12, $0x3;
	[smem:$0x7FF] =	sst s17  }
0x1c: {  	s19 =	sadd.s32 s6, s7;
	s12 =	simm.s32 $0x80;
	[dreg:$0xc] =	wrdreg s10  }
0x1d: {  	s10 =	sshrl.u32 s16, $0x3;
	s22 =	sadd.s32 s11, s21;
	[dreg:$0x15] =	wrdreg s19  }
0x1e: {  	s9 =	sadd.s32 s25, s9;
	s16 =	sadd.s32 s15, s7;
	s25 =	rddreg [dreg:$0x0]  }
0x1f: {  	s21 =	smul.u32 $0x50000, s18;
	s18 =	simm.s32 $0x0;
	[dreg:$0x10] =	wrdreg s22  }
0x20: {  	s10 =	sadd.s32 s11, s10;
	[dreg:$0x14] =	wrdreg s16;
	s26 =	sadd.s32 $0x140, s9  }
0x21: {  	s9 =	sadd.s32 $0xF0, s9;
	s16 =	simm.s32 $0x2;
	[dreg:$0xe] =	wrdreg s10  }
0x22: {  	s10 =	sadd.s32 s11, s20;
	s20 =	sadd.s32 $0xA, s7;
	s7 =	sadd.s32 $0x14, s7  }
0x23: {  	s24 =	sshrl.u32 s21, $0x2;
	s9 =	sshrl.u32 s9, $0x3;
	[dreg:$0xf] =	wrdreg s10  }
0x24: {  	s10 =	sshrl.u32 s23, $0x3;
	s23 =	sadd.s32 s15, s20;
	s22 =	sadd.s32 s15, s7  }
0x25: {  	s30 =	sadd.s32 s9, s6;
	s10 =	sadd.s32 s11, s10;
	[dreg:$0x16] =	wrdreg s23  }
0x26: {  	s31 =	sadd.s32 s9, s15;
	[dreg:$0x11] =	wrdreg s10;
	s10 =	sadd.s32 s11, s13  }
0x27: {  	s9 =	simm.s32 $0x3;
	s11 =	sadd.s32 s6, s20;
	[dreg:$0x13] =	wrdreg s10  }
0x28: {  	s23 =	sadd.s32 s6, s7;
	s13 =	simm.s32 $0x180;
	[dreg:$0x17] =	wrdreg s11  }
0x29: {  	s11 =	sshrl.u32 s26, $0x3;
	s26 =	rddreg [dreg:$0x2];
	s10 =	simm.s32 $0x100  }
0x2a: {  	s28 =	sadd.s32 s11, s6;
	s29 =	sadd.s32 s11, s15;
	_ =	strace $0x80000050  }
0x2b: {  	s24 =	sadd.s32 s24, s26;
	s1 =	sadd.s32 s1, s26;
	s2 =	sadd.s32 s2, s26  }
0x2c: {  	s3 =	sadd.s32 s3, s26;
	s4 =	sadd.s32 s4, s26;
	s5 =	sadd.s32 s5, s26  }
0x2d: {  	s6 =	sadd.s32 s8, s26;
	s7 =	sadd.s32 s14, s26;
	s8 =	simm.s32 $0x200  }
0x2e: {  	s11 =	simm.s32 $0x50;
	s14 =	simm.s32 $0x1;
	s15 =	simm.s32 $0x2A00  }
.LBB2_1:
0x2f: {  	s19 =	rddreg [dreg:$0x4]  }
0x30: {  	[tilespmem:s8], [sflag:$0x3] =	stream.linear.gather [hbm4b:s19+s17], $0x2800, $0x38;
	[tilespmem:$0x19200] =	vst v63  }
0x31: {  	_ =	swait.ge [sflag:s9], $0x2800  }
0x32: {  	[sflag:s9] =	ssyncset.done $0x0  }
0x33: {  	[sflag:s9] =	ssyncadd.s32 $0xFFFFD800  }
0x34: {  	[spmem:s24] =	stream.linear.scatter [tilespmem:s8], [sflag:$0x3], $0x2800, $0x38;
	[tilespmem:$0x19200] =	vst v63  }
0x35: {  	_ =	swait.ge [sflag:s9], $0x2800  }
0x36: {  	[sflag:s9] =	ssyncset.done $0x0  }
0x37: {  	s21 =	rddreg [dreg:$0x5];
	[sflag:s9] =	ssyncadd.s32 $0xFFFFD800  }
0x38: {  	[tilespmem:s8], [sflag:$0x3] =	stream.linear.gather [hbm4b:s21+s17], $0x2800, $0x38;
	[tilespmem:$0x19200] =	vst v63  }
0x39: {  	_ =	swait.ge [sflag:s9], $0x2800  }
0x3a: {  	[sflag:s9] =	ssyncset.done $0x0  }
0x3b: {  	[sflag:s9] =	ssyncadd.s32 $0xFFFFD800  }
0x3c: {  	[spmem:s1] =	stream.linear.scatter [tilespmem:s8], [sflag:$0x3], $0x2800, $0x38;
	[tilespmem:$0x19200] =	vst v63  }
0x3d: {  	_ =	swait.ge [sflag:s9], $0x2800  }
0x3e: {  	[sflag:s9] =	ssyncset.done $0x0  }
0x3f: {  	s20 =	rddreg [dreg:$0x6];
	[sflag:s9] =	ssyncadd.s32 $0xFFFFD800  }
0x40: {  	[tilespmem:s8], [sflag:$0x3] =	stream.linear.gather [hbm4b:s20+s17], $0x2800, $0x38;
	[tilespmem:$0x19200] =	vst v63  }
0x41: {  	_ =	swait.ge [sflag:s9], $0x2800  }
0x42: {  	[sflag:s9] =	ssyncset.done $0x0  }
0x43: {  	[sflag:s9] =	ssyncadd.s32 $0xFFFFD800  }
0x44: {  	[spmem:s2] =	stream.linear.scatter [tilespmem:s8], [sflag:$0x3], $0x2800, $0x38;
	[tilespmem:$0x19200] =	vst v63  }
0x45: {  	_ =	swait.ge [sflag:s9], $0x2800  }
0x46: {  	[sflag:s9] =	ssyncset.done $0x0  }
0x47: {  	s21 =	rddreg [dreg:$0x7];
	[sflag:s9] =	ssyncadd.s32 $0xFFFFD800  }
0x48: {  	[tilespmem:s8], [sflag:$0x3] =	stream.linear.gather [hbm4b:s21+s17], $0x2800, $0x38;
	[tilespmem:$0x19200] =	vst v63  }
0x49: {  	_ =	swait.ge [sflag:s9], $0x2800  }
0x4a: {  	[sflag:s9] =	ssyncset.done $0x0  }
0x4b: {  	[sflag:s9] =	ssyncadd.s32 $0xFFFFD800  }
0x4c: {  	[spmem:s3] =	stream.linear.scatter [tilespmem:s8], [sflag:$0x3], $0x2800, $0x38;
	[tilespmem:$0x19200] =	vst v63  }
0x4d: {  	_ =	swait.ge [sflag:s9], $0x2800  }
0x4e: {  	[sflag:s9] =	ssyncset.done $0x0  }
0x4f: {  	s20 =	rddreg [dreg:$0x8];
	[sflag:s9] =	ssyncadd.s32 $0xFFFFD800  }
0x50: {  	[tilespmem:s8], [sflag:$0x3] =	stream.linear.gather [hbm4b:s20+s17], $0x2800, $0x38;
	[tilespmem:$0x19200] =	vst v63  }
0x51: {  	_ =	swait.ge [sflag:s9], $0x2800  }
0x52: {  	[sflag:s9] =	ssyncset.done $0x0  }
0x53: {  	[sflag:s9] =	ssyncadd.s32 $0xFFFFD800  }
0x54: {  	[spmem:s4] =	stream.linear.scatter [tilespmem:s8], [sflag:$0x3], $0x2800, $0x38;
	[tilespmem:$0x19200] =	vst v63  }
0x55: {  	_ =	swait.ge [sflag:s9], $0x2800  }
0x56: {  	[sflag:s9] =	ssyncset.done $0x0  }
0x57: {  	s21 =	rddreg [dreg:$0x9];
	[sflag:s9] =	ssyncadd.s32 $0xFFFFD800  }
0x58: {  	[tilespmem:s8], [sflag:$0x3] =	stream.linear.gather [hbm4b:s21+s17], $0x2800, $0x38;
	[tilespmem:$0x19200] =	vst v63  }
0x59: {  	_ =	swait.ge [sflag:s9], $0x2800  }
0x5a: {  	[sflag:s9] =	ssyncset.done $0x0  }
0x5b: {  	[sflag:s9] =	ssyncadd.s32 $0xFFFFD800  }
0x5c: {  	[spmem:s5] =	stream.linear.scatter [tilespmem:s8], [sflag:$0x3], $0x2800, $0x38;
	[tilespmem:$0x19200] =	vst v63  }
0x5d: {  	_ =	swait.ge [sflag:s9], $0x2800  }
0x5e: {  	[sflag:s9] =	ssyncset.done $0x0  }
0x5f: {  	s20 =	rddreg [dreg:$0xa];
	[sflag:s9] =	ssyncadd.s32 $0xFFFFD800  }
0x60: {  	[tilespmem:s8], [sflag:$0x3] =	stream.linear.gather [hbm4b:s20+s17], $0x2800, $0x38;
	[tilespmem:$0x19200] =	vst v63  }
0x61: {  	_ =	swait.ge [sflag:s9], $0x2800  }
0x62: {  	[sflag:s9] =	ssyncset.done $0x0  }
0x63: {  	[sflag:s9] =	ssyncadd.s32 $0xFFFFD800  }
0x64: {  	[spmem:s6] =	stream.linear.scatter [tilespmem:s8], [sflag:$0x3], $0x2800, $0x38;
	[tilespmem:$0x19200] =	vst v63  }
0x65: {  	_ =	swait.ge [sflag:s9], $0x2800  }
0x66: {  	[sflag:s9] =	ssyncset.done $0x0  }
0x67: {  	s21 =	rddreg [dreg:$0xb];
	[sflag:s9] =	ssyncadd.s32 $0xFFFFD800  }
0x68: {  	[tilespmem:s8], [sflag:$0x3] =	stream.linear.gather [hbm4b:s21+s17], $0x2800, $0x38;
	[tilespmem:$0x19200] =	vst v63  }
0x69: {  	_ =	swait.ge [sflag:s9], $0x2800  }
0x6a: {  	[sflag:s9] =	ssyncset.done $0x0  }
0x6b: {  	[sflag:s9] =	ssyncadd.s32 $0xFFFFD800  }
0x6c: {  	[spmem:s7] =	stream.linear.scatter [tilespmem:s8], [sflag:$0x3], $0x2800, $0x38;
	[tilespmem:$0x19200] =	vst v63  }
0x6d: {  	_ =	swait.ge [sflag:s9], $0x2800  }
0x6e: {  	[sflag:s9] =	ssyncset.done $0x0  }
0x6f: {  	[sflag:s9] =	ssyncadd.s32 $0xFFFFD800  }
0x70: {  	[bflag:$0x0] =	sbarrier.arrive $0xFFFF  }
0x71: {  	s20 =	rddreg [dreg:$0x14]  }
0x72: {  	[tilespmem:s17], [sflag:$0x3] =	stream.linear.gather [hbm4b:s20+s17], $0x50, $0x38;
	[tilespmem:$0x19200] =	vst v63  }
0x73: {  	_ =	swait.ge [sflag:s9], $0x50  }
0x74: {  	[sflag:s9] =	ssyncset.done $0x0  }
0x75: {  	s21 =	rddreg [dreg:$0x15];
	[sflag:s9] =	ssyncadd.s32 $0xFFFFFFB0  }
0x76: {  	[tilespmem:s10], [sflag:$0x3] =	stream.linear.gather [hbm4b:s21+s17], $0x50, $0x38;
	[tilespmem:$0x19200] =	vst v63  }
0x77: {  	_ =	swait.ge [sflag:s9], $0x50  }
0x78: {  	[sflag:s9] =	ssyncset.done $0x0  }
0x79: {  	[sflag:s9] =	ssyncadd.s32 $0xFFFFFFB0  }
0x7a: {  	[tilespmem:s8], [sflag:$0x1] =	stream.indirect.gather [hbm4b:s25+s11], $0x80, s17, s11, $0xb8;
	[tilespmem:$0x19200] =	vst v63  }
0x7b: {  	s20 =	rddreg [dreg:$0x16]  }
0x7c: {  	[tilespmem:s12], [sflag:$0x3] =	stream.linear.gather [hbm4b:s20+s17], $0x50, $0x38;
	[tilespmem:$0x19200] =	vst v63  }
0x7d: {  	_ =	swait.ge [sflag:s9], $0x50  }
0x7e: {  	[sflag:s9] =	ssyncset.done $0x0  }
0x7f: {  	s21 =	rddreg [dreg:$0x17];
	[sflag:s9] =	ssyncadd.s32 $0xFFFFFFB0  }
0x80: {  	[tilespmem:s13], [sflag:$0x3] =	stream.linear.gather [hbm4b:s21+s17], $0x50, $0x38;
	[tilespmem:$0x19200] =	vst v63  }
0x81: {  	_ =	swait.ge [sflag:s9], $0x50  }
0x82: {  	[sflag:s9] =	ssyncset.done $0x0  }
0x83: {  	[sflag:s9] =	ssyncadd.s32 $0xFFFFFFB0  }
0x84: {  	_ =	swait.ge [sflag:s14], $0x2800  }
0x85: {  	[sflag:s14] =	ssyncset.done $0x0  }
0x86: {  	[sflag:s14] =	ssyncadd.s32 $0xFFFFD800  }
0x87: {  	[spmem:s26] =	stream.indirect.scatter.add.f32 [tilespmem:s8], [sflag:$0x2], $0x80, s10, s11, $0xb8;
	[tilespmem:$0x19200] =	vst v63  }
0x88: {  	_ = 	snop  }
0x89: {  	[tilespmem:s15], [sflag:$0x1] =	stream.indirect.gather [hbm4b:s25+s11], $0x80, s12, s11, $0xb8;
	[tilespmem:$0x19200] =	vst v63  }
0x8a: {  	_ =	swait.ge [sflag:s16], $0x2800  }
0x8b: {  	[sflag:s16] =	ssyncset.done $0x0  }
0x8c: {  	[sflag:s16] =	ssyncadd.s32 $0xFFFFD800  }
0x8d: {  	[tilespmem:s17], [sflag:$0x3] =	stream.linear.gather [hbm4b:s22+s17], $0x50, $0x38;
	[tilespmem:$0x19200] =	vst v63  }
0x8e: {  	_ =	swait.ge [sflag:s9], $0x50  }
0x8f: {  	[sflag:s9] =	ssyncset.done $0x0  }
0x90: {  	[sflag:s9] =	ssyncadd.s32 $0xFFFFFFB0  }
0x91: {  	[tilespmem:s10], [sflag:$0x3] =	stream.linear.gather [hbm4b:s23+s17], $0x50, $0x38;
	[tilespmem:$0x19200] =	vst v63  }
0x92: {  	_ =	swait.ge [sflag:s9], $0x50  }
0x93: {  	[sflag:s9] =	ssyncset.done $0x0  }
0x94: {  	[sflag:s9] =	ssyncadd.s32 $0xFFFFFFB0  }
0x95: {  	_ =	swait.ge [sflag:s14], $0x2800  }
0x96: {  	[sflag:s14] =	ssyncset.done $0x0  }
0x97: {  	[sflag:s14] =	ssyncadd.s32 $0xFFFFD800  }
0x98: {  	[spmem:s26] =	stream.indirect.scatter.add.f32 [tilespmem:s15], [sflag:$0x2], $0x80, s13, s11, $0xb8;
	[tilespmem:$0x19200] =	vst v63  }
0x99: {  	_ = 	snop  }
0x9a: {  	[tilespmem:s8], [sflag:$0x1] =	stream.indirect.gather [hbm4b:s25+s11], $0x80, s17, s11, $0xb8;
	[tilespmem:$0x19200] =	vst v63  }
0x9b: {  	_ =	swait.ge [sflag:s16], $0x2800  }
0x9c: {  	[sflag:s16] =	ssyncset.done $0x0  }
0x9d: {  	s20 =	sadd.s32 $0x0, s31;
	[sflag:s16] =	ssyncadd.s32 $0xFFFFD800  }
0x9e: {  	[tilespmem:s12], [sflag:$0x3] =	stream.linear.gather [hbm4b:s20+s17], $0x50, $0x38;
	[tilespmem:$0x19200] =	vst v63  }
0x9f: {  	_ =	swait.ge [sflag:s9], $0x50  }
0xa0: {  	[sflag:s9] =	ssyncset.done $0x0  }
0xa1: {  	s21 =	sadd.s32 $0x0, s30;
	[sflag:s9] =	ssyncadd.s32 $0xFFFFFFB0  }
0xa2: {  	[tilespmem:s13], [sflag:$0x3] =	stream.linear.gather [hbm4b:s21+s17], $0x50, $0x38;
	[tilespmem:$0x19200] =	vst v63  }
0xa3: {  	_ =	swait.ge [sflag:s9], $0x50  }
0xa4: {  	[sflag:s9] =	ssyncset.done $0x0  }
0xa5: {  	[sflag:s9] =	ssyncadd.s32 $0xFFFFFFB0  }
0xa6: {  	_ =	swait.ge [sflag:s14], $0x2800  }
0xa7: {  	[sflag:s14] =	ssyncset.done $0x0  }
0xa8: {  	[sflag:s14] =	ssyncadd.s32 $0xFFFFD800  }
0xa9: {  	[spmem:s26] =	stream.indirect.scatter.add.f32 [tilespmem:s8], [sflag:$0x2], $0x80, s10, s11, $0xb8;
	[tilespmem:$0x19200] =	vst v63  }
0xaa: {  	_ = 	snop  }
0xab: {  	[tilespmem:s15], [sflag:$0x1] =	stream.indirect.gather [hbm4b:s25+s11], $0x80, s12, s11, $0xb8;
	[tilespmem:$0x19200] =	vst v63  }
0xac: {  	_ =	swait.ge [sflag:s16], $0x2800  }
0xad: {  	[sflag:s16] =	ssyncset.done $0x0  }
0xae: {  	s20 =	sadd.s32 $0x0, s29;
	[sflag:s16] =	ssyncadd.s32 $0xFFFFD800  }
0xaf: {  	[tilespmem:s17], [sflag:$0x3] =	stream.linear.gather [hbm4b:s20+s17], $0x50, $0x38;
	[tilespmem:$0x19200] =	vst v63  }
0xb0: {  	_ =	swait.ge [sflag:s9], $0x50  }
0xb1: {  	[sflag:s9] =	ssyncset.done $0x0  }
0xb2: {  	s21 =	sadd.s32 $0x0, s28;
	[sflag:s9] =	ssyncadd.s32 $0xFFFFFFB0  }
0xb3: {  	[tilespmem:s10], [sflag:$0x3] =	stream.linear.gather [hbm4b:s21+s17], $0x50, $0x38;
	[tilespmem:$0x19200] =	vst v63  }
0xb4: {  	_ =	swait.ge [sflag:s9], $0x50  }
0xb5: {  	[sflag:s9] =	ssyncset.done $0x0  }
0xb6: {  	[sflag:s9] =	ssyncadd.s32 $0xFFFFFFB0  }
0xb7: {  	_ =	swait.ge [sflag:s14], $0x2800  }
0xb8: {  	[sflag:s14] =	ssyncset.done $0x0  }
0xb9: {  	s19 =	simm.s32 $0x14;
	[sflag:s14] =	ssyncadd.s32 $0xFFFFD800  }
0xba: {  	[spmem:s26] =	stream.indirect.scatter.add.f32 [tilespmem:s15], [sflag:$0x2], $0x80, s13, s11, $0xb8;
	[tilespmem:$0x19200] =	vst v63  }
.LBB2_2:
0xbb: {  	[tilespmem:s8], [sflag:$0x1] =	stream.indirect.gather [hbm4b:s25+s11], $0x80, s17, s11, $0xb8;
	[tilespmem:$0x19200] =	vst v63  }
0xbc: {  	s20 =	smov.u32 s19  }
0xbd: {  	p0 =	sne.s32 s19, $0x4B0;
	s19 =	sadd.s32 $0x14, s19;
	_ =	swait.ge [sflag:s16], $0x2800  }
0xbe: {  	[sflag:s16] =	ssyncset.done $0x0  }
0xbf: {  	s21 =	sadd.s32 s20, s31;
	[sflag:s16] =	ssyncadd.s32 $0xFFFFD800  }
0xc0: {  	[tilespmem:s12], [sflag:$0x3] =	stream.linear.gather [hbm4b:s21+s17], $0x50, $0x38;
	[tilespmem:$0x19200] =	vst v63  }
0xc1: {  	_ =	swait.ge [sflag:s9], $0x50  }
0xc2: {  	[sflag:s9] =	ssyncset.done $0x0  }
0xc3: {  	s21 =	sadd.s32 s20, s30;
	[sflag:s9] =	ssyncadd.s32 $0xFFFFFFB0  }
0xc4: {  	[tilespmem:s13], [sflag:$0x3] =	stream.linear.gather [hbm4b:s21+s17], $0x50, $0x38;
	[tilespmem:$0x19200] =	vst v63  }
0xc5: {  	_ =	swait.ge [sflag:s9], $0x50  }
0xc6: {  	[sflag:s9] =	ssyncset.done $0x0  }
0xc7: {  	[sflag:s9] =	ssyncadd.s32 $0xFFFFFFB0  }
0xc8: {  	_ =	swait.ge [sflag:s14], $0x2800  }
0xc9: {  	[sflag:s14] =	ssyncset.done $0x0  }
0xca: {  	[sflag:s14] =	ssyncadd.s32 $0xFFFFD800  }
0xcb: {  	[spmem:s26] =	stream.indirect.scatter.add.f32 [tilespmem:s8], [sflag:$0x2], $0x80, s10, s11, $0xb8;
	[tilespmem:$0x19200] =	vst v63  }
0xcc: {  	_ = 	snop  }
0xcd: {  	[tilespmem:s15], [sflag:$0x1] =	stream.indirect.gather [hbm4b:s25+s11], $0x80, s12, s11, $0xb8;
	[tilespmem:$0x19200] =	vst v63  }
0xce: {  	_ =	swait.ge [sflag:s16], $0x2800  }
0xcf: {  	[sflag:s16] =	ssyncset.done $0x0  }
0xd0: {  	s21 =	sadd.s32 s20, s29;
	[sflag:s16] =	ssyncadd.s32 $0xFFFFD800  }
0xd1: {  	[tilespmem:s17], [sflag:$0x3] =	stream.linear.gather [hbm4b:s21+s17], $0x50, $0x38;
	[tilespmem:$0x19200] =	vst v63  }
0xd2: {  	_ =	swait.ge [sflag:s9], $0x50  }
0xd3: {  	[sflag:s9] =	ssyncset.done $0x0  }
0xd4: {  	s20 =	sadd.s32 s20, s28;
	[sflag:s9] =	ssyncadd.s32 $0xFFFFFFB0  }
0xd5: {  	[tilespmem:s10], [sflag:$0x3] =	stream.linear.gather [hbm4b:s20+s17], $0x50, $0x38;
	[tilespmem:$0x19200] =	vst v63  }
0xd6: {  	_ =	swait.ge [sflag:s9], $0x50  }
0xd7: {  	[sflag:s9] =	ssyncset.done $0x0  }
.Ltmp0:
0xd8: {  	[sflag:s9] =	ssyncadd.s32 $0xFFFFFFB0;
	(pc) =	sbr.rel @p0 .LBB2_2-.Ltmp0, $4  }
0xd9: {  	_ =	swait.ge [sflag:s14], $0x2800  }
0xda: {  	[sflag:s14] =	ssyncset.done $0x0  }
0xdb: {  	[sflag:s14] =	ssyncadd.s32 $0xFFFFD800  }
0xdc: {  	[spmem:s26] =	stream.indirect.scatter.add.f32 [tilespmem:s15], [sflag:$0x2], $0x80, s13, s11, $0xb8;
	[tilespmem:$0x19200] =	vst v63  }
0xdd: {  	[tilespmem:s8], [sflag:$0x1] =	stream.indirect.gather [hbm4b:s25+s11], $0x80, s17, s11, $0xb8;
	[tilespmem:$0x19200] =	vst v63  }
0xde: {  	_ =	swait.ge [sflag:s16], $0x2800  }
0xdf: {  	[sflag:s16] =	ssyncset.done $0x0  }
0xe0: {  	[sflag:s16] =	ssyncadd.s32 $0xFFFFD800  }
0xe1: {  	_ =	swait.ge [sflag:s14], $0x2800  }
0xe2: {  	[sflag:s14] =	ssyncset.done $0x0  }
0xe3: {  	[sflag:s14] =	ssyncadd.s32 $0xFFFFD800  }
0xe4: {  	[spmem:s26] =	stream.indirect.scatter.add.f32 [tilespmem:s8], [sflag:$0x2], $0x80, s10, s11, $0xb8;
	[tilespmem:$0x19200] =	vst v63  }
0xe5: {  	_ =	swait.ge [sflag:s16], $0x2800  }
0xe6: {  	[sflag:s16] =	ssyncset.done $0x0  }
0xe7: {  	[sflag:s16] =	ssyncadd.s32 $0xFFFFD800  }
0xe8: {  	[bflag:$0x0] =	sbarrier.arrive $0xFFFF  }
0xe9: {  	[tilespmem:s8], [sflag:$0x3] =	stream.linear.gather [spmem:s24], $0x2800, $0x38;
	[tilespmem:$0x19200] =	vst v63  }
0xea: {  	_ =	swait.ge [sflag:s9], $0x2800  }
0xeb: {  	[sflag:s9] =	ssyncset.done $0x0  }
0xec: {  	s19 =	rddreg [dreg:$0xc];
	[sflag:s9] =	ssyncadd.s32 $0xFFFFD800  }
0xed: {  	[hbm4b:s19+s17] =	stream.linear.scatter [tilespmem:s8], [sflag:$0x3], $0x2800, $0x38;
	[tilespmem:$0x19200] =	vst v63  }
0xee: {  	_ =	swait.ge [sflag:s9], $0x2800  }
0xef: {  	[sflag:s9] =	ssyncset.done $0x0  }
0xf0: {  	[sflag:s9] =	ssyncadd.s32 $0xFFFFD800  }
0xf1: {  	[tilespmem:s8], [sflag:$0x3] =	stream.linear.gather [spmem:s1], $0x2800, $0x38;
	[tilespmem:$0x19200] =	vst v63  }
0xf2: {  	_ =	swait.ge [sflag:s9], $0x2800  }
0xf3: {  	[sflag:s9] =	ssyncset.done $0x0  }
0xf4: {  	s21 =	rddreg [dreg:$0xd];
	[sflag:s9] =	ssyncadd.s32 $0xFFFFD800  }
0xf5: {  	[hbm4b:s21+s17] =	stream.linear.scatter [tilespmem:s8], [sflag:$0x3], $0x2800, $0x38;
	[tilespmem:$0x19200] =	vst v63  }
0xf6: {  	_ =	swait.ge [sflag:s9], $0x2800  }
0xf7: {  	[sflag:s9] =	ssyncset.done $0x0  }
0xf8: {  	[sflag:s9] =	ssyncadd.s32 $0xFFFFD800  }
0xf9: {  	[tilespmem:s8], [sflag:$0x3] =	stream.linear.gather [spmem:s2], $0x2800, $0x38;
	[tilespmem:$0x19200] =	vst v63  }
0xfa: {  	_ =	swait.ge [sflag:s9], $0x2800  }
0xfb: {  	[sflag:s9] =	ssyncset.done $0x0  }
0xfc: {  	s20 =	rddreg [dreg:$0xe];
	[sflag:s9] =	ssyncadd.s32 $0xFFFFD800  }
0xfd: {  	[hbm4b:s20+s17] =	stream.linear.scatter [tilespmem:s8], [sflag:$0x3], $0x2800, $0x38;
	[tilespmem:$0x19200] =	vst v63  }
0xfe: {  	_ =	swait.ge [sflag:s9], $0x2800  }
0xff: {  	[sflag:s9] =	ssyncset.done $0x0  }
0x100: {  	[sflag:s9] =	ssyncadd.s32 $0xFFFFD800  }
0x101: {  	[tilespmem:s8], [sflag:$0x3] =	stream.linear.gather [spmem:s3], $0x2800, $0x38;
	[tilespmem:$0x19200] =	vst v63  }
0x102: {  	_ =	swait.ge [sflag:s9], $0x2800  }
0x103: {  	[sflag:s9] =	ssyncset.done $0x0  }
0x104: {  	s21 =	rddreg [dreg:$0xf];
	[sflag:s9] =	ssyncadd.s32 $0xFFFFD800  }
0x105: {  	[hbm4b:s21+s17] =	stream.linear.scatter [tilespmem:s8], [sflag:$0x3], $0x2800, $0x38;
	[tilespmem:$0x19200] =	vst v63  }
0x106: {  	_ =	swait.ge [sflag:s9], $0x2800  }
0x107: {  	[sflag:s9] =	ssyncset.done $0x0  }
0x108: {  	[sflag:s9] =	ssyncadd.s32 $0xFFFFD800  }
0x109: {  	[tilespmem:s8], [sflag:$0x3] =	stream.linear.gather [spmem:s4], $0x2800, $0x38;
	[tilespmem:$0x19200] =	vst v63  }
0x10a: {  	_ =	swait.ge [sflag:s9], $0x2800  }
0x10b: {  	[sflag:s9] =	ssyncset.done $0x0  }
0x10c: {  	s20 =	rddreg [dreg:$0x10];
	[sflag:s9] =	ssyncadd.s32 $0xFFFFD800  }
0x10d: {  	[hbm4b:s20+s17] =	stream.linear.scatter [tilespmem:s8], [sflag:$0x3], $0x2800, $0x38;
	[tilespmem:$0x19200] =	vst v63  }
0x10e: {  	_ =	swait.ge [sflag:s9], $0x2800  }
0x10f: {  	[sflag:s9] =	ssyncset.done $0x0  }
0x110: {  	[sflag:s9] =	ssyncadd.s32 $0xFFFFD800  }
0x111: {  	[tilespmem:s8], [sflag:$0x3] =	stream.linear.gather [spmem:s5], $0x2800, $0x38;
	[tilespmem:$0x19200] =	vst v63  }
0x112: {  	_ =	swait.ge [sflag:s9], $0x2800  }
0x113: {  	[sflag:s9] =	ssyncset.done $0x0  }
0x114: {  	s21 =	rddreg [dreg:$0x11];
	[sflag:s9] =	ssyncadd.s32 $0xFFFFD800  }
0x115: {  	[hbm4b:s21+s17] =	stream.linear.scatter [tilespmem:s8], [sflag:$0x3], $0x2800, $0x38;
	[tilespmem:$0x19200] =	vst v63  }
0x116: {  	_ =	swait.ge [sflag:s9], $0x2800  }
0x117: {  	[sflag:s9] =	ssyncset.done $0x0  }
0x118: {  	[sflag:s9] =	ssyncadd.s32 $0xFFFFD800  }
0x119: {  	[tilespmem:s8], [sflag:$0x3] =	stream.linear.gather [spmem:s6], $0x2800, $0x38;
	[tilespmem:$0x19200] =	vst v63  }
0x11a: {  	_ =	swait.ge [sflag:s9], $0x2800  }
0x11b: {  	[sflag:s9] =	ssyncset.done $0x0  }
0x11c: {  	s20 =	rddreg [dreg:$0x12];
	[sflag:s9] =	ssyncadd.s32 $0xFFFFD800  }
0x11d: {  	[hbm4b:s20+s17] =	stream.linear.scatter [tilespmem:s8], [sflag:$0x3], $0x2800, $0x38;
	[tilespmem:$0x19200] =	vst v63  }
0x11e: {  	_ =	swait.ge [sflag:s9], $0x2800  }
0x11f: {  	[sflag:s9] =	ssyncset.done $0x0  }
0x120: {  	[sflag:s9] =	ssyncadd.s32 $0xFFFFD800  }
0x121: {  	[tilespmem:s8], [sflag:$0x3] =	stream.linear.gather [spmem:s7], $0x2800, $0x38;
	[tilespmem:$0x19200] =	vst v63  }
0x122: {  	s18 =	sadd.s32 $0x1, s18;
	_ =	swait.ge [sflag:s9], $0x2800  }
0x123: {  	p0 =	sne.s32 s18, s0;
	[sflag:s9] =	ssyncset.done $0x0  }
.Ltmp1:
0x124: {  	s21 =	rddreg [dreg:$0x13];
	[sflag:s9] =	ssyncadd.s32 $0xFFFFD800;
	(pc) =	sbr.rel @p0 .LBB2_1-.Ltmp1, $4  }
0x125: {  	[hbm4b:s21+s17] =	stream.linear.scatter [tilespmem:s8], [sflag:$0x3], $0x2800, $0x38;
	[tilespmem:$0x19200] =	vst v63  }
0x126: {  	_ =	swait.ge [sflag:s9], $0x2800  }
0x127: {  	[sflag:s9] =	ssyncset.done $0x0  }
0x128: {  	[sflag:s9] =	ssyncadd.s32 $0xFFFFD800  }
0x129: {  	_ =	sfence.sel $0x180000  }
0x12a: {  	[bflag:$0x0] =	sbarrier.arrive $0xFFFF  }
0x12b: {  	_ =	strace $0x90000050  }
0x12c: {  	s0 =	stileid.u32;
	[bflag:$0x2] =	sbarrier.arrive $0xFFFF  }
0x12d: {  	p0 =	sne.s32 s0, $0x0;
	s0 =	rddreg [dreg:$0x3]  }
0x12e: {  	s0 =	sadd.s32 @!p0 $0x100000, s0  }
0x12f: {  	[sflag:s0] =	ssyncadd.tile.s32 @!p0 $0x1;
	_ =	shalt  }
.Lfunc_end2:
_tile_overlayer_lowered:
.L_overlay_start_2:
0x130: {  	(tag) =	ssettag $0x2  }
0x131: {  	s0 =	rddreg [dreg:$0x0];
	s2 =	stileid.u32  }
0x132: {  	s1 =	rddreg [dreg:$0x1];
	p0 =	sne.s32 s2, $0x0  }
0x133: {  	s3 =	rddreg [dreg:$0x2];
	[bflag:$0x3] =	sbarrier.arrive $0xFFFF;
	s2 =	simm.s32 @!p0 $0x1C03  }
0x134: {  	[timem:s3], [sflag:s2] =	dma.local @!p0 [hbm:s0], s1  }
0x135: {  	s0 =	simm.s32 @!p0 $0x3  }
0x136: {  	_ =	swait.ge @!p0 [sflag:s0], s1  }
0x137: {  	s1 =	ssub.s32 @!p0 $0x0, s1;
	[sflag:s0] =	ssyncset.done @!p0 $0x0  }
0x138: {  	[sflag:s0] =	ssyncadd.s32 @!p0 s1  }
0x139: {  	[bflag:$0x3] =	sbarrier.arrive $0xFFFF  }
0x13a: {  	_ =	shalt  }

// kernel: kernel.9.cloned.1.call-start
scs
__scs_entry_jumppad:
0x0: {  	(pc) =	sbr.rel $0x88, $3  }
0x1: {  	(tag) =	ssettag $0x0;
	lr =	simm.s32 $0x1  }
0x2: {  	[smem:$0x3F94] =	sst lr;
	_ =	strace $0xD0000000  }
0x3: {  	_ = 	snop  }
0x4: {  	_ = 	snop  }
0x5: {  	_ = 	snop  }
0x6: {  	_ = 	snop  }
0x7: {  	_ = 	snop  }
__scs_overlays_trampoline_lowered:
0x8: {  	[smem:$0x3FA3] =	sst s0  }
0x9: {  	[smem:$0x3FA4] =	sst s1  }
0xa: {  	[smem:$0x3FA5] =	sst s2  }
0xb: {  	[smem:$0x3FA6] =	sst s3  }
0xc: {  	[smem:$0x3FA7] =	sst s4  }
0xd: {  	[smem:$0x3FA8] =	sst s5  }
0xe: {  	[smem:$0x3FA9] =	sst s6  }
0xf: {  	[smem:$0x3FAA] =	sst s7  }
0x10: {  	[smem:$0x3FAB] =	sst s8  }
0x11: {  	[smem:$0x3FAC] =	sst s9;
	s0 =	simm.s32 @!p0 $0x0  }
0x12: {  	s1 =	sld [smem:$0x3F92];
	s0 =	simm.s32 @p0 $0x1  }
0x13: {  	[smem:$0x3FAD] =	sst s0;
	s0 =	simm.s32 @!p1 $0x0  }
0x14: {  	s2 =	sld [smem:$0x3F91];
	s0 =	simm.s32 @p1 $0x1  }
0x15: {  	[smem:$0x3FAE] =	sst s0;
	s0 =	simm.s32 @!p2 $0x0  }
0x16: {  	s3 =	sld [smem:$0x3FDB];
	s0 =	simm.s32 @p2 $0x1  }
0x17: {  	s4 =	simm.s32 $0x1BF5;
	[smem:$0x3FB0] =	sst s0  }
0x18: {  	s0 =	sld [smem:$0x3F93];
	_ =	swait.ge [sflag:s4], $0x0  }
0x19: {  	s7 =	sld [smem:$0x3F94]  }
0x1a: {  	s8 =	sadd.s32 $0xFFFFE003, lr  }
0x1b: {  	s9 =	sadd.s32 $0xFFFFFEF7, lr;
	s5 =	simm.s32 $0xFFFFFFFF;
	p2 =	slt.u32 s8, $0xFFFFF086  }
0x1c: {  	p1 =	slt.u32 s9, $0xF7A;
	s5 =	simm.s32 @!p2 $0x0  }
0x1d: {  	s5 =	simm.s32 @p1 $0x1;
	p0 =	seq.s32 s7, s2  }
0x1e: {  	s7 =	smul.u32 @!p0 $0xF7A, s2;
	p2 =	seq.s32 @!p0 s5, $0x0  }
0x1f: {  	s9 =	smul.u32 $0xF7A, s1;
	s8 =	simm.s32 @!p0 $0x1BF5;
	p2 =	por !p2, p0  }
0x20: {  	[sflag:s8] =	ssyncset.s32 @!p0 $0xFFFFF086;
	s6 =	sadd.s32 @!p0 s3, s7;
	s7 =	simm.s32 @!p0 $0x108  }
0x21: {  	s3 =	sadd.s32 s3, s9;
	s6 =	sadd.s32 @!p0 $0x88, s6;
	s7 =	simm.s32 @p2 $0x1082  }
0x22: {  	[simem:s7], [sflag:s8] =	dma.local @!p0 [hbm:s6], $0xF7A  }
0x23: {  	s9 =	sor.u32 $0xD0000000, s2;
	s6 =	simm.s32 $0x108;
	_ =	swait.ge @!p0 [sflag:s8], $0x0  }
0x24: {  	s3 =	sadd.s32 $0x88, s3;
	s6 =	simm.s32 @!p1 $0x1082;
	[sflag:s4] =	ssyncset.s32 $0xFFFFF086  }
0x25: {  	[simem:s6], [sflag:s4] =	dma.local [hbm:s3], $0xF7A  }
0x26: {  	[smem:$0x3F94] =	sst s1;
	(tag) =	ssettag s2;
	_ =	strace s9  }
0x27: {  	s1 =	sld [smem:$0x3FA4]  }
0x28: {  	s2 =	sld [smem:$0x3FA5]  }
0x29: {  	s4 =	sld [smem:$0x3FA7]  }
0x2a: {  	p0 =	seq.s32 s5, $0x0;
	s5 =	sld [smem:$0x3FA8]  }
0x2b: {  	s6 =	sld [smem:$0x3FA9]  }
0x2c: {  	s7 =	sld [smem:$0x3FAA]  }
0x2d: {  	s3 =	simm.s32 $0x108;
	s8 =	sld [smem:$0x3FAB]  }
0x2e: {  	s3 =	simm.s32 @!p0 $0x1082;
	s9 =	sld [smem:$0x3FAC]  }
0x2f: {  	lr =	sadd.s32 s0, s3;
	s0 =	sld [smem:$0x3FA3]  }
0x30: {  	s3 =	sld [smem:$0x3FA6]  }
0x31: {  	[smem:$0x3FAF] =	sst s10  }
0x32: {  	s10 =	sld [smem:$0x3FAD];
	_ =	sdelay $0x3  }
0x33: {  	p0 =	seq.s32 s10, $0x1;
	s10 =	sld [smem:$0x3FAF];
	_ =	sdelay $0x3  }
0x34: {  	[smem:$0x3FAF] =	sst s10  }
0x35: {  	s10 =	sld [smem:$0x3FAE];
	_ =	sdelay $0x3  }
0x36: {  	p1 =	seq.s32 s10, $0x1;
	s10 =	sld [smem:$0x3FAF];
	_ =	sdelay $0x3  }
0x37: {  	[smem:$0x3FAF] =	sst s10  }
0x38: {  	s10 =	sld [smem:$0x3FB0]  }
0x39: {  	_ = 	snop;
	(pc) =	sbr.ind lr, $3  }
0x3a: {  	_ = 	snop  }
0x3b: {  	_ = 	snop  }
0x3c: {  	p2 =	seq.s32 s10, $0x1;
	s10 =	sld [smem:$0x3FAF]  }
0x3d: {  	_ =	shalt  }
0x3e: {  	_ =	shalt  }
0x3f: {  	_ =	shalt  }
0x40: {  	_ =	shalt  }
0x41: {  	_ =	shalt  }
0x42: {  	_ =	shalt  }
0x43: {  	_ =	shalt  }
0x44: {  	_ =	shalt  }
0x45: {  	_ =	shalt  }
0x46: {  	_ =	shalt  }
0x47: {  	_ =	shalt  }
0x48: {  	_ =	shalt  }
0x49: {  	_ =	shalt  }
0x4a: {  	_ =	shalt  }
0x4b: {  	_ =	shalt  }
0x4c: {  	_ =	shalt  }
0x4d: {  	_ =	shalt  }
0x4e: {  	_ =	shalt  }
0x4f: {  	_ =	shalt  }
0x50: {  	_ =	shalt  }
0x51: {  	_ =	shalt  }
0x52: {  	_ =	shalt  }
0x53: {  	_ =	shalt  }
0x54: {  	_ =	shalt  }
0x55: {  	_ =	shalt  }
0x56: {  	_ =	shalt  }
0x57: {  	_ =	shalt  }
0x58: {  	_ =	shalt  }
0x59: {  	_ =	shalt  }
0x5a: {  	_ =	shalt  }
0x5b: {  	_ =	shalt  }
0x5c: {  	_ =	shalt  }
0x5d: {  	_ =	shalt  }
0x5e: {  	_ =	shalt  }
0x5f: {  	_ =	shalt  }
0x60: {  	_ =	shalt  }
0x61: {  	_ =	shalt  }
0x62: {  	_ =	shalt  }
0x63: {  	_ =	shalt  }
0x64: {  	_ =	shalt  }
0x65: {  	_ =	shalt  }
0x66: {  	_ =	shalt  }
0x67: {  	_ =	shalt  }
0x68: {  	_ =	shalt  }
0x69: {  	_ =	shalt  }
0x6a: {  	_ =	shalt  }
0x6b: {  	_ =	shalt  }
0x6c: {  	_ =	shalt  }
0x6d: {  	_ =	shalt  }
0x6e: {  	_ =	shalt  }
0x6f: {  	_ =	shalt  }
0x70: {  	_ =	shalt  }
0x71: {  	_ =	shalt  }
0x72: {  	_ =	shalt  }
0x73: {  	_ =	shalt  }
0x74: {  	_ =	shalt  }
0x75: {  	_ =	shalt  }
0x76: {  	_ =	shalt  }
0x77: {  	_ =	shalt  }
0x78: {  	_ =	shalt  }
0x79: {  	_ =	shalt  }
0x7a: {  	_ =	shalt  }
0x7b: {  	_ =	shalt  }
0x7c: {  	_ =	shalt  }
0x7d: {  	_ =	shalt  }
0x7e: {  	_ =	shalt  }
0x7f: {  	_ =	shalt  }
0x80: {  	_ =	shalt  }
0x81: {  	_ =	shalt  }
0x82: {  	_ =	shalt  }
0x83: {  	_ =	shalt  }
0x84: {  	_ =	shalt  }
0x85: {  	_ =	shalt  }
0x86: {  	_ =	shalt  }
0x87: {  	_ =	shalt  }
.Lfunc_end0:
.L_simem_size_0:
called_computation_lowered:
.L_overlay_start_0:
0x88: {  	s2 =	sld [smem:$0x3FD9]  }
0x89: {  	s3 =	sld [smem:$0x3FFE];
	_ =	sdelay $0x1  }
0x8a: {  	s1 =	srdreg.scid  }
0x8b: {  	s0 =	sand.u32 $0x1, s1  }
0x8c: {  	s17 =	sshll.u32 s0, $0xA;
	s2 =	sadd.s32 s3, s2  }
0x8d: {  	s2 =	sadd.s32 s2, s17  }
0x8e: {  	[smem:$0x3FBB] =	sst s2  }
0x8f: {  	_ = 	snop  }
0x90: {  	s2 =	sld [smem:$0x3FD0];
	(tm) =	ssettm $0x1  }
0x91: {  	s18 =	sld [smem:$0x3FFB];
	_ =	sdelay $0x3  }
0x92: {  	_ =	strace s18  }
0x93: {  	s3 =	sld [smem:$0x3FFC];
	_ =	sdelay $0x3  }
0x94: {  	_ =	strace s3  }
0x95: {  	s3 =	sld [smem:$0x3FFD];
	_ =	sdelay $0x3  }
0x96: {  	_ =	strace s3  }
0x97: {  	_ =	strace $0x8FFFFFFF  }
0x98: {  	s19 =	sld [smem:$0x3FDB];
	_ =	sdelay $0x1  }
0x99: {  	s4 =	simm.s32 $_scs_section_size  }
0x9a: {  	s5 =	simm.s32 $_size__tile_overlayer_lowered;
	s6 =	simm.s32 $_tile_overlayer_lowered  }
0x9b: {  	s22 =	simm.s32 $0x1BFF;
	s21 =	sshll.u32 s6, $0x1;
	s3 =	sadd.s32 s4, s19  }
0x9c: {  	s7 =	simm.s32 $0x0;
	s20 =	sshll.u32 s5, $0x1;
	s5 =	sadd.s32 s21, s3  }
0x9d: {  	[timem:s7], [sflag:s22] =	dma.local [hbm:s5], s20  }
0x9e: {  	_ =	swait.ge [sflag:s22], s20  }
0x9f: {  	s4 =	ssub.s32 $0x0, s20;
	[sflag:s22] =	ssyncset.done $0x0  }
0xa0: {  	[sflag:s22] =	ssyncadd.s32 s4;
	_ =	sdelay $0x1  }
0xa1: {  	s23 =	simm.s32 $0x1B8B  }
0xa2: {  	_ =	swait.ge [sflag:s23], $0x1  }
0xa3: {  	[sflag:s23] =	ssyncset.done $0x0  }
0xa4: {  	s25 =	simm.s32 $0x1B8E;
	s24 =	sld [smem:$0x3FFE];
	[sflag:s23] =	ssyncadd.s32 $0xFFFFFFFF  }
0xa5: {  	s26 =	simm.s32 $execute0_lowered;
	[smem:$0x3FD2] =	sst s25  }
0xa6: {  	s5 =	sshll.u32 s26, $0x1;
	_ =	strace $0x80000046;
	[dreg:$0x1] =	wrdreg $0xFFFFFFFF  }
0xa7: {  	s28 =	simm.s32 $_size_execute0_lowered;
	s3 =	sadd.s32 s3, s5;
	[dreg:$0x0] =	wrdreg $0x0  }
0xa8: {  	s5 =	sshll.u32 s28, $0x1;
	[dreg:$0x2] =	wrdreg s3  }
0xa9: {  	[dreg:$0x3] =	wrdreg s5  }
0xaa: {  	[dreg:$0x4] =	wrdreg $0xC0  }
0xab: {  	_ =	task [dreg:s7], $0x5FFFF  }
0xac: {  	[dreg:$0x1] =	wrdreg $0xFFFFFFFF  }
0xad: {  	[dreg:$0x0] =	wrdreg $0x60  }
0xae: {  	[dreg:$0x2] =	wrdreg s24  }
0xaf: {  	[dreg:$0x3] =	wrdreg s2  }
0xb0: {  	[dreg:$0x4] =	wrdreg $0x69000  }
0xb1: {  	[dreg:$0x5] =	wrdreg $0x9  }
0xb2: {  	_ =	task.clear_ibuf [dreg:s7], $0x6FFFF;
	_ =	strace $0x90000046  }
0xb3: {  	s29 =	simm.s32 $0x9;
	_ =	strace $0x80000048  }
0xb4: {  	_ =	swait.ge [sflag:s29], $0x1  }
0xb5: {  	[sflag:s29] =	ssyncadd.s32 $0xFFFFFFFF  }
0xb6: {  	_ =	strace $0x90000048  }
0xb7: {  	_ =	sfence  }
0xb8: {  	s30 =	sld [smem:$0x0];
	_ =	sdelay $0x2  }
0xb9: {  	s31 =	sshll.u32 s1, $0xD;
	s1 =	sshrl.u32 s1, $0x2  }
0xba: {  	s3 =	sand.u32 $0x4000, s31;
	s1 =	sadd.s32 s1, s30  }
0xbb: {  	s0 =	sor.u32 s3, s0;
	s1 =	sshll.u32 s1, $0x11  }
0xbc: {  	s0 =	sor.u32 s1, s0  }
0xbd: {  	s0 =	sadd.s32 $0x8F2B, s0  }
0xbe: {  	[sflag:s0] =	ssyncadd.remote.s32 $0x1  }
0xbf: {  	_ =	sfence.sel $0xFFFF  }
0xc0: {  	[dreg:$0x0] =	wrdreg $0xFFFFFFFF;
	(pc) =	sbr.abs _section_cstart, $3  }
0xc1: {  	[dreg:$0x1] =	wrdreg $0xFFFFFFFF  }
0xc2: {  	_ =	task.clear_ibuf [dreg:s7], $0x2FFFF;
	_ =	strace $0x9FFFFFFF  }
0xc3: {  	(tm) =	ssettm $0x7FFFFFFF  }
tec
execute0_lowered:
.L_overlay_start_1:
0x0: {  	(tag) =	ssettag $0x1  }
0x1: {  	s1 =	rddreg [dreg:$0x0];
	s2 =	srdreg.scid  }
0x2: {  	s4 =	rddreg [dreg:$0x1];
	s0 =	simm.s32 $0x0;
	s18 =	stileid.u32  }
0x3: {  	s5 =	sand.u32 $0x1, s2;
	[smem:$0x7FF] =	sst s0;
	s20 =	smul.u32 $0x280, s18  }
0x4: {  	s6 =	sadd.s32 $0x17600, s1;
	s8 =	sshll.u32 s18, $0xB;
	s21 =	smul.u32 $0x2800, s18  }
0x5: {  	s2 =	ssub.s32 $0x2, s5;
	s9 =	sshll.u32 s5, $0xF;
	s4 =	sadd.s32 s4, s8  }
0x6: {  	s3 =	sadd.s32 $0x3F600, s1;
	s7 =	sshrl.u32 s2, $0x1;
	s4 =	sadd.s32 s9, s4  }
0x7: {  	s22 =	sor.u32 $0x50, s20;
	s8 =	sadd.s32 s6, s21;
	s24 =	sadd.s32 $0xA0, s20  }
0x8: {  	s10 =	sadd.s32 $0xF0, s20;
	s11 =	sadd.s32 $0x140, s20;
	s13 =	sadd.s32 $0x190, s20  }
0x9: {  	s15 =	sadd.s32 $0x1E0, s20;
	s2 =	ssub.s32 s2, s7;
	[dreg:$0x4] =	wrdreg s4  }
0xa: {  	s4 =	smul.u32 $0x140000, s5;
	[dreg:$0x5] =	wrdreg s8;
	s23 =	sshll.u32 s22, $0x4  }
0xb: {  	s25 =	sshll.u32 s24, $0x4;
	s5 =	sshll.u32 s22, $0x7;
	s26 =	sshll.u32 s10, $0x4  }
0xc: {  	s17 =	sshll.u32 s24, $0x7;
	s12 =	sshll.u32 s11, $0x4;
	s14 =	sshll.u32 s13, $0x4  }
0xd: {  	s29 =	sshll.u32 s13, $0x7;
	s16 =	sshll.u32 s15, $0x4;
	s7 =	sadd.s32 $0x230, s20  }
0xe: {  	s30 =	sshll.u32 s15, $0x7;
	s8 =	sadd.s32 s6, s23;
	s9 =	sadd.s32 s6, s12  }
0xf: {  	s19 =	sshll.u32 s7, $0x4;
	[dreg:$0x6] =	wrdreg s8;
	s8 =	sadd.s32 s6, s25  }
0x10: {  	[dreg:$0x9] =	wrdreg s9;
	s9 =	sadd.s32 s6, s14;
	s12 =	sadd.s32 s4, s5  }
0x11: {  	s13 =	sadd.s32 s4, s17;
	s24 =	sadd.s32 s4, s30;
	[dreg:$0x7] =	wrdreg s8  }
0x12: {  	s8 =	sadd.s32 s6, s26;
	s26 =	sshll.u32 s10, $0x7;
	[dreg:$0xa] =	wrdreg s9  }
0x13: {  	s9 =	sadd.s32 s6, s16;
	s10 =	sadd.s32 s6, s19;
	s6 =	sshll.u32 s7, $0x7  }
0x14: {  	s21 =	sshrl.u32 s12, $0x3;
	s13 =	sshrl.u32 s13, $0x3;
	s19 =	rddreg [dreg:$0x2]  }
0x15: {  	s16 =	sadd.s32 s4, s29;
	[dreg:$0x8] =	wrdreg s8;
	s8 =	sshll.u32 s11, $0x7  }
0x16: {  	s11 =	smul.u32 $0x14000, s18;
	s12 =	sadd.s32 s3, s21;
	s13 =	sadd.s32 s3, s13  }
0x17: {  	s22 =	sadd.s32 s4, s26;
	s16 =	sshrl.u32 s16, $0x3;
	s21 =	smul.u32 $0x50000, s18  }
0x18: {  	s26 =	sadd.s32 s26, s19;
	s29 =	sadd.s32 s29, s19;
	s30 =	sadd.s32 s30, s19  }
0x19: {  	s31 =	sadd.s32 s6, s19;
	s15 =	sadd.s32 s4, s8;
	s16 =	sadd.s32 s3, s16  }
0x1a: {  	_ =	strace $0x80000047;
	s28 =	sadd.s32 s8, s19;
	s20 =	sadd.s32 s4, s11  }
0x1b: {  	s23 =	sshrl.u32 s15, $0x3;
	s4 =	sadd.s32 s4, s6;
	s25 =	sshrl.u32 s21, $0x2  }
0x1c: {  	s21 =	sadd.s32 $0x17000, s1;
	s1 =	simm.s32 $0x2;
	s6 =	simm.s32 $0x0  }
0x1d: {  	s7 =	sshrl.u32 s20, $0x3;
	s15 =	sadd.s32 s3, s23;
	s4 =	sshrl.u32 s4, $0x3  }
0x1e: {  	s23 =	smax.u32 s2, $0x1;
	s2 =	simm.s32 $0x50;
	s11 =	sadd.s32 s3, s7  }
0x1f: {  	s7 =	sshrl.u32 s22, $0x3;
	s20 =	sadd.s32 s3, s4;
	s22 =	sadd.s32 s25, s19  }
0x20: {  	s25 =	sadd.s32 s17, s19;
	s17 =	simm.s32 $0x4100;
	s4 =	simm.s32 $0x4080  }
0x21: {  	s14 =	sadd.s32 s3, s7;
	s7 =	sshrl.u32 s24, $0x3;
	s24 =	sadd.s32 s5, s19  }
0x22: {  	s5 =	simm.s32 $0x1;
	s18 =	sadd.s32 s3, s7;
	s3 =	simm.s32 $0x4000  }
.LBB2_1:
0x23: {  	s7 =	rddreg [dreg:$0x5]  }
0x24: {  	[tilespmem:s17], [sflag:$0x2] =	stream.linear.gather [hbm4b:s7+s0], $0x2800, $0x38;
	[tilespmem:$0x1A900] =	vst v63  }
0x25: {  	_ =	swait.ge [sflag:s1], $0x2800  }
0x26: {  	[sflag:s1] =	ssyncset.done $0x0  }
0x27: {  	[sflag:s1] =	ssyncadd.s32 $0xFFFFD800  }
0x28: {  	[spmem:s22] =	stream.linear.scatter [tilespmem:s17], [sflag:$0x2], $0x2800, $0x38;
	[tilespmem:$0x1A900] =	vst v63  }
0x29: {  	_ =	swait.ge [sflag:s1], $0x2800  }
0x2a: {  	[sflag:s1] =	ssyncset.done $0x0  }
0x2b: {  	s8 =	rddreg [dreg:$0x6];
	[sflag:s1] =	ssyncadd.s32 $0xFFFFD800  }
0x2c: {  	[tilespmem:s17], [sflag:$0x2] =	stream.linear.gather [hbm4b:s8+s0], $0x2800, $0x38;
	[tilespmem:$0x1A900] =	vst v63  }
0x2d: {  	_ =	swait.ge [sflag:s1], $0x2800  }
0x2e: {  	[sflag:s1] =	ssyncset.done $0x0  }
0x2f: {  	[sflag:s1] =	ssyncadd.s32 $0xFFFFD800  }
0x30: {  	[spmem:s24] =	stream.linear.scatter [tilespmem:s17], [sflag:$0x2], $0x2800, $0x38;
	[tilespmem:$0x1A900] =	vst v63  }
0x31: {  	_ =	swait.ge [sflag:s1], $0x2800  }
0x32: {  	[sflag:s1] =	ssyncset.done $0x0  }
0x33: {  	s8 =	rddreg [dreg:$0x7];
	[sflag:s1] =	ssyncadd.s32 $0xFFFFD800  }
0x34: {  	[tilespmem:s17], [sflag:$0x2] =	stream.linear.gather [hbm4b:s8+s0], $0x2800, $0x38;
	[tilespmem:$0x1A900] =	vst v63  }
0x35: {  	_ =	swait.ge [sflag:s1], $0x2800  }
0x36: {  	[sflag:s1] =	ssyncset.done $0x0  }
0x37: {  	[sflag:s1] =	ssyncadd.s32 $0xFFFFD800  }
0x38: {  	[spmem:s25] =	stream.linear.scatter [tilespmem:s17], [sflag:$0x2], $0x2800, $0x38;
	[tilespmem:$0x1A900] =	vst v63  }
0x39: {  	_ =	swait.ge [sflag:s1], $0x2800  }
0x3a: {  	[sflag:s1] =	ssyncset.done $0x0  }
0x3b: {  	s8 =	rddreg [dreg:$0x8];
	[sflag:s1] =	ssyncadd.s32 $0xFFFFD800  }
0x3c: {  	[tilespmem:s17], [sflag:$0x2] =	stream.linear.gather [hbm4b:s8+s0], $0x2800, $0x38;
	[tilespmem:$0x1A900] =	vst v63  }
0x3d: {  	_ =	swait.ge [sflag:s1], $0x2800  }
0x3e: {  	[sflag:s1] =	ssyncset.done $0x0  }
0x3f: {  	[sflag:s1] =	ssyncadd.s32 $0xFFFFD800  }
0x40: {  	[spmem:s26] =	stream.linear.scatter [tilespmem:s17], [sflag:$0x2], $0x2800, $0x38;
	[tilespmem:$0x1A900] =	vst v63  }
0x41: {  	_ =	swait.ge [sflag:s1], $0x2800  }
0x42: {  	[sflag:s1] =	ssyncset.done $0x0  }
0x43: {  	s8 =	rddreg [dreg:$0x9];
	[sflag:s1] =	ssyncadd.s32 $0xFFFFD800  }
0x44: {  	[tilespmem:s17], [sflag:$0x2] =	stream.linear.gather [hbm4b:s8+s0], $0x2800, $0x38;
	[tilespmem:$0x1A900] =	vst v63  }
0x45: {  	_ =	swait.ge [sflag:s1], $0x2800  }
0x46: {  	[sflag:s1] =	ssyncset.done $0x0  }
0x47: {  	[sflag:s1] =	ssyncadd.s32 $0xFFFFD800  }
0x48: {  	[spmem:s28] =	stream.linear.scatter [tilespmem:s17], [sflag:$0x2], $0x2800, $0x38;
	[tilespmem:$0x1A900] =	vst v63  }
0x49: {  	_ =	swait.ge [sflag:s1], $0x2800  }
0x4a: {  	[sflag:s1] =	ssyncset.done $0x0  }
0x4b: {  	s8 =	rddreg [dreg:$0xa];
	[sflag:s1] =	ssyncadd.s32 $0xFFFFD800  }
0x4c: {  	[tilespmem:s17], [sflag:$0x2] =	stream.linear.gather [hbm4b:s8+s0], $0x2800, $0x38;
	[tilespmem:$0x1A900] =	vst v63  }
0x4d: {  	_ =	swait.ge [sflag:s1], $0x2800  }
0x4e: {  	[sflag:s1] =	ssyncset.done $0x0  }
0x4f: {  	[sflag:s1] =	ssyncadd.s32 $0xFFFFD800  }
0x50: {  	[spmem:s29] =	stream.linear.scatter [tilespmem:s17], [sflag:$0x2], $0x2800, $0x38;
	[tilespmem:$0x1A900] =	vst v63  }
0x51: {  	_ =	swait.ge [sflag:s1], $0x2800  }
0x52: {  	[sflag:s1] =	ssyncset.done $0x0  }
0x53: {  	[sflag:s1] =	ssyncadd.s32 $0xFFFFD800  }
0x54: {  	[tilespmem:s17], [sflag:$0x2] =	stream.linear.gather [hbm4b:s9+s0], $0x2800, $0x38;
	[tilespmem:$0x1A900] =	vst v63  }
0x55: {  	_ =	swait.ge [sflag:s1], $0x2800  }
0x56: {  	[sflag:s1] =	ssyncset.done $0x0  }
0x57: {  	[sflag:s1] =	ssyncadd.s32 $0xFFFFD800  }
0x58: {  	[spmem:s30] =	stream.linear.scatter [tilespmem:s17], [sflag:$0x2], $0x2800, $0x38;
	[tilespmem:$0x1A900] =	vst v63  }
0x59: {  	_ =	swait.ge [sflag:s1], $0x2800  }
0x5a: {  	[sflag:s1] =	ssyncset.done $0x0  }
0x5b: {  	[sflag:s1] =	ssyncadd.s32 $0xFFFFD800  }
0x5c: {  	[tilespmem:s17], [sflag:$0x2] =	stream.linear.gather [hbm4b:s10+s0], $0x2800, $0x38;
	[tilespmem:$0x1A900] =	vst v63  }
0x5d: {  	_ =	swait.ge [sflag:s1], $0x2800  }
0x5e: {  	[sflag:s1] =	ssyncset.done $0x0  }
0x5f: {  	[sflag:s1] =	ssyncadd.s32 $0xFFFFD800  }
0x60: {  	[spmem:s31] =	stream.linear.scatter [tilespmem:s17], [sflag:$0x2], $0x2800, $0x38;
	[tilespmem:$0x1A900] =	vst v63  }
0x61: {  	_ =	swait.ge [sflag:s1], $0x2800  }
0x62: {  	[sflag:s1] =	ssyncset.done $0x0  }
0x63: {  	s8 =	rddreg [dreg:$0x4];
	[sflag:s1] =	ssyncadd.s32 $0xFFFFD800  }
0x64: {  	[tilespmem:s0], [sflag:$0x2] =	stream.linear.gather [hbm4b:s8+s0], $0x3F00, $0x38;
	[tilespmem:$0x1A900] =	vst v63  }
0x65: {  	_ =	swait.ge [sflag:s1], $0x3F00  }
0x66: {  	[sflag:s1] =	ssyncset.done $0x0  }
0x67: {  	[sflag:s1] =	ssyncadd.s32 $0xFFFFC100  }
0x68: {  	[tilespmem:s17], [sflag:$0x2] =	stream.linear.gather [hbm4b:s21+s0], $0x2800, $0x38;
	[tilespmem:$0x1A900] =	vst v63  }
0x69: {  	_ =	swait.ge [sflag:s1], $0x2800  }
0x6a: {  	[sflag:s1] =	ssyncset.done $0x0  }
0x6b: {  	[sflag:s1] =	ssyncadd.s32 $0xFFFFD800  }
0x6c: {  	[bflag:$0x0] =	sbarrier.arrive $0xFFFF  }
0x6d: {  	v0 =	vld [tilespmem:$0x0]  }
0x6e: {  	v1 =	vld [tilespmem:$0x10]  }
0x6f: {  	v2 =	vld [tilespmem:$0x20]  }
0x70: {  	v3 =	vld [tilespmem:$0x30]  }
0x71: {  	v4 =	vld [tilespmem:$0x40]  }
0x72: {  	[tilespmem:$0x4000] =	vst v0  }
0x73: {  	[tilespmem:$0x4010] =	vst v1  }
0x74: {  	[tilespmem:$0x4020] =	vst v2  }
0x75: {  	[tilespmem:$0x4030] =	vst v3  }
0x76: {  	[tilespmem:$0x4040] =	vst v4  }
0x77: {  	[spmem:s19] =	stream.indirect.scatter.add.f32 [tilespmem:s17], [sflag:$0x1], $0x80, s3, s2, $0xb8;
	[tilespmem:$0x1A900] =	vst v63  }
0x78: {  	v57 =	vld [tilespmem:$0x80]  }
0x79: {  	v58 =	vld [tilespmem:$0x90]  }
0x7a: {  	v59 =	vld [tilespmem:$0xA0]  }
0x7b: {  	v60 =	vld [tilespmem:$0xB0]  }
0x7c: {  	v61 =	vld [tilespmem:$0xC0]  }
0x7d: {  	[tilespmem:$0x4080] =	vst v57  }
0x7e: {  	[tilespmem:$0x4090] =	vst v58  }
0x7f: {  	[tilespmem:$0x40A0] =	vst v59  }
0x80: {  	[tilespmem:$0x40B0] =	vst v60  }
0x81: {  	[tilespmem:$0x40C0] =	vst v61  }
0x82: {  	[spmem:s19] =	stream.indirect.scatter.add.f32 [tilespmem:s17], [sflag:$0x1], $0x80, s4, s2, $0xb8;
	[tilespmem:$0x1A900] =	vst v63  }
0x83: {  	_ =	swait.ge [sflag:s5], $0x2800  }
0x84: {  	[sflag:s5] =	ssyncset.done $0x0  }
0x85: {  	s8 =	simm.s32 $0x1C0;
	[sflag:s5] =	ssyncadd.s32 $0xFFFFD800  }
0x86: {  	v62 =	vld [tilespmem:s8+$0xFFFFFF40];
	_ =	sdelay $0x4  }
0x87: {  	[tilespmem:$0x4000] =	vst v62  }
0x88: {  	v0 =	vld [tilespmem:s8+$0xFFFFFF50];
	_ =	sdelay $0x4  }
0x89: {  	[tilespmem:$0x4010] =	vst v0  }
0x8a: {  	v0 =	vld [tilespmem:s8+$0xFFFFFF60];
	_ =	sdelay $0x4  }
0x8b: {  	[tilespmem:$0x4020] =	vst v0  }
0x8c: {  	v0 =	vld [tilespmem:s8+$0xFFFFFF70];
	_ =	sdelay $0x4  }
0x8d: {  	[tilespmem:$0x4030] =	vst v0  }
0x8e: {  	v0 =	vld [tilespmem:s8+$0xFFFFFF80];
	_ =	sdelay $0x4  }
0x8f: {  	[tilespmem:$0x4040] =	vst v0  }
0x90: {  	[spmem:s19] =	stream.indirect.scatter.add.f32 [tilespmem:s17], [sflag:$0x1], $0x80, s3, s2, $0xb8;
	[tilespmem:$0x1A900] =	vst v63  }
0x91: {  	_ =	swait.ge [sflag:s5], $0x2800  }
0x92: {  	[sflag:s5] =	ssyncset.done $0x0  }
0x93: {  	[sflag:s5] =	ssyncadd.s32 $0xFFFFD800  }
0x94: {  	v63 =	vld [tilespmem:s8+$0xFFFFFFC0];
	_ =	sdelay $0x4  }
0x95: {  	[tilespmem:$0x4080] =	vst v63  }
0x96: {  	v0 =	vld [tilespmem:s8+$0xFFFFFFD0];
	_ =	sdelay $0x4  }
0x97: {  	[tilespmem:$0x4090] =	vst v0  }
0x98: {  	v0 =	vld [tilespmem:s8+$0xFFFFFFE0];
	_ =	sdelay $0x4  }
0x99: {  	[tilespmem:$0x40A0] =	vst v0  }
0x9a: {  	v0 =	vld [tilespmem:s8+$0xFFFFFFF0];
	_ =	sdelay $0x4  }
0x9b: {  	[tilespmem:$0x40B0] =	vst v0  }
0x9c: {  	v0 =	vld [tilespmem:s8+$0x0];
	_ =	sdelay $0x4  }
0x9d: {  	s7 =	simm.s32 $0xB00;
	[tilespmem:$0x40C0] =	vst v0  }
.LBB2_2:
0x9e: {  	[spmem:s19] =	stream.indirect.scatter.add.f32 [tilespmem:s17], [sflag:$0x1], $0x80, s4, s2, $0xb8;
	[tilespmem:$0x1A900] =	vst v63  }
0x9f: {  	s8 =	smov.u32 s7  }
0xa0: {  	p0 =	sne.s32 s7, $0xFB00;
	s7 =	sadd.s32 $0x400, s7;
	_ =	swait.ge [sflag:s5], $0x2800  }
0xa1: {  	[sflag:s5] =	ssyncset.done $0x0  }
0xa2: {  	s8 =	sshra.s32 s8, $0x2;
	[sflag:s5] =	ssyncadd.s32 $0xFFFFD800  }
0xa3: {  	v0 =	vld [tilespmem:s8+$0xFFFFFF40];
	_ =	sdelay $0x4  }
0xa4: {  	[tilespmem:$0x4000] =	vst v0  }
0xa5: {  	v0 =	vld [tilespmem:s8+$0xFFFFFF50];
	_ =	sdelay $0x4  }
0xa6: {  	[tilespmem:$0x4010] =	vst v0  }
0xa7: {  	v0 =	vld [tilespmem:s8+$0xFFFFFF60];
	_ =	sdelay $0x4  }
0xa8: {  	[tilespmem:$0x4020] =	vst v0  }
0xa9: {  	v0 =	vld [tilespmem:s8+$0xFFFFFF70];
	_ =	sdelay $0x4  }
0xaa: {  	[tilespmem:$0x4030] =	vst v0  }
0xab: {  	v0 =	vld [tilespmem:s8+$0xFFFFFF80];
	_ =	sdelay $0x4  }
0xac: {  	[tilespmem:$0x4040] =	vst v0  }
0xad: {  	[spmem:s19] =	stream.indirect.scatter.add.f32 [tilespmem:s17], [sflag:$0x1], $0x80, s3, s2, $0xb8;
	[tilespmem:$0x1A900] =	vst v63  }
0xae: {  	_ =	swait.ge [sflag:s5], $0x2800  }
0xaf: {  	[sflag:s5] =	ssyncset.done $0x0  }
0xb0: {  	[sflag:s5] =	ssyncadd.s32 $0xFFFFD800  }
0xb1: {  	v0 =	vld [tilespmem:s8+$0xFFFFFFC0];
	_ =	sdelay $0x4  }
0xb2: {  	[tilespmem:$0x4080] =	vst v0  }
0xb3: {  	v0 =	vld [tilespmem:s8+$0xFFFFFFD0];
	_ =	sdelay $0x4  }
0xb4: {  	[tilespmem:$0x4090] =	vst v0  }
0xb5: {  	v0 =	vld [tilespmem:s8+$0xFFFFFFE0];
	_ =	sdelay $0x4  }
0xb6: {  	[tilespmem:$0x40A0] =	vst v0  }
0xb7: {  	v0 =	vld [tilespmem:s8+$0xFFFFFFF0];
	_ =	sdelay $0x4  }
0xb8: {  	[tilespmem:$0x40B0] =	vst v0  }
0xb9: {  	v0 =	vld [tilespmem:s8+$0x0]  }
.Ltmp0:
0xba: {  	(pc) =	sbr.rel @p0 .LBB2_2-.Ltmp0, $2  }
0xbb: {  	_ =	sdelay $0x2  }
0xbc: {  	[tilespmem:$0x40C0] =	vst v0  }
0xbd: {  	[spmem:s19] =	stream.indirect.scatter.add.f32 [tilespmem:s17], [sflag:$0x1], $0x80, s4, s2, $0xb8;
	[tilespmem:$0x1A900] =	vst v63  }
0xbe: {  	_ =	swait.ge [sflag:s5], $0x2800  }
0xbf: {  	[sflag:s5] =	ssyncset.done $0x0  }
0xc0: {  	[sflag:s5] =	ssyncadd.s32 $0xFFFFD800  }
0xc1: {  	_ =	swait.ge [sflag:s5], $0x2800  }
0xc2: {  	[sflag:s5] =	ssyncset.done $0x0  }
0xc3: {  	[sflag:s5] =	ssyncadd.s32 $0xFFFFD800  }
0xc4: {  	[bflag:$0x0] =	sbarrier.arrive $0xFFFF  }
0xc5: {  	[tilespmem:s17], [sflag:$0x2] =	stream.linear.gather [spmem:s22], $0x2800, $0x38;
	[tilespmem:$0x1A900] =	vst v63  }
0xc6: {  	_ =	swait.ge [sflag:s1], $0x2800  }
0xc7: {  	[sflag:s1] =	ssyncset.done $0x0  }
0xc8: {  	[sflag:s1] =	ssyncadd.s32 $0xFFFFD800  }
0xc9: {  	[hbm4b:s11+s0] =	stream.linear.scatter [tilespmem:s17], [sflag:$0x2], $0x2800, $0x38;
	[tilespmem:$0x1A900] =	vst v63  }
0xca: {  	_ =	swait.ge [sflag:s1], $0x2800  }
0xcb: {  	[sflag:s1] =	ssyncset.done $0x0  }
0xcc: {  	[sflag:s1] =	ssyncadd.s32 $0xFFFFD800  }
0xcd: {  	[tilespmem:s17], [sflag:$0x2] =	stream.linear.gather [spmem:s24], $0x2800, $0x38;
	[tilespmem:$0x1A900] =	vst v63  }
0xce: {  	_ =	swait.ge [sflag:s1], $0x2800  }
0xcf: {  	[sflag:s1] =	ssyncset.done $0x0  }
0xd0: {  	[sflag:s1] =	ssyncadd.s32 $0xFFFFD800  }
0xd1: {  	[hbm4b:s12+s0] =	stream.linear.scatter [tilespmem:s17], [sflag:$0x2], $0x2800, $0x38;
	[tilespmem:$0x1A900] =	vst v63  }
0xd2: {  	_ =	swait.ge [sflag:s1], $0x2800  }
0xd3: {  	[sflag:s1] =	ssyncset.done $0x0  }
0xd4: {  	[sflag:s1] =	ssyncadd.s32 $0xFFFFD800  }
0xd5: {  	[tilespmem:s17], [sflag:$0x2] =	stream.linear.gather [spmem:s25], $0x2800, $0x38;
	[tilespmem:$0x1A900] =	vst v63  }
0xd6: {  	_ =	swait.ge [sflag:s1], $0x2800  }
0xd7: {  	[sflag:s1] =	ssyncset.done $0x0  }
0xd8: {  	[sflag:s1] =	ssyncadd.s32 $0xFFFFD800  }
0xd9: {  	[hbm4b:s13+s0] =	stream.linear.scatter [tilespmem:s17], [sflag:$0x2], $0x2800, $0x38;
	[tilespmem:$0x1A900] =	vst v63  }
0xda: {  	_ =	swait.ge [sflag:s1], $0x2800  }
0xdb: {  	[sflag:s1] =	ssyncset.done $0x0  }
0xdc: {  	[sflag:s1] =	ssyncadd.s32 $0xFFFFD800  }
0xdd: {  	[tilespmem:s17], [sflag:$0x2] =	stream.linear.gather [spmem:s26], $0x2800, $0x38;
	[tilespmem:$0x1A900] =	vst v63  }
0xde: {  	_ =	swait.ge [sflag:s1], $0x2800  }
0xdf: {  	[sflag:s1] =	ssyncset.done $0x0  }
0xe0: {  	[sflag:s1] =	ssyncadd.s32 $0xFFFFD800  }
0xe1: {  	[hbm4b:s14+s0] =	stream.linear.scatter [tilespmem:s17], [sflag:$0x2], $0x2800, $0x38;
	[tilespmem:$0x1A900] =	vst v63  }
0xe2: {  	_ =	swait.ge [sflag:s1], $0x2800  }
0xe3: {  	[sflag:s1] =	ssyncset.done $0x0  }
0xe4: {  	[sflag:s1] =	ssyncadd.s32 $0xFFFFD800  }
0xe5: {  	[tilespmem:s17], [sflag:$0x2] =	stream.linear.gather [spmem:s28], $0x2800, $0x38;
	[tilespmem:$0x1A900] =	vst v63  }
0xe6: {  	_ =	swait.ge [sflag:s1], $0x2800  }
0xe7: {  	[sflag:s1] =	ssyncset.done $0x0  }
0xe8: {  	[sflag:s1] =	ssyncadd.s32 $0xFFFFD800  }
0xe9: {  	[hbm4b:s15+s0] =	stream.linear.scatter [tilespmem:s17], [sflag:$0x2], $0x2800, $0x38;
	[tilespmem:$0x1A900] =	vst v63  }
0xea: {  	_ =	swait.ge [sflag:s1], $0x2800  }
0xeb: {  	[sflag:s1] =	ssyncset.done $0x0  }
0xec: {  	[sflag:s1] =	ssyncadd.s32 $0xFFFFD800  }
0xed: {  	[tilespmem:s17], [sflag:$0x2] =	stream.linear.gather [spmem:s29], $0x2800, $0x38;
	[tilespmem:$0x1A900] =	vst v63  }
0xee: {  	_ =	swait.ge [sflag:s1], $0x2800  }
0xef: {  	[sflag:s1] =	ssyncset.done $0x0  }
0xf0: {  	[sflag:s1] =	ssyncadd.s32 $0xFFFFD800  }
0xf1: {  	[hbm4b:s16+s0] =	stream.linear.scatter [tilespmem:s17], [sflag:$0x2], $0x2800, $0x38;
	[tilespmem:$0x1A900] =	vst v63  }
0xf2: {  	_ =	swait.ge [sflag:s1], $0x2800  }
0xf3: {  	[sflag:s1] =	ssyncset.done $0x0  }
0xf4: {  	[sflag:s1] =	ssyncadd.s32 $0xFFFFD800  }
0xf5: {  	[tilespmem:s17], [sflag:$0x2] =	stream.linear.gather [spmem:s30], $0x2800, $0x38;
	[tilespmem:$0x1A900] =	vst v63  }
0xf6: {  	_ =	swait.ge [sflag:s1], $0x2800  }
0xf7: {  	[sflag:s1] =	ssyncset.done $0x0  }
0xf8: {  	[sflag:s1] =	ssyncadd.s32 $0xFFFFD800  }
0xf9: {  	[hbm4b:s18+s0] =	stream.linear.scatter [tilespmem:s17], [sflag:$0x2], $0x2800, $0x38;
	[tilespmem:$0x1A900] =	vst v63  }
0xfa: {  	_ =	swait.ge [sflag:s1], $0x2800  }
0xfb: {  	[sflag:s1] =	ssyncset.done $0x0  }
0xfc: {  	[sflag:s1] =	ssyncadd.s32 $0xFFFFD800  }
0xfd: {  	[tilespmem:s17], [sflag:$0x2] =	stream.linear.gather [spmem:s31], $0x2800, $0x38;
	[tilespmem:$0x1A900] =	vst v63  }
0xfe: {  	s6 =	sadd.s32 $0x1, s6;
	_ =	swait.ge [sflag:s1], $0x2800  }
0xff: {  	p0 =	sne.s32 s6, s23;
	[sflag:s1] =	ssyncset.done $0x0  }
.Ltmp1:
0x100: {  	[sflag:s1] =	ssyncadd.s32 $0xFFFFD800;
	(pc) =	sbr.rel @p0 .LBB2_1-.Ltmp1, $4  }
0x101: {  	[hbm4b:s20+s0] =	stream.linear.scatter [tilespmem:s17], [sflag:$0x2], $0x2800, $0x38;
	[tilespmem:$0x1A900] =	vst v63  }
0x102: {  	_ =	swait.ge [sflag:s1], $0x2800  }
0x103: {  	[sflag:s1] =	ssyncset.done $0x0  }
0x104: {  	[sflag:s1] =	ssyncadd.s32 $0xFFFFD800  }
0x105: {  	_ =	sfence.sel $0x180000  }
0x106: {  	[bflag:$0x0] =	sbarrier.arrive $0xFFFF  }
0x107: {  	_ =	strace $0x90000047  }
0x108: {  	s0 =	stileid.u32;
	[bflag:$0x2] =	sbarrier.arrive $0xFFFF  }
0x109: {  	p0 =	sne.s32 s0, $0x0;
	s0 =	rddreg [dreg:$0x3]  }
0x10a: {  	s0 =	sadd.s32 @!p0 $0x100000, s0  }
0x10b: {  	[sflag:s0] =	ssyncadd.tile.s32 @!p0 $0x1;
	_ =	shalt  }
.Lfunc_end2:
_tile_overlayer_lowered:
.L_overlay_start_2:
0x10c: {  	(tag) =	ssettag $0x2  }
0x10d: {  	s0 =	rddreg [dreg:$0x0];
	s2 =	stileid.u32  }
0x10e: {  	s1 =	rddreg [dreg:$0x1];
	p0 =	sne.s32 s2, $0x0  }
0x10f: {  	s3 =	rddreg [dreg:$0x2];
	[bflag:$0x3] =	sbarrier.arrive $0xFFFF;
	s2 =	simm.s32 @!p0 $0x1C02  }
0x110: {  	[timem:s3], [sflag:s2] =	dma.local @!p0 [hbm:s0], s1  }
0x111: {  	s0 =	simm.s32 @!p0 $0x2  }
0x112: {  	_ =	swait.ge @!p0 [sflag:s0], s1  }
0x113: {  	s1 =	ssub.s32 @!p0 $0x0, s1;
	[sflag:s0] =	ssyncset.done @!p0 $0x0  }
0x114: {  	[sflag:s0] =	ssyncadd.s32 @!p0 s1  }
0x115: {  	[bflag:$0x3] =	sbarrier.arrive $0xFFFF  }
0x116: {  	_ =	shalt  }

</sc_bundles>
